<compile_context>
chip_gen: v7x
topology: tpu7x:2x2x1
jax: 0.10.2.dev20260603
libtpu: 0.0.44.dev20260713+nightly
codegen_flags: <defaults>
</compile_context>

<pallas_src>
import functools

import jax
import jax.numpy as jnp
from jax import lax
from jax.experimental import pallas as pl
from jax.experimental.pallas import tpu as pltpu
from jax.experimental.pallas import tpu_sc as plsc

_N = 10000
_E = 320000
_D = 128
_H = 64
_G = 64
_OUT = 10

_NC = 2
_NS = 16
_NW = _NC * _NS
_CH = 128
_K = 2
_NB = 2

_EP = 327680
_EPW = _EP // _NW
_NCHUNK = _EPW // _CH
_NP = 10112
_RPT = _NP // _NS
_RZ = _RPT // 8

_FASTC = 0
_CF = 152
_CS = 8
_DF = 96
_DS = 64
_NCPAD = 16 * (_DF + _DS) + (_DF - _DS)

_sc_mesh = functools.partial(
    plsc.VectorSubcoreMesh, core_axis_name="c", subcore_axis_name="s")
_sc_params = pltpu.CompilerParams(use_tc_tiling_on_sc=False)


def _make_edge_agg(h):

  @functools.partial(
      pl.kernel,
      mesh=_sc_mesh(),
      compiler_params=_sc_params,
      out_type=jax.ShapeDtypeStruct((_NC, _NP, h), jnp.float32),
      scratch_types=[
          pltpu.VMEM((_CF, _CH), jnp.int32),
          pltpu.VMEM((_CF, _CH), jnp.int32),
          pltpu.VMEM((_NB, _K, _CH, h), jnp.float32),
          pltpu.VMEM((_RZ, h), jnp.float32),
          pltpu.VMEM_SHARED((_NP, h), jnp.float32),
          pltpu.SemaphoreType.DMA,
          pltpu.SemaphoreType.DMA,
          pltpu.SemaphoreType.DMA,
          pltpu.SemaphoreType.DMA,
      ],
  )
  def agg(y_hbm, src_hbm, dst_hbm, out_hbm,
          sidx_v, didx_v, rows_v, zero_v, acc_sh, gs0, gs1, ss0, ss1):
    c = lax.axis_index("c")
    s = lax.axis_index("s")
    is_fast = c == _FASTC
    nch = jnp.where(is_fast, _CF, _CS)
    cbase = jnp.where(is_fast, s * _CF, 16 * _CF + s * _CS)

    def zfill(i, carry):
      for j in range(h // 16):
        zero_v[i, pl.ds(16 * j, 16)] = jnp.zeros((16,), jnp.float32)
      return carry

    lax.fori_loop(0, _RZ, zfill, 0)
    for q in range(8):
      pltpu.async_copy(zero_v, acc_sh.at[pl.ds(s * _RPT + q * _RZ, _RZ)], gs0)
    for q in range(8):
      pltpu.make_async_copy(zero_v, acc_sh.at[pl.ds(0, _RZ)], gs0).wait()
    plsc.subcore_barrier()

    def gather(t, b, gsem):
      for k in range(_K):
        pltpu.async_copy(y_hbm.at[sidx_v.at[t * _K + k]],
                         rows_v.at[b, k], gsem)

    def wait_g(b, gsem):
      for k in range(_K):
        pltpu.make_async_copy(y_hbm.at[pl.ds(0, _CH)],
                              rows_v.at[b, k], gsem).wait()

    def scatter(t, b, ssem):
      for k in range(_K):
        pltpu.async_copy(rows_v.at[b, k],
                         acc_sh.at[didx_v.at[t * _K + k]], ssem, add=True)

    def wait_s(b, ssem):
      for k in range(_K):
        pltpu.make_async_copy(rows_v.at[b, k],
                              acc_sh.at[pl.ds(0, _CH)], ssem).wait()

    nt = nch // _K

    @pl.when(is_fast)
    def _load_idx_fast():
      pltpu.sync_copy(src_hbm.at[pl.ds(cbase, _CF)], sidx_v)
      pltpu.sync_copy(dst_hbm.at[pl.ds(cbase, _CF)], didx_v)

    @pl.when(jnp.logical_not(is_fast))
    def _load_idx_slow():
      pltpu.sync_copy(src_hbm.at[pl.ds(cbase, _CS)], sidx_v.at[pl.ds(0, _CS)])
      pltpu.sync_copy(dst_hbm.at[pl.ds(cbase, _CS)], didx_v.at[pl.ds(0, _CS)])
    gather(0, 0, gs0)
    gather(1, 1, gs1)

    def body(j, carry):
      t0 = 2 * j
      wait_g(0, gs0)
      scatter(t0, 0, ss0)
      wait_s(0, ss0)
      gather(t0 + 2, 0, gs0)
      wait_g(1, gs1)
      scatter(t0 + 1, 1, ss1)
      wait_s(1, ss1)
      gather(t0 + 3, 1, gs1)
      return carry

    lax.fori_loop(0, nt // 2 - 1, body, 0)
    wait_g(0, gs0)
    scatter(nt - 2, 0, ss0)
    wait_s(0, ss0)
    wait_g(1, gs1)
    scatter(nt - 1, 1, ss1)
    wait_s(1, ss1)

    plsc.subcore_barrier()
    pltpu.sync_copy(acc_sh.at[pl.ds(s * _RPT, _RPT)],
                    out_hbm.at[c].at[pl.ds(s * _RPT, _RPT)])

  return agg


_DH = 16
_DK = 8


@functools.partial(
    pl.kernel,
    mesh=_sc_mesh(),
    compiler_params=_sc_params,
    out_type=jax.ShapeDtypeStruct((_NC, _NP, _DH), jnp.float32),
    scratch_types=[
        pltpu.VMEM((_DF, _CH), jnp.int32),
        pltpu.VMEM((_CH, _DH), jnp.float32),
        pltpu.VMEM_SHARED((_NP, _DH), jnp.float32),
        pltpu.SemaphoreType.DMA,
    ],
)
def _agg_deg(dst_hbm, ones_hbm, zero_hbm, out_hbm,
             didx_v, ones_v, acc_sh, ssem):
  c = lax.axis_index("c")
  s = lax.axis_index("s")
  is_fast = c == _FASTC
  nch = jnp.where(is_fast, _DF, _DS)
  cbase = jnp.where(is_fast, s * _DF, 16 * _DF + s * _DS)
  pltpu.sync_copy(dst_hbm.at[pl.ds(cbase, _DF)], didx_v)
  pltpu.sync_copy(ones_hbm, ones_v)
  pltpu.sync_copy(zero_hbm.at[pl.ds(s * _RPT, _RPT)],
                  acc_sh.at[pl.ds(s * _RPT, _RPT)])
  plsc.subcore_barrier()

  def body(j, carry):
    for k in range(_DK):
      pltpu.async_copy(ones_v, acc_sh.at[didx_v.at[j * _DK + k]], ssem,
                       add=True)
    for k in range(_DK):
      pltpu.make_async_copy(ones_v, acc_sh.at[pl.ds(0, _CH)], ssem).wait()
    return carry

  lax.fori_loop(0, nch // _DK, body, 0)
  plsc.subcore_barrier()
  pltpu.sync_copy(acc_sh.at[pl.ds(s * _RPT, _RPT)],
                  out_hbm.at[c].at[pl.ds(s * _RPT, _RPT)])


_agg_h = _make_edge_agg(_H)


def _dinv_of(dp_ref):
  deg = dp_ref[0, :_N, 0:1] + dp_ref[1, :_N, 0:1] + 1.0
  return lax.rsqrt(deg)


def _t1_body(x_ref, w_ref, dp_ref, y_ref):
  dinv = _dinv_of(dp_ref)
  xw = jnp.dot(x_ref[...], w_ref[...], preferred_element_type=jnp.float32)
  y_ref[pl.ds(0, _N), :] = xw * dinv
  y_ref[pl.ds(_N, _NP - _N), :] = jnp.zeros((_NP - _N, _H), jnp.float32)


def _t2_body(p_ref, y_ref, dp_ref, w_ref, b_ref, y2_ref):
  dinv = _dinv_of(dp_ref)
  agg = p_ref[0, :_N] + p_ref[1, :_N] + y_ref[pl.ds(0, _N), :]
  hid = jnp.maximum(agg * dinv + b_ref[...], 0.0)
  y2_ref[pl.ds(0, _N), :] = jnp.dot(
      hid, w_ref[...], preferred_element_type=jnp.float32) * dinv
  y2_ref[pl.ds(_N, _NP - _N), :] = jnp.zeros((_NP - _N, _H), jnp.float32)


def _t3_body(q_ref, y_ref, dp_ref, b_ref, batch_ref, f1w_ref, f1b_ref,
             f2w_ref, f2b_ref, out_ref):
  dinv = _dinv_of(dp_ref)
  agg = q_ref[0, :_N] + q_ref[1, :_N] + y_ref[pl.ds(0, _N), :]
  hid = jnp.maximum(agg * dinv + b_ref[...], 0.0)
  gids = lax.broadcasted_iota(jnp.int32, (_G, 1), 0)
  pt = (batch_ref[...] == gids).astype(jnp.float32)
  sums = jnp.dot(pt, hid, preferred_element_type=jnp.float32)
  counts = jnp.dot(pt, jnp.ones((_N, 1), jnp.float32),
                   preferred_element_type=jnp.float32)
  pooled = sums / jnp.maximum(counts, 1.0)
  mlp = jnp.maximum(
      jnp.dot(pooled, f1w_ref[...], preferred_element_type=jnp.float32)
      + f1b_ref[...], 0.0)
  out_ref[...] = jnp.dot(mlp, f2w_ref[...],
                         preferred_element_type=jnp.float32) + f2b_ref[...]


def kernel(x, edge_index, batch, W1, b1, W2, b2, fc1_w, fc1_b, fc2_w, fc2_b):
  npad = _NCPAD * _CH - _E
  src = jnp.concatenate([edge_index[0], jnp.full((npad,), _N, jnp.int32)])
  dst = jnp.concatenate([edge_index[1], jnp.full((npad,), _N, jnp.int32)])
  src2d = src.reshape(_NCPAD, _CH)
  dst2d = dst.reshape(_NCPAD, _CH)

  ones_ch = jnp.ones((_CH, _DH), jnp.float32)
  zero_d = jnp.zeros((_NP, _DH), jnp.float32)

  degp = _agg_deg(dst2d, ones_ch, zero_d)

  y1 = pl.pallas_call(
      _t1_body,
      out_shape=jax.ShapeDtypeStruct((_NP, _H), jnp.float32),
  )(x, W1, degp)

  p1 = _agg_h(y1, src2d, dst2d)

  y2 = pl.pallas_call(
      _t2_body,
      out_shape=jax.ShapeDtypeStruct((_NP, _H), jnp.float32),
  )(p1, y1, degp, W2, b1.reshape(1, _H))

  p2 = _agg_h(y2, src2d, dst2d)

  out = pl.pallas_call(
      _t3_body,
      out_shape=jax.ShapeDtypeStruct((_G, _OUT), jnp.float32),
  )(p2, y2, degp, b2.reshape(1, _H), batch.reshape(1, _N),
    fc1_w, fc1_b.reshape(1, 128), fc2_w, fc2_b.reshape(1, _OUT))
  return out

# --- scband reference (transcript-rebuilt; emitter-appended) ---
"""Pipeline reference for scband-gcn-52664888984064 (READ-ONLY COPY).

The authoritative reference and input builder live on the scoring server;
editing this copy changes nothing except your own understanding.
"""

import jax, jax.numpy as jnp
import numpy as np

N = 10000
E = 320000
D = 128
H = 64
G = 64
OUT = 10


def gcn_conv(x, edge_index, W, b):
    # GCNConv: add self-loops, symmetric normalization D^-1/2 (A+I) D^-1/2 X W + b
    src = edge_index[0]
    dst = edge_index[1]
    loop = jnp.arange(N, dtype=src.dtype)
    src = jnp.concatenate([src, loop])
    dst = jnp.concatenate([dst, loop])
    deg = jnp.zeros((N,), x.dtype).at[dst].add(1.0)
    dinv = jax.lax.rsqrt(jnp.maximum(deg, 1.0))
    norm = dinv[src] * dinv[dst]
    xw = x @ W
    msgs = xw[src] * norm[:, None]
    out = jnp.zeros((N, W.shape[1]), x.dtype).at[dst].add(msgs)
    return out + b


def setup_inputs(seed: int = 0) -> dict:
    key = jax.random.key(seed)
    ks = jax.random.split(key, 12)
    x = jax.random.normal(ks[0], (N, D), dtype=jnp.float32)
    edge_index = jax.random.randint(ks[1], (2, E), 0, N, dtype=jnp.int32)
    batch = jnp.sort(jax.random.randint(ks[2], (N,), 0, G, dtype=jnp.int32))
    W1 = jax.random.normal(ks[3], (D, H), dtype=jnp.float32) * 0.05
    b1 = jnp.zeros((H,), dtype=jnp.float32)
    W2 = jax.random.normal(ks[4], (H, H), dtype=jnp.float32) * 0.05
    b2 = jnp.zeros((H,), dtype=jnp.float32)
    fc1_w = jax.random.normal(ks[5], (H, 128), dtype=jnp.float32) * 0.05
    fc1_b = jnp.zeros((128,), dtype=jnp.float32)
    fc2_w = jax.random.normal(ks[6], (128, OUT), dtype=jnp.float32) * 0.05
    fc2_b = jnp.zeros((OUT,), dtype=jnp.float32)
    return {"x": x, "edge_index": edge_index, "batch": batch,
            "W1": W1, "b1": b1, "W2": W2, "b2": b2,
            "fc1_w": fc1_w, "fc1_b": fc1_b, "fc2_w": fc2_w, "fc2_b": fc2_b}


def reference(x, edge_index, batch, W1, b1, W2, b2, fc1_w, fc1_b, fc2_w, fc2_b):
    h = jax.nn.relu(gcn_conv(x, edge_index, W1, b1))
    # dropout is identity in eval mode
    h = jax.nn.relu(gcn_conv(h, edge_index, W2, b2))
    sums = jax.ops.segment_sum(h, batch, num_segments=G)
    counts = jax.ops.segment_sum(jnp.ones((N,), h.dtype), batch, num_segments=G)
    pooled = sums / jnp.maximum(counts, 1.0)[:, None]
    h = jax.nn.relu(pooled @ fc1_w + fc1_b)
    return h @ fc2_w + fc2_b

if __name__ == "__main__":
    import jax
    _d = setup_inputs()
    print(jax.jit(kernel)(*tuple(_d.values())))

</pallas_src>

<mosaic_0001>
#map = affine_map<(d0, d1) -> (0, 0)>
#map1 = affine_map<(d0, d1) -> (0, 0, 0)>
module attributes {stable_mosaic.version = 14 : i64} {
  func.func @_agg_deg(%arg0: i32, %arg1: i32, %arg2: memref<2592x128xi32, #tpu.memory_space<hbm>>, %arg3: memref<128x16xf32, #tpu.memory_space<hbm>>, %arg4: memref<10112x16xf32, #tpu.memory_space<hbm>>, %arg5: memref<2x10112x16xf32, #tpu.memory_space<hbm>>, %arg6: memref<96x128xi32, #tpu.memory_space<vmem>>, %arg7: memref<128x16xf32, #tpu.memory_space<vmem>>, %arg8: memref<10112x16xf32, #tpu.memory_space<vmem_shared>>, %arg9: memref<!tpu.dma_semaphore, #tpu.memory_space<semaphore_mem>>) attributes {dimension_semantics = [#tpu.dimension_semantics<core_parallel>, #tpu.dimension_semantics<subcore_parallel>], iteration_bounds = array<i64: 2, 16>, scalar_prefetch = 0 : i64, scratch_operands = 4 : i64, tpu.core_type = #tpu.core_type<sc_vector_subcore>, window_params = [{transform_indices = #map}, {transform_indices = #map}, {transform_indices = #map}, {transform_indices = #map1}]} {
    %eq3A = arith.constant 0 : i32
    %eq3A_0 = arith.cmpi eq, %arg0, %eq3A : i32
    %jit3A = arith.constant 96 : i32
    %jit3A_1 = arith.constant 64 : i32
    %select_n3A = arith.select %eq3A_0, %jit3A, %jit3A_1 : i32
    %mul3A = arith.constant 96 : i32
    %mul3A_2 = arith.muli %arg1, %mul3A : i32
    %mul3A_3 = arith.constant 64 : i32
    %mul3A_4 = arith.muli %arg1, %mul3A_3 : i32
    %add3A = arith.constant 1536 : i32
    %add3A_5 = arith.addi %add3A, %mul3A_4 : i32
    %select_n3A_6 = arith.select %eq3A_0, %mul3A_2, %add3A_5 : i32
    "tpu.region"() ({
      %run_scoped3A = tpu.sem_alloc : memref<!tpu.dma_semaphore, #tpu.memory_space<semaphore_mem>>
      %dma_start3A = arith.constant 0 : i32
      %dma_start3A_43 = tpu.memref_slice %arg2[%select_n3A_6, %dma_start3A] : memref<2592x128xi32, #tpu.memory_space<hbm>> -> memref<96x128xi32, #tpu.memory_space<hbm>>
      %dma_start3A_44 = arith.constant 0 : i32
      %dma_start3A_45 = tpu.memref_slice %arg2[%select_n3A_6, %dma_start3A_44] : memref<2592x128xi32, #tpu.memory_space<hbm>> -> memref<96x128xi32, #tpu.memory_space<hbm>>
      tpu.enqueue_dma source(%dma_start3A_45 : memref<96x128xi32, #tpu.memory_space<hbm>>) target(%arg6 : memref<96x128xi32, #tpu.memory_space<vmem>>) target_semaphore(%run_scoped3A : memref<!tpu.dma_semaphore, #tpu.memory_space<semaphore_mem>>)
      %dma_wait3A = arith.constant 0 : i32
      %dma_wait3A_46 = tpu.memref_slice %arg2[%select_n3A_6, %dma_wait3A] : memref<2592x128xi32, #tpu.memory_space<hbm>> -> memref<96x128xi32, #tpu.memory_space<hbm>>
      %dma_wait3A_47 = arith.constant 0 : i32
      %dma_wait3A_48 = tpu.memref_slice %arg2[%select_n3A_6, %dma_wait3A_47] : memref<2592x128xi32, #tpu.memory_space<hbm>> -> memref<96x128xi32, #tpu.memory_space<hbm>>
      tpu.wait_dma2 semaphore(%run_scoped3A : memref<!tpu.dma_semaphore, #tpu.memory_space<semaphore_mem>>) src(%dma_wait3A_48 : memref<96x128xi32, #tpu.memory_space<hbm>>) dst(%arg6 : memref<96x128xi32, #tpu.memory_space<vmem>>)
      tpu.yield
    }) : () -> ()
    "tpu.region"() ({
      %run_scoped3A = tpu.sem_alloc : memref<!tpu.dma_semaphore, #tpu.memory_space<semaphore_mem>>
      tpu.enqueue_dma source(%arg3 : memref<128x16xf32, #tpu.memory_space<hbm>>) target(%arg7 : memref<128x16xf32, #tpu.memory_space<vmem>>) target_semaphore(%run_scoped3A : memref<!tpu.dma_semaphore, #tpu.memory_space<semaphore_mem>>)
      tpu.wait_dma2 semaphore(%run_scoped3A : memref<!tpu.dma_semaphore, #tpu.memory_space<semaphore_mem>>) src(%arg3 : memref<128x16xf32, #tpu.memory_space<hbm>>) dst(%arg7 : memref<128x16xf32, #tpu.memory_space<vmem>>)
      tpu.yield
    }) : () -> ()
    %mul3A_7 = arith.constant 632 : i32
    %mul3A_8 = arith.muli %arg1, %mul3A_7 : i32
    %mul3A_9 = arith.constant 632 : i32
    %mul3A_10 = arith.muli %arg1, %mul3A_9 : i32
    "tpu.region"() ({
      %run_scoped3A = tpu.sem_alloc : memref<!tpu.dma_semaphore, #tpu.memory_space<semaphore_mem>>
      %dma_start3A = arith.constant 0 : i32
      %dma_start3A_43 = tpu.memref_slice %arg8[%mul3A_10, %dma_start3A] : memref<10112x16xf32, #tpu.memory_space<vmem_shared>> -> memref<632x16xf32, #tpu.memory_space<vmem_shared>>
      %dma_start3A_44 = arith.constant 0 : i32
      %dma_start3A_45 = tpu.memref_slice %arg4[%mul3A_8, %dma_start3A_44] : memref<10112x16xf32, #tpu.memory_space<hbm>> -> memref<632x16xf32, #tpu.memory_space<hbm>>
      tpu.enqueue_dma source(%dma_start3A_45 : memref<632x16xf32, #tpu.memory_space<hbm>>) target(%dma_start3A_43 : memref<632x16xf32, #tpu.memory_space<vmem_shared>>) target_semaphore(%run_scoped3A : memref<!tpu.dma_semaphore, #tpu.memory_space<semaphore_mem>>)
      %dma_wait3A = arith.constant 0 : i32
      %dma_wait3A_46 = tpu.memref_slice %arg8[%mul3A_10, %dma_wait3A] : memref<10112x16xf32, #tpu.memory_space<vmem_shared>> -> memref<632x16xf32, #tpu.memory_space<vmem_shared>>
      %dma_wait3A_47 = arith.constant 0 : i32
      %dma_wait3A_48 = tpu.memref_slice %arg4[%mul3A_8, %dma_wait3A_47] : memref<10112x16xf32, #tpu.memory_space<hbm>> -> memref<632x16xf32, #tpu.memory_space<hbm>>
      tpu.wait_dma2 semaphore(%run_scoped3A : memref<!tpu.dma_semaphore, #tpu.memory_space<semaphore_mem>>) src(%dma_wait3A_48 : memref<632x16xf32, #tpu.memory_space<hbm>>) dst(%dma_wait3A_46 : memref<632x16xf32, #tpu.memory_space<vmem_shared>>)
      tpu.yield
    }) : () -> ()
    %barrier3A = arith.constant 0 : index
    tpu.barrier barrier_id(%barrier3A)
    %jit3A_11 = arith.constant 8 : i32
    %div3A = arith.divsi %select_n3A, %jit3A_11 : i32
    %sign3A = arith.constant 0 : i32
    %sign3A_12 = arith.cmpi sgt, %select_n3A, %sign3A : i32
    %sign3A_13 = arith.extui %sign3A_12 : i1 to i32
    %sign3A_14 = arith.constant 0 : i32
    %sign3A_15 = arith.cmpi slt, %select_n3A, %sign3A_14 : i32
    %sign3A_16 = arith.extui %sign3A_15 : i1 to i32
    %sign3A_17 = arith.subi %sign3A_13, %sign3A_16 : i32
    %sign3A_18 = arith.constant 0 : i32
    %sign3A_19 = arith.cmpi sgt, %jit3A_11, %sign3A_18 : i32
    %sign3A_20 = arith.extui %sign3A_19 : i1 to i32
    %sign3A_21 = arith.constant 0 : i32
    %sign3A_22 = arith.cmpi slt, %jit3A_11, %sign3A_21 : i32
    %sign3A_23 = arith.extui %sign3A_22 : i1 to i32
    %sign3A_24 = arith.subi %sign3A_20, %sign3A_23 : i32
    %ne3A = arith.cmpi ne, %sign3A_17, %sign3A_24 : i32
    %rem3A = arith.remsi %select_n3A, %jit3A_11 : i32
    %ne3A_25 = arith.constant 0 : i32
    %ne3A_26 = arith.cmpi ne, %rem3A, %ne3A_25 : i32
    %and3A = arith.andi %ne3A, %ne3A_26 : i1
    %sub3A = arith.constant 1 : i32
    %sub3A_27 = arith.subi %div3A, %sub3A : i32
    %select_n3A_28 = arith.select %and3A, %sub3A_27, %div3A : i32
    %while3A = arith.constant 0 : i32
    %while3A_29 = arith.constant 0 : i32
    %while3A_30 = arith.subi %select_n3A_28, %while3A_29 : i32
    %while3A_31 = arith.addi %while3A_29, %while3A_30 : i32
    %while3A_32 = arith.constant 1 : i32
    %while3A_33 = arith.divsi %while3A_30, %while3A_32 : i32
    %while3A_34 = arith.muli %while3A_33, %while3A_32 : i32
    %while3A_35 = arith.addi %while3A_29, %while3A_34 : i32
    %while3A_36 = arith.constant 1 : i32
    scf.for %while3A_43 = %while3A_29 to %while3A_35 step %while3A_36  : i32 {
      %mul3A_44 = arith.constant 8 : i32
      %mul3A_45 = arith.muli %while3A_43, %mul3A_44 : i32
      %add3A_46 = arith.constant 0 : i32
      %add3A_47 = arith.addi %mul3A_45, %add3A_46 : i32
      %dma_start3A = arith.constant 0 : i32
      %dma_start3A_48 = tpu.memref_slice %arg6[%add3A_47, %dma_start3A] : memref<96x128xi32, #tpu.memory_space<vmem>> -> memref<1x128xi32, #tpu.memory_space<vmem>>
      %dma_start3A_49 = tpu.memref_squeeze %dma_start3A_48 : memref<1x128xi32, #tpu.memory_space<vmem>> -> memref<128xi32, #tpu.memory_space<vmem>>
      %dma_start3A_50 = arith.constant 0 : i32
      %dma_start3A_51 = arith.constant 0 : i32
      %dma_start3A_52 = tpu.memref_slice %arg8[%dma_start3A_50, %dma_start3A_51] : memref<10112x16xf32, #tpu.memory_space<vmem_shared>> -> memref<10112x16xf32, #tpu.memory_space<vmem_shared>>
      tpu.enqueue_indirect_dma source(%arg7 : memref<128x16xf32, #tpu.memory_space<vmem>>) target(%dma_start3A_52 : memref<10112x16xf32, #tpu.memory_space<vmem_shared>>) offsets(%dma_start3A_49 : memref<128xi32, #tpu.memory_space<vmem>>) semaphore(%arg9 : memref<!tpu.dma_semaphore, #tpu.memory_space<semaphore_mem>>) {add = true}
      %mul3A_53 = arith.constant 8 : i32
      %mul3A_54 = arith.muli %while3A_43, %mul3A_53 : i32
      %add3A_55 = arith.constant 1 : i32
      %add3A_56 = arith.addi %mul3A_54, %add3A_55 : i32
      %dma_start3A_57 = arith.constant 0 : i32
      %dma_start3A_58 = tpu.memref_slice %arg6[%add3A_56, %dma_start3A_57] : memref<96x128xi32, #tpu.memory_space<vmem>> -> memref<1x128xi32, #tpu.memory_space<vmem>>
      %dma_start3A_59 = tpu.memref_squeeze %dma_start3A_58 : memref<1x128xi32, #tpu.memory_space<vmem>> -> memref<128xi32, #tpu.memory_space<vmem>>
      %dma_start3A_60 = arith.constant 0 : i32
      %dma_start3A_61 = arith.constant 0 : i32
      %dma_start3A_62 = tpu.memref_slice %arg8[%dma_start3A_60, %dma_start3A_61] : memref<10112x16xf32, #tpu.memory_space<vmem_shared>> -> memref<10112x16xf32, #tpu.memory_space<vmem_shared>>
      tpu.enqueue_indirect_dma source(%arg7 : memref<128x16xf32, #tpu.memory_space<vmem>>) target(%dma_start3A_62 : memref<10112x16xf32, #tpu.memory_space<vmem_shared>>) offsets(%dma_start3A_59 : memref<128xi32, #tpu.memory_space<vmem>>) semaphore(%arg9 : memref<!tpu.dma_semaphore, #tpu.memory_space<semaphore_mem>>) {add = true}
      %mul3A_63 = arith.constant 8 : i32
      %mul3A_64 = arith.muli %while3A_43, %mul3A_63 : i32
      %add3A_65 = arith.constant 2 : i32
      %add3A_66 = arith.addi %mul3A_64, %add3A_65 : i32
      %dma_start3A_67 = arith.constant 0 : i32
      %dma_start3A_68 = tpu.memref_slice %arg6[%add3A_66, %dma_start3A_67] : memref<96x128xi32, #tpu.memory_space<vmem>> -> memref<1x128xi32, #tpu.memory_space<vmem>>
      %dma_start3A_69 = tpu.memref_squeeze %dma_start3A_68 : memref<1x128xi32, #tpu.memory_space<vmem>> -> memref<128xi32, #tpu.memory_space<vmem>>
      %dma_start3A_70 = arith.constant 0 : i32
      %dma_start3A_71 = arith.constant 0 : i32
      %dma_start3A_72 = tpu.memref_slice %arg8[%dma_start3A_70, %dma_start3A_71] : memref<10112x16xf32, #tpu.memory_space<vmem_shared>> -> memref<10112x16xf32, #tpu.memory_space<vmem_shared>>
      tpu.enqueue_indirect_dma source(%arg7 : memref<128x16xf32, #tpu.memory_space<vmem>>) target(%dma_start3A_72 : memref<10112x16xf32, #tpu.memory_space<vmem_shared>>) offsets(%dma_start3A_69 : memref<128xi32, #tpu.memory_space<vmem>>) semaphore(%arg9 : memref<!tpu.dma_semaphore, #tpu.memory_space<semaphore_mem>>) {add = true}
      %mul3A_73 = arith.constant 8 : i32
      %mul3A_74 = arith.muli %while3A_43, %mul3A_73 : i32
      %add3A_75 = arith.constant 3 : i32
      %add3A_76 = arith.addi %mul3A_74, %add3A_75 : i32
      %dma_start3A_77 = arith.constant 0 : i32
      %dma_start3A_78 = tpu.memref_slice %arg6[%add3A_76, %dma_start3A_77] : memref<96x128xi32, #tpu.memory_space<vmem>> -> memref<1x128xi32, #tpu.memory_space<vmem>>
      %dma_start3A_79 = tpu.memref_squeeze %dma_start3A_78 : memref<1x128xi32, #tpu.memory_space<vmem>> -> memref<128xi32, #tpu.memory_space<vmem>>
      %dma_start3A_80 = arith.constant 0 : i32
      %dma_start3A_81 = arith.constant 0 : i32
      %dma_start3A_82 = tpu.memref_slice %arg8[%dma_start3A_80, %dma_start3A_81] : memref<10112x16xf32, #tpu.memory_space<vmem_shared>> -> memref<10112x16xf32, #tpu.memory_space<vmem_shared>>
      tpu.enqueue_indirect_dma source(%arg7 : memref<128x16xf32, #tpu.memory_space<vmem>>) target(%dma_start3A_82 : memref<10112x16xf32, #tpu.memory_space<vmem_shared>>) offsets(%dma_start3A_79 : memref<128xi32, #tpu.memory_space<vmem>>) semaphore(%arg9 : memref<!tpu.dma_semaphore, #tpu.memory_space<semaphore_mem>>) {add = true}
      %mul3A_83 = arith.constant 8 : i32
      %mul3A_84 = arith.muli %while3A_43, %mul3A_83 : i32
      %add3A_85 = arith.constant 4 : i32
      %add3A_86 = arith.addi %mul3A_84, %add3A_85 : i32
      %dma_start3A_87 = arith.constant 0 : i32
      %dma_start3A_88 = tpu.memref_slice %arg6[%add3A_86, %dma_start3A_87] : memref<96x128xi32, #tpu.memory_space<vmem>> -> memref<1x128xi32, #tpu.memory_space<vmem>>
      %dma_start3A_89 = tpu.memref_squeeze %dma_start3A_88 : memref<1x128xi32, #tpu.memory_space<vmem>> -> memref<128xi32, #tpu.memory_space<vmem>>
      %dma_start3A_90 = arith.constant 0 : i32
      %dma_start3A_91 = arith.constant 0 : i32
      %dma_start3A_92 = tpu.memref_slice %arg8[%dma_start3A_90, %dma_start3A_91] : memref<10112x16xf32, #tpu.memory_space<vmem_shared>> -> memref<10112x16xf32, #tpu.memory_space<vmem_shared>>
      tpu.enqueue_indirect_dma source(%arg7 : memref<128x16xf32, #tpu.memory_space<vmem>>) target(%dma_start3A_92 : memref<10112x16xf32, #tpu.memory_space<vmem_shared>>) offsets(%dma_start3A_89 : memref<128xi32, #tpu.memory_space<vmem>>) semaphore(%arg9 : memref<!tpu.dma_semaphore, #tpu.memory_space<semaphore_mem>>) {add = true}
      %mul3A_93 = arith.constant 8 : i32
      %mul3A_94 = arith.muli %while3A_43, %mul3A_93 : i32
      %add3A_95 = arith.constant 5 : i32
      %add3A_96 = arith.addi %mul3A_94, %add3A_95 : i32
      %dma_start3A_97 = arith.constant 0 : i32
      %dma_start3A_98 = tpu.memref_slice %arg6[%add3A_96, %dma_start3A_97] : memref<96x128xi32, #tpu.memory_space<vmem>> -> memref<1x128xi32, #tpu.memory_space<vmem>>
      %dma_start3A_99 = tpu.memref_squeeze %dma_start3A_98 : memref<1x128xi32, #tpu.memory_space<vmem>> -> memref<128xi32, #tpu.memory_space<vmem>>
      %dma_start3A_100 = arith.constant 0 : i32
      %dma_start3A_101 = arith.constant 0 : i32
      %dma_start3A_102 = tpu.memref_slice %arg8[%dma_start3A_100, %dma_start3A_101] : memref<10112x16xf32, #tpu.memory_space<vmem_shared>> -> memref<10112x16xf32, #tpu.memory_space<vmem_shared>>
      tpu.enqueue_indirect_dma source(%arg7 : memref<128x16xf32, #tpu.memory_space<vmem>>) target(%dma_start3A_102 : memref<10112x16xf32, #tpu.memory_space<vmem_shared>>) offsets(%dma_start3A_99 : memref<128xi32, #tpu.memory_space<vmem>>) semaphore(%arg9 : memref<!tpu.dma_semaphore, #tpu.memory_space<semaphore_mem>>) {add = true}
      %mul3A_103 = arith.constant 8 : i32
      %mul3A_104 = arith.muli %while3A_43, %mul3A_103 : i32
      %add3A_105 = arith.constant 6 : i32
      %add3A_106 = arith.addi %mul3A_104, %add3A_105 : i32
      %dma_start3A_107 = arith.constant 0 : i32
      %dma_start3A_108 = tpu.memref_slice %arg6[%add3A_106, %dma_start3A_107] : memref<96x128xi32, #tpu.memory_space<vmem>> -> memref<1x128xi32, #tpu.memory_space<vmem>>
      %dma_start3A_109 = tpu.memref_squeeze %dma_start3A_108 : memref<1x128xi32, #tpu.memory_space<vmem>> -> memref<128xi32, #tpu.memory_space<vmem>>
      %dma_start3A_110 = arith.constant 0 : i32
      %dma_start3A_111 = arith.constant 0 : i32
      %dma_start3A_112 = tpu.memref_slice %arg8[%dma_start3A_110, %dma_start3A_111] : memref<10112x16xf32, #tpu.memory_space<vmem_shared>> -> memref<10112x16xf32, #tpu.memory_space<vmem_shared>>
      tpu.enqueue_indirect_dma source(%arg7 : memref<128x16xf32, #tpu.memory_space<vmem>>) target(%dma_start3A_112 : memref<10112x16xf32, #tpu.memory_space<vmem_shared>>) offsets(%dma_start3A_109 : memref<128xi32, #tpu.memory_space<vmem>>) semaphore(%arg9 : memref<!tpu.dma_semaphore, #tpu.memory_space<semaphore_mem>>) {add = true}
      %mul3A_113 = arith.constant 8 : i32
      %mul3A_114 = arith.muli %while3A_43, %mul3A_113 : i32
      %add3A_115 = arith.constant 7 : i32
      %add3A_116 = arith.addi %mul3A_114, %add3A_115 : i32
      %dma_start3A_117 = arith.constant 0 : i32
      %dma_start3A_118 = tpu.memref_slice %arg6[%add3A_116, %dma_start3A_117] : memref<96x128xi32, #tpu.memory_space<vmem>> -> memref<1x128xi32, #tpu.memory_space<vmem>>
      %dma_start3A_119 = tpu.memref_squeeze %dma_start3A_118 : memref<1x128xi32, #tpu.memory_space<vmem>> -> memref<128xi32, #tpu.memory_space<vmem>>
      %dma_start3A_120 = arith.constant 0 : i32
      %dma_start3A_121 = arith.constant 0 : i32
      %dma_start3A_122 = tpu.memref_slice %arg8[%dma_start3A_120, %dma_start3A_121] : memref<10112x16xf32, #tpu.memory_space<vmem_shared>> -> memref<10112x16xf32, #tpu.memory_space<vmem_shared>>
      tpu.enqueue_indirect_dma source(%arg7 : memref<128x16xf32, #tpu.memory_space<vmem>>) target(%dma_start3A_122 : memref<10112x16xf32, #tpu.memory_space<vmem_shared>>) offsets(%dma_start3A_119 : memref<128xi32, #tpu.memory_space<vmem>>) semaphore(%arg9 : memref<!tpu.dma_semaphore, #tpu.memory_space<semaphore_mem>>) {add = true}
      %dma_wait3A = arith.constant 0 : i32
      %dma_wait3A_123 = arith.constant 0 : i32
      %dma_wait3A_124 = tpu.memref_slice %arg8[%dma_wait3A, %dma_wait3A_123] : memref<10112x16xf32, #tpu.memory_space<vmem_shared>> -> memref<128x16xf32, #tpu.memory_space<vmem_shared>>
      %dma_wait3A_125 = arith.constant 0 : i32
      %dma_wait3A_126 = arith.constant 0 : i32
      %dma_wait3A_127 = tpu.memref_slice %arg8[%dma_wait3A_125, %dma_wait3A_126] : memref<10112x16xf32, #tpu.memory_space<vmem_shared>> -> memref<128x16xf32, #tpu.memory_space<vmem_shared>>
      tpu.wait_dma2 semaphore(%arg9 : memref<!tpu.dma_semaphore, #tpu.memory_space<semaphore_mem>>) src(%arg7 : memref<128x16xf32, #tpu.memory_space<vmem>>) dst(%dma_wait3A_127 : memref<128x16xf32, #tpu.memory_space<vmem_shared>>)
      %dma_wait3A_128 = arith.constant 0 : i32
      %dma_wait3A_129 = arith.constant 0 : i32
      %dma_wait3A_130 = tpu.memref_slice %arg8[%dma_wait3A_128, %dma_wait3A_129] : memref<10112x16xf32, #tpu.memory_space<vmem_shared>> -> memref<128x16xf32, #tpu.memory_space<vmem_shared>>
      %dma_wait3A_131 = arith.constant 0 : i32
      %dma_wait3A_132 = arith.constant 0 : i32
      %dma_wait3A_133 = tpu.memref_slice %arg8[%dma_wait3A_131, %dma_wait3A_132] : memref<10112x16xf32, #tpu.memory_space<vmem_shared>> -> memref<128x16xf32, #tpu.memory_space<vmem_shared>>
      tpu.wait_dma2 semaphore(%arg9 : memref<!tpu.dma_semaphore, #tpu.memory_space<semaphore_mem>>) src(%arg7 : memref<128x16xf32, #tpu.memory_space<vmem>>) dst(%dma_wait3A_133 : memref<128x16xf32, #tpu.memory_space<vmem_shared>>)
      %dma_wait3A_134 = arith.constant 0 : i32
      %dma_wait3A_135 = arith.constant 0 : i32
      %dma_wait3A_136 = tpu.memref_slice %arg8[%dma_wait3A_134, %dma_wait3A_135] : memref<10112x16xf32, #tpu.memory_space<vmem_shared>> -> memref<128x16xf32, #tpu.memory_space<vmem_shared>>
      %dma_wait3A_137 = arith.constant 0 : i32
      %dma_wait3A_138 = arith.constant 0 : i32
      %dma_wait3A_139 = tpu.memref_slice %arg8[%dma_wait3A_137, %dma_wait3A_138] : memref<10112x16xf32, #tpu.memory_space<vmem_shared>> -> memref<128x16xf32, #tpu.memory_space<vmem_shared>>
      tpu.wait_dma2 semaphore(%arg9 : memref<!tpu.dma_semaphore, #tpu.memory_space<semaphore_mem>>) src(%arg7 : memref<128x16xf32, #tpu.memory_space<vmem>>) dst(%dma_wait3A_139 : memref<128x16xf32, #tpu.memory_space<vmem_shared>>)
      %dma_wait3A_140 = arith.constant 0 : i32
      %dma_wait3A_141 = arith.constant 0 : i32
      %dma_wait3A_142 = tpu.memref_slice %arg8[%dma_wait3A_140, %dma_wait3A_141] : memref<10112x16xf32, #tpu.memory_space<vmem_shared>> -> memref<128x16xf32, #tpu.memory_space<vmem_shared>>
      %dma_wait3A_143 = arith.constant 0 : i32
      %dma_wait3A_144 = arith.constant 0 : i32
      %dma_wait3A_145 = tpu.memref_slice %arg8[%dma_wait3A_143, %dma_wait3A_144] : memref<10112x16xf32, #tpu.memory_space<vmem_shared>> -> memref<128x16xf32, #tpu.memory_space<vmem_shared>>
      tpu.wait_dma2 semaphore(%arg9 : memref<!tpu.dma_semaphore, #tpu.memory_space<semaphore_mem>>) src(%arg7 : memref<128x16xf32, #tpu.memory_space<vmem>>) dst(%dma_wait3A_145 : memref<128x16xf32, #tpu.memory_space<vmem_shared>>)
      %dma_wait3A_146 = arith.constant 0 : i32
      %dma_wait3A_147 = arith.constant 0 : i32
      %dma_wait3A_148 = tpu.memref_slice %arg8[%dma_wait3A_146, %dma_wait3A_147] : memref<10112x16xf32, #tpu.memory_space<vmem_shared>> -> memref<128x16xf32, #tpu.memory_space<vmem_shared>>
      %dma_wait3A_149 = arith.constant 0 : i32
      %dma_wait3A_150 = arith.constant 0 : i32
      %dma_wait3A_151 = tpu.memref_slice %arg8[%dma_wait3A_149, %dma_wait3A_150] : memref<10112x16xf32, #tpu.memory_space<vmem_shared>> -> memref<128x16xf32, #tpu.memory_space<vmem_shared>>
      tpu.wait_dma2 semaphore(%arg9 : memref<!tpu.dma_semaphore, #tpu.memory_space<semaphore_mem>>) src(%arg7 : memref<128x16xf32, #tpu.memory_space<vmem>>) dst(%dma_wait3A_151 : memref<128x16xf32, #tpu.memory_space<vmem_shared>>)
      %dma_wait3A_152 = arith.constant 0 : i32
      %dma_wait3A_153 = arith.constant 0 : i32
      %dma_wait3A_154 = tpu.memref_slice %arg8[%dma_wait3A_152, %dma_wait3A_153] : memref<10112x16xf32, #tpu.memory_space<vmem_shared>> -> memref<128x16xf32, #tpu.memory_space<vmem_shared>>
      %dma_wait3A_155 = arith.constant 0 : i32
      %dma_wait3A_156 = arith.constant 0 : i32
      %dma_wait3A_157 = tpu.memref_slice %arg8[%dma_wait3A_155, %dma_wait3A_156] : memref<10112x16xf32, #tpu.memory_space<vmem_shared>> -> memref<128x16xf32, #tpu.memory_space<vmem_shared>>
      tpu.wait_dma2 semaphore(%arg9 : memref<!tpu.dma_semaphore, #tpu.memory_space<semaphore_mem>>) src(%arg7 : memref<128x16xf32, #tpu.memory_space<vmem>>) dst(%dma_wait3A_157 : memref<128x16xf32, #tpu.memory_space<vmem_shared>>)
      %dma_wait3A_158 = arith.constant 0 : i32
      %dma_wait3A_159 = arith.constant 0 : i32
      %dma_wait3A_160 = tpu.memref_slice %arg8[%dma_wait3A_158, %dma_wait3A_159] : memref<10112x16xf32, #tpu.memory_space<vmem_shared>> -> memref<128x16xf32, #tpu.memory_space<vmem_shared>>
      %dma_wait3A_161 = arith.constant 0 : i32
      %dma_wait3A_162 = arith.constant 0 : i32
      %dma_wait3A_163 = tpu.memref_slice %arg8[%dma_wait3A_161, %dma_wait3A_162] : memref<10112x16xf32, #tpu.memory_space<vmem_shared>> -> memref<128x16xf32, #tpu.memory_space<vmem_shared>>
      tpu.wait_dma2 semaphore(%arg9 : memref<!tpu.dma_semaphore, #tpu.memory_space<semaphore_mem>>) src(%arg7 : memref<128x16xf32, #tpu.memory_space<vmem>>) dst(%dma_wait3A_163 : memref<128x16xf32, #tpu.memory_space<vmem_shared>>)
      %dma_wait3A_164 = arith.constant 0 : i32
      %dma_wait3A_165 = arith.constant 0 : i32
      %dma_wait3A_166 = tpu.memref_slice %arg8[%dma_wait3A_164, %dma_wait3A_165] : memref<10112x16xf32, #tpu.memory_space<vmem_shared>> -> memref<128x16xf32, #tpu.memory_space<vmem_shared>>
      %dma_wait3A_167 = arith.constant 0 : i32
      %dma_wait3A_168 = arith.constant 0 : i32
      %dma_wait3A_169 = tpu.memref_slice %arg8[%dma_wait3A_167, %dma_wait3A_168] : memref<10112x16xf32, #tpu.memory_space<vmem_shared>> -> memref<128x16xf32, #tpu.memory_space<vmem_shared>>
      tpu.wait_dma2 semaphore(%arg9 : memref<!tpu.dma_semaphore, #tpu.memory_space<semaphore_mem>>) src(%arg7 : memref<128x16xf32, #tpu.memory_space<vmem>>) dst(%dma_wait3A_169 : memref<128x16xf32, #tpu.memory_space<vmem_shared>>)
    }
    %while3A_37 = arith.constant 1 : i32
    scf.for %while3A_43 = %while3A_35 to %while3A_31 step %while3A_37  : i32 {
      %mul3A_44 = arith.constant 8 : i32
      %mul3A_45 = arith.muli %while3A_43, %mul3A_44 : i32
      %add3A_46 = arith.constant 0 : i32
      %add3A_47 = arith.addi %mul3A_45, %add3A_46 : i32
      %dma_start3A = arith.constant 0 : i32
      %dma_start3A_48 = tpu.memref_slice %arg6[%add3A_47, %dma_start3A] : memref<96x128xi32, #tpu.memory_space<vmem>> -> memref<1x128xi32, #tpu.memory_space<vmem>>
      %dma_start3A_49 = tpu.memref_squeeze %dma_start3A_48 : memref<1x128xi32, #tpu.memory_space<vmem>> -> memref<128xi32, #tpu.memory_space<vmem>>
      %dma_start3A_50 = arith.constant 0 : i32
      %dma_start3A_51 = arith.constant 0 : i32
      %dma_start3A_52 = tpu.memref_slice %arg8[%dma_start3A_50, %dma_start3A_51] : memref<10112x16xf32, #tpu.memory_space<vmem_shared>> -> memref<10112x16xf32, #tpu.memory_space<vmem_shared>>
      tpu.enqueue_indirect_dma source(%arg7 : memref<128x16xf32, #tpu.memory_space<vmem>>) target(%dma_start3A_52 : memref<10112x16xf32, #tpu.memory_space<vmem_shared>>) offsets(%dma_start3A_49 : memref<128xi32, #tpu.memory_space<vmem>>) semaphore(%arg9 : memref<!tpu.dma_semaphore, #tpu.memory_space<semaphore_mem>>) {add = true}
      %mul3A_53 = arith.constant 8 : i32
      %mul3A_54 = arith.muli %while3A_43, %mul3A_53 : i32
      %add3A_55 = arith.constant 1 : i32
      %add3A_56 = arith.addi %mul3A_54, %add3A_55 : i32
      %dma_start3A_57 = arith.constant 0 : i32
      %dma_start3A_58 = tpu.memref_slice %arg6[%add3A_56, %dma_start3A_57] : memref<96x128xi32, #tpu.memory_space<vmem>> -> memref<1x128xi32, #tpu.memory_space<vmem>>
      %dma_start3A_59 = tpu.memref_squeeze %dma_start3A_58 : memref<1x128xi32, #tpu.memory_space<vmem>> -> memref<128xi32, #tpu.memory_space<vmem>>
      %dma_start3A_60 = arith.constant 0 : i32
      %dma_start3A_61 = arith.constant 0 : i32
      %dma_start3A_62 = tpu.memref_slice %arg8[%dma_start3A_60, %dma_start3A_61] : memref<10112x16xf32, #tpu.memory_space<vmem_shared>> -> memref<10112x16xf32, #tpu.memory_space<vmem_shared>>
      tpu.enqueue_indirect_dma source(%arg7 : memref<128x16xf32, #tpu.memory_space<vmem>>) target(%dma_start3A_62 : memref<10112x16xf32, #tpu.memory_space<vmem_shared>>) offsets(%dma_start3A_59 : memref<128xi32, #tpu.memory_space<vmem>>) semaphore(%arg9 : memref<!tpu.dma_semaphore, #tpu.memory_space<semaphore_mem>>) {add = true}
      %mul3A_63 = arith.constant 8 : i32
      %mul3A_64 = arith.muli %while3A_43, %mul3A_63 : i32
      %add3A_65 = arith.constant 2 : i32
      %add3A_66 = arith.addi %mul3A_64, %add3A_65 : i32
      %dma_start3A_67 = arith.constant 0 : i32
      %dma_start3A_68 = tpu.memref_slice %arg6[%add3A_66, %dma_start3A_67] : memref<96x128xi32, #tpu.memory_space<vmem>> -> memref<1x128xi32, #tpu.memory_space<vmem>>
      %dma_start3A_69 = tpu.memref_squeeze %dma_start3A_68 : memref<1x128xi32, #tpu.memory_space<vmem>> -> memref<128xi32, #tpu.memory_space<vmem>>
      %dma_start3A_70 = arith.constant 0 : i32
      %dma_start3A_71 = arith.constant 0 : i32
      %dma_start3A_72 = tpu.memref_slice %arg8[%dma_start3A_70, %dma_start3A_71] : memref<10112x16xf32, #tpu.memory_space<vmem_shared>> -> memref<10112x16xf32, #tpu.memory_space<vmem_shared>>
      tpu.enqueue_indirect_dma source(%arg7 : memref<128x16xf32, #tpu.memory_space<vmem>>) target(%dma_start3A_72 : memref<10112x16xf32, #tpu.memory_space<vmem_shared>>) offsets(%dma_start3A_69 : memref<128xi32, #tpu.memory_space<vmem>>) semaphore(%arg9 : memref<!tpu.dma_semaphore, #tpu.memory_space<semaphore_mem>>) {add = true}
      %mul3A_73 = arith.constant 8 : i32
      %mul3A_74 = arith.muli %while3A_43, %mul3A_73 : i32
      %add3A_75 = arith.constant 3 : i32
      %add3A_76 = arith.addi %mul3A_74, %add3A_75 : i32
      %dma_start3A_77 = arith.constant 0 : i32
      %dma_start3A_78 = tpu.memref_slice %arg6[%add3A_76, %dma_start3A_77] : memref<96x128xi32, #tpu.memory_space<vmem>> -> memref<1x128xi32, #tpu.memory_space<vmem>>
      %dma_start3A_79 = tpu.memref_squeeze %dma_start3A_78 : memref<1x128xi32, #tpu.memory_space<vmem>> -> memref<128xi32, #tpu.memory_space<vmem>>
      %dma_start3A_80 = arith.constant 0 : i32
      %dma_start3A_81 = arith.constant 0 : i32
      %dma_start3A_82 = tpu.memref_slice %arg8[%dma_start3A_80, %dma_start3A_81] : memref<10112x16xf32, #tpu.memory_space<vmem_shared>> -> memref<10112x16xf32, #tpu.memory_space<vmem_shared>>
      tpu.enqueue_indirect_dma source(%arg7 : memref<128x16xf32, #tpu.memory_space<vmem>>) target(%dma_start3A_82 : memref<10112x16xf32, #tpu.memory_space<vmem_shared>>) offsets(%dma_start3A_79 : memref<128xi32, #tpu.memory_space<vmem>>) semaphore(%arg9 : memref<!tpu.dma_semaphore, #tpu.memory_space<semaphore_mem>>) {add = true}
      %mul3A_83 = arith.constant 8 : i32
      %mul3A_84 = arith.muli %while3A_43, %mul3A_83 : i32
      %add3A_85 = arith.constant 4 : i32
      %add3A_86 = arith.addi %mul3A_84, %add3A_85 : i32
      %dma_start3A_87 = arith.constant 0 : i32
      %dma_start3A_88 = tpu.memref_slice %arg6[%add3A_86, %dma_start3A_87] : memref<96x128xi32, #tpu.memory_space<vmem>> -> memref<1x128xi32, #tpu.memory_space<vmem>>
      %dma_start3A_89 = tpu.memref_squeeze %dma_start3A_88 : memref<1x128xi32, #tpu.memory_space<vmem>> -> memref<128xi32, #tpu.memory_space<vmem>>
      %dma_start3A_90 = arith.constant 0 : i32
      %dma_start3A_91 = arith.constant 0 : i32
      %dma_start3A_92 = tpu.memref_slice %arg8[%dma_start3A_90, %dma_start3A_91] : memref<10112x16xf32, #tpu.memory_space<vmem_shared>> -> memref<10112x16xf32, #tpu.memory_space<vmem_shared>>
      tpu.enqueue_indirect_dma source(%arg7 : memref<128x16xf32, #tpu.memory_space<vmem>>) target(%dma_start3A_92 : memref<10112x16xf32, #tpu.memory_space<vmem_shared>>) offsets(%dma_start3A_89 : memref<128xi32, #tpu.memory_space<vmem>>) semaphore(%arg9 : memref<!tpu.dma_semaphore, #tpu.memory_space<semaphore_mem>>) {add = true}
      %mul3A_93 = arith.constant 8 : i32
      %mul3A_94 = arith.muli %while3A_43, %mul3A_93 : i32
      %add3A_95 = arith.constant 5 : i32
      %add3A_96 = arith.addi %mul3A_94, %add3A_95 : i32
      %dma_start3A_97 = arith.constant 0 : i32
      %dma_start3A_98 = tpu.memref_slice %arg6[%add3A_96, %dma_start3A_97] : memref<96x128xi32, #tpu.memory_space<vmem>> -> memref<1x128xi32, #tpu.memory_space<vmem>>
      %dma_start3A_99 = tpu.memref_squeeze %dma_start3A_98 : memref<1x128xi32, #tpu.memory_space<vmem>> -> memref<128xi32, #tpu.memory_space<vmem>>
      %dma_start3A_100 = arith.constant 0 : i32
      %dma_start3A_101 = arith.constant 0 : i32
      %dma_start3A_102 = tpu.memref_slice %arg8[%dma_start3A_100, %dma_start3A_101] : memref<10112x16xf32, #tpu.memory_space<vmem_shared>> -> memref<10112x16xf32, #tpu.memory_space<vmem_shared>>
      tpu.enqueue_indirect_dma source(%arg7 : memref<128x16xf32, #tpu.memory_space<vmem>>) target(%dma_start3A_102 : memref<10112x16xf32, #tpu.memory_space<vmem_shared>>) offsets(%dma_start3A_99 : memref<128xi32, #tpu.memory_space<vmem>>) semaphore(%arg9 : memref<!tpu.dma_semaphore, #tpu.memory_space<semaphore_mem>>) {add = true}
      %mul3A_103 = arith.constant 8 : i32
      %mul3A_104 = arith.muli %while3A_43, %mul3A_103 : i32
      %add3A_105 = arith.constant 6 : i32
      %add3A_106 = arith.addi %mul3A_104, %add3A_105 : i32
      %dma_start3A_107 = arith.constant 0 : i32
      %dma_start3A_108 = tpu.memref_slice %arg6[%add3A_106, %dma_start3A_107] : memref<96x128xi32, #tpu.memory_space<vmem>> -> memref<1x128xi32, #tpu.memory_space<vmem>>
      %dma_start3A_109 = tpu.memref_squeeze %dma_start3A_108 : memref<1x128xi32, #tpu.memory_space<vmem>> -> memref<128xi32, #tpu.memory_space<vmem>>
      %dma_start3A_110 = arith.constant 0 : i32
      %dma_start3A_111 = arith.constant 0 : i32
      %dma_start3A_112 = tpu.memref_slice %arg8[%dma_start3A_110, %dma_start3A_111] : memref<10112x16xf32, #tpu.memory_space<vmem_shared>> -> memref<10112x16xf32, #tpu.memory_space<vmem_shared>>
      tpu.enqueue_indirect_dma source(%arg7 : memref<128x16xf32, #tpu.memory_space<vmem>>) target(%dma_start3A_112 : memref<10112x16xf32, #tpu.memory_space<vmem_shared>>) offsets(%dma_start3A_109 : memref<128xi32, #tpu.memory_space<vmem>>) semaphore(%arg9 : memref<!tpu.dma_semaphore, #tpu.memory_space<semaphore_mem>>) {add = true}
      %mul3A_113 = arith.constant 8 : i32
      %mul3A_114 = arith.muli %while3A_43, %mul3A_113 : i32
      %add3A_115 = arith.constant 7 : i32
      %add3A_116 = arith.addi %mul3A_114, %add3A_115 : i32
      %dma_start3A_117 = arith.constant 0 : i32
      %dma_start3A_118 = tpu.memref_slice %arg6[%add3A_116, %dma_start3A_117] : memref<96x128xi32, #tpu.memory_space<vmem>> -> memref<1x128xi32, #tpu.memory_space<vmem>>
      %dma_start3A_119 = tpu.memref_squeeze %dma_start3A_118 : memref<1x128xi32, #tpu.memory_space<vmem>> -> memref<128xi32, #tpu.memory_space<vmem>>
      %dma_start3A_120 = arith.constant 0 : i32
      %dma_start3A_121 = arith.constant 0 : i32
      %dma_start3A_122 = tpu.memref_slice %arg8[%dma_start3A_120, %dma_start3A_121] : memref<10112x16xf32, #tpu.memory_space<vmem_shared>> -> memref<10112x16xf32, #tpu.memory_space<vmem_shared>>
      tpu.enqueue_indirect_dma source(%arg7 : memref<128x16xf32, #tpu.memory_space<vmem>>) target(%dma_start3A_122 : memref<10112x16xf32, #tpu.memory_space<vmem_shared>>) offsets(%dma_start3A_119 : memref<128xi32, #tpu.memory_space<vmem>>) semaphore(%arg9 : memref<!tpu.dma_semaphore, #tpu.memory_space<semaphore_mem>>) {add = true}
      %dma_wait3A = arith.constant 0 : i32
      %dma_wait3A_123 = arith.constant 0 : i32
      %dma_wait3A_124 = tpu.memref_slice %arg8[%dma_wait3A, %dma_wait3A_123] : memref<10112x16xf32, #tpu.memory_space<vmem_shared>> -> memref<128x16xf32, #tpu.memory_space<vmem_shared>>
      %dma_wait3A_125 = arith.constant 0 : i32
      %dma_wait3A_126 = arith.constant 0 : i32
      %dma_wait3A_127 = tpu.memref_slice %arg8[%dma_wait3A_125, %dma_wait3A_126] : memref<10112x16xf32, #tpu.memory_space<vmem_shared>> -> memref<128x16xf32, #tpu.memory_space<vmem_shared>>
      tpu.wait_dma2 semaphore(%arg9 : memref<!tpu.dma_semaphore, #tpu.memory_space<semaphore_mem>>) src(%arg7 : memref<128x16xf32, #tpu.memory_space<vmem>>) dst(%dma_wait3A_127 : memref<128x16xf32, #tpu.memory_space<vmem_shared>>)
      %dma_wait3A_128 = arith.constant 0 : i32
      %dma_wait3A_129 = arith.constant 0 : i32
      %dma_wait3A_130 = tpu.memref_slice %arg8[%dma_wait3A_128, %dma_wait3A_129] : memref<10112x16xf32, #tpu.memory_space<vmem_shared>> -> memref<128x16xf32, #tpu.memory_space<vmem_shared>>
      %dma_wait3A_131 = arith.constant 0 : i32
      %dma_wait3A_132 = arith.constant 0 : i32
      %dma_wait3A_133 = tpu.memref_slice %arg8[%dma_wait3A_131, %dma_wait3A_132] : memref<10112x16xf32, #tpu.memory_space<vmem_shared>> -> memref<128x16xf32, #tpu.memory_space<vmem_shared>>
      tpu.wait_dma2 semaphore(%arg9 : memref<!tpu.dma_semaphore, #tpu.memory_space<semaphore_mem>>) src(%arg7 : memref<128x16xf32, #tpu.memory_space<vmem>>) dst(%dma_wait3A_133 : memref<128x16xf32, #tpu.memory_space<vmem_shared>>)
      %dma_wait3A_134 = arith.constant 0 : i32
      %dma_wait3A_135 = arith.constant 0 : i32
      %dma_wait3A_136 = tpu.memref_slice %arg8[%dma_wait3A_134, %dma_wait3A_135] : memref<10112x16xf32, #tpu.memory_space<vmem_shared>> -> memref<128x16xf32, #tpu.memory_space<vmem_shared>>
      %dma_wait3A_137 = arith.constant 0 : i32
      %dma_wait3A_138 = arith.constant 0 : i32
      %dma_wait3A_139 = tpu.memref_slice %arg8[%dma_wait3A_137, %dma_wait3A_138] : memref<10112x16xf32, #tpu.memory_space<vmem_shared>> -> memref<128x16xf32, #tpu.memory_space<vmem_shared>>
      tpu.wait_dma2 semaphore(%arg9 : memref<!tpu.dma_semaphore, #tpu.memory_space<semaphore_mem>>) src(%arg7 : memref<128x16xf32, #tpu.memory_space<vmem>>) dst(%dma_wait3A_139 : memref<128x16xf32, #tpu.memory_space<vmem_shared>>)
      %dma_wait3A_140 = arith.constant 0 : i32
      %dma_wait3A_141 = arith.constant 0 : i32
      %dma_wait3A_142 = tpu.memref_slice %arg8[%dma_wait3A_140, %dma_wait3A_141] : memref<10112x16xf32, #tpu.memory_space<vmem_shared>> -> memref<128x16xf32, #tpu.memory_space<vmem_shared>>
      %dma_wait3A_143 = arith.constant 0 : i32
      %dma_wait3A_144 = arith.constant 0 : i32
      %dma_wait3A_145 = tpu.memref_slice %arg8[%dma_wait3A_143, %dma_wait3A_144] : memref<10112x16xf32, #tpu.memory_space<vmem_shared>> -> memref<128x16xf32, #tpu.memory_space<vmem_shared>>
      tpu.wait_dma2 semaphore(%arg9 : memref<!tpu.dma_semaphore, #tpu.memory_space<semaphore_mem>>) src(%arg7 : memref<128x16xf32, #tpu.memory_space<vmem>>) dst(%dma_wait3A_145 : memref<128x16xf32, #tpu.memory_space<vmem_shared>>)
      %dma_wait3A_146 = arith.constant 0 : i32
      %dma_wait3A_147 = arith.constant 0 : i32
      %dma_wait3A_148 = tpu.memref_slice %arg8[%dma_wait3A_146, %dma_wait3A_147] : memref<10112x16xf32, #tpu.memory_space<vmem_shared>> -> memref<128x16xf32, #tpu.memory_space<vmem_shared>>
      %dma_wait3A_149 = arith.constant 0 : i32
      %dma_wait3A_150 = arith.constant 0 : i32
      %dma_wait3A_151 = tpu.memref_slice %arg8[%dma_wait3A_149, %dma_wait3A_150] : memref<10112x16xf32, #tpu.memory_space<vmem_shared>> -> memref<128x16xf32, #tpu.memory_space<vmem_shared>>
      tpu.wait_dma2 semaphore(%arg9 : memref<!tpu.dma_semaphore, #tpu.memory_space<semaphore_mem>>) src(%arg7 : memref<128x16xf32, #tpu.memory_space<vmem>>) dst(%dma_wait3A_151 : memref<128x16xf32, #tpu.memory_space<vmem_shared>>)
      %dma_wait3A_152 = arith.constant 0 : i32
      %dma_wait3A_153 = arith.constant 0 : i32
      %dma_wait3A_154 = tpu.memref_slice %arg8[%dma_wait3A_152, %dma_wait3A_153] : memref<10112x16xf32, #tpu.memory_space<vmem_shared>> -> memref<128x16xf32, #tpu.memory_space<vmem_shared>>
      %dma_wait3A_155 = arith.constant 0 : i32
      %dma_wait3A_156 = arith.constant 0 : i32
      %dma_wait3A_157 = tpu.memref_slice %arg8[%dma_wait3A_155, %dma_wait3A_156] : memref<10112x16xf32, #tpu.memory_space<vmem_shared>> -> memref<128x16xf32, #tpu.memory_space<vmem_shared>>
      tpu.wait_dma2 semaphore(%arg9 : memref<!tpu.dma_semaphore, #tpu.memory_space<semaphore_mem>>) src(%arg7 : memref<128x16xf32, #tpu.memory_space<vmem>>) dst(%dma_wait3A_157 : memref<128x16xf32, #tpu.memory_space<vmem_shared>>)
      %dma_wait3A_158 = arith.constant 0 : i32
      %dma_wait3A_159 = arith.constant 0 : i32
      %dma_wait3A_160 = tpu.memref_slice %arg8[%dma_wait3A_158, %dma_wait3A_159] : memref<10112x16xf32, #tpu.memory_space<vmem_shared>> -> memref<128x16xf32, #tpu.memory_space<vmem_shared>>
      %dma_wait3A_161 = arith.constant 0 : i32
      %dma_wait3A_162 = arith.constant 0 : i32
      %dma_wait3A_163 = tpu.memref_slice %arg8[%dma_wait3A_161, %dma_wait3A_162] : memref<10112x16xf32, #tpu.memory_space<vmem_shared>> -> memref<128x16xf32, #tpu.memory_space<vmem_shared>>
      tpu.wait_dma2 semaphore(%arg9 : memref<!tpu.dma_semaphore, #tpu.memory_space<semaphore_mem>>) src(%arg7 : memref<128x16xf32, #tpu.memory_space<vmem>>) dst(%dma_wait3A_163 : memref<128x16xf32, #tpu.memory_space<vmem_shared>>)
      %dma_wait3A_164 = arith.constant 0 : i32
      %dma_wait3A_165 = arith.constant 0 : i32
      %dma_wait3A_166 = tpu.memref_slice %arg8[%dma_wait3A_164, %dma_wait3A_165] : memref<10112x16xf32, #tpu.memory_space<vmem_shared>> -> memref<128x16xf32, #tpu.memory_space<vmem_shared>>
      %dma_wait3A_167 = arith.constant 0 : i32
      %dma_wait3A_168 = arith.constant 0 : i32
      %dma_wait3A_169 = tpu.memref_slice %arg8[%dma_wait3A_167, %dma_wait3A_168] : memref<10112x16xf32, #tpu.memory_space<vmem_shared>> -> memref<128x16xf32, #tpu.memory_space<vmem_shared>>
      tpu.wait_dma2 semaphore(%arg9 : memref<!tpu.dma_semaphore, #tpu.memory_space<semaphore_mem>>) src(%arg7 : memref<128x16xf32, #tpu.memory_space<vmem>>) dst(%dma_wait3A_169 : memref<128x16xf32, #tpu.memory_space<vmem_shared>>)
    }
    %barrier3A_38 = arith.constant 0 : index
    tpu.barrier barrier_id(%barrier3A_38)
    %mul3A_39 = arith.constant 632 : i32
    %mul3A_40 = arith.muli %arg1, %mul3A_39 : i32
    %mul3A_41 = arith.constant 632 : i32
    %mul3A_42 = arith.muli %arg1, %mul3A_41 : i32
    "tpu.region"() ({
      %run_scoped3A = tpu.sem_alloc : memref<!tpu.dma_semaphore, #tpu.memory_space<semaphore_mem>>
      %dma_start3A = arith.constant 0 : i32
      %dma_start3A_43 = arith.constant 0 : i32
      %dma_start3A_44 = tpu.memref_slice %arg5[%arg0, %dma_start3A, %dma_start3A_43] : memref<2x10112x16xf32, #tpu.memory_space<hbm>> -> memref<1x10112x16xf32, #tpu.memory_space<hbm>>
      %dma_start3A_45 = tpu.memref_squeeze %dma_start3A_44 : memref<1x10112x16xf32, #tpu.memory_space<hbm>> -> memref<10112x16xf32, #tpu.memory_space<hbm>>
      %dma_start3A_46 = arith.constant 0 : i32
      %dma_start3A_47 = tpu.memref_slice %dma_start3A_45[%mul3A_42, %dma_start3A_46] : memref<10112x16xf32, #tpu.memory_space<hbm>> -> memref<632x16xf32, #tpu.memory_space<hbm>>
      %dma_start3A_48 = arith.constant 0 : i32
      %dma_start3A_49 = tpu.memref_slice %arg8[%mul3A_40, %dma_start3A_48] : memref<10112x16xf32, #tpu.memory_space<vmem_shared>> -> memref<632x16xf32, #tpu.memory_space<vmem_shared>>
      tpu.enqueue_dma source(%dma_start3A_49 : memref<632x16xf32, #tpu.memory_space<vmem_shared>>) target(%dma_start3A_47 : memref<632x16xf32, #tpu.memory_space<hbm>>) target_semaphore(%run_scoped3A : memref<!tpu.dma_semaphore, #tpu.memory_space<semaphore_mem>>)
      %dma_wait3A = arith.constant 0 : i32
      %dma_wait3A_50 = arith.constant 0 : i32
      %dma_wait3A_51 = tpu.memref_slice %arg5[%arg0, %dma_wait3A, %dma_wait3A_50] : memref<2x10112x16xf32, #tpu.memory_space<hbm>> -> memref<1x10112x16xf32, #tpu.memory_space<hbm>>
      %dma_wait3A_52 = tpu.memref_squeeze %dma_wait3A_51 : memref<1x10112x16xf32, #tpu.memory_space<hbm>> -> memref<10112x16xf32, #tpu.memory_space<hbm>>
      %dma_wait3A_53 = arith.constant 0 : i32
      %dma_wait3A_54 = tpu.memref_slice %dma_wait3A_52[%mul3A_42, %dma_wait3A_53] : memref<10112x16xf32, #tpu.memory_space<hbm>> -> memref<632x16xf32, #tpu.memory_space<hbm>>
      %dma_wait3A_55 = arith.constant 0 : i32
      %dma_wait3A_56 = tpu.memref_slice %arg8[%mul3A_40, %dma_wait3A_55] : memref<10112x16xf32, #tpu.memory_space<vmem_shared>> -> memref<632x16xf32, #tpu.memory_space<vmem_shared>>
      tpu.wait_dma2 semaphore(%run_scoped3A : memref<!tpu.dma_semaphore, #tpu.memory_space<semaphore_mem>>) src(%dma_wait3A_56 : memref<632x16xf32, #tpu.memory_space<vmem_shared>>) dst(%dma_wait3A_54 : memref<632x16xf32, #tpu.memory_space<hbm>>)
      tpu.yield
    }) : () -> ()
    return
  }
}

#map = affine_map<(d0, d1) -> (0, 0)>
#map1 = affine_map<(d0, d1) -> (0, 0, 0)>
module attributes {stable_mosaic.version = 14 : i64} {
  func.func @agg(%arg0: i32, %arg1: i32, %arg2: memref<10112x64xf32, #tpu.memory_space<hbm>>, %arg3: memref<2592x128xi32, #tpu.memory_space<hbm>>, %arg4: memref<2592x128xi32, #tpu.memory_space<hbm>>, %arg5: memref<2x10112x64xf32, #tpu.memory_space<hbm>>, %arg6: memref<152x128xi32, #tpu.memory_space<vmem>>, %arg7: memref<152x128xi32, #tpu.memory_space<vmem>>, %arg8: memref<2x2x128x64xf32, #tpu.memory_space<vmem>>, %arg9: memref<79x64xf32, #tpu.memory_space<vmem>>, %arg10: memref<10112x64xf32, #tpu.memory_space<vmem_shared>>, %arg11: memref<!tpu.dma_semaphore, #tpu.memory_space<semaphore_mem>>, %arg12: memref<!tpu.dma_semaphore, #tpu.memory_space<semaphore_mem>>, %arg13: memref<!tpu.dma_semaphore, #tpu.memory_space<semaphore_mem>>, %arg14: memref<!tpu.dma_semaphore, #tpu.memory_space<semaphore_mem>>) attributes {dimension_semantics = [#tpu.dimension_semantics<core_parallel>, #tpu.dimension_semantics<subcore_parallel>], iteration_bounds = array<i64: 2, 16>, scalar_prefetch = 0 : i64, scratch_operands = 9 : i64, tpu.core_type = #tpu.core_type<sc_vector_subcore>, window_params = [{transform_indices = #map}, {transform_indices = #map}, {transform_indices = #map}, {transform_indices = #map1}]} {
    %eq3A = arith.constant 0 : i32
    %eq3A_0 = arith.cmpi eq, %arg0, %eq3A : i32
    %jit3A = arith.constant 152 : i32
    %jit3A_1 = arith.constant 8 : i32
    %select_n3A = arith.select %eq3A_0, %jit3A, %jit3A_1 : i32
    %mul3A = arith.constant 152 : i32
    %mul3A_2 = arith.muli %arg1, %mul3A : i32
    %mul3A_3 = arith.constant 8 : i32
    %mul3A_4 = arith.muli %arg1, %mul3A_3 : i32
    %add3A = arith.constant 2432 : i32
    %add3A_5 = arith.addi %add3A, %mul3A_4 : i32
    %select_n3A_6 = arith.select %eq3A_0, %mul3A_2, %add3A_5 : i32
    %scan3A = arith.constant 0 : i32
    %scan3A_7 = arith.constant 0 : i32
    %scan3A_8 = arith.constant 79 : i32
    %scan3A_9 = arith.addi %scan3A_7, %scan3A_8 : i32
    %scan3A_10 = arith.constant 1 : i32
    scf.for %scan3A_433 = %scan3A_7 to %scan3A_9 step %scan3A_10  : i32 {
      %broadcast_in_dim3A = arith.constant 0.000000e+00 : f32
      %broadcast_in_dim3A_434 = vector.broadcast %broadcast_in_dim3A : f32 to vector<16xf32>
      %swap3A = arith.index_cast %scan3A_433 : i32 to index
      %swap3A_435 = arith.constant 0 : index
      %swap3A_436 = tpu.vector_load %arg9[%swap3A, %swap3A_435] {strides = array<i32>} : memref<79x64xf32, #tpu.memory_space<vmem>>, vector<1x16xf32>,
      %swap3A_437 = vector.shape_cast %swap3A_436 : vector<1x16xf32> to vector<16xf32>
      %swap3A_438 = vector.shape_cast %broadcast_in_dim3A_434 : vector<16xf32> to vector<1x16xf32>
      tpu.vector_store %arg9[%swap3A, %swap3A_435], %swap3A_438 {strides = array<i32>} : memref<79x64xf32, #tpu.memory_space<vmem>>, vector<1x16xf32>,
      %broadcast_in_dim3A_439 = arith.constant 0.000000e+00 : f32
      %broadcast_in_dim3A_440 = vector.broadcast %broadcast_in_dim3A_439 : f32 to vector<16xf32>
      %swap3A_441 = arith.index_cast %scan3A_433 : i32 to index
      %swap3A_442 = arith.constant 16 : index
      %swap3A_443 = tpu.vector_load %arg9[%swap3A_441, %swap3A_442] {strides = array<i32>} : memref<79x64xf32, #tpu.memory_space<vmem>>, vector<1x16xf32>,
      %swap3A_444 = vector.shape_cast %swap3A_443 : vector<1x16xf32> to vector<16xf32>
      %swap3A_445 = vector.shape_cast %broadcast_in_dim3A_440 : vector<16xf32> to vector<1x16xf32>
      tpu.vector_store %arg9[%swap3A_441, %swap3A_442], %swap3A_445 {strides = array<i32>} : memref<79x64xf32, #tpu.memory_space<vmem>>, vector<1x16xf32>,
      %broadcast_in_dim3A_446 = arith.constant 0.000000e+00 : f32
      %broadcast_in_dim3A_447 = vector.broadcast %broadcast_in_dim3A_446 : f32 to vector<16xf32>
      %swap3A_448 = arith.index_cast %scan3A_433 : i32 to index
      %swap3A_449 = arith.constant 32 : index
      %swap3A_450 = tpu.vector_load %arg9[%swap3A_448, %swap3A_449] {strides = array<i32>} : memref<79x64xf32, #tpu.memory_space<vmem>>, vector<1x16xf32>,
      %swap3A_451 = vector.shape_cast %swap3A_450 : vector<1x16xf32> to vector<16xf32>
      %swap3A_452 = vector.shape_cast %broadcast_in_dim3A_447 : vector<16xf32> to vector<1x16xf32>
      tpu.vector_store %arg9[%swap3A_448, %swap3A_449], %swap3A_452 {strides = array<i32>} : memref<79x64xf32, #tpu.memory_space<vmem>>, vector<1x16xf32>,
      %broadcast_in_dim3A_453 = arith.constant 0.000000e+00 : f32
      %broadcast_in_dim3A_454 = vector.broadcast %broadcast_in_dim3A_453 : f32 to vector<16xf32>
      %swap3A_455 = arith.index_cast %scan3A_433 : i32 to index
      %swap3A_456 = arith.constant 48 : index
      %swap3A_457 = tpu.vector_load %arg9[%swap3A_455, %swap3A_456] {strides = array<i32>} : memref<79x64xf32, #tpu.memory_space<vmem>>, vector<1x16xf32>,
      %swap3A_458 = vector.shape_cast %swap3A_457 : vector<1x16xf32> to vector<16xf32>
      %swap3A_459 = vector.shape_cast %broadcast_in_dim3A_454 : vector<16xf32> to vector<1x16xf32>
      tpu.vector_store %arg9[%swap3A_455, %swap3A_456], %swap3A_459 {strides = array<i32>} : memref<79x64xf32, #tpu.memory_space<vmem>>, vector<1x16xf32>,
    }
    %scan3A_11 = arith.constant 79 : i32
    %mul3A_12 = arith.constant 632 : i32
    %mul3A_13 = arith.muli %arg1, %mul3A_12 : i32
    %add3A_14 = arith.constant 0 : i32
    %add3A_15 = arith.addi %mul3A_13, %add3A_14 : i32
    %dma_start3A = arith.constant 0 : i32
    %dma_start3A_16 = tpu.memref_slice %arg10[%add3A_15, %dma_start3A] : memref<10112x64xf32, #tpu.memory_space<vmem_shared>> -> memref<79x64xf32, #tpu.memory_space<vmem_shared>>
    %dma_start3A_17 = arith.constant 0 : i32
    %dma_start3A_18 = tpu.memref_slice %arg10[%add3A_15, %dma_start3A_17] : memref<10112x64xf32, #tpu.memory_space<vmem_shared>> -> memref<79x64xf32, #tpu.memory_space<vmem_shared>>
    tpu.enqueue_dma source(%arg9 : memref<79x64xf32, #tpu.memory_space<vmem>>) target(%dma_start3A_18 : memref<79x64xf32, #tpu.memory_space<vmem_shared>>) target_semaphore(%arg11 : memref<!tpu.dma_semaphore, #tpu.memory_space<semaphore_mem>>)
    %mul3A_19 = arith.constant 632 : i32
    %mul3A_20 = arith.muli %arg1, %mul3A_19 : i32
    %add3A_21 = arith.constant 79 : i32
    %add3A_22 = arith.addi %mul3A_20, %add3A_21 : i32
    %dma_start3A_23 = arith.constant 0 : i32
    %dma_start3A_24 = tpu.memref_slice %arg10[%add3A_22, %dma_start3A_23] : memref<10112x64xf32, #tpu.memory_space<vmem_shared>> -> memref<79x64xf32, #tpu.memory_space<vmem_shared>>
    %dma_start3A_25 = arith.constant 0 : i32
    %dma_start3A_26 = tpu.memref_slice %arg10[%add3A_22, %dma_start3A_25] : memref<10112x64xf32, #tpu.memory_space<vmem_shared>> -> memref<79x64xf32, #tpu.memory_space<vmem_shared>>
    tpu.enqueue_dma source(%arg9 : memref<79x64xf32, #tpu.memory_space<vmem>>) target(%dma_start3A_26 : memref<79x64xf32, #tpu.memory_space<vmem_shared>>) target_semaphore(%arg11 : memref<!tpu.dma_semaphore, #tpu.memory_space<semaphore_mem>>)
    %mul3A_27 = arith.constant 632 : i32
    %mul3A_28 = arith.muli %arg1, %mul3A_27 : i32
    %add3A_29 = arith.constant 158 : i32
    %add3A_30 = arith.addi %mul3A_28, %add3A_29 : i32
    %dma_start3A_31 = arith.constant 0 : i32
    %dma_start3A_32 = tpu.memref_slice %arg10[%add3A_30, %dma_start3A_31] : memref<10112x64xf32, #tpu.memory_space<vmem_shared>> -> memref<79x64xf32, #tpu.memory_space<vmem_shared>>
    %dma_start3A_33 = arith.constant 0 : i32
    %dma_start3A_34 = tpu.memref_slice %arg10[%add3A_30, %dma_start3A_33] : memref<10112x64xf32, #tpu.memory_space<vmem_shared>> -> memref<79x64xf32, #tpu.memory_space<vmem_shared>>
    tpu.enqueue_dma source(%arg9 : memref<79x64xf32, #tpu.memory_space<vmem>>) target(%dma_start3A_34 : memref<79x64xf32, #tpu.memory_space<vmem_shared>>) target_semaphore(%arg11 : memref<!tpu.dma_semaphore, #tpu.memory_space<semaphore_mem>>)
    %mul3A_35 = arith.constant 632 : i32
    %mul3A_36 = arith.muli %arg1, %mul3A_35 : i32
    %add3A_37 = arith.constant 237 : i32
    %add3A_38 = arith.addi %mul3A_36, %add3A_37 : i32
    %dma_start3A_39 = arith.constant 0 : i32
    %dma_start3A_40 = tpu.memref_slice %arg10[%add3A_38, %dma_start3A_39] : memref<10112x64xf32, #tpu.memory_space<vmem_shared>> -> memref<79x64xf32, #tpu.memory_space<vmem_shared>>
    %dma_start3A_41 = arith.constant 0 : i32
    %dma_start3A_42 = tpu.memref_slice %arg10[%add3A_38, %dma_start3A_41] : memref<10112x64xf32, #tpu.memory_space<vmem_shared>> -> memref<79x64xf32, #tpu.memory_space<vmem_shared>>
    tpu.enqueue_dma source(%arg9 : memref<79x64xf32, #tpu.memory_space<vmem>>) target(%dma_start3A_42 : memref<79x64xf32, #tpu.memory_space<vmem_shared>>) target_semaphore(%arg11 : memref<!tpu.dma_semaphore, #tpu.memory_space<semaphore_mem>>)
    %mul3A_43 = arith.constant 632 : i32
    %mul3A_44 = arith.muli %arg1, %mul3A_43 : i32
    %add3A_45 = arith.constant 316 : i32
    %add3A_46 = arith.addi %mul3A_44, %add3A_45 : i32
    %dma_start3A_47 = arith.constant 0 : i32
    %dma_start3A_48 = tpu.memref_slice %arg10[%add3A_46, %dma_start3A_47] : memref<10112x64xf32, #tpu.memory_space<vmem_shared>> -> memref<79x64xf32, #tpu.memory_space<vmem_shared>>
    %dma_start3A_49 = arith.constant 0 : i32
    %dma_start3A_50 = tpu.memref_slice %arg10[%add3A_46, %dma_start3A_49] : memref<10112x64xf32, #tpu.memory_space<vmem_shared>> -> memref<79x64xf32, #tpu.memory_space<vmem_shared>>
    tpu.enqueue_dma source(%arg9 : memref<79x64xf32, #tpu.memory_space<vmem>>) target(%dma_start3A_50 : memref<79x64xf32, #tpu.memory_space<vmem_shared>>) target_semaphore(%arg11 : memref<!tpu.dma_semaphore, #tpu.memory_space<semaphore_mem>>)
    %mul3A_51 = arith.constant 632 : i32
    %mul3A_52 = arith.muli %arg1, %mul3A_51 : i32
    %add3A_53 = arith.constant 395 : i32
    %add3A_54 = arith.addi %mul3A_52, %add3A_53 : i32
    %dma_start3A_55 = arith.constant 0 : i32
    %dma_start3A_56 = tpu.memref_slice %arg10[%add3A_54, %dma_start3A_55] : memref<10112x64xf32, #tpu.memory_space<vmem_shared>> -> memref<79x64xf32, #tpu.memory_space<vmem_shared>>
    %dma_start3A_57 = arith.constant 0 : i32
    %dma_start3A_58 = tpu.memref_slice %arg10[%add3A_54, %dma_start3A_57] : memref<10112x64xf32, #tpu.memory_space<vmem_shared>> -> memref<79x64xf32, #tpu.memory_space<vmem_shared>>
    tpu.enqueue_dma source(%arg9 : memref<79x64xf32, #tpu.memory_space<vmem>>) target(%dma_start3A_58 : memref<79x64xf32, #tpu.memory_space<vmem_shared>>) target_semaphore(%arg11 : memref<!tpu.dma_semaphore, #tpu.memory_space<semaphore_mem>>)
    %mul3A_59 = arith.constant 632 : i32
    %mul3A_60 = arith.muli %arg1, %mul3A_59 : i32
    %add3A_61 = arith.constant 474 : i32
    %add3A_62 = arith.addi %mul3A_60, %add3A_61 : i32
    %dma_start3A_63 = arith.constant 0 : i32
    %dma_start3A_64 = tpu.memref_slice %arg10[%add3A_62, %dma_start3A_63] : memref<10112x64xf32, #tpu.memory_space<vmem_shared>> -> memref<79x64xf32, #tpu.memory_space<vmem_shared>>
    %dma_start3A_65 = arith.constant 0 : i32
    %dma_start3A_66 = tpu.memref_slice %arg10[%add3A_62, %dma_start3A_65] : memref<10112x64xf32, #tpu.memory_space<vmem_shared>> -> memref<79x64xf32, #tpu.memory_space<vmem_shared>>
    tpu.enqueue_dma source(%arg9 : memref<79x64xf32, #tpu.memory_space<vmem>>) target(%dma_start3A_66 : memref<79x64xf32, #tpu.memory_space<vmem_shared>>) target_semaphore(%arg11 : memref<!tpu.dma_semaphore, #tpu.memory_space<semaphore_mem>>)
    %mul3A_67 = arith.constant 632 : i32
    %mul3A_68 = arith.muli %arg1, %mul3A_67 : i32
    %add3A_69 = arith.constant 553 : i32
    %add3A_70 = arith.addi %mul3A_68, %add3A_69 : i32
    %dma_start3A_71 = arith.constant 0 : i32
    %dma_start3A_72 = tpu.memref_slice %arg10[%add3A_70, %dma_start3A_71] : memref<10112x64xf32, #tpu.memory_space<vmem_shared>> -> memref<79x64xf32, #tpu.memory_space<vmem_shared>>
    %dma_start3A_73 = arith.constant 0 : i32
    %dma_start3A_74 = tpu.memref_slice %arg10[%add3A_70, %dma_start3A_73] : memref<10112x64xf32, #tpu.memory_space<vmem_shared>> -> memref<79x64xf32, #tpu.memory_space<vmem_shared>>
    tpu.enqueue_dma source(%arg9 : memref<79x64xf32, #tpu.memory_space<vmem>>) target(%dma_start3A_74 : memref<79x64xf32, #tpu.memory_space<vmem_shared>>) target_semaphore(%arg11 : memref<!tpu.dma_semaphore, #tpu.memory_space<semaphore_mem>>)
    %dma_wait3A = arith.constant 0 : i32
    %dma_wait3A_75 = arith.constant 0 : i32
    %dma_wait3A_76 = tpu.memref_slice %arg10[%dma_wait3A, %dma_wait3A_75] : memref<10112x64xf32, #tpu.memory_space<vmem_shared>> -> memref<79x64xf32, #tpu.memory_space<vmem_shared>>
    %dma_wait3A_77 = arith.constant 0 : i32
    %dma_wait3A_78 = arith.constant 0 : i32
    %dma_wait3A_79 = tpu.memref_slice %arg10[%dma_wait3A_77, %dma_wait3A_78] : memref<10112x64xf32, #tpu.memory_space<vmem_shared>> -> memref<79x64xf32, #tpu.memory_space<vmem_shared>>
    tpu.wait_dma2 semaphore(%arg11 : memref<!tpu.dma_semaphore, #tpu.memory_space<semaphore_mem>>) src(%arg9 : memref<79x64xf32, #tpu.memory_space<vmem>>) dst(%dma_wait3A_79 : memref<79x64xf32, #tpu.memory_space<vmem_shared>>)
    %dma_wait3A_80 = arith.constant 0 : i32
    %dma_wait3A_81 = arith.constant 0 : i32
    %dma_wait3A_82 = tpu.memref_slice %arg10[%dma_wait3A_80, %dma_wait3A_81] : memref<10112x64xf32, #tpu.memory_space<vmem_shared>> -> memref<79x64xf32, #tpu.memory_space<vmem_shared>>
    %dma_wait3A_83 = arith.constant 0 : i32
    %dma_wait3A_84 = arith.constant 0 : i32
    %dma_wait3A_85 = tpu.memref_slice %arg10[%dma_wait3A_83, %dma_wait3A_84] : memref<10112x64xf32, #tpu.memory_space<vmem_shared>> -> memref<79x64xf32, #tpu.memory_space<vmem_shared>>
    tpu.wait_dma2 semaphore(%arg11 : memref<!tpu.dma_semaphore, #tpu.memory_space<semaphore_mem>>) src(%arg9 : memref<79x64xf32, #tpu.memory_space<vmem>>) dst(%dma_wait3A_85 : memref<79x64xf32, #tpu.memory_space<vmem_shared>>)
    %dma_wait3A_86 = arith.constant 0 : i32
    %dma_wait3A_87 = arith.constant 0 : i32
    %dma_wait3A_88 = tpu.memref_slice %arg10[%dma_wait3A_86, %dma_wait3A_87] : memref<10112x64xf32, #tpu.memory_space<vmem_shared>> -> memref<79x64xf32, #tpu.memory_space<vmem_shared>>
    %dma_wait3A_89 = arith.constant 0 : i32
    %dma_wait3A_90 = arith.constant 0 : i32
    %dma_wait3A_91 = tpu.memref_slice %arg10[%dma_wait3A_89, %dma_wait3A_90] : memref<10112x64xf32, #tpu.memory_space<vmem_shared>> -> memref<79x64xf32, #tpu.memory_space<vmem_shared>>
    tpu.wait_dma2 semaphore(%arg11 : memref<!tpu.dma_semaphore, #tpu.memory_space<semaphore_mem>>) src(%arg9 : memref<79x64xf32, #tpu.memory_space<vmem>>) dst(%dma_wait3A_91 : memref<79x64xf32, #tpu.memory_space<vmem_shared>>)
    %dma_wait3A_92 = arith.constant 0 : i32
    %dma_wait3A_93 = arith.constant 0 : i32
    %dma_wait3A_94 = tpu.memref_slice %arg10[%dma_wait3A_92, %dma_wait3A_93] : memref<10112x64xf32, #tpu.memory_space<vmem_shared>> -> memref<79x64xf32, #tpu.memory_space<vmem_shared>>
    %dma_wait3A_95 = arith.constant 0 : i32
    %dma_wait3A_96 = arith.constant 0 : i32
    %dma_wait3A_97 = tpu.memref_slice %arg10[%dma_wait3A_95, %dma_wait3A_96] : memref<10112x64xf32, #tpu.memory_space<vmem_shared>> -> memref<79x64xf32, #tpu.memory_space<vmem_shared>>
    tpu.wait_dma2 semaphore(%arg11 : memref<!tpu.dma_semaphore, #tpu.memory_space<semaphore_mem>>) src(%arg9 : memref<79x64xf32, #tpu.memory_space<vmem>>) dst(%dma_wait3A_97 : memref<79x64xf32, #tpu.memory_space<vmem_shared>>)
    %dma_wait3A_98 = arith.constant 0 : i32
    %dma_wait3A_99 = arith.constant 0 : i32
    %dma_wait3A_100 = tpu.memref_slice %arg10[%dma_wait3A_98, %dma_wait3A_99] : memref<10112x64xf32, #tpu.memory_space<vmem_shared>> -> memref<79x64xf32, #tpu.memory_space<vmem_shared>>
    %dma_wait3A_101 = arith.constant 0 : i32
    %dma_wait3A_102 = arith.constant 0 : i32
    %dma_wait3A_103 = tpu.memref_slice %arg10[%dma_wait3A_101, %dma_wait3A_102] : memref<10112x64xf32, #tpu.memory_space<vmem_shared>> -> memref<79x64xf32, #tpu.memory_space<vmem_shared>>
    tpu.wait_dma2 semaphore(%arg11 : memref<!tpu.dma_semaphore, #tpu.memory_space<semaphore_mem>>) src(%arg9 : memref<79x64xf32, #tpu.memory_space<vmem>>) dst(%dma_wait3A_103 : memref<79x64xf32, #tpu.memory_space<vmem_shared>>)
    %dma_wait3A_104 = arith.constant 0 : i32
    %dma_wait3A_105 = arith.constant 0 : i32
    %dma_wait3A_106 = tpu.memref_slice %arg10[%dma_wait3A_104, %dma_wait3A_105] : memref<10112x64xf32, #tpu.memory_space<vmem_shared>> -> memref<79x64xf32, #tpu.memory_space<vmem_shared>>
    %dma_wait3A_107 = arith.constant 0 : i32
    %dma_wait3A_108 = arith.constant 0 : i32
    %dma_wait3A_109 = tpu.memref_slice %arg10[%dma_wait3A_107, %dma_wait3A_108] : memref<10112x64xf32, #tpu.memory_space<vmem_shared>> -> memref<79x64xf32, #tpu.memory_space<vmem_shared>>
    tpu.wait_dma2 semaphore(%arg11 : memref<!tpu.dma_semaphore, #tpu.memory_space<semaphore_mem>>) src(%arg9 : memref<79x64xf32, #tpu.memory_space<vmem>>) dst(%dma_wait3A_109 : memref<79x64xf32, #tpu.memory_space<vmem_shared>>)
    %dma_wait3A_110 = arith.constant 0 : i32
    %dma_wait3A_111 = arith.constant 0 : i32
    %dma_wait3A_112 = tpu.memref_slice %arg10[%dma_wait3A_110, %dma_wait3A_111] : memref<10112x64xf32, #tpu.memory_space<vmem_shared>> -> memref<79x64xf32, #tpu.memory_space<vmem_shared>>
    %dma_wait3A_113 = arith.constant 0 : i32
    %dma_wait3A_114 = arith.constant 0 : i32
    %dma_wait3A_115 = tpu.memref_slice %arg10[%dma_wait3A_113, %dma_wait3A_114] : memref<10112x64xf32, #tpu.memory_space<vmem_shared>> -> memref<79x64xf32, #tpu.memory_space<vmem_shared>>
    tpu.wait_dma2 semaphore(%arg11 : memref<!tpu.dma_semaphore, #tpu.memory_space<semaphore_mem>>) src(%arg9 : memref<79x64xf32, #tpu.memory_space<vmem>>) dst(%dma_wait3A_115 : memref<79x64xf32, #tpu.memory_space<vmem_shared>>)
    %dma_wait3A_116 = arith.constant 0 : i32
    %dma_wait3A_117 = arith.constant 0 : i32
    %dma_wait3A_118 = tpu.memref_slice %arg10[%dma_wait3A_116, %dma_wait3A_117] : memref<10112x64xf32, #tpu.memory_space<vmem_shared>> -> memref<79x64xf32, #tpu.memory_space<vmem_shared>>
    %dma_wait3A_119 = arith.constant 0 : i32
    %dma_wait3A_120 = arith.constant 0 : i32
    %dma_wait3A_121 = tpu.memref_slice %arg10[%dma_wait3A_119, %dma_wait3A_120] : memref<10112x64xf32, #tpu.memory_space<vmem_shared>> -> memref<79x64xf32, #tpu.memory_space<vmem_shared>>
    tpu.wait_dma2 semaphore(%arg11 : memref<!tpu.dma_semaphore, #tpu.memory_space<semaphore_mem>>) src(%arg9 : memref<79x64xf32, #tpu.memory_space<vmem>>) dst(%dma_wait3A_121 : memref<79x64xf32, #tpu.memory_space<vmem_shared>>)
    %barrier3A = arith.constant 0 : index
    tpu.barrier barrier_id(%barrier3A)
    %jit3A_122 = arith.constant 2 : i32
    %div3A = arith.divsi %select_n3A, %jit3A_122 : i32
    %sign3A = arith.constant 0 : i32
    %sign3A_123 = arith.cmpi sgt, %select_n3A, %sign3A : i32
    %sign3A_124 = arith.extui %sign3A_123 : i1 to i32
    %sign3A_125 = arith.constant 0 : i32
    %sign3A_126 = arith.cmpi slt, %select_n3A, %sign3A_125 : i32
    %sign3A_127 = arith.extui %sign3A_126 : i1 to i32
    %sign3A_128 = arith.subi %sign3A_124, %sign3A_127 : i32
    %sign3A_129 = arith.constant 0 : i32
    %sign3A_130 = arith.cmpi sgt, %jit3A_122, %sign3A_129 : i32
    %sign3A_131 = arith.extui %sign3A_130 : i1 to i32
    %sign3A_132 = arith.constant 0 : i32
    %sign3A_133 = arith.cmpi slt, %jit3A_122, %sign3A_132 : i32
    %sign3A_134 = arith.extui %sign3A_133 : i1 to i32
    %sign3A_135 = arith.subi %sign3A_131, %sign3A_134 : i32
    %ne3A = arith.cmpi ne, %sign3A_128, %sign3A_135 : i32
    %rem3A = arith.remsi %select_n3A, %jit3A_122 : i32
    %ne3A_136 = arith.constant 0 : i32
    %ne3A_137 = arith.cmpi ne, %rem3A, %ne3A_136 : i32
    %and3A = arith.andi %ne3A, %ne3A_137 : i1
    %sub3A = arith.constant 1 : i32
    %sub3A_138 = arith.subi %div3A, %sub3A : i32
    %select_n3A_139 = arith.select %and3A, %sub3A_138, %div3A : i32
    %convert_element_type3A = arith.extui %eq3A_0 : i1 to i32
    %cond3A = arith.constant 0 : i32
    %cond3A_140 = arith.cmpi ne, %convert_element_type3A, %cond3A : i32
    scf.if %cond3A_140 {
      "tpu.region"() ({
        %run_scoped3A = tpu.sem_alloc : memref<!tpu.dma_semaphore, #tpu.memory_space<semaphore_mem>>
        %dma_start3A_433 = arith.constant 0 : i32
        %dma_start3A_434 = tpu.memref_slice %arg3[%select_n3A_6, %dma_start3A_433] : memref<2592x128xi32, #tpu.memory_space<hbm>> -> memref<152x128xi32, #tpu.memory_space<hbm>>
        %dma_start3A_435 = arith.constant 0 : i32
        %dma_start3A_436 = tpu.memref_slice %arg3[%select_n3A_6, %dma_start3A_435] : memref<2592x128xi32, #tpu.memory_space<hbm>> -> memref<152x128xi32, #tpu.memory_space<hbm>>
        tpu.enqueue_dma source(%dma_start3A_436 : memref<152x128xi32, #tpu.memory_space<hbm>>) target(%arg6 : memref<152x128xi32, #tpu.memory_space<vmem>>) target_semaphore(%run_scoped3A : memref<!tpu.dma_semaphore, #tpu.memory_space<semaphore_mem>>)
        %dma_wait3A_437 = arith.constant 0 : i32
        %dma_wait3A_438 = tpu.memref_slice %arg3[%select_n3A_6, %dma_wait3A_437] : memref<2592x128xi32, #tpu.memory_space<hbm>> -> memref<152x128xi32, #tpu.memory_space<hbm>>
        %dma_wait3A_439 = arith.constant 0 : i32
        %dma_wait3A_440 = tpu.memref_slice %arg3[%select_n3A_6, %dma_wait3A_439] : memref<2592x128xi32, #tpu.memory_space<hbm>> -> memref<152x128xi32, #tpu.memory_space<hbm>>
        tpu.wait_dma2 semaphore(%run_scoped3A : memref<!tpu.dma_semaphore, #tpu.memory_space<semaphore_mem>>) src(%dma_wait3A_440 : memref<152x128xi32, #tpu.memory_space<hbm>>) dst(%arg6 : memref<152x128xi32, #tpu.memory_space<vmem>>)
        tpu.yield
      }) : () -> ()
      "tpu.region"() ({
        %run_scoped3A = tpu.sem_alloc : memref<!tpu.dma_semaphore, #tpu.memory_space<semaphore_mem>>
        %dma_start3A_433 = arith.constant 0 : i32
        %dma_start3A_434 = tpu.memref_slice %arg4[%select_n3A_6, %dma_start3A_433] : memref<2592x128xi32, #tpu.memory_space<hbm>> -> memref<152x128xi32, #tpu.memory_space<hbm>>
        %dma_start3A_435 = arith.constant 0 : i32
        %dma_start3A_436 = tpu.memref_slice %arg4[%select_n3A_6, %dma_start3A_435] : memref<2592x128xi32, #tpu.memory_space<hbm>> -> memref<152x128xi32, #tpu.memory_space<hbm>>
        tpu.enqueue_dma source(%dma_start3A_436 : memref<152x128xi32, #tpu.memory_space<hbm>>) target(%arg7 : memref<152x128xi32, #tpu.memory_space<vmem>>) target_semaphore(%run_scoped3A : memref<!tpu.dma_semaphore, #tpu.memory_space<semaphore_mem>>)
        %dma_wait3A_437 = arith.constant 0 : i32
        %dma_wait3A_438 = tpu.memref_slice %arg4[%select_n3A_6, %dma_wait3A_437] : memref<2592x128xi32, #tpu.memory_space<hbm>> -> memref<152x128xi32, #tpu.memory_space<hbm>>
        %dma_wait3A_439 = arith.constant 0 : i32
        %dma_wait3A_440 = tpu.memref_slice %arg4[%select_n3A_6, %dma_wait3A_439] : memref<2592x128xi32, #tpu.memory_space<hbm>> -> memref<152x128xi32, #tpu.memory_space<hbm>>
        tpu.wait_dma2 semaphore(%run_scoped3A : memref<!tpu.dma_semaphore, #tpu.memory_space<semaphore_mem>>) src(%dma_wait3A_440 : memref<152x128xi32, #tpu.memory_space<hbm>>) dst(%arg7 : memref<152x128xi32, #tpu.memory_space<vmem>>)
        tpu.yield
      }) : () -> ()
    } else {
    }
    %not3A = arith.constant true
    %not3A_141 = arith.xori %eq3A_0, %not3A : i1
    %convert_element_type3A_142 = arith.extui %not3A_141 : i1 to i32
    %cond3A_143 = arith.constant 0 : i32
    %cond3A_144 = arith.cmpi ne, %convert_element_type3A_142, %cond3A_143 : i32
    scf.if %cond3A_144 {
      "tpu.region"() ({
        %run_scoped3A = tpu.sem_alloc : memref<!tpu.dma_semaphore, #tpu.memory_space<semaphore_mem>>
        %dma_start3A_433 = arith.constant 0 : i32
        %dma_start3A_434 = arith.constant 0 : i32
        %dma_start3A_435 = tpu.memref_slice %arg6[%dma_start3A_433, %dma_start3A_434] : memref<152x128xi32, #tpu.memory_space<vmem>> -> memref<8x128xi32, #tpu.memory_space<vmem>>
        %dma_start3A_436 = arith.constant 0 : i32
        %dma_start3A_437 = tpu.memref_slice %arg3[%select_n3A_6, %dma_start3A_436] : memref<2592x128xi32, #tpu.memory_space<hbm>> -> memref<8x128xi32, #tpu.memory_space<hbm>>
        %dma_start3A_438 = arith.constant 0 : i32
        %dma_start3A_439 = arith.constant 0 : i32
        %dma_start3A_440 = tpu.memref_slice %arg6[%dma_start3A_438, %dma_start3A_439] : memref<152x128xi32, #tpu.memory_space<vmem>> -> memref<8x128xi32, #tpu.memory_space<vmem>>
        %dma_start3A_441 = arith.constant 0 : i32
        %dma_start3A_442 = tpu.memref_slice %arg3[%select_n3A_6, %dma_start3A_441] : memref<2592x128xi32, #tpu.memory_space<hbm>> -> memref<8x128xi32, #tpu.memory_space<hbm>>
        tpu.enqueue_dma source(%dma_start3A_442 : memref<8x128xi32, #tpu.memory_space<hbm>>) target(%dma_start3A_440 : memref<8x128xi32, #tpu.memory_space<vmem>>) target_semaphore(%run_scoped3A : memref<!tpu.dma_semaphore, #tpu.memory_space<semaphore_mem>>)
        %dma_wait3A_443 = arith.constant 0 : i32
        %dma_wait3A_444 = arith.constant 0 : i32
        %dma_wait3A_445 = tpu.memref_slice %arg6[%dma_wait3A_443, %dma_wait3A_444] : memref<152x128xi32, #tpu.memory_space<vmem>> -> memref<8x128xi32, #tpu.memory_space<vmem>>
        %dma_wait3A_446 = arith.constant 0 : i32
        %dma_wait3A_447 = tpu.memref_slice %arg3[%select_n3A_6, %dma_wait3A_446] : memref<2592x128xi32, #tpu.memory_space<hbm>> -> memref<8x128xi32, #tpu.memory_space<hbm>>
        %dma_wait3A_448 = arith.constant 0 : i32
        %dma_wait3A_449 = arith.constant 0 : i32
        %dma_wait3A_450 = tpu.memref_slice %arg6[%dma_wait3A_448, %dma_wait3A_449] : memref<152x128xi32, #tpu.memory_space<vmem>> -> memref<8x128xi32, #tpu.memory_space<vmem>>
        %dma_wait3A_451 = arith.constant 0 : i32
        %dma_wait3A_452 = tpu.memref_slice %arg3[%select_n3A_6, %dma_wait3A_451] : memref<2592x128xi32, #tpu.memory_space<hbm>> -> memref<8x128xi32, #tpu.memory_space<hbm>>
        tpu.wait_dma2 semaphore(%run_scoped3A : memref<!tpu.dma_semaphore, #tpu.memory_space<semaphore_mem>>) src(%dma_wait3A_452 : memref<8x128xi32, #tpu.memory_space<hbm>>) dst(%dma_wait3A_450 : memref<8x128xi32, #tpu.memory_space<vmem>>)
        tpu.yield
      }) : () -> ()
      "tpu.region"() ({
        %run_scoped3A = tpu.sem_alloc : memref<!tpu.dma_semaphore, #tpu.memory_space<semaphore_mem>>
        %dma_start3A_433 = arith.constant 0 : i32
        %dma_start3A_434 = arith.constant 0 : i32
        %dma_start3A_435 = tpu.memref_slice %arg7[%dma_start3A_433, %dma_start3A_434] : memref<152x128xi32, #tpu.memory_space<vmem>> -> memref<8x128xi32, #tpu.memory_space<vmem>>
        %dma_start3A_436 = arith.constant 0 : i32
        %dma_start3A_437 = tpu.memref_slice %arg4[%select_n3A_6, %dma_start3A_436] : memref<2592x128xi32, #tpu.memory_space<hbm>> -> memref<8x128xi32, #tpu.memory_space<hbm>>
        %dma_start3A_438 = arith.constant 0 : i32
        %dma_start3A_439 = arith.constant 0 : i32
        %dma_start3A_440 = tpu.memref_slice %arg7[%dma_start3A_438, %dma_start3A_439] : memref<152x128xi32, #tpu.memory_space<vmem>> -> memref<8x128xi32, #tpu.memory_space<vmem>>
        %dma_start3A_441 = arith.constant 0 : i32
        %dma_start3A_442 = tpu.memref_slice %arg4[%select_n3A_6, %dma_start3A_441] : memref<2592x128xi32, #tpu.memory_space<hbm>> -> memref<8x128xi32, #tpu.memory_space<hbm>>
        tpu.enqueue_dma source(%dma_start3A_442 : memref<8x128xi32, #tpu.memory_space<hbm>>) target(%dma_start3A_440 : memref<8x128xi32, #tpu.memory_space<vmem>>) target_semaphore(%run_scoped3A : memref<!tpu.dma_semaphore, #tpu.memory_space<semaphore_mem>>)
        %dma_wait3A_443 = arith.constant 0 : i32
        %dma_wait3A_444 = arith.constant 0 : i32
        %dma_wait3A_445 = tpu.memref_slice %arg7[%dma_wait3A_443, %dma_wait3A_444] : memref<152x128xi32, #tpu.memory_space<vmem>> -> memref<8x128xi32, #tpu.memory_space<vmem>>
        %dma_wait3A_446 = arith.constant 0 : i32
        %dma_wait3A_447 = tpu.memref_slice %arg4[%select_n3A_6, %dma_wait3A_446] : memref<2592x128xi32, #tpu.memory_space<hbm>> -> memref<8x128xi32, #tpu.memory_space<hbm>>
        %dma_wait3A_448 = arith.constant 0 : i32
        %dma_wait3A_449 = arith.constant 0 : i32
        %dma_wait3A_450 = tpu.memref_slice %arg7[%dma_wait3A_448, %dma_wait3A_449] : memref<152x128xi32, #tpu.memory_space<vmem>> -> memref<8x128xi32, #tpu.memory_space<vmem>>
        %dma_wait3A_451 = arith.constant 0 : i32
        %dma_wait3A_452 = tpu.memref_slice %arg4[%select_n3A_6, %dma_wait3A_451] : memref<2592x128xi32, #tpu.memory_space<hbm>> -> memref<8x128xi32, #tpu.memory_space<hbm>>
        tpu.wait_dma2 semaphore(%run_scoped3A : memref<!tpu.dma_semaphore, #tpu.memory_space<semaphore_mem>>) src(%dma_wait3A_452 : memref<8x128xi32, #tpu.memory_space<hbm>>) dst(%dma_wait3A_450 : memref<8x128xi32, #tpu.memory_space<vmem>>)
        tpu.yield
      }) : () -> ()
    } else {
    }
    %dma_start3A_145 = arith.constant 0 : i32
    %dma_start3A_146 = arith.constant 0 : i32
    %dma_start3A_147 = arith.constant 0 : i32
    %dma_start3A_148 = arith.constant 0 : i32
    %dma_start3A_149 = arith.constant 0 : i32
    %dma_start3A_150 = tpu.memref_slice %arg8[%dma_start3A_146, %dma_start3A_147, %dma_start3A_148, %dma_start3A_149] : memref<2x2x128x64xf32, #tpu.memory_space<vmem>> -> memref<1x1x128x64xf32, #tpu.memory_space<vmem>>
    %dma_start3A_151 = tpu.memref_squeeze %dma_start3A_150 : memref<1x1x128x64xf32, #tpu.memory_space<vmem>> -> memref<128x64xf32, #tpu.memory_space<vmem>>
    %dma_start3A_152 = arith.constant 0 : i32
    %dma_start3A_153 = tpu.memref_slice %arg6[%dma_start3A_145, %dma_start3A_152] : memref<152x128xi32, #tpu.memory_space<vmem>> -> memref<1x128xi32, #tpu.memory_space<vmem>>
    %dma_start3A_154 = tpu.memref_squeeze %dma_start3A_153 : memref<1x128xi32, #tpu.memory_space<vmem>> -> memref<128xi32, #tpu.memory_space<vmem>>
    %dma_start3A_155 = arith.constant 0 : i32
    %dma_start3A_156 = arith.constant 0 : i32
    %dma_start3A_157 = tpu.memref_slice %arg2[%dma_start3A_155, %dma_start3A_156] : memref<10112x64xf32, #tpu.memory_space<hbm>> -> memref<10112x64xf32, #tpu.memory_space<hbm>>
    tpu.enqueue_indirect_dma source(%dma_start3A_157 : memref<10112x64xf32, #tpu.memory_space<hbm>>) target(%dma_start3A_151 : memref<128x64xf32, #tpu.memory_space<vmem>>) offsets(%dma_start3A_154 : memref<128xi32, #tpu.memory_space<vmem>>) semaphore(%arg11 : memref<!tpu.dma_semaphore, #tpu.memory_space<semaphore_mem>>)
    %dma_start3A_158 = arith.constant 1 : i32
    %dma_start3A_159 = arith.constant 0 : i32
    %dma_start3A_160 = arith.constant 1 : i32
    %dma_start3A_161 = arith.constant 0 : i32
    %dma_start3A_162 = arith.constant 0 : i32
    %dma_start3A_163 = tpu.memref_slice %arg8[%dma_start3A_159, %dma_start3A_160, %dma_start3A_161, %dma_start3A_162] : memref<2x2x128x64xf32, #tpu.memory_space<vmem>> -> memref<1x1x128x64xf32, #tpu.memory_space<vmem>>
    %dma_start3A_164 = tpu.memref_squeeze %dma_start3A_163 : memref<1x1x128x64xf32, #tpu.memory_space<vmem>> -> memref<128x64xf32, #tpu.memory_space<vmem>>
    %dma_start3A_165 = arith.constant 0 : i32
    %dma_start3A_166 = tpu.memref_slice %arg6[%dma_start3A_158, %dma_start3A_165] : memref<152x128xi32, #tpu.memory_space<vmem>> -> memref<1x128xi32, #tpu.memory_space<vmem>>
    %dma_start3A_167 = tpu.memref_squeeze %dma_start3A_166 : memref<1x128xi32, #tpu.memory_space<vmem>> -> memref<128xi32, #tpu.memory_space<vmem>>
    %dma_start3A_168 = arith.constant 0 : i32
    %dma_start3A_169 = arith.constant 0 : i32
    %dma_start3A_170 = tpu.memref_slice %arg2[%dma_start3A_168, %dma_start3A_169] : memref<10112x64xf32, #tpu.memory_space<hbm>> -> memref<10112x64xf32, #tpu.memory_space<hbm>>
    tpu.enqueue_indirect_dma source(%dma_start3A_170 : memref<10112x64xf32, #tpu.memory_space<hbm>>) target(%dma_start3A_164 : memref<128x64xf32, #tpu.memory_space<vmem>>) offsets(%dma_start3A_167 : memref<128xi32, #tpu.memory_space<vmem>>) semaphore(%arg11 : memref<!tpu.dma_semaphore, #tpu.memory_space<semaphore_mem>>)
    %dma_start3A_171 = arith.constant 2 : i32
    %dma_start3A_172 = arith.constant 1 : i32
    %dma_start3A_173 = arith.constant 0 : i32
    %dma_start3A_174 = arith.constant 0 : i32
    %dma_start3A_175 = arith.constant 0 : i32
    %dma_start3A_176 = tpu.memref_slice %arg8[%dma_start3A_172, %dma_start3A_173, %dma_start3A_174, %dma_start3A_175] : memref<2x2x128x64xf32, #tpu.memory_space<vmem>> -> memref<1x1x128x64xf32, #tpu.memory_space<vmem>>
    %dma_start3A_177 = tpu.memref_squeeze %dma_start3A_176 : memref<1x1x128x64xf32, #tpu.memory_space<vmem>> -> memref<128x64xf32, #tpu.memory_space<vmem>>
    %dma_start3A_178 = arith.constant 0 : i32
    %dma_start3A_179 = tpu.memref_slice %arg6[%dma_start3A_171, %dma_start3A_178] : memref<152x128xi32, #tpu.memory_space<vmem>> -> memref<1x128xi32, #tpu.memory_space<vmem>>
    %dma_start3A_180 = tpu.memref_squeeze %dma_start3A_179 : memref<1x128xi32, #tpu.memory_space<vmem>> -> memref<128xi32, #tpu.memory_space<vmem>>
    %dma_start3A_181 = arith.constant 0 : i32
    %dma_start3A_182 = arith.constant 0 : i32
    %dma_start3A_183 = tpu.memref_slice %arg2[%dma_start3A_181, %dma_start3A_182] : memref<10112x64xf32, #tpu.memory_space<hbm>> -> memref<10112x64xf32, #tpu.memory_space<hbm>>
    tpu.enqueue_indirect_dma source(%dma_start3A_183 : memref<10112x64xf32, #tpu.memory_space<hbm>>) target(%dma_start3A_177 : memref<128x64xf32, #tpu.memory_space<vmem>>) offsets(%dma_start3A_180 : memref<128xi32, #tpu.memory_space<vmem>>) semaphore(%arg12 : memref<!tpu.dma_semaphore, #tpu.memory_space<semaphore_mem>>)
    %dma_start3A_184 = arith.constant 3 : i32
    %dma_start3A_185 = arith.constant 1 : i32
    %dma_start3A_186 = arith.constant 1 : i32
    %dma_start3A_187 = arith.constant 0 : i32
    %dma_start3A_188 = arith.constant 0 : i32
    %dma_start3A_189 = tpu.memref_slice %arg8[%dma_start3A_185, %dma_start3A_186, %dma_start3A_187, %dma_start3A_188] : memref<2x2x128x64xf32, #tpu.memory_space<vmem>> -> memref<1x1x128x64xf32, #tpu.memory_space<vmem>>
    %dma_start3A_190 = tpu.memref_squeeze %dma_start3A_189 : memref<1x1x128x64xf32, #tpu.memory_space<vmem>> -> memref<128x64xf32, #tpu.memory_space<vmem>>
    %dma_start3A_191 = arith.constant 0 : i32
    %dma_start3A_192 = tpu.memref_slice %arg6[%dma_start3A_184, %dma_start3A_191] : memref<152x128xi32, #tpu.memory_space<vmem>> -> memref<1x128xi32, #tpu.memory_space<vmem>>
    %dma_start3A_193 = tpu.memref_squeeze %dma_start3A_192 : memref<1x128xi32, #tpu.memory_space<vmem>> -> memref<128xi32, #tpu.memory_space<vmem>>
    %dma_start3A_194 = arith.constant 0 : i32
    %dma_start3A_195 = arith.constant 0 : i32
    %dma_start3A_196 = tpu.memref_slice %arg2[%dma_start3A_194, %dma_start3A_195] : memref<10112x64xf32, #tpu.memory_space<hbm>> -> memref<10112x64xf32, #tpu.memory_space<hbm>>
    tpu.enqueue_indirect_dma source(%dma_start3A_196 : memref<10112x64xf32, #tpu.memory_space<hbm>>) target(%dma_start3A_190 : memref<128x64xf32, #tpu.memory_space<vmem>>) offsets(%dma_start3A_193 : memref<128xi32, #tpu.memory_space<vmem>>) semaphore(%arg12 : memref<!tpu.dma_semaphore, #tpu.memory_space<semaphore_mem>>)
    %jit3A_197 = arith.constant 2 : i32
    %div3A_198 = arith.divsi %select_n3A_139, %jit3A_197 : i32
    %sign3A_199 = arith.constant 0 : i32
    %sign3A_200 = arith.cmpi sgt, %select_n3A_139, %sign3A_199 : i32
    %sign3A_201 = arith.extui %sign3A_200 : i1 to i32
    %sign3A_202 = arith.constant 0 : i32
    %sign3A_203 = arith.cmpi slt, %select_n3A_139, %sign3A_202 : i32
    %sign3A_204 = arith.extui %sign3A_203 : i1 to i32
    %sign3A_205 = arith.subi %sign3A_201, %sign3A_204 : i32
    %sign3A_206 = arith.constant 0 : i32
    %sign3A_207 = arith.cmpi sgt, %jit3A_197, %sign3A_206 : i32
    %sign3A_208 = arith.extui %sign3A_207 : i1 to i32
    %sign3A_209 = arith.constant 0 : i32
    %sign3A_210 = arith.cmpi slt, %jit3A_197, %sign3A_209 : i32
    %sign3A_211 = arith.extui %sign3A_210 : i1 to i32
    %sign3A_212 = arith.subi %sign3A_208, %sign3A_211 : i32
    %ne3A_213 = arith.cmpi ne, %sign3A_205, %sign3A_212 : i32
    %rem3A_214 = arith.remsi %select_n3A_139, %jit3A_197 : i32
    %ne3A_215 = arith.constant 0 : i32
    %ne3A_216 = arith.cmpi ne, %rem3A_214, %ne3A_215 : i32
    %and3A_217 = arith.andi %ne3A_213, %ne3A_216 : i1
    %sub3A_218 = arith.constant 1 : i32
    %sub3A_219 = arith.subi %div3A_198, %sub3A_218 : i32
    %select_n3A_220 = arith.select %and3A_217, %sub3A_219, %div3A_198 : i32
    %sub3A_221 = arith.constant 1 : i32
    %sub3A_222 = arith.subi %select_n3A_220, %sub3A_221 : i32
    %while3A = arith.constant 0 : i32
    %while3A_223 = arith.constant 0 : i32
    %while3A_224 = arith.subi %sub3A_222, %while3A_223 : i32
    %while3A_225 = arith.addi %while3A_223, %while3A_224 : i32
    %while3A_226 = arith.constant 1 : i32
    %while3A_227 = arith.divsi %while3A_224, %while3A_226 : i32
    %while3A_228 = arith.muli %while3A_227, %while3A_226 : i32
    %while3A_229 = arith.addi %while3A_223, %while3A_228 : i32
    %while3A_230 = arith.constant 1 : i32
    scf.for %while3A_433 = %while3A_223 to %while3A_229 step %while3A_230  : i32 {
      %mul3A_434 = arith.constant 2 : i32
      %mul3A_435 = arith.muli %mul3A_434, %while3A_433 : i32
      %dma_wait3A_436 = arith.constant 0 : i32
      %dma_wait3A_437 = arith.constant 0 : i32
      %dma_wait3A_438 = arith.constant 0 : i32
      %dma_wait3A_439 = arith.constant 0 : i32
      %dma_wait3A_440 = tpu.memref_slice %arg8[%dma_wait3A_436, %dma_wait3A_437, %dma_wait3A_438, %dma_wait3A_439] : memref<2x2x128x64xf32, #tpu.memory_space<vmem>> -> memref<1x1x128x64xf32, #tpu.memory_space<vmem>>
      %dma_wait3A_441 = tpu.memref_squeeze %dma_wait3A_440 : memref<1x1x128x64xf32, #tpu.memory_space<vmem>> -> memref<128x64xf32, #tpu.memory_space<vmem>>
      %dma_wait3A_442 = arith.constant 0 : i32
      %dma_wait3A_443 = arith.constant 0 : i32
      %dma_wait3A_444 = tpu.memref_slice %arg2[%dma_wait3A_442, %dma_wait3A_443] : memref<10112x64xf32, #tpu.memory_space<hbm>> -> memref<128x64xf32, #tpu.memory_space<hbm>>
      %dma_wait3A_445 = arith.constant 0 : i32
      %dma_wait3A_446 = arith.constant 0 : i32
      %dma_wait3A_447 = tpu.memref_slice %arg8[%dma_wait3A_436, %dma_wait3A_437, %dma_wait3A_445, %dma_wait3A_446] : memref<2x2x128x64xf32, #tpu.memory_space<vmem>> -> memref<1x1x128x64xf32, #tpu.memory_space<vmem>>
      %dma_wait3A_448 = tpu.memref_squeeze %dma_wait3A_447 : memref<1x1x128x64xf32, #tpu.memory_space<vmem>> -> memref<128x64xf32, #tpu.memory_space<vmem>>
      %dma_wait3A_449 = arith.constant 0 : i32
      %dma_wait3A_450 = arith.constant 0 : i32
      %dma_wait3A_451 = tpu.memref_slice %arg2[%dma_wait3A_449, %dma_wait3A_450] : memref<10112x64xf32, #tpu.memory_space<hbm>> -> memref<128x64xf32, #tpu.memory_space<hbm>>
      tpu.wait_dma2 semaphore(%arg11 : memref<!tpu.dma_semaphore, #tpu.memory_space<semaphore_mem>>) src(%dma_wait3A_451 : memref<128x64xf32, #tpu.memory_space<hbm>>) dst(%dma_wait3A_448 : memref<128x64xf32, #tpu.memory_space<vmem>>)
      %dma_wait3A_452 = arith.constant 0 : i32
      %dma_wait3A_453 = arith.constant 1 : i32
      %dma_wait3A_454 = arith.constant 0 : i32
      %dma_wait3A_455 = arith.constant 0 : i32
      %dma_wait3A_456 = tpu.memref_slice %arg8[%dma_wait3A_452, %dma_wait3A_453, %dma_wait3A_454, %dma_wait3A_455] : memref<2x2x128x64xf32, #tpu.memory_space<vmem>> -> memref<1x1x128x64xf32, #tpu.memory_space<vmem>>
      %dma_wait3A_457 = tpu.memref_squeeze %dma_wait3A_456 : memref<1x1x128x64xf32, #tpu.memory_space<vmem>> -> memref<128x64xf32, #tpu.memory_space<vmem>>
      %dma_wait3A_458 = arith.constant 0 : i32
      %dma_wait3A_459 = arith.constant 0 : i32
      %dma_wait3A_460 = tpu.memref_slice %arg2[%dma_wait3A_458, %dma_wait3A_459] : memref<10112x64xf32, #tpu.memory_space<hbm>> -> memref<128x64xf32, #tpu.memory_space<hbm>>
      %dma_wait3A_461 = arith.constant 0 : i32
      %dma_wait3A_462 = arith.constant 0 : i32
      %dma_wait3A_463 = tpu.memref_slice %arg8[%dma_wait3A_452, %dma_wait3A_453, %dma_wait3A_461, %dma_wait3A_462] : memref<2x2x128x64xf32, #tpu.memory_space<vmem>> -> memref<1x1x128x64xf32, #tpu.memory_space<vmem>>
      %dma_wait3A_464 = tpu.memref_squeeze %dma_wait3A_463 : memref<1x1x128x64xf32, #tpu.memory_space<vmem>> -> memref<128x64xf32, #tpu.memory_space<vmem>>
      %dma_wait3A_465 = arith.constant 0 : i32
      %dma_wait3A_466 = arith.constant 0 : i32
      %dma_wait3A_467 = tpu.memref_slice %arg2[%dma_wait3A_465, %dma_wait3A_466] : memref<10112x64xf32, #tpu.memory_space<hbm>> -> memref<128x64xf32, #tpu.memory_space<hbm>>
      tpu.wait_dma2 semaphore(%arg11 : memref<!tpu.dma_semaphore, #tpu.memory_space<semaphore_mem>>) src(%dma_wait3A_467 : memref<128x64xf32, #tpu.memory_space<hbm>>) dst(%dma_wait3A_464 : memref<128x64xf32, #tpu.memory_space<vmem>>)
      %mul3A_468 = arith.constant 2 : i32
      %mul3A_469 = arith.muli %mul3A_435, %mul3A_468 : i32
      %add3A_470 = arith.constant 0 : i32
      %add3A_471 = arith.addi %mul3A_469, %add3A_470 : i32
      %dma_start3A_472 = arith.constant 0 : i32
      %dma_start3A_473 = arith.constant 0 : i32
      %dma_start3A_474 = arith.constant 0 : i32
      %dma_start3A_475 = arith.constant 0 : i32
      %dma_start3A_476 = tpu.memref_slice %arg8[%dma_start3A_472, %dma_start3A_473, %dma_start3A_474, %dma_start3A_475] : memref<2x2x128x64xf32, #tpu.memory_space<vmem>> -> memref<1x1x128x64xf32, #tpu.memory_space<vmem>>
      %dma_start3A_477 = tpu.memref_squeeze %dma_start3A_476 : memref<1x1x128x64xf32, #tpu.memory_space<vmem>> -> memref<128x64xf32, #tpu.memory_space<vmem>>
      %dma_start3A_478 = arith.constant 0 : i32
      %dma_start3A_479 = tpu.memref_slice %arg7[%add3A_471, %dma_start3A_478] : memref<152x128xi32, #tpu.memory_space<vmem>> -> memref<1x128xi32, #tpu.memory_space<vmem>>
      %dma_start3A_480 = tpu.memref_squeeze %dma_start3A_479 : memref<1x128xi32, #tpu.memory_space<vmem>> -> memref<128xi32, #tpu.memory_space<vmem>>
      %dma_start3A_481 = arith.constant 0 : i32
      %dma_start3A_482 = arith.constant 0 : i32
      %dma_start3A_483 = tpu.memref_slice %arg10[%dma_start3A_481, %dma_start3A_482] : memref<10112x64xf32, #tpu.memory_space<vmem_shared>> -> memref<10112x64xf32, #tpu.memory_space<vmem_shared>>
      tpu.enqueue_indirect_dma source(%dma_start3A_477 : memref<128x64xf32, #tpu.memory_space<vmem>>) target(%dma_start3A_483 : memref<10112x64xf32, #tpu.memory_space<vmem_shared>>) offsets(%dma_start3A_480 : memref<128xi32, #tpu.memory_space<vmem>>) semaphore(%arg13 : memref<!tpu.dma_semaphore, #tpu.memory_space<semaphore_mem>>) {add = true}
      %mul3A_484 = arith.constant 2 : i32
      %mul3A_485 = arith.muli %mul3A_435, %mul3A_484 : i32
      %add3A_486 = arith.constant 1 : i32
      %add3A_487 = arith.addi %mul3A_485, %add3A_486 : i32
      %dma_start3A_488 = arith.constant 0 : i32
      %dma_start3A_489 = arith.constant 1 : i32
      %dma_start3A_490 = arith.constant 0 : i32
      %dma_start3A_491 = arith.constant 0 : i32
      %dma_start3A_492 = tpu.memref_slice %arg8[%dma_start3A_488, %dma_start3A_489, %dma_start3A_490, %dma_start3A_491] : memref<2x2x128x64xf32, #tpu.memory_space<vmem>> -> memref<1x1x128x64xf32, #tpu.memory_space<vmem>>
      %dma_start3A_493 = tpu.memref_squeeze %dma_start3A_492 : memref<1x1x128x64xf32, #tpu.memory_space<vmem>> -> memref<128x64xf32, #tpu.memory_space<vmem>>
      %dma_start3A_494 = arith.constant 0 : i32
      %dma_start3A_495 = tpu.memref_slice %arg7[%add3A_487, %dma_start3A_494] : memref<152x128xi32, #tpu.memory_space<vmem>> -> memref<1x128xi32, #tpu.memory_space<vmem>>
      %dma_start3A_496 = tpu.memref_squeeze %dma_start3A_495 : memref<1x128xi32, #tpu.memory_space<vmem>> -> memref<128xi32, #tpu.memory_space<vmem>>
      %dma_start3A_497 = arith.constant 0 : i32
      %dma_start3A_498 = arith.constant 0 : i32
      %dma_start3A_499 = tpu.memref_slice %arg10[%dma_start3A_497, %dma_start3A_498] : memref<10112x64xf32, #tpu.memory_space<vmem_shared>> -> memref<10112x64xf32, #tpu.memory_space<vmem_shared>>
      tpu.enqueue_indirect_dma source(%dma_start3A_493 : memref<128x64xf32, #tpu.memory_space<vmem>>) target(%dma_start3A_499 : memref<10112x64xf32, #tpu.memory_space<vmem_shared>>) offsets(%dma_start3A_496 : memref<128xi32, #tpu.memory_space<vmem>>) semaphore(%arg13 : memref<!tpu.dma_semaphore, #tpu.memory_space<semaphore_mem>>) {add = true}
      %dma_wait3A_500 = arith.constant 0 : i32
      %dma_wait3A_501 = arith.constant 0 : i32
      %dma_wait3A_502 = arith.constant 0 : i32
      %dma_wait3A_503 = arith.constant 0 : i32
      %dma_wait3A_504 = tpu.memref_slice %arg8[%dma_wait3A_500, %dma_wait3A_501, %dma_wait3A_502, %dma_wait3A_503] : memref<2x2x128x64xf32, #tpu.memory_space<vmem>> -> memref<1x1x128x64xf32, #tpu.memory_space<vmem>>
      %dma_wait3A_505 = tpu.memref_squeeze %dma_wait3A_504 : memref<1x1x128x64xf32, #tpu.memory_space<vmem>> -> memref<128x64xf32, #tpu.memory_space<vmem>>
      %dma_wait3A_506 = arith.constant 0 : i32
      %dma_wait3A_507 = arith.constant 0 : i32
      %dma_wait3A_508 = tpu.memref_slice %arg10[%dma_wait3A_506, %dma_wait3A_507] : memref<10112x64xf32, #tpu.memory_space<vmem_shared>> -> memref<128x64xf32, #tpu.memory_space<vmem_shared>>
      %dma_wait3A_509 = arith.constant 0 : i32
      %dma_wait3A_510 = arith.constant 0 : i32
      %dma_wait3A_511 = tpu.memref_slice %arg10[%dma_wait3A_509, %dma_wait3A_510] : memref<10112x64xf32, #tpu.memory_space<vmem_shared>> -> memref<128x64xf32, #tpu.memory_space<vmem_shared>>
      %dma_wait3A_512 = arith.constant 0 : i32
      %dma_wait3A_513 = arith.constant 0 : i32
      %dma_wait3A_514 = tpu.memref_slice %arg8[%dma_wait3A_500, %dma_wait3A_501, %dma_wait3A_512, %dma_wait3A_513] : memref<2x2x128x64xf32, #tpu.memory_space<vmem>> -> memref<1x1x128x64xf32, #tpu.memory_space<vmem>>
      %dma_wait3A_515 = tpu.memref_squeeze %dma_wait3A_514 : memref<1x1x128x64xf32, #tpu.memory_space<vmem>> -> memref<128x64xf32, #tpu.memory_space<vmem>>
      tpu.wait_dma2 semaphore(%arg13 : memref<!tpu.dma_semaphore, #tpu.memory_space<semaphore_mem>>) src(%dma_wait3A_515 : memref<128x64xf32, #tpu.memory_space<vmem>>) dst(%dma_wait3A_511 : memref<128x64xf32, #tpu.memory_space<vmem_shared>>)
      %dma_wait3A_516 = arith.constant 0 : i32
      %dma_wait3A_517 = arith.constant 1 : i32
      %dma_wait3A_518 = arith.constant 0 : i32
      %dma_wait3A_519 = arith.constant 0 : i32
      %dma_wait3A_520 = tpu.memref_slice %arg8[%dma_wait3A_516, %dma_wait3A_517, %dma_wait3A_518, %dma_wait3A_519] : memref<2x2x128x64xf32, #tpu.memory_space<vmem>> -> memref<1x1x128x64xf32, #tpu.memory_space<vmem>>
      %dma_wait3A_521 = tpu.memref_squeeze %dma_wait3A_520 : memref<1x1x128x64xf32, #tpu.memory_space<vmem>> -> memref<128x64xf32, #tpu.memory_space<vmem>>
      %dma_wait3A_522 = arith.constant 0 : i32
      %dma_wait3A_523 = arith.constant 0 : i32
      %dma_wait3A_524 = tpu.memref_slice %arg10[%dma_wait3A_522, %dma_wait3A_523] : memref<10112x64xf32, #tpu.memory_space<vmem_shared>> -> memref<128x64xf32, #tpu.memory_space<vmem_shared>>
      %dma_wait3A_525 = arith.constant 0 : i32
      %dma_wait3A_526 = arith.constant 0 : i32
      %dma_wait3A_527 = tpu.memref_slice %arg10[%dma_wait3A_525, %dma_wait3A_526] : memref<10112x64xf32, #tpu.memory_space<vmem_shared>> -> memref<128x64xf32, #tpu.memory_space<vmem_shared>>
      %dma_wait3A_528 = arith.constant 0 : i32
      %dma_wait3A_529 = arith.constant 0 : i32
      %dma_wait3A_530 = tpu.memref_slice %arg8[%dma_wait3A_516, %dma_wait3A_517, %dma_wait3A_528, %dma_wait3A_529] : memref<2x2x128x64xf32, #tpu.memory_space<vmem>> -> memref<1x1x128x64xf32, #tpu.memory_space<vmem>>
      %dma_wait3A_531 = tpu.memref_squeeze %dma_wait3A_530 : memref<1x1x128x64xf32, #tpu.memory_space<vmem>> -> memref<128x64xf32, #tpu.memory_space<vmem>>
      tpu.wait_dma2 semaphore(%arg13 : memref<!tpu.dma_semaphore, #tpu.memory_space<semaphore_mem>>) src(%dma_wait3A_531 : memref<128x64xf32, #tpu.memory_space<vmem>>) dst(%dma_wait3A_527 : memref<128x64xf32, #tpu.memory_space<vmem_shared>>)
      %add3A_532 = arith.constant 2 : i32
      %add3A_533 = arith.addi %mul3A_435, %add3A_532 : i32
      %mul3A_534 = arith.constant 2 : i32
      %mul3A_535 = arith.muli %add3A_533, %mul3A_534 : i32
      %add3A_536 = arith.constant 0 : i32
      %add3A_537 = arith.addi %mul3A_535, %add3A_536 : i32
      %dma_start3A_538 = arith.constant 0 : i32
      %dma_start3A_539 = arith.constant 0 : i32
      %dma_start3A_540 = arith.constant 0 : i32
      %dma_start3A_541 = arith.constant 0 : i32
      %dma_start3A_542 = tpu.memref_slice %arg8[%dma_start3A_538, %dma_start3A_539, %dma_start3A_540, %dma_start3A_541] : memref<2x2x128x64xf32, #tpu.memory_space<vmem>> -> memref<1x1x128x64xf32, #tpu.memory_space<vmem>>
      %dma_start3A_543 = tpu.memref_squeeze %dma_start3A_542 : memref<1x1x128x64xf32, #tpu.memory_space<vmem>> -> memref<128x64xf32, #tpu.memory_space<vmem>>
      %dma_start3A_544 = arith.constant 0 : i32
      %dma_start3A_545 = tpu.memref_slice %arg6[%add3A_537, %dma_start3A_544] : memref<152x128xi32, #tpu.memory_space<vmem>> -> memref<1x128xi32, #tpu.memory_space<vmem>>
      %dma_start3A_546 = tpu.memref_squeeze %dma_start3A_545 : memref<1x128xi32, #tpu.memory_space<vmem>> -> memref<128xi32, #tpu.memory_space<vmem>>
      %dma_start3A_547 = arith.constant 0 : i32
      %dma_start3A_548 = arith.constant 0 : i32
      %dma_start3A_549 = tpu.memref_slice %arg2[%dma_start3A_547, %dma_start3A_548] : memref<10112x64xf32, #tpu.memory_space<hbm>> -> memref<10112x64xf32, #tpu.memory_space<hbm>>
      tpu.enqueue_indirect_dma source(%dma_start3A_549 : memref<10112x64xf32, #tpu.memory_space<hbm>>) target(%dma_start3A_543 : memref<128x64xf32, #tpu.memory_space<vmem>>) offsets(%dma_start3A_546 : memref<128xi32, #tpu.memory_space<vmem>>) semaphore(%arg11 : memref<!tpu.dma_semaphore, #tpu.memory_space<semaphore_mem>>)
      %mul3A_550 = arith.constant 2 : i32
      %mul3A_551 = arith.muli %add3A_533, %mul3A_550 : i32
      %add3A_552 = arith.constant 1 : i32
      %add3A_553 = arith.addi %mul3A_551, %add3A_552 : i32
      %dma_start3A_554 = arith.constant 0 : i32
      %dma_start3A_555 = arith.constant 1 : i32
      %dma_start3A_556 = arith.constant 0 : i32
      %dma_start3A_557 = arith.constant 0 : i32
      %dma_start3A_558 = tpu.memref_slice %arg8[%dma_start3A_554, %dma_start3A_555, %dma_start3A_556, %dma_start3A_557] : memref<2x2x128x64xf32, #tpu.memory_space<vmem>> -> memref<1x1x128x64xf32, #tpu.memory_space<vmem>>
      %dma_start3A_559 = tpu.memref_squeeze %dma_start3A_558 : memref<1x1x128x64xf32, #tpu.memory_space<vmem>> -> memref<128x64xf32, #tpu.memory_space<vmem>>
      %dma_start3A_560 = arith.constant 0 : i32
      %dma_start3A_561 = tpu.memref_slice %arg6[%add3A_553, %dma_start3A_560] : memref<152x128xi32, #tpu.memory_space<vmem>> -> memref<1x128xi32, #tpu.memory_space<vmem>>
      %dma_start3A_562 = tpu.memref_squeeze %dma_start3A_561 : memref<1x128xi32, #tpu.memory_space<vmem>> -> memref<128xi32, #tpu.memory_space<vmem>>
      %dma_start3A_563 = arith.constant 0 : i32
      %dma_start3A_564 = arith.constant 0 : i32
      %dma_start3A_565 = tpu.memref_slice %arg2[%dma_start3A_563, %dma_start3A_564] : memref<10112x64xf32, #tpu.memory_space<hbm>> -> memref<10112x64xf32, #tpu.memory_space<hbm>>
      tpu.enqueue_indirect_dma source(%dma_start3A_565 : memref<10112x64xf32, #tpu.memory_space<hbm>>) target(%dma_start3A_559 : memref<128x64xf32, #tpu.memory_space<vmem>>) offsets(%dma_start3A_562 : memref<128xi32, #tpu.memory_space<vmem>>) semaphore(%arg11 : memref<!tpu.dma_semaphore, #tpu.memory_space<semaphore_mem>>)
      %dma_wait3A_566 = arith.constant 1 : i32
      %dma_wait3A_567 = arith.constant 0 : i32
      %dma_wait3A_568 = arith.constant 0 : i32
      %dma_wait3A_569 = arith.constant 0 : i32
      %dma_wait3A_570 = tpu.memref_slice %arg8[%dma_wait3A_566, %dma_wait3A_567, %dma_wait3A_568, %dma_wait3A_569] : memref<2x2x128x64xf32, #tpu.memory_space<vmem>> -> memref<1x1x128x64xf32, #tpu.memory_space<vmem>>
      %dma_wait3A_571 = tpu.memref_squeeze %dma_wait3A_570 : memref<1x1x128x64xf32, #tpu.memory_space<vmem>> -> memref<128x64xf32, #tpu.memory_space<vmem>>
      %dma_wait3A_572 = arith.constant 0 : i32
      %dma_wait3A_573 = arith.constant 0 : i32
      %dma_wait3A_574 = tpu.memref_slice %arg2[%dma_wait3A_572, %dma_wait3A_573] : memref<10112x64xf32, #tpu.memory_space<hbm>> -> memref<128x64xf32, #tpu.memory_space<hbm>>
      %dma_wait3A_575 = arith.constant 0 : i32
      %dma_wait3A_576 = arith.constant 0 : i32
      %dma_wait3A_577 = tpu.memref_slice %arg8[%dma_wait3A_566, %dma_wait3A_567, %dma_wait3A_575, %dma_wait3A_576] : memref<2x2x128x64xf32, #tpu.memory_space<vmem>> -> memref<1x1x128x64xf32, #tpu.memory_space<vmem>>
      %dma_wait3A_578 = tpu.memref_squeeze %dma_wait3A_577 : memref<1x1x128x64xf32, #tpu.memory_space<vmem>> -> memref<128x64xf32, #tpu.memory_space<vmem>>
      %dma_wait3A_579 = arith.constant 0 : i32
      %dma_wait3A_580 = arith.constant 0 : i32
      %dma_wait3A_581 = tpu.memref_slice %arg2[%dma_wait3A_579, %dma_wait3A_580] : memref<10112x64xf32, #tpu.memory_space<hbm>> -> memref<128x64xf32, #tpu.memory_space<hbm>>
      tpu.wait_dma2 semaphore(%arg12 : memref<!tpu.dma_semaphore, #tpu.memory_space<semaphore_mem>>) src(%dma_wait3A_581 : memref<128x64xf32, #tpu.memory_space<hbm>>) dst(%dma_wait3A_578 : memref<128x64xf32, #tpu.memory_space<vmem>>)
      %dma_wait3A_582 = arith.constant 1 : i32
      %dma_wait3A_583 = arith.constant 1 : i32
      %dma_wait3A_584 = arith.constant 0 : i32
      %dma_wait3A_585 = arith.constant 0 : i32
      %dma_wait3A_586 = tpu.memref_slice %arg8[%dma_wait3A_582, %dma_wait3A_583, %dma_wait3A_584, %dma_wait3A_585] : memref<2x2x128x64xf32, #tpu.memory_space<vmem>> -> memref<1x1x128x64xf32, #tpu.memory_space<vmem>>
      %dma_wait3A_587 = tpu.memref_squeeze %dma_wait3A_586 : memref<1x1x128x64xf32, #tpu.memory_space<vmem>> -> memref<128x64xf32, #tpu.memory_space<vmem>>
      %dma_wait3A_588 = arith.constant 0 : i32
      %dma_wait3A_589 = arith.constant 0 : i32
      %dma_wait3A_590 = tpu.memref_slice %arg2[%dma_wait3A_588, %dma_wait3A_589] : memref<10112x64xf32, #tpu.memory_space<hbm>> -> memref<128x64xf32, #tpu.memory_space<hbm>>
      %dma_wait3A_591 = arith.constant 0 : i32
      %dma_wait3A_592 = arith.constant 0 : i32
      %dma_wait3A_593 = tpu.memref_slice %arg8[%dma_wait3A_582, %dma_wait3A_583, %dma_wait3A_591, %dma_wait3A_592] : memref<2x2x128x64xf32, #tpu.memory_space<vmem>> -> memref<1x1x128x64xf32, #tpu.memory_space<vmem>>
      %dma_wait3A_594 = tpu.memref_squeeze %dma_wait3A_593 : memref<1x1x128x64xf32, #tpu.memory_space<vmem>> -> memref<128x64xf32, #tpu.memory_space<vmem>>
      %dma_wait3A_595 = arith.constant 0 : i32
      %dma_wait3A_596 = arith.constant 0 : i32
      %dma_wait3A_597 = tpu.memref_slice %arg2[%dma_wait3A_595, %dma_wait3A_596] : memref<10112x64xf32, #tpu.memory_space<hbm>> -> memref<128x64xf32, #tpu.memory_space<hbm>>
      tpu.wait_dma2 semaphore(%arg12 : memref<!tpu.dma_semaphore, #tpu.memory_space<semaphore_mem>>) src(%dma_wait3A_597 : memref<128x64xf32, #tpu.memory_space<hbm>>) dst(%dma_wait3A_594 : memref<128x64xf32, #tpu.memory_space<vmem>>)
      %add3A_598 = arith.constant 1 : i32
      %add3A_599 = arith.addi %mul3A_435, %add3A_598 : i32
      %mul3A_600 = arith.constant 2 : i32
      %mul3A_601 = arith.muli %add3A_599, %mul3A_600 : i32
      %add3A_602 = arith.constant 0 : i32
      %add3A_603 = arith.addi %mul3A_601, %add3A_602 : i32
      %dma_start3A_604 = arith.constant 1 : i32
      %dma_start3A_605 = arith.constant 0 : i32
      %dma_start3A_606 = arith.constant 0 : i32
      %dma_start3A_607 = arith.constant 0 : i32
      %dma_start3A_608 = tpu.memref_slice %arg8[%dma_start3A_604, %dma_start3A_605, %dma_start3A_606, %dma_start3A_607] : memref<2x2x128x64xf32, #tpu.memory_space<vmem>> -> memref<1x1x128x64xf32, #tpu.memory_space<vmem>>
      %dma_start3A_609 = tpu.memref_squeeze %dma_start3A_608 : memref<1x1x128x64xf32, #tpu.memory_space<vmem>> -> memref<128x64xf32, #tpu.memory_space<vmem>>
      %dma_start3A_610 = arith.constant 0 : i32
      %dma_start3A_611 = tpu.memref_slice %arg7[%add3A_603, %dma_start3A_610] : memref<152x128xi32, #tpu.memory_space<vmem>> -> memref<1x128xi32, #tpu.memory_space<vmem>>
      %dma_start3A_612 = tpu.memref_squeeze %dma_start3A_611 : memref<1x128xi32, #tpu.memory_space<vmem>> -> memref<128xi32, #tpu.memory_space<vmem>>
      %dma_start3A_613 = arith.constant 0 : i32
      %dma_start3A_614 = arith.constant 0 : i32
      %dma_start3A_615 = tpu.memref_slice %arg10[%dma_start3A_613, %dma_start3A_614] : memref<10112x64xf32, #tpu.memory_space<vmem_shared>> -> memref<10112x64xf32, #tpu.memory_space<vmem_shared>>
      tpu.enqueue_indirect_dma source(%dma_start3A_609 : memref<128x64xf32, #tpu.memory_space<vmem>>) target(%dma_start3A_615 : memref<10112x64xf32, #tpu.memory_space<vmem_shared>>) offsets(%dma_start3A_612 : memref<128xi32, #tpu.memory_space<vmem>>) semaphore(%arg14 : memref<!tpu.dma_semaphore, #tpu.memory_space<semaphore_mem>>) {add = true}
      %mul3A_616 = arith.constant 2 : i32
      %mul3A_617 = arith.muli %add3A_599, %mul3A_616 : i32
      %add3A_618 = arith.constant 1 : i32
      %add3A_619 = arith.addi %mul3A_617, %add3A_618 : i32
      %dma_start3A_620 = arith.constant 1 : i32
      %dma_start3A_621 = arith.constant 1 : i32
      %dma_start3A_622 = arith.constant 0 : i32
      %dma_start3A_623 = arith.constant 0 : i32
      %dma_start3A_624 = tpu.memref_slice %arg8[%dma_start3A_620, %dma_start3A_621, %dma_start3A_622, %dma_start3A_623] : memref<2x2x128x64xf32, #tpu.memory_space<vmem>> -> memref<1x1x128x64xf32, #tpu.memory_space<vmem>>
      %dma_start3A_625 = tpu.memref_squeeze %dma_start3A_624 : memref<1x1x128x64xf32, #tpu.memory_space<vmem>> -> memref<128x64xf32, #tpu.memory_space<vmem>>
      %dma_start3A_626 = arith.constant 0 : i32
      %dma_start3A_627 = tpu.memref_slice %arg7[%add3A_619, %dma_start3A_626] : memref<152x128xi32, #tpu.memory_space<vmem>> -> memref<1x128xi32, #tpu.memory_space<vmem>>
      %dma_start3A_628 = tpu.memref_squeeze %dma_start3A_627 : memref<1x128xi32, #tpu.memory_space<vmem>> -> memref<128xi32, #tpu.memory_space<vmem>>
      %dma_start3A_629 = arith.constant 0 : i32
      %dma_start3A_630 = arith.constant 0 : i32
      %dma_start3A_631 = tpu.memref_slice %arg10[%dma_start3A_629, %dma_start3A_630] : memref<10112x64xf32, #tpu.memory_space<vmem_shared>> -> memref<10112x64xf32, #tpu.memory_space<vmem_shared>>
      tpu.enqueue_indirect_dma source(%dma_start3A_625 : memref<128x64xf32, #tpu.memory_space<vmem>>) target(%dma_start3A_631 : memref<10112x64xf32, #tpu.memory_space<vmem_shared>>) offsets(%dma_start3A_628 : memref<128xi32, #tpu.memory_space<vmem>>) semaphore(%arg14 : memref<!tpu.dma_semaphore, #tpu.memory_space<semaphore_mem>>) {add = true}
      %dma_wait3A_632 = arith.constant 1 : i32
      %dma_wait3A_633 = arith.constant 0 : i32
      %dma_wait3A_634 = arith.constant 0 : i32
      %dma_wait3A_635 = arith.constant 0 : i32
      %dma_wait3A_636 = tpu.memref_slice %arg8[%dma_wait3A_632, %dma_wait3A_633, %dma_wait3A_634, %dma_wait3A_635] : memref<2x2x128x64xf32, #tpu.memory_space<vmem>> -> memref<1x1x128x64xf32, #tpu.memory_space<vmem>>
      %dma_wait3A_637 = tpu.memref_squeeze %dma_wait3A_636 : memref<1x1x128x64xf32, #tpu.memory_space<vmem>> -> memref<128x64xf32, #tpu.memory_space<vmem>>
      %dma_wait3A_638 = arith.constant 0 : i32
      %dma_wait3A_639 = arith.constant 0 : i32
      %dma_wait3A_640 = tpu.memref_slice %arg10[%dma_wait3A_638, %dma_wait3A_639] : memref<10112x64xf32, #tpu.memory_space<vmem_shared>> -> memref<128x64xf32, #tpu.memory_space<vmem_shared>>
      %dma_wait3A_641 = arith.constant 0 : i32
      %dma_wait3A_642 = arith.constant 0 : i32
      %dma_wait3A_643 = tpu.memref_slice %arg10[%dma_wait3A_641, %dma_wait3A_642] : memref<10112x64xf32, #tpu.memory_space<vmem_shared>> -> memref<128x64xf32, #tpu.memory_space<vmem_shared>>
      %dma_wait3A_644 = arith.constant 0 : i32
      %dma_wait3A_645 = arith.constant 0 : i32
      %dma_wait3A_646 = tpu.memref_slice %arg8[%dma_wait3A_632, %dma_wait3A_633, %dma_wait3A_644, %dma_wait3A_645] : memref<2x2x128x64xf32, #tpu.memory_space<vmem>> -> memref<1x1x128x64xf32, #tpu.memory_space<vmem>>
      %dma_wait3A_647 = tpu.memref_squeeze %dma_wait3A_646 : memref<1x1x128x64xf32, #tpu.memory_space<vmem>> -> memref<128x64xf32, #tpu.memory_space<vmem>>
      tpu.wait_dma2 semaphore(%arg14 : memref<!tpu.dma_semaphore, #tpu.memory_space<semaphore_mem>>) src(%dma_wait3A_647 : memref<128x64xf32, #tpu.memory_space<vmem>>) dst(%dma_wait3A_643 : memref<128x64xf32, #tpu.memory_space<vmem_shared>>)
      %dma_wait3A_648 = arith.constant 1 : i32
      %dma_wait3A_649 = arith.constant 1 : i32
      %dma_wait3A_650 = arith.constant 0 : i32
      %dma_wait3A_651 = arith.constant 0 : i32
      %dma_wait3A_652 = tpu.memref_slice %arg8[%dma_wait3A_648, %dma_wait3A_649, %dma_wait3A_650, %dma_wait3A_651] : memref<2x2x128x64xf32, #tpu.memory_space<vmem>> -> memref<1x1x128x64xf32, #tpu.memory_space<vmem>>
      %dma_wait3A_653 = tpu.memref_squeeze %dma_wait3A_652 : memref<1x1x128x64xf32, #tpu.memory_space<vmem>> -> memref<128x64xf32, #tpu.memory_space<vmem>>
      %dma_wait3A_654 = arith.constant 0 : i32
      %dma_wait3A_655 = arith.constant 0 : i32
      %dma_wait3A_656 = tpu.memref_slice %arg10[%dma_wait3A_654, %dma_wait3A_655] : memref<10112x64xf32, #tpu.memory_space<vmem_shared>> -> memref<128x64xf32, #tpu.memory_space<vmem_shared>>
      %dma_wait3A_657 = arith.constant 0 : i32
      %dma_wait3A_658 = arith.constant 0 : i32
      %dma_wait3A_659 = tpu.memref_slice %arg10[%dma_wait3A_657, %dma_wait3A_658] : memref<10112x64xf32, #tpu.memory_space<vmem_shared>> -> memref<128x64xf32, #tpu.memory_space<vmem_shared>>
      %dma_wait3A_660 = arith.constant 0 : i32
      %dma_wait3A_661 = arith.constant 0 : i32
      %dma_wait3A_662 = tpu.memref_slice %arg8[%dma_wait3A_648, %dma_wait3A_649, %dma_wait3A_660, %dma_wait3A_661] : memref<2x2x128x64xf32, #tpu.memory_space<vmem>> -> memref<1x1x128x64xf32, #tpu.memory_space<vmem>>
      %dma_wait3A_663 = tpu.memref_squeeze %dma_wait3A_662 : memref<1x1x128x64xf32, #tpu.memory_space<vmem>> -> memref<128x64xf32, #tpu.memory_space<vmem>>
      tpu.wait_dma2 semaphore(%arg14 : memref<!tpu.dma_semaphore, #tpu.memory_space<semaphore_mem>>) src(%dma_wait3A_663 : memref<128x64xf32, #tpu.memory_space<vmem>>) dst(%dma_wait3A_659 : memref<128x64xf32, #tpu.memory_space<vmem_shared>>)
      %add3A_664 = arith.constant 3 : i32
      %add3A_665 = arith.addi %mul3A_435, %add3A_664 : i32
      %mul3A_666 = arith.constant 2 : i32
      %mul3A_667 = arith.muli %add3A_665, %mul3A_666 : i32
      %add3A_668 = arith.constant 0 : i32
      %add3A_669 = arith.addi %mul3A_667, %add3A_668 : i32
      %dma_start3A_670 = arith.constant 1 : i32
      %dma_start3A_671 = arith.constant 0 : i32
      %dma_start3A_672 = arith.constant 0 : i32
      %dma_start3A_673 = arith.constant 0 : i32
      %dma_start3A_674 = tpu.memref_slice %arg8[%dma_start3A_670, %dma_start3A_671, %dma_start3A_672, %dma_start3A_673] : memref<2x2x128x64xf32, #tpu.memory_space<vmem>> -> memref<1x1x128x64xf32, #tpu.memory_space<vmem>>
      %dma_start3A_675 = tpu.memref_squeeze %dma_start3A_674 : memref<1x1x128x64xf32, #tpu.memory_space<vmem>> -> memref<128x64xf32, #tpu.memory_space<vmem>>
      %dma_start3A_676 = arith.constant 0 : i32
      %dma_start3A_677 = tpu.memref_slice %arg6[%add3A_669, %dma_start3A_676] : memref<152x128xi32, #tpu.memory_space<vmem>> -> memref<1x128xi32, #tpu.memory_space<vmem>>
      %dma_start3A_678 = tpu.memref_squeeze %dma_start3A_677 : memref<1x128xi32, #tpu.memory_space<vmem>> -> memref<128xi32, #tpu.memory_space<vmem>>
      %dma_start3A_679 = arith.constant 0 : i32
      %dma_start3A_680 = arith.constant 0 : i32
      %dma_start3A_681 = tpu.memref_slice %arg2[%dma_start3A_679, %dma_start3A_680] : memref<10112x64xf32, #tpu.memory_space<hbm>> -> memref<10112x64xf32, #tpu.memory_space<hbm>>
      tpu.enqueue_indirect_dma source(%dma_start3A_681 : memref<10112x64xf32, #tpu.memory_space<hbm>>) target(%dma_start3A_675 : memref<128x64xf32, #tpu.memory_space<vmem>>) offsets(%dma_start3A_678 : memref<128xi32, #tpu.memory_space<vmem>>) semaphore(%arg12 : memref<!tpu.dma_semaphore, #tpu.memory_space<semaphore_mem>>)
      %mul3A_682 = arith.constant 2 : i32
      %mul3A_683 = arith.muli %add3A_665, %mul3A_682 : i32
      %add3A_684 = arith.constant 1 : i32
      %add3A_685 = arith.addi %mul3A_683, %add3A_684 : i32
      %dma_start3A_686 = arith.constant 1 : i32
      %dma_start3A_687 = arith.constant 1 : i32
      %dma_start3A_688 = arith.constant 0 : i32
      %dma_start3A_689 = arith.constant 0 : i32
      %dma_start3A_690 = tpu.memref_slice %arg8[%dma_start3A_686, %dma_start3A_687, %dma_start3A_688, %dma_start3A_689] : memref<2x2x128x64xf32, #tpu.memory_space<vmem>> -> memref<1x1x128x64xf32, #tpu.memory_space<vmem>>
      %dma_start3A_691 = tpu.memref_squeeze %dma_start3A_690 : memref<1x1x128x64xf32, #tpu.memory_space<vmem>> -> memref<128x64xf32, #tpu.memory_space<vmem>>
      %dma_start3A_692 = arith.constant 0 : i32
      %dma_start3A_693 = tpu.memref_slice %arg6[%add3A_685, %dma_start3A_692] : memref<152x128xi32, #tpu.memory_space<vmem>> -> memref<1x128xi32, #tpu.memory_space<vmem>>
      %dma_start3A_694 = tpu.memref_squeeze %dma_start3A_693 : memref<1x128xi32, #tpu.memory_space<vmem>> -> memref<128xi32, #tpu.memory_space<vmem>>
      %dma_start3A_695 = arith.constant 0 : i32
      %dma_start3A_696 = arith.constant 0 : i32
      %dma_start3A_697 = tpu.memref_slice %arg2[%dma_start3A_695, %dma_start3A_696] : memref<10112x64xf32, #tpu.memory_space<hbm>> -> memref<10112x64xf32, #tpu.memory_space<hbm>>
      tpu.enqueue_indirect_dma source(%dma_start3A_697 : memref<10112x64xf32, #tpu.memory_space<hbm>>) target(%dma_start3A_691 : memref<128x64xf32, #tpu.memory_space<vmem>>) offsets(%dma_start3A_694 : memref<128xi32, #tpu.memory_space<vmem>>) semaphore(%arg12 : memref<!tpu.dma_semaphore, #tpu.memory_space<semaphore_mem>>)
    }
    %while3A_231 = arith.constant 1 : i32
    scf.for %while3A_433 = %while3A_229 to %while3A_225 step %while3A_231  : i32 {
      %mul3A_434 = arith.constant 2 : i32
      %mul3A_435 = arith.muli %mul3A_434, %while3A_433 : i32
      %dma_wait3A_436 = arith.constant 0 : i32
      %dma_wait3A_437 = arith.constant 0 : i32
      %dma_wait3A_438 = arith.constant 0 : i32
      %dma_wait3A_439 = arith.constant 0 : i32
      %dma_wait3A_440 = tpu.memref_slice %arg8[%dma_wait3A_436, %dma_wait3A_437, %dma_wait3A_438, %dma_wait3A_439] : memref<2x2x128x64xf32, #tpu.memory_space<vmem>> -> memref<1x1x128x64xf32, #tpu.memory_space<vmem>>
      %dma_wait3A_441 = tpu.memref_squeeze %dma_wait3A_440 : memref<1x1x128x64xf32, #tpu.memory_space<vmem>> -> memref<128x64xf32, #tpu.memory_space<vmem>>
      %dma_wait3A_442 = arith.constant 0 : i32
      %dma_wait3A_443 = arith.constant 0 : i32
      %dma_wait3A_444 = tpu.memref_slice %arg2[%dma_wait3A_442, %dma_wait3A_443] : memref<10112x64xf32, #tpu.memory_space<hbm>> -> memref<128x64xf32, #tpu.memory_space<hbm>>
      %dma_wait3A_445 = arith.constant 0 : i32
      %dma_wait3A_446 = arith.constant 0 : i32
      %dma_wait3A_447 = tpu.memref_slice %arg8[%dma_wait3A_436, %dma_wait3A_437, %dma_wait3A_445, %dma_wait3A_446] : memref<2x2x128x64xf32, #tpu.memory_space<vmem>> -> memref<1x1x128x64xf32, #tpu.memory_space<vmem>>
      %dma_wait3A_448 = tpu.memref_squeeze %dma_wait3A_447 : memref<1x1x128x64xf32, #tpu.memory_space<vmem>> -> memref<128x64xf32, #tpu.memory_space<vmem>>
      %dma_wait3A_449 = arith.constant 0 : i32
      %dma_wait3A_450 = arith.constant 0 : i32
      %dma_wait3A_451 = tpu.memref_slice %arg2[%dma_wait3A_449, %dma_wait3A_450] : memref<10112x64xf32, #tpu.memory_space<hbm>> -> memref<128x64xf32, #tpu.memory_space<hbm>>
      tpu.wait_dma2 semaphore(%arg11 : memref<!tpu.dma_semaphore, #tpu.memory_space<semaphore_mem>>) src(%dma_wait3A_451 : memref<128x64xf32, #tpu.memory_space<hbm>>) dst(%dma_wait3A_448 : memref<128x64xf32, #tpu.memory_space<vmem>>)
      %dma_wait3A_452 = arith.constant 0 : i32
      %dma_wait3A_453 = arith.constant 1 : i32
      %dma_wait3A_454 = arith.constant 0 : i32
      %dma_wait3A_455 = arith.constant 0 : i32
      %dma_wait3A_456 = tpu.memref_slice %arg8[%dma_wait3A_452, %dma_wait3A_453, %dma_wait3A_454, %dma_wait3A_455] : memref<2x2x128x64xf32, #tpu.memory_space<vmem>> -> memref<1x1x128x64xf32, #tpu.memory_space<vmem>>
      %dma_wait3A_457 = tpu.memref_squeeze %dma_wait3A_456 : memref<1x1x128x64xf32, #tpu.memory_space<vmem>> -> memref<128x64xf32, #tpu.memory_space<vmem>>
      %dma_wait3A_458 = arith.constant 0 : i32
      %dma_wait3A_459 = arith.constant 0 : i32
      %dma_wait3A_460 = tpu.memref_slice %arg2[%dma_wait3A_458, %dma_wait3A_459] : memref<10112x64xf32, #tpu.memory_space<hbm>> -> memref<128x64xf32, #tpu.memory_space<hbm>>
      %dma_wait3A_461 = arith.constant 0 : i32
      %dma_wait3A_462 = arith.constant 0 : i32
      %dma_wait3A_463 = tpu.memref_slice %arg8[%dma_wait3A_452, %dma_wait3A_453, %dma_wait3A_461, %dma_wait3A_462] : memref<2x2x128x64xf32, #tpu.memory_space<vmem>> -> memref<1x1x128x64xf32, #tpu.memory_space<vmem>>
      %dma_wait3A_464 = tpu.memref_squeeze %dma_wait3A_463 : memref<1x1x128x64xf32, #tpu.memory_space<vmem>> -> memref<128x64xf32, #tpu.memory_space<vmem>>
      %dma_wait3A_465 = arith.constant 0 : i32
      %dma_wait3A_466 = arith.constant 0 : i32
      %dma_wait3A_467 = tpu.memref_slice %arg2[%dma_wait3A_465, %dma_wait3A_466] : memref<10112x64xf32, #tpu.memory_space<hbm>> -> memref<128x64xf32, #tpu.memory_space<hbm>>
      tpu.wait_dma2 semaphore(%arg11 : memref<!tpu.dma_semaphore, #tpu.memory_space<semaphore_mem>>) src(%dma_wait3A_467 : memref<128x64xf32, #tpu.memory_space<hbm>>) dst(%dma_wait3A_464 : memref<128x64xf32, #tpu.memory_space<vmem>>)
      %mul3A_468 = arith.constant 2 : i32
      %mul3A_469 = arith.muli %mul3A_435, %mul3A_468 : i32
      %add3A_470 = arith.constant 0 : i32
      %add3A_471 = arith.addi %mul3A_469, %add3A_470 : i32
      %dma_start3A_472 = arith.constant 0 : i32
      %dma_start3A_473 = arith.constant 0 : i32
      %dma_start3A_474 = arith.constant 0 : i32
      %dma_start3A_475 = arith.constant 0 : i32
      %dma_start3A_476 = tpu.memref_slice %arg8[%dma_start3A_472, %dma_start3A_473, %dma_start3A_474, %dma_start3A_475] : memref<2x2x128x64xf32, #tpu.memory_space<vmem>> -> memref<1x1x128x64xf32, #tpu.memory_space<vmem>>
      %dma_start3A_477 = tpu.memref_squeeze %dma_start3A_476 : memref<1x1x128x64xf32, #tpu.memory_space<vmem>> -> memref<128x64xf32, #tpu.memory_space<vmem>>
      %dma_start3A_478 = arith.constant 0 : i32
      %dma_start3A_479 = tpu.memref_slice %arg7[%add3A_471, %dma_start3A_478] : memref<152x128xi32, #tpu.memory_space<vmem>> -> memref<1x128xi32, #tpu.memory_space<vmem>>
      %dma_start3A_480 = tpu.memref_squeeze %dma_start3A_479 : memref<1x128xi32, #tpu.memory_space<vmem>> -> memref<128xi32, #tpu.memory_space<vmem>>
      %dma_start3A_481 = arith.constant 0 : i32
      %dma_start3A_482 = arith.constant 0 : i32
      %dma_start3A_483 = tpu.memref_slice %arg10[%dma_start3A_481, %dma_start3A_482] : memref<10112x64xf32, #tpu.memory_space<vmem_shared>> -> memref<10112x64xf32, #tpu.memory_space<vmem_shared>>
      tpu.enqueue_indirect_dma source(%dma_start3A_477 : memref<128x64xf32, #tpu.memory_space<vmem>>) target(%dma_start3A_483 : memref<10112x64xf32, #tpu.memory_space<vmem_shared>>) offsets(%dma_start3A_480 : memref<128xi32, #tpu.memory_space<vmem>>) semaphore(%arg13 : memref<!tpu.dma_semaphore, #tpu.memory_space<semaphore_mem>>) {add = true}
      %mul3A_484 = arith.constant 2 : i32
      %mul3A_485 = arith.muli %mul3A_435, %mul3A_484 : i32
      %add3A_486 = arith.constant 1 : i32
      %add3A_487 = arith.addi %mul3A_485, %add3A_486 : i32
      %dma_start3A_488 = arith.constant 0 : i32
      %dma_start3A_489 = arith.constant 1 : i32
      %dma_start3A_490 = arith.constant 0 : i32
      %dma_start3A_491 = arith.constant 0 : i32
      %dma_start3A_492 = tpu.memref_slice %arg8[%dma_start3A_488, %dma_start3A_489, %dma_start3A_490, %dma_start3A_491] : memref<2x2x128x64xf32, #tpu.memory_space<vmem>> -> memref<1x1x128x64xf32, #tpu.memory_space<vmem>>
      %dma_start3A_493 = tpu.memref_squeeze %dma_start3A_492 : memref<1x1x128x64xf32, #tpu.memory_space<vmem>> -> memref<128x64xf32, #tpu.memory_space<vmem>>
      %dma_start3A_494 = arith.constant 0 : i32
      %dma_start3A_495 = tpu.memref_slice %arg7[%add3A_487, %dma_start3A_494] : memref<152x128xi32, #tpu.memory_space<vmem>> -> memref<1x128xi32, #tpu.memory_space<vmem>>
      %dma_start3A_496 = tpu.memref_squeeze %dma_start3A_495 : memref<1x128xi32, #tpu.memory_space<vmem>> -> memref<128xi32, #tpu.memory_space<vmem>>
      %dma_start3A_497 = arith.constant 0 : i32
      %dma_start3A_498 = arith.constant 0 : i32
      %dma_start3A_499 = tpu.memref_slice %arg10[%dma_start3A_497, %dma_start3A_498] : memref<10112x64xf32, #tpu.memory_space<vmem_shared>> -> memref<10112x64xf32, #tpu.memory_space<vmem_shared>>
      tpu.enqueue_indirect_dma source(%dma_start3A_493 : memref<128x64xf32, #tpu.memory_space<vmem>>) target(%dma_start3A_499 : memref<10112x64xf32, #tpu.memory_space<vmem_shared>>) offsets(%dma_start3A_496 : memref<128xi32, #tpu.memory_space<vmem>>) semaphore(%arg13 : memref<!tpu.dma_semaphore, #tpu.memory_space<semaphore_mem>>) {add = true}
      %dma_wait3A_500 = arith.constant 0 : i32
      %dma_wait3A_501 = arith.constant 0 : i32
      %dma_wait3A_502 = arith.constant 0 : i32
      %dma_wait3A_503 = arith.constant 0 : i32
      %dma_wait3A_504 = tpu.memref_slice %arg8[%dma_wait3A_500, %dma_wait3A_501, %dma_wait3A_502, %dma_wait3A_503] : memref<2x2x128x64xf32, #tpu.memory_space<vmem>> -> memref<1x1x128x64xf32, #tpu.memory_space<vmem>>
      %dma_wait3A_505 = tpu.memref_squeeze %dma_wait3A_504 : memref<1x1x128x64xf32, #tpu.memory_space<vmem>> -> memref<128x64xf32, #tpu.memory_space<vmem>>
      %dma_wait3A_506 = arith.constant 0 : i32
      %dma_wait3A_507 = arith.constant 0 : i32
      %dma_wait3A_508 = tpu.memref_slice %arg10[%dma_wait3A_506, %dma_wait3A_507] : memref<10112x64xf32, #tpu.memory_space<vmem_shared>> -> memref<128x64xf32, #tpu.memory_space<vmem_shared>>
      %dma_wait3A_509 = arith.constant 0 : i32
      %dma_wait3A_510 = arith.constant 0 : i32
      %dma_wait3A_511 = tpu.memref_slice %arg10[%dma_wait3A_509, %dma_wait3A_510] : memref<10112x64xf32, #tpu.memory_space<vmem_shared>> -> memref<128x64xf32, #tpu.memory_space<vmem_shared>>
      %dma_wait3A_512 = arith.constant 0 : i32
      %dma_wait3A_513 = arith.constant 0 : i32
      %dma_wait3A_514 = tpu.memref_slice %arg8[%dma_wait3A_500, %dma_wait3A_501, %dma_wait3A_512, %dma_wait3A_513] : memref<2x2x128x64xf32, #tpu.memory_space<vmem>> -> memref<1x1x128x64xf32, #tpu.memory_space<vmem>>
      %dma_wait3A_515 = tpu.memref_squeeze %dma_wait3A_514 : memref<1x1x128x64xf32, #tpu.memory_space<vmem>> -> memref<128x64xf32, #tpu.memory_space<vmem>>
      tpu.wait_dma2 semaphore(%arg13 : memref<!tpu.dma_semaphore, #tpu.memory_space<semaphore_mem>>) src(%dma_wait3A_515 : memref<128x64xf32, #tpu.memory_space<vmem>>) dst(%dma_wait3A_511 : memref<128x64xf32, #tpu.memory_space<vmem_shared>>)
      %dma_wait3A_516 = arith.constant 0 : i32
      %dma_wait3A_517 = arith.constant 1 : i32
      %dma_wait3A_518 = arith.constant 0 : i32
      %dma_wait3A_519 = arith.constant 0 : i32
      %dma_wait3A_520 = tpu.memref_slice %arg8[%dma_wait3A_516, %dma_wait3A_517, %dma_wait3A_518, %dma_wait3A_519] : memref<2x2x128x64xf32, #tpu.memory_space<vmem>> -> memref<1x1x128x64xf32, #tpu.memory_space<vmem>>
      %dma_wait3A_521 = tpu.memref_squeeze %dma_wait3A_520 : memref<1x1x128x64xf32, #tpu.memory_space<vmem>> -> memref<128x64xf32, #tpu.memory_space<vmem>>
      %dma_wait3A_522 = arith.constant 0 : i32
      %dma_wait3A_523 = arith.constant 0 : i32
      %dma_wait3A_524 = tpu.memref_slice %arg10[%dma_wait3A_522, %dma_wait3A_523] : memref<10112x64xf32, #tpu.memory_space<vmem_shared>> -> memref<128x64xf32, #tpu.memory_space<vmem_shared>>
      %dma_wait3A_525 = arith.constant 0 : i32
      %dma_wait3A_526 = arith.constant 0 : i32
      %dma_wait3A_527 = tpu.memref_slice %arg10[%dma_wait3A_525, %dma_wait3A_526] : memref<10112x64xf32, #tpu.memory_space<vmem_shared>> -> memref<128x64xf32, #tpu.memory_space<vmem_shared>>
      %dma_wait3A_528 = arith.constant 0 : i32
      %dma_wait3A_529 = arith.constant 0 : i32
      %dma_wait3A_530 = tpu.memref_slice %arg8[%dma_wait3A_516, %dma_wait3A_517, %dma_wait3A_528, %dma_wait3A_529] : memref<2x2x128x64xf32, #tpu.memory_space<vmem>> -> memref<1x1x128x64xf32, #tpu.memory_space<vmem>>
      %dma_wait3A_531 = tpu.memref_squeeze %dma_wait3A_530 : memref<1x1x128x64xf32, #tpu.memory_space<vmem>> -> memref<128x64xf32, #tpu.memory_space<vmem>>
      tpu.wait_dma2 semaphore(%arg13 : memref<!tpu.dma_semaphore, #tpu.memory_space<semaphore_mem>>) src(%dma_wait3A_531 : memref<128x64xf32, #tpu.memory_space<vmem>>) dst(%dma_wait3A_527 : memref<128x64xf32, #tpu.memory_space<vmem_shared>>)
      %add3A_532 = arith.constant 2 : i32
      %add3A_533 = arith.addi %mul3A_435, %add3A_532 : i32
      %mul3A_534 = arith.constant 2 : i32
      %mul3A_535 = arith.muli %add3A_533, %mul3A_534 : i32
      %add3A_536 = arith.constant 0 : i32
      %add3A_537 = arith.addi %mul3A_535, %add3A_536 : i32
      %dma_start3A_538 = arith.constant 0 : i32
      %dma_start3A_539 = arith.constant 0 : i32
      %dma_start3A_540 = arith.constant 0 : i32
      %dma_start3A_541 = arith.constant 0 : i32
      %dma_start3A_542 = tpu.memref_slice %arg8[%dma_start3A_538, %dma_start3A_539, %dma_start3A_540, %dma_start3A_541] : memref<2x2x128x64xf32, #tpu.memory_space<vmem>> -> memref<1x1x128x64xf32, #tpu.memory_space<vmem>>
      %dma_start3A_543 = tpu.memref_squeeze %dma_start3A_542 : memref<1x1x128x64xf32, #tpu.memory_space<vmem>> -> memref<128x64xf32, #tpu.memory_space<vmem>>
      %dma_start3A_544 = arith.constant 0 : i32
      %dma_start3A_545 = tpu.memref_slice %arg6[%add3A_537, %dma_start3A_544] : memref<152x128xi32, #tpu.memory_space<vmem>> -> memref<1x128xi32, #tpu.memory_space<vmem>>
      %dma_start3A_546 = tpu.memref_squeeze %dma_start3A_545 : memref<1x128xi32, #tpu.memory_space<vmem>> -> memref<128xi32, #tpu.memory_space<vmem>>
      %dma_start3A_547 = arith.constant 0 : i32
      %dma_start3A_548 = arith.constant 0 : i32
      %dma_start3A_549 = tpu.memref_slice %arg2[%dma_start3A_547, %dma_start3A_548] : memref<10112x64xf32, #tpu.memory_space<hbm>> -> memref<10112x64xf32, #tpu.memory_space<hbm>>
      tpu.enqueue_indirect_dma source(%dma_start3A_549 : memref<10112x64xf32, #tpu.memory_space<hbm>>) target(%dma_start3A_543 : memref<128x64xf32, #tpu.memory_space<vmem>>) offsets(%dma_start3A_546 : memref<128xi32, #tpu.memory_space<vmem>>) semaphore(%arg11 : memref<!tpu.dma_semaphore, #tpu.memory_space<semaphore_mem>>)
      %mul3A_550 = arith.constant 2 : i32
      %mul3A_551 = arith.muli %add3A_533, %mul3A_550 : i32
      %add3A_552 = arith.constant 1 : i32
      %add3A_553 = arith.addi %mul3A_551, %add3A_552 : i32
      %dma_start3A_554 = arith.constant 0 : i32
      %dma_start3A_555 = arith.constant 1 : i32
      %dma_start3A_556 = arith.constant 0 : i32
      %dma_start3A_557 = arith.constant 0 : i32
      %dma_start3A_558 = tpu.memref_slice %arg8[%dma_start3A_554, %dma_start3A_555, %dma_start3A_556, %dma_start3A_557] : memref<2x2x128x64xf32, #tpu.memory_space<vmem>> -> memref<1x1x128x64xf32, #tpu.memory_space<vmem>>
      %dma_start3A_559 = tpu.memref_squeeze %dma_start3A_558 : memref<1x1x128x64xf32, #tpu.memory_space<vmem>> -> memref<128x64xf32, #tpu.memory_space<vmem>>
      %dma_start3A_560 = arith.constant 0 : i32
      %dma_start3A_561 = tpu.memref_slice %arg6[%add3A_553, %dma_start3A_560] : memref<152x128xi32, #tpu.memory_space<vmem>> -> memref<1x128xi32, #tpu.memory_space<vmem>>
      %dma_start3A_562 = tpu.memref_squeeze %dma_start3A_561 : memref<1x128xi32, #tpu.memory_space<vmem>> -> memref<128xi32, #tpu.memory_space<vmem>>
      %dma_start3A_563 = arith.constant 0 : i32
      %dma_start3A_564 = arith.constant 0 : i32
      %dma_start3A_565 = tpu.memref_slice %arg2[%dma_start3A_563, %dma_start3A_564] : memref<10112x64xf32, #tpu.memory_space<hbm>> -> memref<10112x64xf32, #tpu.memory_space<hbm>>
      tpu.enqueue_indirect_dma source(%dma_start3A_565 : memref<10112x64xf32, #tpu.memory_space<hbm>>) target(%dma_start3A_559 : memref<128x64xf32, #tpu.memory_space<vmem>>) offsets(%dma_start3A_562 : memref<128xi32, #tpu.memory_space<vmem>>) semaphore(%arg11 : memref<!tpu.dma_semaphore, #tpu.memory_space<semaphore_mem>>)
      %dma_wait3A_566 = arith.constant 1 : i32
      %dma_wait3A_567 = arith.constant 0 : i32
      %dma_wait3A_568 = arith.constant 0 : i32
      %dma_wait3A_569 = arith.constant 0 : i32
      %dma_wait3A_570 = tpu.memref_slice %arg8[%dma_wait3A_566, %dma_wait3A_567, %dma_wait3A_568, %dma_wait3A_569] : memref<2x2x128x64xf32, #tpu.memory_space<vmem>> -> memref<1x1x128x64xf32, #tpu.memory_space<vmem>>
      %dma_wait3A_571 = tpu.memref_squeeze %dma_wait3A_570 : memref<1x1x128x64xf32, #tpu.memory_space<vmem>> -> memref<128x64xf32, #tpu.memory_space<vmem>>
      %dma_wait3A_572 = arith.constant 0 : i32
      %dma_wait3A_573 = arith.constant 0 : i32
      %dma_wait3A_574 = tpu.memref_slice %arg2[%dma_wait3A_572, %dma_wait3A_573] : memref<10112x64xf32, #tpu.memory_space<hbm>> -> memref<128x64xf32, #tpu.memory_space<hbm>>
      %dma_wait3A_575 = arith.constant 0 : i32
      %dma_wait3A_576 = arith.constant 0 : i32
      %dma_wait3A_577 = tpu.memref_slice %arg8[%dma_wait3A_566, %dma_wait3A_567, %dma_wait3A_575, %dma_wait3A_576] : memref<2x2x128x64xf32, #tpu.memory_space<vmem>> -> memref<1x1x128x64xf32, #tpu.memory_space<vmem>>
      %dma_wait3A_578 = tpu.memref_squeeze %dma_wait3A_577 : memref<1x1x128x64xf32, #tpu.memory_space<vmem>> -> memref<128x64xf32, #tpu.memory_space<vmem>>
      %dma_wait3A_579 = arith.constant 0 : i32
      %dma_wait3A_580 = arith.constant 0 : i32
      %dma_wait3A_581 = tpu.memref_slice %arg2[%dma_wait3A_579, %dma_wait3A_580] : memref<10112x64xf32, #tpu.memory_space<hbm>> -> memref<128x64xf32, #tpu.memory_space<hbm>>
      tpu.wait_dma2 semaphore(%arg12 : memref<!tpu.dma_semaphore, #tpu.memory_space<semaphore_mem>>) src(%dma_wait3A_581 : memref<128x64xf32, #tpu.memory_space<hbm>>) dst(%dma_wait3A_578 : memref<128x64xf32, #tpu.memory_space<vmem>>)
      %dma_wait3A_582 = arith.constant 1 : i32
      %dma_wait3A_583 = arith.constant 1 : i32
      %dma_wait3A_584 = arith.constant 0 : i32
      %dma_wait3A_585 = arith.constant 0 : i32
      %dma_wait3A_586 = tpu.memref_slice %arg8[%dma_wait3A_582, %dma_wait3A_583, %dma_wait3A_584, %dma_wait3A_585] : memref<2x2x128x64xf32, #tpu.memory_space<vmem>> -> memref<1x1x128x64xf32, #tpu.memory_space<vmem>>
      %dma_wait3A_587 = tpu.memref_squeeze %dma_wait3A_586 : memref<1x1x128x64xf32, #tpu.memory_space<vmem>> -> memref<128x64xf32, #tpu.memory_space<vmem>>
      %dma_wait3A_588 = arith.constant 0 : i32
      %dma_wait3A_589 = arith.constant 0 : i32
      %dma_wait3A_590 = tpu.memref_slice %arg2[%dma_wait3A_588, %dma_wait3A_589] : memref<10112x64xf32, #tpu.memory_space<hbm>> -> memref<128x64xf32, #tpu.memory_space<hbm>>
      %dma_wait3A_591 = arith.constant 0 : i32
      %dma_wait3A_592 = arith.constant 0 : i32
      %dma_wait3A_593 = tpu.memref_slice %arg8[%dma_wait3A_582, %dma_wait3A_583, %dma_wait3A_591, %dma_wait3A_592] : memref<2x2x128x64xf32, #tpu.memory_space<vmem>> -> memref<1x1x128x64xf32, #tpu.memory_space<vmem>>
      %dma_wait3A_594 = tpu.memref_squeeze %dma_wait3A_593 : memref<1x1x128x64xf32, #tpu.memory_space<vmem>> -> memref<128x64xf32, #tpu.memory_space<vmem>>
      %dma_wait3A_595 = arith.constant 0 : i32
      %dma_wait3A_596 = arith.constant 0 : i32
      %dma_wait3A_597 = tpu.memref_slice %arg2[%dma_wait3A_595, %dma_wait3A_596] : memref<10112x64xf32, #tpu.memory_space<hbm>> -> memref<128x64xf32, #tpu.memory_space<hbm>>
      tpu.wait_dma2 semaphore(%arg12 : memref<!tpu.dma_semaphore, #tpu.memory_space<semaphore_mem>>) src(%dma_wait3A_597 : memref<128x64xf32, #tpu.memory_space<hbm>>) dst(%dma_wait3A_594 : memref<128x64xf32, #tpu.memory_space<vmem>>)
      %add3A_598 = arith.constant 1 : i32
      %add3A_599 = arith.addi %mul3A_435, %add3A_598 : i32
      %mul3A_600 = arith.constant 2 : i32
      %mul3A_601 = arith.muli %add3A_599, %mul3A_600 : i32
      %add3A_602 = arith.constant 0 : i32
      %add3A_603 = arith.addi %mul3A_601, %add3A_602 : i32
      %dma_start3A_604 = arith.constant 1 : i32
      %dma_start3A_605 = arith.constant 0 : i32
      %dma_start3A_606 = arith.constant 0 : i32
      %dma_start3A_607 = arith.constant 0 : i32
      %dma_start3A_608 = tpu.memref_slice %arg8[%dma_start3A_604, %dma_start3A_605, %dma_start3A_606, %dma_start3A_607] : memref<2x2x128x64xf32, #tpu.memory_space<vmem>> -> memref<1x1x128x64xf32, #tpu.memory_space<vmem>>
      %dma_start3A_609 = tpu.memref_squeeze %dma_start3A_608 : memref<1x1x128x64xf32, #tpu.memory_space<vmem>> -> memref<128x64xf32, #tpu.memory_space<vmem>>
      %dma_start3A_610 = arith.constant 0 : i32
      %dma_start3A_611 = tpu.memref_slice %arg7[%add3A_603, %dma_start3A_610] : memref<152x128xi32, #tpu.memory_space<vmem>> -> memref<1x128xi32, #tpu.memory_space<vmem>>
      %dma_start3A_612 = tpu.memref_squeeze %dma_start3A_611 : memref<1x128xi32, #tpu.memory_space<vmem>> -> memref<128xi32, #tpu.memory_space<vmem>>
      %dma_start3A_613 = arith.constant 0 : i32
      %dma_start3A_614 = arith.constant 0 : i32
      %dma_start3A_615 = tpu.memref_slice %arg10[%dma_start3A_613, %dma_start3A_614] : memref<10112x64xf32, #tpu.memory_space<vmem_shared>> -> memref<10112x64xf32, #tpu.memory_space<vmem_shared>>
      tpu.enqueue_indirect_dma source(%dma_start3A_609 : memref<128x64xf32, #tpu.memory_space<vmem>>) target(%dma_start3A_615 : memref<10112x64xf32, #tpu.memory_space<vmem_shared>>) offsets(%dma_start3A_612 : memref<128xi32, #tpu.memory_space<vmem>>) semaphore(%arg14 : memref<!tpu.dma_semaphore, #tpu.memory_space<semaphore_mem>>) {add = true}
      %mul3A_616 = arith.constant 2 : i32
      %mul3A_617 = arith.muli %add3A_599, %mul3A_616 : i32
      %add3A_618 = arith.constant 1 : i32
      %add3A_619 = arith.addi %mul3A_617, %add3A_618 : i32
      %dma_start3A_620 = arith.constant 1 : i32
      %dma_start3A_621 = arith.constant 1 : i32
      %dma_start3A_622 = arith.constant 0 : i32
      %dma_start3A_623 = arith.constant 0 : i32
      %dma_start3A_624 = tpu.memref_slice %arg8[%dma_start3A_620, %dma_start3A_621, %dma_start3A_622, %dma_start3A_623] : memref<2x2x128x64xf32, #tpu.memory_space<vmem>> -> memref<1x1x128x64xf32, #tpu.memory_space<vmem>>
      %dma_start3A_625 = tpu.memref_squeeze %dma_start3A_624 : memref<1x1x128x64xf32, #tpu.memory_space<vmem>> -> memref<128x64xf32, #tpu.memory_space<vmem>>
      %dma_start3A_626 = arith.constant 0 : i32
      %dma_start3A_627 = tpu.memref_slice %arg7[%add3A_619, %dma_start3A_626] : memref<152x128xi32, #tpu.memory_space<vmem>> -> memref<1x128xi32, #tpu.memory_space<vmem>>
      %dma_start3A_628 = tpu.memref_squeeze %dma_start3A_627 : memref<1x128xi32, #tpu.memory_space<vmem>> -> memref<128xi32, #tpu.memory_space<vmem>>
      %dma_start3A_629 = arith.constant 0 : i32
      %dma_start3A_630 = arith.constant 0 : i32
      %dma_start3A_631 = tpu.memref_slice %arg10[%dma_start3A_629, %dma_start3A_630] : memref<10112x64xf32, #tpu.memory_space<vmem_shared>> -> memref<10112x64xf32, #tpu.memory_space<vmem_shared>>
      tpu.enqueue_indirect_dma source(%dma_start3A_625 : memref<128x64xf32, #tpu.memory_space<vmem>>) target(%dma_start3A_631 : memref<10112x64xf32, #tpu.memory_space<vmem_shared>>) offsets(%dma_start3A_628 : memref<128xi32, #tpu.memory_space<vmem>>) semaphore(%arg14 : memref<!tpu.dma_semaphore, #tpu.memory_space<semaphore_mem>>) {add = true}
      %dma_wait3A_632 = arith.constant 1 : i32
      %dma_wait3A_633 = arith.constant 0 : i32
      %dma_wait3A_634 = arith.constant 0 : i32
      %dma_wait3A_635 = arith.constant 0 : i32
      %dma_wait3A_636 = tpu.memref_slice %arg8[%dma_wait3A_632, %dma_wait3A_633, %dma_wait3A_634, %dma_wait3A_635] : memref<2x2x128x64xf32, #tpu.memory_space<vmem>> -> memref<1x1x128x64xf32, #tpu.memory_space<vmem>>
      %dma_wait3A_637 = tpu.memref_squeeze %dma_wait3A_636 : memref<1x1x128x64xf32, #tpu.memory_space<vmem>> -> memref<128x64xf32, #tpu.memory_space<vmem>>
      %dma_wait3A_638 = arith.constant 0 : i32
      %dma_wait3A_639 = arith.constant 0 : i32
      %dma_wait3A_640 = tpu.memref_slice %arg10[%dma_wait3A_638, %dma_wait3A_639] : memref<10112x64xf32, #tpu.memory_space<vmem_shared>> -> memref<128x64xf32, #tpu.memory_space<vmem_shared>>
      %dma_wait3A_641 = arith.constant 0 : i32
      %dma_wait3A_642 = arith.constant 0 : i32
      %dma_wait3A_643 = tpu.memref_slice %arg10[%dma_wait3A_641, %dma_wait3A_642] : memref<10112x64xf32, #tpu.memory_space<vmem_shared>> -> memref<128x64xf32, #tpu.memory_space<vmem_shared>>
      %dma_wait3A_644 = arith.constant 0 : i32
      %dma_wait3A_645 = arith.constant 0 : i32
      %dma_wait3A_646 = tpu.memref_slice %arg8[%dma_wait3A_632, %dma_wait3A_633, %dma_wait3A_644, %dma_wait3A_645] : memref<2x2x128x64xf32, #tpu.memory_space<vmem>> -> memref<1x1x128x64xf32, #tpu.memory_space<vmem>>
      %dma_wait3A_647 = tpu.memref_squeeze %dma_wait3A_646 : memref<1x1x128x64xf32, #tpu.memory_space<vmem>> -> memref<128x64xf32, #tpu.memory_space<vmem>>
      tpu.wait_dma2 semaphore(%arg14 : memref<!tpu.dma_semaphore, #tpu.memory_space<semaphore_mem>>) src(%dma_wait3A_647 : memref<128x64xf32, #tpu.memory_space<vmem>>) dst(%dma_wait3A_643 : memref<128x64xf32, #tpu.memory_space<vmem_shared>>)
      %dma_wait3A_648 = arith.constant 1 : i32
      %dma_wait3A_649 = arith.constant 1 : i32
      %dma_wait3A_650 = arith.constant 0 : i32
      %dma_wait3A_651 = arith.constant 0 : i32
      %dma_wait3A_652 = tpu.memref_slice %arg8[%dma_wait3A_648, %dma_wait3A_649, %dma_wait3A_650, %dma_wait3A_651] : memref<2x2x128x64xf32, #tpu.memory_space<vmem>> -> memref<1x1x128x64xf32, #tpu.memory_space<vmem>>
      %dma_wait3A_653 = tpu.memref_squeeze %dma_wait3A_652 : memref<1x1x128x64xf32, #tpu.memory_space<vmem>> -> memref<128x64xf32, #tpu.memory_space<vmem>>
      %dma_wait3A_654 = arith.constant 0 : i32
      %dma_wait3A_655 = arith.constant 0 : i32
      %dma_wait3A_656 = tpu.memref_slice %arg10[%dma_wait3A_654, %dma_wait3A_655] : memref<10112x64xf32, #tpu.memory_space<vmem_shared>> -> memref<128x64xf32, #tpu.memory_space<vmem_shared>>
      %dma_wait3A_657 = arith.constant 0 : i32
      %dma_wait3A_658 = arith.constant 0 : i32
      %dma_wait3A_659 = tpu.memref_slice %arg10[%dma_wait3A_657, %dma_wait3A_658] : memref<10112x64xf32, #tpu.memory_space<vmem_shared>> -> memref<128x64xf32, #tpu.memory_space<vmem_shared>>
      %dma_wait3A_660 = arith.constant 0 : i32
      %dma_wait3A_661 = arith.constant 0 : i32
      %dma_wait3A_662 = tpu.memref_slice %arg8[%dma_wait3A_648, %dma_wait3A_649, %dma_wait3A_660, %dma_wait3A_661] : memref<2x2x128x64xf32, #tpu.memory_space<vmem>> -> memref<1x1x128x64xf32, #tpu.memory_space<vmem>>
      %dma_wait3A_663 = tpu.memref_squeeze %dma_wait3A_662 : memref<1x1x128x64xf32, #tpu.memory_space<vmem>> -> memref<128x64xf32, #tpu.memory_space<vmem>>
      tpu.wait_dma2 semaphore(%arg14 : memref<!tpu.dma_semaphore, #tpu.memory_space<semaphore_mem>>) src(%dma_wait3A_663 : memref<128x64xf32, #tpu.memory_space<vmem>>) dst(%dma_wait3A_659 : memref<128x64xf32, #tpu.memory_space<vmem_shared>>)
      %add3A_664 = arith.constant 3 : i32
      %add3A_665 = arith.addi %mul3A_435, %add3A_664 : i32
      %mul3A_666 = arith.constant 2 : i32
      %mul3A_667 = arith.muli %add3A_665, %mul3A_666 : i32
      %add3A_668 = arith.constant 0 : i32
      %add3A_669 = arith.addi %mul3A_667, %add3A_668 : i32
      %dma_start3A_670 = arith.constant 1 : i32
      %dma_start3A_671 = arith.constant 0 : i32
      %dma_start3A_672 = arith.constant 0 : i32
      %dma_start3A_673 = arith.constant 0 : i32
      %dma_start3A_674 = tpu.memref_slice %arg8[%dma_start3A_670, %dma_start3A_671, %dma_start3A_672, %dma_start3A_673] : memref<2x2x128x64xf32, #tpu.memory_space<vmem>> -> memref<1x1x128x64xf32, #tpu.memory_space<vmem>>
      %dma_start3A_675 = tpu.memref_squeeze %dma_start3A_674 : memref<1x1x128x64xf32, #tpu.memory_space<vmem>> -> memref<128x64xf32, #tpu.memory_space<vmem>>
      %dma_start3A_676 = arith.constant 0 : i32
      %dma_start3A_677 = tpu.memref_slice %arg6[%add3A_669, %dma_start3A_676] : memref<152x128xi32, #tpu.memory_space<vmem>> -> memref<1x128xi32, #tpu.memory_space<vmem>>
      %dma_start3A_678 = tpu.memref_squeeze %dma_start3A_677 : memref<1x128xi32, #tpu.memory_space<vmem>> -> memref<128xi32, #tpu.memory_space<vmem>>
      %dma_start3A_679 = arith.constant 0 : i32
      %dma_start3A_680 = arith.constant 0 : i32
      %dma_start3A_681 = tpu.memref_slice %arg2[%dma_start3A_679, %dma_start3A_680] : memref<10112x64xf32, #tpu.memory_space<hbm>> -> memref<10112x64xf32, #tpu.memory_space<hbm>>
      tpu.enqueue_indirect_dma source(%dma_start3A_681 : memref<10112x64xf32, #tpu.memory_space<hbm>>) target(%dma_start3A_675 : memref<128x64xf32, #tpu.memory_space<vmem>>) offsets(%dma_start3A_678 : memref<128xi32, #tpu.memory_space<vmem>>) semaphore(%arg12 : memref<!tpu.dma_semaphore, #tpu.memory_space<semaphore_mem>>)
      %mul3A_682 = arith.constant 2 : i32
      %mul3A_683 = arith.muli %add3A_665, %mul3A_682 : i32
      %add3A_684 = arith.constant 1 : i32
      %add3A_685 = arith.addi %mul3A_683, %add3A_684 : i32
      %dma_start3A_686 = arith.constant 1 : i32
      %dma_start3A_687 = arith.constant 1 : i32
      %dma_start3A_688 = arith.constant 0 : i32
      %dma_start3A_689 = arith.constant 0 : i32
      %dma_start3A_690 = tpu.memref_slice %arg8[%dma_start3A_686, %dma_start3A_687, %dma_start3A_688, %dma_start3A_689] : memref<2x2x128x64xf32, #tpu.memory_space<vmem>> -> memref<1x1x128x64xf32, #tpu.memory_space<vmem>>
      %dma_start3A_691 = tpu.memref_squeeze %dma_start3A_690 : memref<1x1x128x64xf32, #tpu.memory_space<vmem>> -> memref<128x64xf32, #tpu.memory_space<vmem>>
      %dma_start3A_692 = arith.constant 0 : i32
      %dma_start3A_693 = tpu.memref_slice %arg6[%add3A_685, %dma_start3A_692] : memref<152x128xi32, #tpu.memory_space<vmem>> -> memref<1x128xi32, #tpu.memory_space<vmem>>
      %dma_start3A_694 = tpu.memref_squeeze %dma_start3A_693 : memref<1x128xi32, #tpu.memory_space<vmem>> -> memref<128xi32, #tpu.memory_space<vmem>>
      %dma_start3A_695 = arith.constant 0 : i32
      %dma_start3A_696 = arith.constant 0 : i32
      %dma_start3A_697 = tpu.memref_slice %arg2[%dma_start3A_695, %dma_start3A_696] : memref<10112x64xf32, #tpu.memory_space<hbm>> -> memref<10112x64xf32, #tpu.memory_space<hbm>>
      tpu.enqueue_indirect_dma source(%dma_start3A_697 : memref<10112x64xf32, #tpu.memory_space<hbm>>) target(%dma_start3A_691 : memref<128x64xf32, #tpu.memory_space<vmem>>) offsets(%dma_start3A_694 : memref<128xi32, #tpu.memory_space<vmem>>) semaphore(%arg12 : memref<!tpu.dma_semaphore, #tpu.memory_space<semaphore_mem>>)
    }
    %dma_wait3A_232 = arith.constant 0 : i32
    %dma_wait3A_233 = arith.constant 0 : i32
    %dma_wait3A_234 = arith.constant 0 : i32
    %dma_wait3A_235 = arith.constant 0 : i32
    %dma_wait3A_236 = tpu.memref_slice %arg8[%dma_wait3A_232, %dma_wait3A_233, %dma_wait3A_234, %dma_wait3A_235] : memref<2x2x128x64xf32, #tpu.memory_space<vmem>> -> memref<1x1x128x64xf32, #tpu.memory_space<vmem>>
    %dma_wait3A_237 = tpu.memref_squeeze %dma_wait3A_236 : memref<1x1x128x64xf32, #tpu.memory_space<vmem>> -> memref<128x64xf32, #tpu.memory_space<vmem>>
    %dma_wait3A_238 = arith.constant 0 : i32
    %dma_wait3A_239 = arith.constant 0 : i32
    %dma_wait3A_240 = tpu.memref_slice %arg2[%dma_wait3A_238, %dma_wait3A_239] : memref<10112x64xf32, #tpu.memory_space<hbm>> -> memref<128x64xf32, #tpu.memory_space<hbm>>
    %dma_wait3A_241 = arith.constant 0 : i32
    %dma_wait3A_242 = arith.constant 0 : i32
    %dma_wait3A_243 = tpu.memref_slice %arg8[%dma_wait3A_232, %dma_wait3A_233, %dma_wait3A_241, %dma_wait3A_242] : memref<2x2x128x64xf32, #tpu.memory_space<vmem>> -> memref<1x1x128x64xf32, #tpu.memory_space<vmem>>
    %dma_wait3A_244 = tpu.memref_squeeze %dma_wait3A_243 : memref<1x1x128x64xf32, #tpu.memory_space<vmem>> -> memref<128x64xf32, #tpu.memory_space<vmem>>
    %dma_wait3A_245 = arith.constant 0 : i32
    %dma_wait3A_246 = arith.constant 0 : i32
    %dma_wait3A_247 = tpu.memref_slice %arg2[%dma_wait3A_245, %dma_wait3A_246] : memref<10112x64xf32, #tpu.memory_space<hbm>> -> memref<128x64xf32, #tpu.memory_space<hbm>>
    tpu.wait_dma2 semaphore(%arg11 : memref<!tpu.dma_semaphore, #tpu.memory_space<semaphore_mem>>) src(%dma_wait3A_247 : memref<128x64xf32, #tpu.memory_space<hbm>>) dst(%dma_wait3A_244 : memref<128x64xf32, #tpu.memory_space<vmem>>)
    %dma_wait3A_248 = arith.constant 0 : i32
    %dma_wait3A_249 = arith.constant 1 : i32
    %dma_wait3A_250 = arith.constant 0 : i32
    %dma_wait3A_251 = arith.constant 0 : i32
    %dma_wait3A_252 = tpu.memref_slice %arg8[%dma_wait3A_248, %dma_wait3A_249, %dma_wait3A_250, %dma_wait3A_251] : memref<2x2x128x64xf32, #tpu.memory_space<vmem>> -> memref<1x1x128x64xf32, #tpu.memory_space<vmem>>
    %dma_wait3A_253 = tpu.memref_squeeze %dma_wait3A_252 : memref<1x1x128x64xf32, #tpu.memory_space<vmem>> -> memref<128x64xf32, #tpu.memory_space<vmem>>
    %dma_wait3A_254 = arith.constant 0 : i32
    %dma_wait3A_255 = arith.constant 0 : i32
    %dma_wait3A_256 = tpu.memref_slice %arg2[%dma_wait3A_254, %dma_wait3A_255] : memref<10112x64xf32, #tpu.memory_space<hbm>> -> memref<128x64xf32, #tpu.memory_space<hbm>>
    %dma_wait3A_257 = arith.constant 0 : i32
    %dma_wait3A_258 = arith.constant 0 : i32
    %dma_wait3A_259 = tpu.memref_slice %arg8[%dma_wait3A_248, %dma_wait3A_249, %dma_wait3A_257, %dma_wait3A_258] : memref<2x2x128x64xf32, #tpu.memory_space<vmem>> -> memref<1x1x128x64xf32, #tpu.memory_space<vmem>>
    %dma_wait3A_260 = tpu.memref_squeeze %dma_wait3A_259 : memref<1x1x128x64xf32, #tpu.memory_space<vmem>> -> memref<128x64xf32, #tpu.memory_space<vmem>>
    %dma_wait3A_261 = arith.constant 0 : i32
    %dma_wait3A_262 = arith.constant 0 : i32
    %dma_wait3A_263 = tpu.memref_slice %arg2[%dma_wait3A_261, %dma_wait3A_262] : memref<10112x64xf32, #tpu.memory_space<hbm>> -> memref<128x64xf32, #tpu.memory_space<hbm>>
    tpu.wait_dma2 semaphore(%arg11 : memref<!tpu.dma_semaphore, #tpu.memory_space<semaphore_mem>>) src(%dma_wait3A_263 : memref<128x64xf32, #tpu.memory_space<hbm>>) dst(%dma_wait3A_260 : memref<128x64xf32, #tpu.memory_space<vmem>>)
    %sub3A_264 = arith.constant 2 : i32
    %sub3A_265 = arith.subi %select_n3A_139, %sub3A_264 : i32
    %mul3A_266 = arith.constant 2 : i32
    %mul3A_267 = arith.muli %sub3A_265, %mul3A_266 : i32
    %add3A_268 = arith.constant 0 : i32
    %add3A_269 = arith.addi %mul3A_267, %add3A_268 : i32
    %dma_start3A_270 = arith.constant 0 : i32
    %dma_start3A_271 = arith.constant 0 : i32
    %dma_start3A_272 = arith.constant 0 : i32
    %dma_start3A_273 = arith.constant 0 : i32
    %dma_start3A_274 = tpu.memref_slice %arg8[%dma_start3A_270, %dma_start3A_271, %dma_start3A_272, %dma_start3A_273] : memref<2x2x128x64xf32, #tpu.memory_space<vmem>> -> memref<1x1x128x64xf32, #tpu.memory_space<vmem>>
    %dma_start3A_275 = tpu.memref_squeeze %dma_start3A_274 : memref<1x1x128x64xf32, #tpu.memory_space<vmem>> -> memref<128x64xf32, #tpu.memory_space<vmem>>
    %dma_start3A_276 = arith.constant 0 : i32
    %dma_start3A_277 = tpu.memref_slice %arg7[%add3A_269, %dma_start3A_276] : memref<152x128xi32, #tpu.memory_space<vmem>> -> memref<1x128xi32, #tpu.memory_space<vmem>>
    %dma_start3A_278 = tpu.memref_squeeze %dma_start3A_277 : memref<1x128xi32, #tpu.memory_space<vmem>> -> memref<128xi32, #tpu.memory_space<vmem>>
    %dma_start3A_279 = arith.constant 0 : i32
    %dma_start3A_280 = arith.constant 0 : i32
    %dma_start3A_281 = tpu.memref_slice %arg10[%dma_start3A_279, %dma_start3A_280] : memref<10112x64xf32, #tpu.memory_space<vmem_shared>> -> memref<10112x64xf32, #tpu.memory_space<vmem_shared>>
    tpu.enqueue_indirect_dma source(%dma_start3A_275 : memref<128x64xf32, #tpu.memory_space<vmem>>) target(%dma_start3A_281 : memref<10112x64xf32, #tpu.memory_space<vmem_shared>>) offsets(%dma_start3A_278 : memref<128xi32, #tpu.memory_space<vmem>>) semaphore(%arg13 : memref<!tpu.dma_semaphore, #tpu.memory_space<semaphore_mem>>) {add = true}
    %mul3A_282 = arith.constant 2 : i32
    %mul3A_283 = arith.muli %sub3A_265, %mul3A_282 : i32
    %add3A_284 = arith.constant 1 : i32
    %add3A_285 = arith.addi %mul3A_283, %add3A_284 : i32
    %dma_start3A_286 = arith.constant 0 : i32
    %dma_start3A_287 = arith.constant 1 : i32
    %dma_start3A_288 = arith.constant 0 : i32
    %dma_start3A_289 = arith.constant 0 : i32
    %dma_start3A_290 = tpu.memref_slice %arg8[%dma_start3A_286, %dma_start3A_287, %dma_start3A_288, %dma_start3A_289] : memref<2x2x128x64xf32, #tpu.memory_space<vmem>> -> memref<1x1x128x64xf32, #tpu.memory_space<vmem>>
    %dma_start3A_291 = tpu.memref_squeeze %dma_start3A_290 : memref<1x1x128x64xf32, #tpu.memory_space<vmem>> -> memref<128x64xf32, #tpu.memory_space<vmem>>
    %dma_start3A_292 = arith.constant 0 : i32
    %dma_start3A_293 = tpu.memref_slice %arg7[%add3A_285, %dma_start3A_292] : memref<152x128xi32, #tpu.memory_space<vmem>> -> memref<1x128xi32, #tpu.memory_space<vmem>>
    %dma_start3A_294 = tpu.memref_squeeze %dma_start3A_293 : memref<1x128xi32, #tpu.memory_space<vmem>> -> memref<128xi32, #tpu.memory_space<vmem>>
    %dma_start3A_295 = arith.constant 0 : i32
    %dma_start3A_296 = arith.constant 0 : i32
    %dma_start3A_297 = tpu.memref_slice %arg10[%dma_start3A_295, %dma_start3A_296] : memref<10112x64xf32, #tpu.memory_space<vmem_shared>> -> memref<10112x64xf32, #tpu.memory_space<vmem_shared>>
    tpu.enqueue_indirect_dma source(%dma_start3A_291 : memref<128x64xf32, #tpu.memory_space<vmem>>) target(%dma_start3A_297 : memref<10112x64xf32, #tpu.memory_space<vmem_shared>>) offsets(%dma_start3A_294 : memref<128xi32, #tpu.memory_space<vmem>>) semaphore(%arg13 : memref<!tpu.dma_semaphore, #tpu.memory_space<semaphore_mem>>) {add = true}
    %dma_wait3A_298 = arith.constant 0 : i32
    %dma_wait3A_299 = arith.constant 0 : i32
    %dma_wait3A_300 = arith.constant 0 : i32
    %dma_wait3A_301 = arith.constant 0 : i32
    %dma_wait3A_302 = tpu.memref_slice %arg8[%dma_wait3A_298, %dma_wait3A_299, %dma_wait3A_300, %dma_wait3A_301] : memref<2x2x128x64xf32, #tpu.memory_space<vmem>> -> memref<1x1x128x64xf32, #tpu.memory_space<vmem>>
    %dma_wait3A_303 = tpu.memref_squeeze %dma_wait3A_302 : memref<1x1x128x64xf32, #tpu.memory_space<vmem>> -> memref<128x64xf32, #tpu.memory_space<vmem>>
    %dma_wait3A_304 = arith.constant 0 : i32
    %dma_wait3A_305 = arith.constant 0 : i32
    %dma_wait3A_306 = tpu.memref_slice %arg10[%dma_wait3A_304, %dma_wait3A_305] : memref<10112x64xf32, #tpu.memory_space<vmem_shared>> -> memref<128x64xf32, #tpu.memory_space<vmem_shared>>
    %dma_wait3A_307 = arith.constant 0 : i32
    %dma_wait3A_308 = arith.constant 0 : i32
    %dma_wait3A_309 = tpu.memref_slice %arg10[%dma_wait3A_307, %dma_wait3A_308] : memref<10112x64xf32, #tpu.memory_space<vmem_shared>> -> memref<128x64xf32, #tpu.memory_space<vmem_shared>>
    %dma_wait3A_310 = arith.constant 0 : i32
    %dma_wait3A_311 = arith.constant 0 : i32
    %dma_wait3A_312 = tpu.memref_slice %arg8[%dma_wait3A_298, %dma_wait3A_299, %dma_wait3A_310, %dma_wait3A_311] : memref<2x2x128x64xf32, #tpu.memory_space<vmem>> -> memref<1x1x128x64xf32, #tpu.memory_space<vmem>>
    %dma_wait3A_313 = tpu.memref_squeeze %dma_wait3A_312 : memref<1x1x128x64xf32, #tpu.memory_space<vmem>> -> memref<128x64xf32, #tpu.memory_space<vmem>>
    tpu.wait_dma2 semaphore(%arg13 : memref<!tpu.dma_semaphore, #tpu.memory_space<semaphore_mem>>) src(%dma_wait3A_313 : memref<128x64xf32, #tpu.memory_space<vmem>>) dst(%dma_wait3A_309 : memref<128x64xf32, #tpu.memory_space<vmem_shared>>)
    %dma_wait3A_314 = arith.constant 0 : i32
    %dma_wait3A_315 = arith.constant 1 : i32
    %dma_wait3A_316 = arith.constant 0 : i32
    %dma_wait3A_317 = arith.constant 0 : i32
    %dma_wait3A_318 = tpu.memref_slice %arg8[%dma_wait3A_314, %dma_wait3A_315, %dma_wait3A_316, %dma_wait3A_317] : memref<2x2x128x64xf32, #tpu.memory_space<vmem>> -> memref<1x1x128x64xf32, #tpu.memory_space<vmem>>
    %dma_wait3A_319 = tpu.memref_squeeze %dma_wait3A_318 : memref<1x1x128x64xf32, #tpu.memory_space<vmem>> -> memref<128x64xf32, #tpu.memory_space<vmem>>
    %dma_wait3A_320 = arith.constant 0 : i32
    %dma_wait3A_321 = arith.constant 0 : i32
    %dma_wait3A_322 = tpu.memref_slice %arg10[%dma_wait3A_320, %dma_wait3A_321] : memref<10112x64xf32, #tpu.memory_space<vmem_shared>> -> memref<128x64xf32, #tpu.memory_space<vmem_shared>>
    %dma_wait3A_323 = arith.constant 0 : i32
    %dma_wait3A_324 = arith.constant 0 : i32
    %dma_wait3A_325 = tpu.memref_slice %arg10[%dma_wait3A_323, %dma_wait3A_324] : memref<10112x64xf32, #tpu.memory_space<vmem_shared>> -> memref<128x64xf32, #tpu.memory_space<vmem_shared>>
    %dma_wait3A_326 = arith.constant 0 : i32
    %dma_wait3A_327 = arith.constant 0 : i32
    %dma_wait3A_328 = tpu.memref_slice %arg8[%dma_wait3A_314, %dma_wait3A_315, %dma_wait3A_326, %dma_wait3A_327] : memref<2x2x128x64xf32, #tpu.memory_space<vmem>> -> memref<1x1x128x64xf32, #tpu.memory_space<vmem>>
    %dma_wait3A_329 = tpu.memref_squeeze %dma_wait3A_328 : memref<1x1x128x64xf32, #tpu.memory_space<vmem>> -> memref<128x64xf32, #tpu.memory_space<vmem>>
    tpu.wait_dma2 semaphore(%arg13 : memref<!tpu.dma_semaphore, #tpu.memory_space<semaphore_mem>>) src(%dma_wait3A_329 : memref<128x64xf32, #tpu.memory_space<vmem>>) dst(%dma_wait3A_325 : memref<128x64xf32, #tpu.memory_space<vmem_shared>>)
    %dma_wait3A_330 = arith.constant 1 : i32
    %dma_wait3A_331 = arith.constant 0 : i32
    %dma_wait3A_332 = arith.constant 0 : i32
    %dma_wait3A_333 = arith.constant 0 : i32
    %dma_wait3A_334 = tpu.memref_slice %arg8[%dma_wait3A_330, %dma_wait3A_331, %dma_wait3A_332, %dma_wait3A_333] : memref<2x2x128x64xf32, #tpu.memory_space<vmem>> -> memref<1x1x128x64xf32, #tpu.memory_space<vmem>>
    %dma_wait3A_335 = tpu.memref_squeeze %dma_wait3A_334 : memref<1x1x128x64xf32, #tpu.memory_space<vmem>> -> memref<128x64xf32, #tpu.memory_space<vmem>>
    %dma_wait3A_336 = arith.constant 0 : i32
    %dma_wait3A_337 = arith.constant 0 : i32
    %dma_wait3A_338 = tpu.memref_slice %arg2[%dma_wait3A_336, %dma_wait3A_337] : memref<10112x64xf32, #tpu.memory_space<hbm>> -> memref<128x64xf32, #tpu.memory_space<hbm>>
    %dma_wait3A_339 = arith.constant 0 : i32
    %dma_wait3A_340 = arith.constant 0 : i32
    %dma_wait3A_341 = tpu.memref_slice %arg8[%dma_wait3A_330, %dma_wait3A_331, %dma_wait3A_339, %dma_wait3A_340] : memref<2x2x128x64xf32, #tpu.memory_space<vmem>> -> memref<1x1x128x64xf32, #tpu.memory_space<vmem>>
    %dma_wait3A_342 = tpu.memref_squeeze %dma_wait3A_341 : memref<1x1x128x64xf32, #tpu.memory_space<vmem>> -> memref<128x64xf32, #tpu.memory_space<vmem>>
    %dma_wait3A_343 = arith.constant 0 : i32
    %dma_wait3A_344 = arith.constant 0 : i32
    %dma_wait3A_345 = tpu.memref_slice %arg2[%dma_wait3A_343, %dma_wait3A_344] : memref<10112x64xf32, #tpu.memory_space<hbm>> -> memref<128x64xf32, #tpu.memory_space<hbm>>
    tpu.wait_dma2 semaphore(%arg12 : memref<!tpu.dma_semaphore, #tpu.memory_space<semaphore_mem>>) src(%dma_wait3A_345 : memref<128x64xf32, #tpu.memory_space<hbm>>) dst(%dma_wait3A_342 : memref<128x64xf32, #tpu.memory_space<vmem>>)
    %dma_wait3A_346 = arith.constant 1 : i32
    %dma_wait3A_347 = arith.constant 1 : i32
    %dma_wait3A_348 = arith.constant 0 : i32
    %dma_wait3A_349 = arith.constant 0 : i32
    %dma_wait3A_350 = tpu.memref_slice %arg8[%dma_wait3A_346, %dma_wait3A_347, %dma_wait3A_348, %dma_wait3A_349] : memref<2x2x128x64xf32, #tpu.memory_space<vmem>> -> memref<1x1x128x64xf32, #tpu.memory_space<vmem>>
    %dma_wait3A_351 = tpu.memref_squeeze %dma_wait3A_350 : memref<1x1x128x64xf32, #tpu.memory_space<vmem>> -> memref<128x64xf32, #tpu.memory_space<vmem>>
    %dma_wait3A_352 = arith.constant 0 : i32
    %dma_wait3A_353 = arith.constant 0 : i32
    %dma_wait3A_354 = tpu.memref_slice %arg2[%dma_wait3A_352, %dma_wait3A_353] : memref<10112x64xf32, #tpu.memory_space<hbm>> -> memref<128x64xf32, #tpu.memory_space<hbm>>
    %dma_wait3A_355 = arith.constant 0 : i32
    %dma_wait3A_356 = arith.constant 0 : i32
    %dma_wait3A_357 = tpu.memref_slice %arg8[%dma_wait3A_346, %dma_wait3A_347, %dma_wait3A_355, %dma_wait3A_356] : memref<2x2x128x64xf32, #tpu.memory_space<vmem>> -> memref<1x1x128x64xf32, #tpu.memory_space<vmem>>
    %dma_wait3A_358 = tpu.memref_squeeze %dma_wait3A_357 : memref<1x1x128x64xf32, #tpu.memory_space<vmem>> -> memref<128x64xf32, #tpu.memory_space<vmem>>
    %dma_wait3A_359 = arith.constant 0 : i32
    %dma_wait3A_360 = arith.constant 0 : i32
    %dma_wait3A_361 = tpu.memref_slice %arg2[%dma_wait3A_359, %dma_wait3A_360] : memref<10112x64xf32, #tpu.memory_space<hbm>> -> memref<128x64xf32, #tpu.memory_space<hbm>>
    tpu.wait_dma2 semaphore(%arg12 : memref<!tpu.dma_semaphore, #tpu.memory_space<semaphore_mem>>) src(%dma_wait3A_361 : memref<128x64xf32, #tpu.memory_space<hbm>>) dst(%dma_wait3A_358 : memref<128x64xf32, #tpu.memory_space<vmem>>)
    %sub3A_362 = arith.constant 1 : i32
    %sub3A_363 = arith.subi %select_n3A_139, %sub3A_362 : i32
    %mul3A_364 = arith.constant 2 : i32
    %mul3A_365 = arith.muli %sub3A_363, %mul3A_364 : i32
    %add3A_366 = arith.constant 0 : i32
    %add3A_367 = arith.addi %mul3A_365, %add3A_366 : i32
    %dma_start3A_368 = arith.constant 1 : i32
    %dma_start3A_369 = arith.constant 0 : i32
    %dma_start3A_370 = arith.constant 0 : i32
    %dma_start3A_371 = arith.constant 0 : i32
    %dma_start3A_372 = tpu.memref_slice %arg8[%dma_start3A_368, %dma_start3A_369, %dma_start3A_370, %dma_start3A_371] : memref<2x2x128x64xf32, #tpu.memory_space<vmem>> -> memref<1x1x128x64xf32, #tpu.memory_space<vmem>>
    %dma_start3A_373 = tpu.memref_squeeze %dma_start3A_372 : memref<1x1x128x64xf32, #tpu.memory_space<vmem>> -> memref<128x64xf32, #tpu.memory_space<vmem>>
    %dma_start3A_374 = arith.constant 0 : i32
    %dma_start3A_375 = tpu.memref_slice %arg7[%add3A_367, %dma_start3A_374] : memref<152x128xi32, #tpu.memory_space<vmem>> -> memref<1x128xi32, #tpu.memory_space<vmem>>
    %dma_start3A_376 = tpu.memref_squeeze %dma_start3A_375 : memref<1x128xi32, #tpu.memory_space<vmem>> -> memref<128xi32, #tpu.memory_space<vmem>>
    %dma_start3A_377 = arith.constant 0 : i32
    %dma_start3A_378 = arith.constant 0 : i32
    %dma_start3A_379 = tpu.memref_slice %arg10[%dma_start3A_377, %dma_start3A_378] : memref<10112x64xf32, #tpu.memory_space<vmem_shared>> -> memref<10112x64xf32, #tpu.memory_space<vmem_shared>>
    tpu.enqueue_indirect_dma source(%dma_start3A_373 : memref<128x64xf32, #tpu.memory_space<vmem>>) target(%dma_start3A_379 : memref<10112x64xf32, #tpu.memory_space<vmem_shared>>) offsets(%dma_start3A_376 : memref<128xi32, #tpu.memory_space<vmem>>) semaphore(%arg14 : memref<!tpu.dma_semaphore, #tpu.memory_space<semaphore_mem>>) {add = true}
    %mul3A_380 = arith.constant 2 : i32
    %mul3A_381 = arith.muli %sub3A_363, %mul3A_380 : i32
    %add3A_382 = arith.constant 1 : i32
    %add3A_383 = arith.addi %mul3A_381, %add3A_382 : i32
    %dma_start3A_384 = arith.constant 1 : i32
    %dma_start3A_385 = arith.constant 1 : i32
    %dma_start3A_386 = arith.constant 0 : i32
    %dma_start3A_387 = arith.constant 0 : i32
    %dma_start3A_388 = tpu.memref_slice %arg8[%dma_start3A_384, %dma_start3A_385, %dma_start3A_386, %dma_start3A_387] : memref<2x2x128x64xf32, #tpu.memory_space<vmem>> -> memref<1x1x128x64xf32, #tpu.memory_space<vmem>>
    %dma_start3A_389 = tpu.memref_squeeze %dma_start3A_388 : memref<1x1x128x64xf32, #tpu.memory_space<vmem>> -> memref<128x64xf32, #tpu.memory_space<vmem>>
    %dma_start3A_390 = arith.constant 0 : i32
    %dma_start3A_391 = tpu.memref_slice %arg7[%add3A_383, %dma_start3A_390] : memref<152x128xi32, #tpu.memory_space<vmem>> -> memref<1x128xi32, #tpu.memory_space<vmem>>
    %dma_start3A_392 = tpu.memref_squeeze %dma_start3A_391 : memref<1x128xi32, #tpu.memory_space<vmem>> -> memref<128xi32, #tpu.memory_space<vmem>>
    %dma_start3A_393 = arith.constant 0 : i32
    %dma_start3A_394 = arith.constant 0 : i32
    %dma_start3A_395 = tpu.memref_slice %arg10[%dma_start3A_393, %dma_start3A_394] : memref<10112x64xf32, #tpu.memory_space<vmem_shared>> -> memref<10112x64xf32, #tpu.memory_space<vmem_shared>>
    tpu.enqueue_indirect_dma source(%dma_start3A_389 : memref<128x64xf32, #tpu.memory_space<vmem>>) target(%dma_start3A_395 : memref<10112x64xf32, #tpu.memory_space<vmem_shared>>) offsets(%dma_start3A_392 : memref<128xi32, #tpu.memory_space<vmem>>) semaphore(%arg14 : memref<!tpu.dma_semaphore, #tpu.memory_space<semaphore_mem>>) {add = true}
    %dma_wait3A_396 = arith.constant 1 : i32
    %dma_wait3A_397 = arith.constant 0 : i32
    %dma_wait3A_398 = arith.constant 0 : i32
    %dma_wait3A_399 = arith.constant 0 : i32
    %dma_wait3A_400 = tpu.memref_slice %arg8[%dma_wait3A_396, %dma_wait3A_397, %dma_wait3A_398, %dma_wait3A_399] : memref<2x2x128x64xf32, #tpu.memory_space<vmem>> -> memref<1x1x128x64xf32, #tpu.memory_space<vmem>>
    %dma_wait3A_401 = tpu.memref_squeeze %dma_wait3A_400 : memref<1x1x128x64xf32, #tpu.memory_space<vmem>> -> memref<128x64xf32, #tpu.memory_space<vmem>>
    %dma_wait3A_402 = arith.constant 0 : i32
    %dma_wait3A_403 = arith.constant 0 : i32
    %dma_wait3A_404 = tpu.memref_slice %arg10[%dma_wait3A_402, %dma_wait3A_403] : memref<10112x64xf32, #tpu.memory_space<vmem_shared>> -> memref<128x64xf32, #tpu.memory_space<vmem_shared>>
    %dma_wait3A_405 = arith.constant 0 : i32
    %dma_wait3A_406 = arith.constant 0 : i32
    %dma_wait3A_407 = tpu.memref_slice %arg10[%dma_wait3A_405, %dma_wait3A_406] : memref<10112x64xf32, #tpu.memory_space<vmem_shared>> -> memref<128x64xf32, #tpu.memory_space<vmem_shared>>
    %dma_wait3A_408 = arith.constant 0 : i32
    %dma_wait3A_409 = arith.constant 0 : i32
    %dma_wait3A_410 = tpu.memref_slice %arg8[%dma_wait3A_396, %dma_wait3A_397, %dma_wait3A_408, %dma_wait3A_409] : memref<2x2x128x64xf32, #tpu.memory_space<vmem>> -> memref<1x1x128x64xf32, #tpu.memory_space<vmem>>
    %dma_wait3A_411 = tpu.memref_squeeze %dma_wait3A_410 : memref<1x1x128x64xf32, #tpu.memory_space<vmem>> -> memref<128x64xf32, #tpu.memory_space<vmem>>
    tpu.wait_dma2 semaphore(%arg14 : memref<!tpu.dma_semaphore, #tpu.memory_space<semaphore_mem>>) src(%dma_wait3A_411 : memref<128x64xf32, #tpu.memory_space<vmem>>) dst(%dma_wait3A_407 : memref<128x64xf32, #tpu.memory_space<vmem_shared>>)
    %dma_wait3A_412 = arith.constant 1 : i32
    %dma_wait3A_413 = arith.constant 1 : i32
    %dma_wait3A_414 = arith.constant 0 : i32
    %dma_wait3A_415 = arith.constant 0 : i32
    %dma_wait3A_416 = tpu.memref_slice %arg8[%dma_wait3A_412, %dma_wait3A_413, %dma_wait3A_414, %dma_wait3A_415] : memref<2x2x128x64xf32, #tpu.memory_space<vmem>> -> memref<1x1x128x64xf32, #tpu.memory_space<vmem>>
    %dma_wait3A_417 = tpu.memref_squeeze %dma_wait3A_416 : memref<1x1x128x64xf32, #tpu.memory_space<vmem>> -> memref<128x64xf32, #tpu.memory_space<vmem>>
    %dma_wait3A_418 = arith.constant 0 : i32
    %dma_wait3A_419 = arith.constant 0 : i32
    %dma_wait3A_420 = tpu.memref_slice %arg10[%dma_wait3A_418, %dma_wait3A_419] : memref<10112x64xf32, #tpu.memory_space<vmem_shared>> -> memref<128x64xf32, #tpu.memory_space<vmem_shared>>
    %dma_wait3A_421 = arith.constant 0 : i32
    %dma_wait3A_422 = arith.constant 0 : i32
    %dma_wait3A_423 = tpu.memref_slice %arg10[%dma_wait3A_421, %dma_wait3A_422] : memref<10112x64xf32, #tpu.memory_space<vmem_shared>> -> memref<128x64xf32, #tpu.memory_space<vmem_shared>>
    %dma_wait3A_424 = arith.constant 0 : i32
    %dma_wait3A_425 = arith.constant 0 : i32
    %dma_wait3A_426 = tpu.memref_slice %arg8[%dma_wait3A_412, %dma_wait3A_413, %dma_wait3A_424, %dma_wait3A_425] : memref<2x2x128x64xf32, #tpu.memory_space<vmem>> -> memref<1x1x128x64xf32, #tpu.memory_space<vmem>>
    %dma_wait3A_427 = tpu.memref_squeeze %dma_wait3A_426 : memref<1x1x128x64xf32, #tpu.memory_space<vmem>> -> memref<128x64xf32, #tpu.memory_space<vmem>>
    tpu.wait_dma2 semaphore(%arg14 : memref<!tpu.dma_semaphore, #tpu.memory_space<semaphore_mem>>) src(%dma_wait3A_427 : memref<128x64xf32, #tpu.memory_space<vmem>>) dst(%dma_wait3A_423 : memref<128x64xf32, #tpu.memory_space<vmem_shared>>)
    %barrier3A_428 = arith.constant 0 : index
    tpu.barrier barrier_id(%barrier3A_428)
    %mul3A_429 = arith.constant 632 : i32
    %mul3A_430 = arith.muli %arg1, %mul3A_429 : i32
    %mul3A_431 = arith.constant 632 : i32
    %mul3A_432 = arith.muli %arg1, %mul3A_431 : i32
    "tpu.region"() ({
      %run_scoped3A = tpu.sem_alloc : memref<!tpu.dma_semaphore, #tpu.memory_space<semaphore_mem>>
      %dma_start3A_433 = arith.constant 0 : i32
      %dma_start3A_434 = arith.constant 0 : i32
      %dma_start3A_435 = tpu.memref_slice %arg5[%arg0, %dma_start3A_433, %dma_start3A_434] : memref<2x10112x64xf32, #tpu.memory_space<hbm>> -> memref<1x10112x64xf32, #tpu.memory_space<hbm>>
      %dma_start3A_436 = tpu.memref_squeeze %dma_start3A_435 : memref<1x10112x64xf32, #tpu.memory_space<hbm>> -> memref<10112x64xf32, #tpu.memory_space<hbm>>
      %dma_start3A_437 = arith.constant 0 : i32
      %dma_start3A_438 = tpu.memref_slice %dma_start3A_436[%mul3A_432, %dma_start3A_437] : memref<10112x64xf32, #tpu.memory_space<hbm>> -> memref<632x64xf32, #tpu.memory_space<hbm>>
      %dma_start3A_439 = arith.constant 0 : i32
      %dma_start3A_440 = tpu.memref_slice %arg10[%mul3A_430, %dma_start3A_439] : memref<10112x64xf32, #tpu.memory_space<vmem_shared>> -> memref<632x64xf32, #tpu.memory_space<vmem_shared>>
      tpu.enqueue_dma source(%dma_start3A_440 : memref<632x64xf32, #tpu.memory_space<vmem_shared>>) target(%dma_start3A_438 : memref<632x64xf32, #tpu.memory_space<hbm>>) target_semaphore(%run_scoped3A : memref<!tpu.dma_semaphore, #tpu.memory_space<semaphore_mem>>)
      %dma_wait3A_441 = arith.constant 0 : i32
      %dma_wait3A_442 = arith.constant 0 : i32
      %dma_wait3A_443 = tpu.memref_slice %arg5[%arg0, %dma_wait3A_441, %dma_wait3A_442] : memref<2x10112x64xf32, #tpu.memory_space<hbm>> -> memref<1x10112x64xf32, #tpu.memory_space<hbm>>
      %dma_wait3A_444 = tpu.memref_squeeze %dma_wait3A_443 : memref<1x10112x64xf32, #tpu.memory_space<hbm>> -> memref<10112x64xf32, #tpu.memory_space<hbm>>
      %dma_wait3A_445 = arith.constant 0 : i32
      %dma_wait3A_446 = tpu.memref_slice %dma_wait3A_444[%mul3A_432, %dma_wait3A_445] : memref<10112x64xf32, #tpu.memory_space<hbm>> -> memref<632x64xf32, #tpu.memory_space<hbm>>
      %dma_wait3A_447 = arith.constant 0 : i32
      %dma_wait3A_448 = tpu.memref_slice %arg10[%mul3A_430, %dma_wait3A_447] : memref<10112x64xf32, #tpu.memory_space<vmem_shared>> -> memref<632x64xf32, #tpu.memory_space<vmem_shared>>
      tpu.wait_dma2 semaphore(%run_scoped3A : memref<!tpu.dma_semaphore, #tpu.memory_space<semaphore_mem>>) src(%dma_wait3A_448 : memref<632x64xf32, #tpu.memory_space<vmem_shared>>) dst(%dma_wait3A_446 : memref<632x64xf32, #tpu.memory_space<hbm>>)
      tpu.yield
    }) : () -> ()
    return
  }
}

#map = affine_map<(d0, d1) -> (0, 0)>
#map1 = affine_map<(d0, d1) -> (0, 0, 0)>
module attributes {stable_mosaic.version = 14 : i64} {
  func.func @agg(%arg0: i32, %arg1: i32, %arg2: memref<10112x64xf32, #tpu.memory_space<hbm>>, %arg3: memref<2592x128xi32, #tpu.memory_space<hbm>>, %arg4: memref<2592x128xi32, #tpu.memory_space<hbm>>, %arg5: memref<2x10112x64xf32, #tpu.memory_space<hbm>>, %arg6: memref<152x128xi32, #tpu.memory_space<vmem>>, %arg7: memref<152x128xi32, #tpu.memory_space<vmem>>, %arg8: memref<2x2x128x64xf32, #tpu.memory_space<vmem>>, %arg9: memref<79x64xf32, #tpu.memory_space<vmem>>, %arg10: memref<10112x64xf32, #tpu.memory_space<vmem_shared>>, %arg11: memref<!tpu.dma_semaphore, #tpu.memory_space<semaphore_mem>>, %arg12: memref<!tpu.dma_semaphore, #tpu.memory_space<semaphore_mem>>, %arg13: memref<!tpu.dma_semaphore, #tpu.memory_space<semaphore_mem>>, %arg14: memref<!tpu.dma_semaphore, #tpu.memory_space<semaphore_mem>>) attributes {dimension_semantics = [#tpu.dimension_semantics<core_parallel>, #tpu.dimension_semantics<subcore_parallel>], iteration_bounds = array<i64: 2, 16>, scalar_prefetch = 0 : i64, scratch_operands = 9 : i64, tpu.core_type = #tpu.core_type<sc_vector_subcore>, window_params = [{transform_indices = #map}, {transform_indices = #map}, {transform_indices = #map}, {transform_indices = #map1}]} {
    %eq3A = arith.constant 0 : i32
    %eq3A_0 = arith.cmpi eq, %arg0, %eq3A : i32
    %jit3A = arith.constant 152 : i32
    %jit3A_1 = arith.constant 8 : i32
    %select_n3A = arith.select %eq3A_0, %jit3A, %jit3A_1 : i32
    %mul3A = arith.constant 152 : i32
    %mul3A_2 = arith.muli %arg1, %mul3A : i32
    %mul3A_3 = arith.constant 8 : i32
    %mul3A_4 = arith.muli %arg1, %mul3A_3 : i32
    %add3A = arith.constant 2432 : i32
    %add3A_5 = arith.addi %add3A, %mul3A_4 : i32
    %select_n3A_6 = arith.select %eq3A_0, %mul3A_2, %add3A_5 : i32
    %scan3A = arith.constant 0 : i32
    %scan3A_7 = arith.constant 0 : i32
    %scan3A_8 = arith.constant 79 : i32
    %scan3A_9 = arith.addi %scan3A_7, %scan3A_8 : i32
    %scan3A_10 = arith.constant 1 : i32
    scf.for %scan3A_433 = %scan3A_7 to %scan3A_9 step %scan3A_10  : i32 {
      %broadcast_in_dim3A = arith.constant 0.000000e+00 : f32
      %broadcast_in_dim3A_434 = vector.broadcast %broadcast_in_dim3A : f32 to vector<16xf32>
      %swap3A = arith.index_cast %scan3A_433 : i32 to index
      %swap3A_435 = arith.constant 0 : index
      %swap3A_436 = tpu.vector_load %arg9[%swap3A, %swap3A_435] {strides = array<i32>} : memref<79x64xf32, #tpu.memory_space<vmem>>, vector<1x16xf32>,
      %swap3A_437 = vector.shape_cast %swap3A_436 : vector<1x16xf32> to vector<16xf32>
      %swap3A_438 = vector.shape_cast %broadcast_in_dim3A_434 : vector<16xf32> to vector<1x16xf32>
      tpu.vector_store %arg9[%swap3A, %swap3A_435], %swap3A_438 {strides = array<i32>} : memref<79x64xf32, #tpu.memory_space<vmem>>, vector<1x16xf32>,
      %broadcast_in_dim3A_439 = arith.constant 0.000000e+00 : f32
      %broadcast_in_dim3A_440 = vector.broadcast %broadcast_in_dim3A_439 : f32 to vector<16xf32>
      %swap3A_441 = arith.index_cast %scan3A_433 : i32 to index
      %swap3A_442 = arith.constant 16 : index
      %swap3A_443 = tpu.vector_load %arg9[%swap3A_441, %swap3A_442] {strides = array<i32>} : memref<79x64xf32, #tpu.memory_space<vmem>>, vector<1x16xf32>,
      %swap3A_444 = vector.shape_cast %swap3A_443 : vector<1x16xf32> to vector<16xf32>
      %swap3A_445 = vector.shape_cast %broadcast_in_dim3A_440 : vector<16xf32> to vector<1x16xf32>
      tpu.vector_store %arg9[%swap3A_441, %swap3A_442], %swap3A_445 {strides = array<i32>} : memref<79x64xf32, #tpu.memory_space<vmem>>, vector<1x16xf32>,
      %broadcast_in_dim3A_446 = arith.constant 0.000000e+00 : f32
      %broadcast_in_dim3A_447 = vector.broadcast %broadcast_in_dim3A_446 : f32 to vector<16xf32>
      %swap3A_448 = arith.index_cast %scan3A_433 : i32 to index
      %swap3A_449 = arith.constant 32 : index
      %swap3A_450 = tpu.vector_load %arg9[%swap3A_448, %swap3A_449] {strides = array<i32>} : memref<79x64xf32, #tpu.memory_space<vmem>>, vector<1x16xf32>,
      %swap3A_451 = vector.shape_cast %swap3A_450 : vector<1x16xf32> to vector<16xf32>
      %swap3A_452 = vector.shape_cast %broadcast_in_dim3A_447 : vector<16xf32> to vector<1x16xf32>
      tpu.vector_store %arg9[%swap3A_448, %swap3A_449], %swap3A_452 {strides = array<i32>} : memref<79x64xf32, #tpu.memory_space<vmem>>, vector<1x16xf32>,
      %broadcast_in_dim3A_453 = arith.constant 0.000000e+00 : f32
      %broadcast_in_dim3A_454 = vector.broadcast %broadcast_in_dim3A_453 : f32 to vector<16xf32>
      %swap3A_455 = arith.index_cast %scan3A_433 : i32 to index
      %swap3A_456 = arith.constant 48 : index
      %swap3A_457 = tpu.vector_load %arg9[%swap3A_455, %swap3A_456] {strides = array<i32>} : memref<79x64xf32, #tpu.memory_space<vmem>>, vector<1x16xf32>,
      %swap3A_458 = vector.shape_cast %swap3A_457 : vector<1x16xf32> to vector<16xf32>
      %swap3A_459 = vector.shape_cast %broadcast_in_dim3A_454 : vector<16xf32> to vector<1x16xf32>
      tpu.vector_store %arg9[%swap3A_455, %swap3A_456], %swap3A_459 {strides = array<i32>} : memref<79x64xf32, #tpu.memory_space<vmem>>, vector<1x16xf32>,
    }
    %scan3A_11 = arith.constant 79 : i32
    %mul3A_12 = arith.constant 632 : i32
    %mul3A_13 = arith.muli %arg1, %mul3A_12 : i32
    %add3A_14 = arith.constant 0 : i32
    %add3A_15 = arith.addi %mul3A_13, %add3A_14 : i32
    %dma_start3A = arith.constant 0 : i32
    %dma_start3A_16 = tpu.memref_slice %arg10[%add3A_15, %dma_start3A] : memref<10112x64xf32, #tpu.memory_space<vmem_shared>> -> memref<79x64xf32, #tpu.memory_space<vmem_shared>>
    %dma_start3A_17 = arith.constant 0 : i32
    %dma_start3A_18 = tpu.memref_slice %arg10[%add3A_15, %dma_start3A_17] : memref<10112x64xf32, #tpu.memory_space<vmem_shared>> -> memref<79x64xf32, #tpu.memory_space<vmem_shared>>
    tpu.enqueue_dma source(%arg9 : memref<79x64xf32, #tpu.memory_space<vmem>>) target(%dma_start3A_18 : memref<79x64xf32, #tpu.memory_space<vmem_shared>>) target_semaphore(%arg11 : memref<!tpu.dma_semaphore, #tpu.memory_space<semaphore_mem>>)
    %mul3A_19 = arith.constant 632 : i32
    %mul3A_20 = arith.muli %arg1, %mul3A_19 : i32
    %add3A_21 = arith.constant 79 : i32
    %add3A_22 = arith.addi %mul3A_20, %add3A_21 : i32
    %dma_start3A_23 = arith.constant 0 : i32
    %dma_start3A_24 = tpu.memref_slice %arg10[%add3A_22, %dma_start3A_23] : memref<10112x64xf32, #tpu.memory_space<vmem_shared>> -> memref<79x64xf32, #tpu.memory_space<vmem_shared>>
    %dma_start3A_25 = arith.constant 0 : i32
    %dma_start3A_26 = tpu.memref_slice %arg10[%add3A_22, %dma_start3A_25] : memref<10112x64xf32, #tpu.memory_space<vmem_shared>> -> memref<79x64xf32, #tpu.memory_space<vmem_shared>>
    tpu.enqueue_dma source(%arg9 : memref<79x64xf32, #tpu.memory_space<vmem>>) target(%dma_start3A_26 : memref<79x64xf32, #tpu.memory_space<vmem_shared>>) target_semaphore(%arg11 : memref<!tpu.dma_semaphore, #tpu.memory_space<semaphore_mem>>)
    %mul3A_27 = arith.constant 632 : i32
    %mul3A_28 = arith.muli %arg1, %mul3A_27 : i32
    %add3A_29 = arith.constant 158 : i32
    %add3A_30 = arith.addi %mul3A_28, %add3A_29 : i32
    %dma_start3A_31 = arith.constant 0 : i32
    %dma_start3A_32 = tpu.memref_slice %arg10[%add3A_30, %dma_start3A_31] : memref<10112x64xf32, #tpu.memory_space<vmem_shared>> -> memref<79x64xf32, #tpu.memory_space<vmem_shared>>
    %dma_start3A_33 = arith.constant 0 : i32
    %dma_start3A_34 = tpu.memref_slice %arg10[%add3A_30, %dma_start3A_33] : memref<10112x64xf32, #tpu.memory_space<vmem_shared>> -> memref<79x64xf32, #tpu.memory_space<vmem_shared>>
    tpu.enqueue_dma source(%arg9 : memref<79x64xf32, #tpu.memory_space<vmem>>) target(%dma_start3A_34 : memref<79x64xf32, #tpu.memory_space<vmem_shared>>) target_semaphore(%arg11 : memref<!tpu.dma_semaphore, #tpu.memory_space<semaphore_mem>>)
    %mul3A_35 = arith.constant 632 : i32
    %mul3A_36 = arith.muli %arg1, %mul3A_35 : i32
    %add3A_37 = arith.constant 237 : i32
    %add3A_38 = arith.addi %mul3A_36, %add3A_37 : i32
    %dma_start3A_39 = arith.constant 0 : i32
    %dma_start3A_40 = tpu.memref_slice %arg10[%add3A_38, %dma_start3A_39] : memref<10112x64xf32, #tpu.memory_space<vmem_shared>> -> memref<79x64xf32, #tpu.memory_space<vmem_shared>>
    %dma_start3A_41 = arith.constant 0 : i32
    %dma_start3A_42 = tpu.memref_slice %arg10[%add3A_38, %dma_start3A_41] : memref<10112x64xf32, #tpu.memory_space<vmem_shared>> -> memref<79x64xf32, #tpu.memory_space<vmem_shared>>
    tpu.enqueue_dma source(%arg9 : memref<79x64xf32, #tpu.memory_space<vmem>>) target(%dma_start3A_42 : memref<79x64xf32, #tpu.memory_space<vmem_shared>>) target_semaphore(%arg11 : memref<!tpu.dma_semaphore, #tpu.memory_space<semaphore_mem>>)
    %mul3A_43 = arith.constant 632 : i32
    %mul3A_44 = arith.muli %arg1, %mul3A_43 : i32
    %add3A_45 = arith.constant 316 : i32
    %add3A_46 = arith.addi %mul3A_44, %add3A_45 : i32
    %dma_start3A_47 = arith.constant 0 : i32
    %dma_start3A_48 = tpu.memref_slice %arg10[%add3A_46, %dma_start3A_47] : memref<10112x64xf32, #tpu.memory_space<vmem_shared>> -> memref<79x64xf32, #tpu.memory_space<vmem_shared>>
    %dma_start3A_49 = arith.constant 0 : i32
    %dma_start3A_50 = tpu.memref_slice %arg10[%add3A_46, %dma_start3A_49] : memref<10112x64xf32, #tpu.memory_space<vmem_shared>> -> memref<79x64xf32, #tpu.memory_space<vmem_shared>>
    tpu.enqueue_dma source(%arg9 : memref<79x64xf32, #tpu.memory_space<vmem>>) target(%dma_start3A_50 : memref<79x64xf32, #tpu.memory_space<vmem_shared>>) target_semaphore(%arg11 : memref<!tpu.dma_semaphore, #tpu.memory_space<semaphore_mem>>)
    %mul3A_51 = arith.constant 632 : i32
    %mul3A_52 = arith.muli %arg1, %mul3A_51 : i32
    %add3A_53 = arith.constant 395 : i32
    %add3A_54 = arith.addi %mul3A_52, %add3A_53 : i32
    %dma_start3A_55 = arith.constant 0 : i32
    %dma_start3A_56 = tpu.memref_slice %arg10[%add3A_54, %dma_start3A_55] : memref<10112x64xf32, #tpu.memory_space<vmem_shared>> -> memref<79x64xf32, #tpu.memory_space<vmem_shared>>
    %dma_start3A_57 = arith.constant 0 : i32
    %dma_start3A_58 = tpu.memref_slice %arg10[%add3A_54, %dma_start3A_57] : memref<10112x64xf32, #tpu.memory_space<vmem_shared>> -> memref<79x64xf32, #tpu.memory_space<vmem_shared>>
    tpu.enqueue_dma source(%arg9 : memref<79x64xf32, #tpu.memory_space<vmem>>) target(%dma_start3A_58 : memref<79x64xf32, #tpu.memory_space<vmem_shared>>) target_semaphore(%arg11 : memref<!tpu.dma_semaphore, #tpu.memory_space<semaphore_mem>>)
    %mul3A_59 = arith.constant 632 : i32
    %mul3A_60 = arith.muli %arg1, %mul3A_59 : i32
    %add3A_61 = arith.constant 474 : i32
    %add3A_62 = arith.addi %mul3A_60, %add3A_61 : i32
    %dma_start3A_63 = arith.constant 0 : i32
    %dma_start3A_64 = tpu.memref_slice %arg10[%add3A_62, %dma_start3A_63] : memref<10112x64xf32, #tpu.memory_space<vmem_shared>> -> memref<79x64xf32, #tpu.memory_space<vmem_shared>>
    %dma_start3A_65 = arith.constant 0 : i32
    %dma_start3A_66 = tpu.memref_slice %arg10[%add3A_62, %dma_start3A_65] : memref<10112x64xf32, #tpu.memory_space<vmem_shared>> -> memref<79x64xf32, #tpu.memory_space<vmem_shared>>
    tpu.enqueue_dma source(%arg9 : memref<79x64xf32, #tpu.memory_space<vmem>>) target(%dma_start3A_66 : memref<79x64xf32, #tpu.memory_space<vmem_shared>>) target_semaphore(%arg11 : memref<!tpu.dma_semaphore, #tpu.memory_space<semaphore_mem>>)
    %mul3A_67 = arith.constant 632 : i32
    %mul3A_68 = arith.muli %arg1, %mul3A_67 : i32
    %add3A_69 = arith.constant 553 : i32
    %add3A_70 = arith.addi %mul3A_68, %add3A_69 : i32
    %dma_start3A_71 = arith.constant 0 : i32
    %dma_start3A_72 = tpu.memref_slice %arg10[%add3A_70, %dma_start3A_71] : memref<10112x64xf32, #tpu.memory_space<vmem_shared>> -> memref<79x64xf32, #tpu.memory_space<vmem_shared>>
    %dma_start3A_73 = arith.constant 0 : i32
    %dma_start3A_74 = tpu.memref_slice %arg10[%add3A_70, %dma_start3A_73] : memref<10112x64xf32, #tpu.memory_space<vmem_shared>> -> memref<79x64xf32, #tpu.memory_space<vmem_shared>>
    tpu.enqueue_dma source(%arg9 : memref<79x64xf32, #tpu.memory_space<vmem>>) target(%dma_start3A_74 : memref<79x64xf32, #tpu.memory_space<vmem_shared>>) target_semaphore(%arg11 : memref<!tpu.dma_semaphore, #tpu.memory_space<semaphore_mem>>)
    %dma_wait3A = arith.constant 0 : i32
    %dma_wait3A_75 = arith.constant 0 : i32
    %dma_wait3A_76 = tpu.memref_slice %arg10[%dma_wait3A, %dma_wait3A_75] : memref<10112x64xf32, #tpu.memory_space<vmem_shared>> -> memref<79x64xf32, #tpu.memory_space<vmem_shared>>
    %dma_wait3A_77 = arith.constant 0 : i32
    %dma_wait3A_78 = arith.constant 0 : i32
    %dma_wait3A_79 = tpu.memref_slice %arg10[%dma_wait3A_77, %dma_wait3A_78] : memref<10112x64xf32, #tpu.memory_space<vmem_shared>> -> memref<79x64xf32, #tpu.memory_space<vmem_shared>>
    tpu.wait_dma2 semaphore(%arg11 : memref<!tpu.dma_semaphore, #tpu.memory_space<semaphore_mem>>) src(%arg9 : memref<79x64xf32, #tpu.memory_space<vmem>>) dst(%dma_wait3A_79 : memref<79x64xf32, #tpu.memory_space<vmem_shared>>)
    %dma_wait3A_80 = arith.constant 0 : i32
    %dma_wait3A_81 = arith.constant 0 : i32
    %dma_wait3A_82 = tpu.memref_slice %arg10[%dma_wait3A_80, %dma_wait3A_81] : memref<10112x64xf32, #tpu.memory_space<vmem_shared>> -> memref<79x64xf32, #tpu.memory_space<vmem_shared>>
    %dma_wait3A_83 = arith.constant 0 : i32
    %dma_wait3A_84 = arith.constant 0 : i32
    %dma_wait3A_85 = tpu.memref_slice %arg10[%dma_wait3A_83, %dma_wait3A_84] : memref<10112x64xf32, #tpu.memory_space<vmem_shared>> -> memref<79x64xf32, #tpu.memory_space<vmem_shared>>
    tpu.wait_dma2 semaphore(%arg11 : memref<!tpu.dma_semaphore, #tpu.memory_space<semaphore_mem>>) src(%arg9 : memref<79x64xf32, #tpu.memory_space<vmem>>) dst(%dma_wait3A_85 : memref<79x64xf32, #tpu.memory_space<vmem_shared>>)
    %dma_wait3A_86 = arith.constant 0 : i32
    %dma_wait3A_87 = arith.constant 0 : i32
    %dma_wait3A_88 = tpu.memref_slice %arg10[%dma_wait3A_86, %dma_wait3A_87] : memref<10112x64xf32, #tpu.memory_space<vmem_shared>> -> memref<79x64xf32, #tpu.memory_space<vmem_shared>>
    %dma_wait3A_89 = arith.constant 0 : i32
    %dma_wait3A_90 = arith.constant 0 : i32
    %dma_wait3A_91 = tpu.memref_slice %arg10[%dma_wait3A_89, %dma_wait3A_90] : memref<10112x64xf32, #tpu.memory_space<vmem_shared>> -> memref<79x64xf32, #tpu.memory_space<vmem_shared>>
    tpu.wait_dma2 semaphore(%arg11 : memref<!tpu.dma_semaphore, #tpu.memory_space<semaphore_mem>>) src(%arg9 : memref<79x64xf32, #tpu.memory_space<vmem>>) dst(%dma_wait3A_91 : memref<79x64xf32, #tpu.memory_space<vmem_shared>>)
    %dma_wait3A_92 = arith.constant 0 : i32
    %dma_wait3A_93 = arith.constant 0 : i32
    %dma_wait3A_94 = tpu.memref_slice %arg10[%dma_wait3A_92, %dma_wait3A_93] : memref<10112x64xf32, #tpu.memory_space<vmem_shared>> -> memref<79x64xf32, #tpu.memory_space<vmem_shared>>
    %dma_wait3A_95 = arith.constant 0 : i32
    %dma_wait3A_96 = arith.constant 0 : i32
    %dma_wait3A_97 = tpu.memref_slice %arg10[%dma_wait3A_95, %dma_wait3A_96] : memref<10112x64xf32, #tpu.memory_space<vmem_shared>> -> memref<79x64xf32, #tpu.memory_space<vmem_shared>>
    tpu.wait_dma2 semaphore(%arg11 : memref<!tpu.dma_semaphore, #tpu.memory_space<semaphore_mem>>) src(%arg9 : memref<79x64xf32, #tpu.memory_space<vmem>>) dst(%dma_wait3A_97 : memref<79x64xf32, #tpu.memory_space<vmem_shared>>)
    %dma_wait3A_98 = arith.constant 0 : i32
    %dma_wait3A_99 = arith.constant 0 : i32
    %dma_wait3A_100 = tpu.memref_slice %arg10[%dma_wait3A_98, %dma_wait3A_99] : memref<10112x64xf32, #tpu.memory_space<vmem_shared>> -> memref<79x64xf32, #tpu.memory_space<vmem_shared>>
    %dma_wait3A_101 = arith.constant 0 : i32
    %dma_wait3A_102 = arith.constant 0 : i32
    %dma_wait3A_103 = tpu.memref_slice %arg10[%dma_wait3A_101, %dma_wait3A_102] : memref<10112x64xf32, #tpu.memory_space<vmem_shared>> -> memref<79x64xf32, #tpu.memory_space<vmem_shared>>
    tpu.wait_dma2 semaphore(%arg11 : memref<!tpu.dma_semaphore, #tpu.memory_space<semaphore_mem>>) src(%arg9 : memref<79x64xf32, #tpu.memory_space<vmem>>) dst(%dma_wait3A_103 : memref<79x64xf32, #tpu.memory_space<vmem_shared>>)
    %dma_wait3A_104 = arith.constant 0 : i32
    %dma_wait3A_105 = arith.constant 0 : i32
    %dma_wait3A_106 = tpu.memref_slice %arg10[%dma_wait3A_104, %dma_wait3A_105] : memref<10112x64xf32, #tpu.memory_space<vmem_shared>> -> memref<79x64xf32, #tpu.memory_space<vmem_shared>>
    %dma_wait3A_107 = arith.constant 0 : i32
    %dma_wait3A_108 = arith.constant 0 : i32
    %dma_wait3A_109 = tpu.memref_slice %arg10[%dma_wait3A_107, %dma_wait3A_108] : memref<10112x64xf32, #tpu.memory_space<vmem_shared>> -> memref<79x64xf32, #tpu.memory_space<vmem_shared>>
    tpu.wait_dma2 semaphore(%arg11 : memref<!tpu.dma_semaphore, #tpu.memory_space<semaphore_mem>>) src(%arg9 : memref<79x64xf32, #tpu.memory_space<vmem>>) dst(%dma_wait3A_109 : memref<79x64xf32, #tpu.memory_space<vmem_shared>>)
    %dma_wait3A_110 = arith.constant 0 : i32
    %dma_wait3A_111 = arith.constant 0 : i32
    %dma_wait3A_112 = tpu.memref_slice %arg10[%dma_wait3A_110, %dma_wait3A_111] : memref<10112x64xf32, #tpu.memory_space<vmem_shared>> -> memref<79x64xf32, #tpu.memory_space<vmem_shared>>
    %dma_wait3A_113 = arith.constant 0 : i32
    %dma_wait3A_114 = arith.constant 0 : i32
    %dma_wait3A_115 = tpu.memref_slice %arg10[%dma_wait3A_113, %dma_wait3A_114] : memref<10112x64xf32, #tpu.memory_space<vmem_shared>> -> memref<79x64xf32, #tpu.memory_space<vmem_shared>>
    tpu.wait_dma2 semaphore(%arg11 : memref<!tpu.dma_semaphore, #tpu.memory_space<semaphore_mem>>) src(%arg9 : memref<79x64xf32, #tpu.memory_space<vmem>>) dst(%dma_wait3A_115 : memref<79x64xf32, #tpu.memory_space<vmem_shared>>)
    %dma_wait3A_116 = arith.constant 0 : i32
    %dma_wait3A_117 = arith.constant 0 : i32
    %dma_wait3A_118 = tpu.memref_slice %arg10[%dma_wait3A_116, %dma_wait3A_117] : memref<10112x64xf32, #tpu.memory_space<vmem_shared>> -> memref<79x64xf32, #tpu.memory_space<vmem_shared>>
    %dma_wait3A_119 = arith.constant 0 : i32
    %dma_wait3A_120 = arith.constant 0 : i32
    %dma_wait3A_121 = tpu.memref_slice %arg10[%dma_wait3A_119, %dma_wait3A_120] : memref<10112x64xf32, #tpu.memory_space<vmem_shared>> -> memref<79x64xf32, #tpu.memory_space<vmem_shared>>
    tpu.wait_dma2 semaphore(%arg11 : memref<!tpu.dma_semaphore, #tpu.memory_space<semaphore_mem>>) src(%arg9 : memref<79x64xf32, #tpu.memory_space<vmem>>) dst(%dma_wait3A_121 : memref<79x64xf32, #tpu.memory_space<vmem_shared>>)
    %barrier3A = arith.constant 0 : index
    tpu.barrier barrier_id(%barrier3A)
    %jit3A_122 = arith.constant 2 : i32
    %div3A = arith.divsi %select_n3A, %jit3A_122 : i32
    %sign3A = arith.constant 0 : i32
    %sign3A_123 = arith.cmpi sgt, %select_n3A, %sign3A : i32
    %sign3A_124 = arith.extui %sign3A_123 : i1 to i32
    %sign3A_125 = arith.constant 0 : i32
    %sign3A_126 = arith.cmpi slt, %select_n3A, %sign3A_125 : i32
    %sign3A_127 = arith.extui %sign3A_126 : i1 to i32
    %sign3A_128 = arith.subi %sign3A_124, %sign3A_127 : i32
    %sign3A_129 = arith.constant 0 : i32
    %sign3A_130 = arith.cmpi sgt, %jit3A_122, %sign3A_129 : i32
    %sign3A_131 = arith.extui %sign3A_130 : i1 to i32
    %sign3A_132 = arith.constant 0 : i32
    %sign3A_133 = arith.cmpi slt, %jit3A_122, %sign3A_132 : i32
    %sign3A_134 = arith.extui %sign3A_133 : i1 to i32
    %sign3A_135 = arith.subi %sign3A_131, %sign3A_134 : i32
    %ne3A = arith.cmpi ne, %sign3A_128, %sign3A_135 : i32
    %rem3A = arith.remsi %select_n3A, %jit3A_122 : i32
    %ne3A_136 = arith.constant 0 : i32
    %ne3A_137 = arith.cmpi ne, %rem3A, %ne3A_136 : i32
    %and3A = arith.andi %ne3A, %ne3A_137 : i1
    %sub3A = arith.constant 1 : i32
    %sub3A_138 = arith.subi %div3A, %sub3A : i32
    %select_n3A_139 = arith.select %and3A, %sub3A_138, %div3A : i32
    %convert_element_type3A = arith.extui %eq3A_0 : i1 to i32
    %cond3A = arith.constant 0 : i32
    %cond3A_140 = arith.cmpi ne, %convert_element_type3A, %cond3A : i32
    scf.if %cond3A_140 {
      "tpu.region"() ({
        %run_scoped3A = tpu.sem_alloc : memref<!tpu.dma_semaphore, #tpu.memory_space<semaphore_mem>>
        %dma_start3A_433 = arith.constant 0 : i32
        %dma_start3A_434 = tpu.memref_slice %arg3[%select_n3A_6, %dma_start3A_433] : memref<2592x128xi32, #tpu.memory_space<hbm>> -> memref<152x128xi32, #tpu.memory_space<hbm>>
        %dma_start3A_435 = arith.constant 0 : i32
        %dma_start3A_436 = tpu.memref_slice %arg3[%select_n3A_6, %dma_start3A_435] : memref<2592x128xi32, #tpu.memory_space<hbm>> -> memref<152x128xi32, #tpu.memory_space<hbm>>
        tpu.enqueue_dma source(%dma_start3A_436 : memref<152x128xi32, #tpu.memory_space<hbm>>) target(%arg6 : memref<152x128xi32, #tpu.memory_space<vmem>>) target_semaphore(%run_scoped3A : memref<!tpu.dma_semaphore, #tpu.memory_space<semaphore_mem>>)
        %dma_wait3A_437 = arith.constant 0 : i32
        %dma_wait3A_438 = tpu.memref_slice %arg3[%select_n3A_6, %dma_wait3A_437] : memref<2592x128xi32, #tpu.memory_space<hbm>> -> memref<152x128xi32, #tpu.memory_space<hbm>>
        %dma_wait3A_439 = arith.constant 0 : i32
        %dma_wait3A_440 = tpu.memref_slice %arg3[%select_n3A_6, %dma_wait3A_439] : memref<2592x128xi32, #tpu.memory_space<hbm>> -> memref<152x128xi32, #tpu.memory_space<hbm>>
        tpu.wait_dma2 semaphore(%run_scoped3A : memref<!tpu.dma_semaphore, #tpu.memory_space<semaphore_mem>>) src(%dma_wait3A_440 : memref<152x128xi32, #tpu.memory_space<hbm>>) dst(%arg6 : memref<152x128xi32, #tpu.memory_space<vmem>>)
        tpu.yield
      }) : () -> ()
      "tpu.region"() ({
        %run_scoped3A = tpu.sem_alloc : memref<!tpu.dma_semaphore, #tpu.memory_space<semaphore_mem>>
        %dma_start3A_433 = arith.constant 0 : i32
        %dma_start3A_434 = tpu.memref_slice %arg4[%select_n3A_6, %dma_start3A_433] : memref<2592x128xi32, #tpu.memory_space<hbm>> -> memref<152x128xi32, #tpu.memory_space<hbm>>
        %dma_start3A_435 = arith.constant 0 : i32
        %dma_start3A_436 = tpu.memref_slice %arg4[%select_n3A_6, %dma_start3A_435] : memref<2592x128xi32, #tpu.memory_space<hbm>> -> memref<152x128xi32, #tpu.memory_space<hbm>>
        tpu.enqueue_dma source(%dma_start3A_436 : memref<152x128xi32, #tpu.memory_space<hbm>>) target(%arg7 : memref<152x128xi32, #tpu.memory_space<vmem>>) target_semaphore(%run_scoped3A : memref<!tpu.dma_semaphore, #tpu.memory_space<semaphore_mem>>)
        %dma_wait3A_437 = arith.constant 0 : i32
        %dma_wait3A_438 = tpu.memref_slice %arg4[%select_n3A_6, %dma_wait3A_437] : memref<2592x128xi32, #tpu.memory_space<hbm>> -> memref<152x128xi32, #tpu.memory_space<hbm>>
        %dma_wait3A_439 = arith.constant 0 : i32
        %dma_wait3A_440 = tpu.memref_slice %arg4[%select_n3A_6, %dma_wait3A_439] : memref<2592x128xi32, #tpu.memory_space<hbm>> -> memref<152x128xi32, #tpu.memory_space<hbm>>
        tpu.wait_dma2 semaphore(%run_scoped3A : memref<!tpu.dma_semaphore, #tpu.memory_space<semaphore_mem>>) src(%dma_wait3A_440 : memref<152x128xi32, #tpu.memory_space<hbm>>) dst(%arg7 : memref<152x128xi32, #tpu.memory_space<vmem>>)
        tpu.yield
      }) : () -> ()
    } else {
    }
    %not3A = arith.constant true
    %not3A_141 = arith.xori %eq3A_0, %not3A : i1
    %convert_element_type3A_142 = arith.extui %not3A_141 : i1 to i32
    %cond3A_143 = arith.constant 0 : i32
    %cond3A_144 = arith.cmpi ne, %convert_element_type3A_142, %cond3A_143 : i32
    scf.if %cond3A_144 {
      "tpu.region"() ({
        %run_scoped3A = tpu.sem_alloc : memref<!tpu.dma_semaphore, #tpu.memory_space<semaphore_mem>>
        %dma_start3A_433 = arith.constant 0 : i32
        %dma_start3A_434 = arith.constant 0 : i32
        %dma_start3A_435 = tpu.memref_slice %arg6[%dma_start3A_433, %dma_start3A_434] : memref<152x128xi32, #tpu.memory_space<vmem>> -> memref<8x128xi32, #tpu.memory_space<vmem>>
        %dma_start3A_436 = arith.constant 0 : i32
        %dma_start3A_437 = tpu.memref_slice %arg3[%select_n3A_6, %dma_start3A_436] : memref<2592x128xi32, #tpu.memory_space<hbm>> -> memref<8x128xi32, #tpu.memory_space<hbm>>
        %dma_start3A_438 = arith.constant 0 : i32
        %dma_start3A_439 = arith.constant 0 : i32
        %dma_start3A_440 = tpu.memref_slice %arg6[%dma_start3A_438, %dma_start3A_439] : memref<152x128xi32, #tpu.memory_space<vmem>> -> memref<8x128xi32, #tpu.memory_space<vmem>>
        %dma_start3A_441 = arith.constant 0 : i32
        %dma_start3A_442 = tpu.memref_slice %arg3[%select_n3A_6, %dma_start3A_441] : memref<2592x128xi32, #tpu.memory_space<hbm>> -> memref<8x128xi32, #tpu.memory_space<hbm>>
        tpu.enqueue_dma source(%dma_start3A_442 : memref<8x128xi32, #tpu.memory_space<hbm>>) target(%dma_start3A_440 : memref<8x128xi32, #tpu.memory_space<vmem>>) target_semaphore(%run_scoped3A : memref<!tpu.dma_semaphore, #tpu.memory_space<semaphore_mem>>)
        %dma_wait3A_443 = arith.constant 0 : i32
        %dma_wait3A_444 = arith.constant 0 : i32
        %dma_wait3A_445 = tpu.memref_slice %arg6[%dma_wait3A_443, %dma_wait3A_444] : memref<152x128xi32, #tpu.memory_space<vmem>> -> memref<8x128xi32, #tpu.memory_space<vmem>>
        %dma_wait3A_446 = arith.constant 0 : i32
        %dma_wait3A_447 = tpu.memref_slice %arg3[%select_n3A_6, %dma_wait3A_446] : memref<2592x128xi32, #tpu.memory_space<hbm>> -> memref<8x128xi32, #tpu.memory_space<hbm>>
        %dma_wait3A_448 = arith.constant 0 : i32
        %dma_wait3A_449 = arith.constant 0 : i32
        %dma_wait3A_450 = tpu.memref_slice %arg6[%dma_wait3A_448, %dma_wait3A_449] : memref<152x128xi32, #tpu.memory_space<vmem>> -> memref<8x128xi32, #tpu.memory_space<vmem>>
        %dma_wait3A_451 = arith.constant 0 : i32
        %dma_wait3A_452 = tpu.memref_slice %arg3[%select_n3A_6, %dma_wait3A_451] : memref<2592x128xi32, #tpu.memory_space<hbm>> -> memref<8x128xi32, #tpu.memory_space<hbm>>
        tpu.wait_dma2 semaphore(%run_scoped3A : memref<!tpu.dma_semaphore, #tpu.memory_space<semaphore_mem>>) src(%dma_wait3A_452 : memref<8x128xi32, #tpu.memory_space<hbm>>) dst(%dma_wait3A_450 : memref<8x128xi32, #tpu.memory_space<vmem>>)
        tpu.yield
      }) : () -> ()
      "tpu.region"() ({
        %run_scoped3A = tpu.sem_alloc : memref<!tpu.dma_semaphore, #tpu.memory_space<semaphore_mem>>
        %dma_start3A_433 = arith.constant 0 : i32
        %dma_start3A_434 = arith.constant 0 : i32
        %dma_start3A_435 = tpu.memref_slice %arg7[%dma_start3A_433, %dma_start3A_434] : memref<152x128xi32, #tpu.memory_space<vmem>> -> memref<8x128xi32, #tpu.memory_space<vmem>>
        %dma_start3A_436 = arith.constant 0 : i32
        %dma_start3A_437 = tpu.memref_slice %arg4[%select_n3A_6, %dma_start3A_436] : memref<2592x128xi32, #tpu.memory_space<hbm>> -> memref<8x128xi32, #tpu.memory_space<hbm>>
        %dma_start3A_438 = arith.constant 0 : i32
        %dma_start3A_439 = arith.constant 0 : i32
        %dma_start3A_440 = tpu.memref_slice %arg7[%dma_start3A_438, %dma_start3A_439] : memref<152x128xi32, #tpu.memory_space<vmem>> -> memref<8x128xi32, #tpu.memory_space<vmem>>
        %dma_start3A_441 = arith.constant 0 : i32
        %dma_start3A_442 = tpu.memref_slice %arg4[%select_n3A_6, %dma_start3A_441] : memref<2592x128xi32, #tpu.memory_space<hbm>> -> memref<8x128xi32, #tpu.memory_space<hbm>>
        tpu.enqueue_dma source(%dma_start3A_442 : memref<8x128xi32, #tpu.memory_space<hbm>>) target(%dma_start3A_440 : memref<8x128xi32, #tpu.memory_space<vmem>>) target_semaphore(%run_scoped3A : memref<!tpu.dma_semaphore, #tpu.memory_space<semaphore_mem>>)
        %dma_wait3A_443 = arith.constant 0 : i32
        %dma_wait3A_444 = arith.constant 0 : i32
        %dma_wait3A_445 = tpu.memref_slice %arg7[%dma_wait3A_443, %dma_wait3A_444] : memref<152x128xi32, #tpu.memory_space<vmem>> -> memref<8x128xi32, #tpu.memory_space<vmem>>
        %dma_wait3A_446 = arith.constant 0 : i32
        %dma_wait3A_447 = tpu.memref_slice %arg4[%select_n3A_6, %dma_wait3A_446] : memref<2592x128xi32, #tpu.memory_space<hbm>> -> memref<8x128xi32, #tpu.memory_space<hbm>>
        %dma_wait3A_448 = arith.constant 0 : i32
        %dma_wait3A_449 = arith.constant 0 : i32
        %dma_wait3A_450 = tpu.memref_slice %arg7[%dma_wait3A_448, %dma_wait3A_449] : memref<152x128xi32, #tpu.memory_space<vmem>> -> memref<8x128xi32, #tpu.memory_space<vmem>>
        %dma_wait3A_451 = arith.constant 0 : i32
        %dma_wait3A_452 = tpu.memref_slice %arg4[%select_n3A_6, %dma_wait3A_451] : memref<2592x128xi32, #tpu.memory_space<hbm>> -> memref<8x128xi32, #tpu.memory_space<hbm>>
        tpu.wait_dma2 semaphore(%run_scoped3A : memref<!tpu.dma_semaphore, #tpu.memory_space<semaphore_mem>>) src(%dma_wait3A_452 : memref<8x128xi32, #tpu.memory_space<hbm>>) dst(%dma_wait3A_450 : memref<8x128xi32, #tpu.memory_space<vmem>>)
        tpu.yield
      }) : () -> ()
    } else {
    }
    %dma_start3A_145 = arith.constant 0 : i32
    %dma_start3A_146 = arith.constant 0 : i32
    %dma_start3A_147 = arith.constant 0 : i32
    %dma_start3A_148 = arith.constant 0 : i32
    %dma_start3A_149 = arith.constant 0 : i32
    %dma_start3A_150 = tpu.memref_slice %arg8[%dma_start3A_146, %dma_start3A_147, %dma_start3A_148, %dma_start3A_149] : memref<2x2x128x64xf32, #tpu.memory_space<vmem>> -> memref<1x1x128x64xf32, #tpu.memory_space<vmem>>
    %dma_start3A_151 = tpu.memref_squeeze %dma_start3A_150 : memref<1x1x128x64xf32, #tpu.memory_space<vmem>> -> memref<128x64xf32, #tpu.memory_space<vmem>>
    %dma_start3A_152 = arith.constant 0 : i32
    %dma_start3A_153 = tpu.memref_slice %arg6[%dma_start3A_145, %dma_start3A_152] : memref<152x128xi32, #tpu.memory_space<vmem>> -> memref<1x128xi32, #tpu.memory_space<vmem>>
    %dma_start3A_154 = tpu.memref_squeeze %dma_start3A_153 : memref<1x128xi32, #tpu.memory_space<vmem>> -> memref<128xi32, #tpu.memory_space<vmem>>
    %dma_start3A_155 = arith.constant 0 : i32
    %dma_start3A_156 = arith.constant 0 : i32
    %dma_start3A_157 = tpu.memref_slice %arg2[%dma_start3A_155, %dma_start3A_156] : memref<10112x64xf32, #tpu.memory_space<hbm>> -> memref<10112x64xf32, #tpu.memory_space<hbm>>
    tpu.enqueue_indirect_dma source(%dma_start3A_157 : memref<10112x64xf32, #tpu.memory_space<hbm>>) target(%dma_start3A_151 : memref<128x64xf32, #tpu.memory_space<vmem>>) offsets(%dma_start3A_154 : memref<128xi32, #tpu.memory_space<vmem>>) semaphore(%arg11 : memref<!tpu.dma_semaphore, #tpu.memory_space<semaphore_mem>>)
    %dma_start3A_158 = arith.constant 1 : i32
    %dma_start3A_159 = arith.constant 0 : i32
    %dma_start3A_160 = arith.constant 1 : i32
    %dma_start3A_161 = arith.constant 0 : i32
    %dma_start3A_162 = arith.constant 0 : i32
    %dma_start3A_163 = tpu.memref_slice %arg8[%dma_start3A_159, %dma_start3A_160, %dma_start3A_161, %dma_start3A_162] : memref<2x2x128x64xf32, #tpu.memory_space<vmem>> -> memref<1x1x128x64xf32, #tpu.memory_space<vmem>>
    %dma_start3A_164 = tpu.memref_squeeze %dma_start3A_163 : memref<1x1x128x64xf32, #tpu.memory_space<vmem>> -> memref<128x64xf32, #tpu.memory_space<vmem>>
    %dma_start3A_165 = arith.constant 0 : i32
    %dma_start3A_166 = tpu.memref_slice %arg6[%dma_start3A_158, %dma_start3A_165] : memref<152x128xi32, #tpu.memory_space<vmem>> -> memref<1x128xi32, #tpu.memory_space<vmem>>
    %dma_start3A_167 = tpu.memref_squeeze %dma_start3A_166 : memref<1x128xi32, #tpu.memory_space<vmem>> -> memref<128xi32, #tpu.memory_space<vmem>>
    %dma_start3A_168 = arith.constant 0 : i32
    %dma_start3A_169 = arith.constant 0 : i32
    %dma_start3A_170 = tpu.memref_slice %arg2[%dma_start3A_168, %dma_start3A_169] : memref<10112x64xf32, #tpu.memory_space<hbm>> -> memref<10112x64xf32, #tpu.memory_space<hbm>>
    tpu.enqueue_indirect_dma source(%dma_start3A_170 : memref<10112x64xf32, #tpu.memory_space<hbm>>) target(%dma_start3A_164 : memref<128x64xf32, #tpu.memory_space<vmem>>) offsets(%dma_start3A_167 : memref<128xi32, #tpu.memory_space<vmem>>) semaphore(%arg11 : memref<!tpu.dma_semaphore, #tpu.memory_space<semaphore_mem>>)
    %dma_start3A_171 = arith.constant 2 : i32
    %dma_start3A_172 = arith.constant 1 : i32
    %dma_start3A_173 = arith.constant 0 : i32
    %dma_start3A_174 = arith.constant 0 : i32
    %dma_start3A_175 = arith.constant 0 : i32
    %dma_start3A_176 = tpu.memref_slice %arg8[%dma_start3A_172, %dma_start3A_173, %dma_start3A_174, %dma_start3A_175] : memref<2x2x128x64xf32, #tpu.memory_space<vmem>> -> memref<1x1x128x64xf32, #tpu.memory_space<vmem>>
    %dma_start3A_177 = tpu.memref_squeeze %dma_start3A_176 : memref<1x1x128x64xf32, #tpu.memory_space<vmem>> -> memref<128x64xf32, #tpu.memory_space<vmem>>
    %dma_start3A_178 = arith.constant 0 : i32
    %dma_start3A_179 = tpu.memref_slice %arg6[%dma_start3A_171, %dma_start3A_178] : memref<152x128xi32, #tpu.memory_space<vmem>> -> memref<1x128xi32, #tpu.memory_space<vmem>>
    %dma_start3A_180 = tpu.memref_squeeze %dma_start3A_179 : memref<1x128xi32, #tpu.memory_space<vmem>> -> memref<128xi32, #tpu.memory_space<vmem>>
    %dma_start3A_181 = arith.constant 0 : i32
    %dma_start3A_182 = arith.constant 0 : i32
    %dma_start3A_183 = tpu.memref_slice %arg2[%dma_start3A_181, %dma_start3A_182] : memref<10112x64xf32, #tpu.memory_space<hbm>> -> memref<10112x64xf32, #tpu.memory_space<hbm>>
    tpu.enqueue_indirect_dma source(%dma_start3A_183 : memref<10112x64xf32, #tpu.memory_space<hbm>>) target(%dma_start3A_177 : memref<128x64xf32, #tpu.memory_space<vmem>>) offsets(%dma_start3A_180 : memref<128xi32, #tpu.memory_space<vmem>>) semaphore(%arg12 : memref<!tpu.dma_semaphore, #tpu.memory_space<semaphore_mem>>)
    %dma_start3A_184 = arith.constant 3 : i32
    %dma_start3A_185 = arith.constant 1 : i32
    %dma_start3A_186 = arith.constant 1 : i32
    %dma_start3A_187 = arith.constant 0 : i32
    %dma_start3A_188 = arith.constant 0 : i32
    %dma_start3A_189 = tpu.memref_slice %arg8[%dma_start3A_185, %dma_start3A_186, %dma_start3A_187, %dma_start3A_188] : memref<2x2x128x64xf32, #tpu.memory_space<vmem>> -> memref<1x1x128x64xf32, #tpu.memory_space<vmem>>
    %dma_start3A_190 = tpu.memref_squeeze %dma_start3A_189 : memref<1x1x128x64xf32, #tpu.memory_space<vmem>> -> memref<128x64xf32, #tpu.memory_space<vmem>>
    %dma_start3A_191 = arith.constant 0 : i32
    %dma_start3A_192 = tpu.memref_slice %arg6[%dma_start3A_184, %dma_start3A_191] : memref<152x128xi32, #tpu.memory_space<vmem>> -> memref<1x128xi32, #tpu.memory_space<vmem>>
    %dma_start3A_193 = tpu.memref_squeeze %dma_start3A_192 : memref<1x128xi32, #tpu.memory_space<vmem>> -> memref<128xi32, #tpu.memory_space<vmem>>
    %dma_start3A_194 = arith.constant 0 : i32
    %dma_start3A_195 = arith.constant 0 : i32
    %dma_start3A_196 = tpu.memref_slice %arg2[%dma_start3A_194, %dma_start3A_195] : memref<10112x64xf32, #tpu.memory_space<hbm>> -> memref<10112x64xf32, #tpu.memory_space<hbm>>
    tpu.enqueue_indirect_dma source(%dma_start3A_196 : memref<10112x64xf32, #tpu.memory_space<hbm>>) target(%dma_start3A_190 : memref<128x64xf32, #tpu.memory_space<vmem>>) offsets(%dma_start3A_193 : memref<128xi32, #tpu.memory_space<vmem>>) semaphore(%arg12 : memref<!tpu.dma_semaphore, #tpu.memory_space<semaphore_mem>>)
    %jit3A_197 = arith.constant 2 : i32
    %div3A_198 = arith.divsi %select_n3A_139, %jit3A_197 : i32
    %sign3A_199 = arith.constant 0 : i32
    %sign3A_200 = arith.cmpi sgt, %select_n3A_139, %sign3A_199 : i32
    %sign3A_201 = arith.extui %sign3A_200 : i1 to i32
    %sign3A_202 = arith.constant 0 : i32
    %sign3A_203 = arith.cmpi slt, %select_n3A_139, %sign3A_202 : i32
    %sign3A_204 = arith.extui %sign3A_203 : i1 to i32
    %sign3A_205 = arith.subi %sign3A_201, %sign3A_204 : i32
    %sign3A_206 = arith.constant 0 : i32
    %sign3A_207 = arith.cmpi sgt, %jit3A_197, %sign3A_206 : i32
    %sign3A_208 = arith.extui %sign3A_207 : i1 to i32
    %sign3A_209 = arith.constant 0 : i32
    %sign3A_210 = arith.cmpi slt, %jit3A_197, %sign3A_209 : i32
    %sign3A_211 = arith.extui %sign3A_210 : i1 to i32
    %sign3A_212 = arith.subi %sign3A_208, %sign3A_211 : i32
    %ne3A_213 = arith.cmpi ne, %sign3A_205, %sign3A_212 : i32
    %rem3A_214 = arith.remsi %select_n3A_139, %jit3A_197 : i32
    %ne3A_215 = arith.constant 0 : i32
    %ne3A_216 = arith.cmpi ne, %rem3A_214, %ne3A_215 : i32
    %and3A_217 = arith.andi %ne3A_213, %ne3A_216 : i1
    %sub3A_218 = arith.constant 1 : i32
    %sub3A_219 = arith.subi %div3A_198, %sub3A_218 : i32
    %select_n3A_220 = arith.select %and3A_217, %sub3A_219, %div3A_198 : i32
    %sub3A_221 = arith.constant 1 : i32
    %sub3A_222 = arith.subi %select_n3A_220, %sub3A_221 : i32
    %while3A = arith.constant 0 : i32
    %while3A_223 = arith.constant 0 : i32
    %while3A_224 = arith.subi %sub3A_222, %while3A_223 : i32
    %while3A_225 = arith.addi %while3A_223, %while3A_224 : i32
    %while3A_226 = arith.constant 1 : i32
    %while3A_227 = arith.divsi %while3A_224, %while3A_226 : i32
    %while3A_228 = arith.muli %while3A_227, %while3A_226 : i32
    %while3A_229 = arith.addi %while3A_223, %while3A_228 : i32
    %while3A_230 = arith.constant 1 : i32
    scf.for %while3A_433 = %while3A_223 to %while3A_229 step %while3A_230  : i32 {
      %mul3A_434 = arith.constant 2 : i32
      %mul3A_435 = arith.muli %mul3A_434, %while3A_433 : i32
      %dma_wait3A_436 = arith.constant 0 : i32
      %dma_wait3A_437 = arith.constant 0 : i32
      %dma_wait3A_438 = arith.constant 0 : i32
      %dma_wait3A_439 = arith.constant 0 : i32
      %dma_wait3A_440 = tpu.memref_slice %arg8[%dma_wait3A_436, %dma_wait3A_437, %dma_wait3A_438, %dma_wait3A_439] : memref<2x2x128x64xf32, #tpu.memory_space<vmem>> -> memref<1x1x128x64xf32, #tpu.memory_space<vmem>>
      %dma_wait3A_441 = tpu.memref_squeeze %dma_wait3A_440 : memref<1x1x128x64xf32, #tpu.memory_space<vmem>> -> memref<128x64xf32, #tpu.memory_space<vmem>>
      %dma_wait3A_442 = arith.constant 0 : i32
      %dma_wait3A_443 = arith.constant 0 : i32
      %dma_wait3A_444 = tpu.memref_slice %arg2[%dma_wait3A_442, %dma_wait3A_443] : memref<10112x64xf32, #tpu.memory_space<hbm>> -> memref<128x64xf32, #tpu.memory_space<hbm>>
      %dma_wait3A_445 = arith.constant 0 : i32
      %dma_wait3A_446 = arith.constant 0 : i32
      %dma_wait3A_447 = tpu.memref_slice %arg8[%dma_wait3A_436, %dma_wait3A_437, %dma_wait3A_445, %dma_wait3A_446] : memref<2x2x128x64xf32, #tpu.memory_space<vmem>> -> memref<1x1x128x64xf32, #tpu.memory_space<vmem>>
      %dma_wait3A_448 = tpu.memref_squeeze %dma_wait3A_447 : memref<1x1x128x64xf32, #tpu.memory_space<vmem>> -> memref<128x64xf32, #tpu.memory_space<vmem>>
      %dma_wait3A_449 = arith.constant 0 : i32
      %dma_wait3A_450 = arith.constant 0 : i32
      %dma_wait3A_451 = tpu.memref_slice %arg2[%dma_wait3A_449, %dma_wait3A_450] : memref<10112x64xf32, #tpu.memory_space<hbm>> -> memref<128x64xf32, #tpu.memory_space<hbm>>
      tpu.wait_dma2 semaphore(%arg11 : memref<!tpu.dma_semaphore, #tpu.memory_space<semaphore_mem>>) src(%dma_wait3A_451 : memref<128x64xf32, #tpu.memory_space<hbm>>) dst(%dma_wait3A_448 : memref<128x64xf32, #tpu.memory_space<vmem>>)
      %dma_wait3A_452 = arith.constant 0 : i32
      %dma_wait3A_453 = arith.constant 1 : i32
      %dma_wait3A_454 = arith.constant 0 : i32
      %dma_wait3A_455 = arith.constant 0 : i32
      %dma_wait3A_456 = tpu.memref_slice %arg8[%dma_wait3A_452, %dma_wait3A_453, %dma_wait3A_454, %dma_wait3A_455] : memref<2x2x128x64xf32, #tpu.memory_space<vmem>> -> memref<1x1x128x64xf32, #tpu.memory_space<vmem>>
      %dma_wait3A_457 = tpu.memref_squeeze %dma_wait3A_456 : memref<1x1x128x64xf32, #tpu.memory_space<vmem>> -> memref<128x64xf32, #tpu.memory_space<vmem>>
      %dma_wait3A_458 = arith.constant 0 : i32
      %dma_wait3A_459 = arith.constant 0 : i32
      %dma_wait3A_460 = tpu.memref_slice %arg2[%dma_wait3A_458, %dma_wait3A_459] : memref<10112x64xf32, #tpu.memory_space<hbm>> -> memref<128x64xf32, #tpu.memory_space<hbm>>
      %dma_wait3A_461 = arith.constant 0 : i32
      %dma_wait3A_462 = arith.constant 0 : i32
      %dma_wait3A_463 = tpu.memref_slice %arg8[%dma_wait3A_452, %dma_wait3A_453, %dma_wait3A_461, %dma_wait3A_462] : memref<2x2x128x64xf32, #tpu.memory_space<vmem>> -> memref<1x1x128x64xf32, #tpu.memory_space<vmem>>
      %dma_wait3A_464 = tpu.memref_squeeze %dma_wait3A_463 : memref<1x1x128x64xf32, #tpu.memory_space<vmem>> -> memref<128x64xf32, #tpu.memory_space<vmem>>
      %dma_wait3A_465 = arith.constant 0 : i32
      %dma_wait3A_466 = arith.constant 0 : i32
      %dma_wait3A_467 = tpu.memref_slice %arg2[%dma_wait3A_465, %dma_wait3A_466] : memref<10112x64xf32, #tpu.memory_space<hbm>> -> memref<128x64xf32, #tpu.memory_space<hbm>>
      tpu.wait_dma2 semaphore(%arg11 : memref<!tpu.dma_semaphore, #tpu.memory_space<semaphore_mem>>) src(%dma_wait3A_467 : memref<128x64xf32, #tpu.memory_space<hbm>>) dst(%dma_wait3A_464 : memref<128x64xf32, #tpu.memory_space<vmem>>)
      %mul3A_468 = arith.constant 2 : i32
      %mul3A_469 = arith.muli %mul3A_435, %mul3A_468 : i32
      %add3A_470 = arith.constant 0 : i32
      %add3A_471 = arith.addi %mul3A_469, %add3A_470 : i32
      %dma_start3A_472 = arith.constant 0 : i32
      %dma_start3A_473 = arith.constant 0 : i32
      %dma_start3A_474 = arith.constant 0 : i32
      %dma_start3A_475 = arith.constant 0 : i32
      %dma_start3A_476 = tpu.memref_slice %arg8[%dma_start3A_472, %dma_start3A_473, %dma_start3A_474, %dma_start3A_475] : memref<2x2x128x64xf32, #tpu.memory_space<vmem>> -> memref<1x1x128x64xf32, #tpu.memory_space<vmem>>
      %dma_start3A_477 = tpu.memref_squeeze %dma_start3A_476 : memref<1x1x128x64xf32, #tpu.memory_space<vmem>> -> memref<128x64xf32, #tpu.memory_space<vmem>>
      %dma_start3A_478 = arith.constant 0 : i32
      %dma_start3A_479 = tpu.memref_slice %arg7[%add3A_471, %dma_start3A_478] : memref<152x128xi32, #tpu.memory_space<vmem>> -> memref<1x128xi32, #tpu.memory_space<vmem>>
      %dma_start3A_480 = tpu.memref_squeeze %dma_start3A_479 : memref<1x128xi32, #tpu.memory_space<vmem>> -> memref<128xi32, #tpu.memory_space<vmem>>
      %dma_start3A_481 = arith.constant 0 : i32
      %dma_start3A_482 = arith.constant 0 : i32
      %dma_start3A_483 = tpu.memref_slice %arg10[%dma_start3A_481, %dma_start3A_482] : memref<10112x64xf32, #tpu.memory_space<vmem_shared>> -> memref<10112x64xf32, #tpu.memory_space<vmem_shared>>
      tpu.enqueue_indirect_dma source(%dma_start3A_477 : memref<128x64xf32, #tpu.memory_space<vmem>>) target(%dma_start3A_483 : memref<10112x64xf32, #tpu.memory_space<vmem_shared>>) offsets(%dma_start3A_480 : memref<128xi32, #tpu.memory_space<vmem>>) semaphore(%arg13 : memref<!tpu.dma_semaphore, #tpu.memory_space<semaphore_mem>>) {add = true}
      %mul3A_484 = arith.constant 2 : i32
      %mul3A_485 = arith.muli %mul3A_435, %mul3A_484 : i32
      %add3A_486 = arith.constant 1 : i32
      %add3A_487 = arith.addi %mul3A_485, %add3A_486 : i32
      %dma_start3A_488 = arith.constant 0 : i32
      %dma_start3A_489 = arith.constant 1 : i32
      %dma_start3A_490 = arith.constant 0 : i32
      %dma_start3A_491 = arith.constant 0 : i32
      %dma_start3A_492 = tpu.memref_slice %arg8[%dma_start3A_488, %dma_start3A_489, %dma_start3A_490, %dma_start3A_491] : memref<2x2x128x64xf32, #tpu.memory_space<vmem>> -> memref<1x1x128x64xf32, #tpu.memory_space<vmem>>
      %dma_start3A_493 = tpu.memref_squeeze %dma_start3A_492 : memref<1x1x128x64xf32, #tpu.memory_space<vmem>> -> memref<128x64xf32, #tpu.memory_space<vmem>>
      %dma_start3A_494 = arith.constant 0 : i32
      %dma_start3A_495 = tpu.memref_slice %arg7[%add3A_487, %dma_start3A_494] : memref<152x128xi32, #tpu.memory_space<vmem>> -> memref<1x128xi32, #tpu.memory_space<vmem>>
      %dma_start3A_496 = tpu.memref_squeeze %dma_start3A_495 : memref<1x128xi32, #tpu.memory_space<vmem>> -> memref<128xi32, #tpu.memory_space<vmem>>
      %dma_start3A_497 = arith.constant 0 : i32
      %dma_start3A_498 = arith.constant 0 : i32
      %dma_start3A_499 = tpu.memref_slice %arg10[%dma_start3A_497, %dma_start3A_498] : memref<10112x64xf32, #tpu.memory_space<vmem_shared>> -> memref<10112x64xf32, #tpu.memory_space<vmem_shared>>
      tpu.enqueue_indirect_dma source(%dma_start3A_493 : memref<128x64xf32, #tpu.memory_space<vmem>>) target(%dma_start3A_499 : memref<10112x64xf32, #tpu.memory_space<vmem_shared>>) offsets(%dma_start3A_496 : memref<128xi32, #tpu.memory_space<vmem>>) semaphore(%arg13 : memref<!tpu.dma_semaphore, #tpu.memory_space<semaphore_mem>>) {add = true}
      %dma_wait3A_500 = arith.constant 0 : i32
      %dma_wait3A_501 = arith.constant 0 : i32
      %dma_wait3A_502 = arith.constant 0 : i32
      %dma_wait3A_503 = arith.constant 0 : i32
      %dma_wait3A_504 = tpu.memref_slice %arg8[%dma_wait3A_500, %dma_wait3A_501, %dma_wait3A_502, %dma_wait3A_503] : memref<2x2x128x64xf32, #tpu.memory_space<vmem>> -> memref<1x1x128x64xf32, #tpu.memory_space<vmem>>
      %dma_wait3A_505 = tpu.memref_squeeze %dma_wait3A_504 : memref<1x1x128x64xf32, #tpu.memory_space<vmem>> -> memref<128x64xf32, #tpu.memory_space<vmem>>
      %dma_wait3A_506 = arith.constant 0 : i32
      %dma_wait3A_507 = arith.constant 0 : i32
      %dma_wait3A_508 = tpu.memref_slice %arg10[%dma_wait3A_506, %dma_wait3A_507] : memref<10112x64xf32, #tpu.memory_space<vmem_shared>> -> memref<128x64xf32, #tpu.memory_space<vmem_shared>>
      %dma_wait3A_509 = arith.constant 0 : i32
      %dma_wait3A_510 = arith.constant 0 : i32
      %dma_wait3A_511 = tpu.memref_slice %arg10[%dma_wait3A_509, %dma_wait3A_510] : memref<10112x64xf32, #tpu.memory_space<vmem_shared>> -> memref<128x64xf32, #tpu.memory_space<vmem_shared>>
      %dma_wait3A_512 = arith.constant 0 : i32
      %dma_wait3A_513 = arith.constant 0 : i32
      %dma_wait3A_514 = tpu.memref_slice %arg8[%dma_wait3A_500, %dma_wait3A_501, %dma_wait3A_512, %dma_wait3A_513] : memref<2x2x128x64xf32, #tpu.memory_space<vmem>> -> memref<1x1x128x64xf32, #tpu.memory_space<vmem>>
      %dma_wait3A_515 = tpu.memref_squeeze %dma_wait3A_514 : memref<1x1x128x64xf32, #tpu.memory_space<vmem>> -> memref<128x64xf32, #tpu.memory_space<vmem>>
      tpu.wait_dma2 semaphore(%arg13 : memref<!tpu.dma_semaphore, #tpu.memory_space<semaphore_mem>>) src(%dma_wait3A_515 : memref<128x64xf32, #tpu.memory_space<vmem>>) dst(%dma_wait3A_511 : memref<128x64xf32, #tpu.memory_space<vmem_shared>>)
      %dma_wait3A_516 = arith.constant 0 : i32
      %dma_wait3A_517 = arith.constant 1 : i32
      %dma_wait3A_518 = arith.constant 0 : i32
      %dma_wait3A_519 = arith.constant 0 : i32
      %dma_wait3A_520 = tpu.memref_slice %arg8[%dma_wait3A_516, %dma_wait3A_517, %dma_wait3A_518, %dma_wait3A_519] : memref<2x2x128x64xf32, #tpu.memory_space<vmem>> -> memref<1x1x128x64xf32, #tpu.memory_space<vmem>>
      %dma_wait3A_521 = tpu.memref_squeeze %dma_wait3A_520 : memref<1x1x128x64xf32, #tpu.memory_space<vmem>> -> memref<128x64xf32, #tpu.memory_space<vmem>>
      %dma_wait3A_522 = arith.constant 0 : i32
      %dma_wait3A_523 = arith.constant 0 : i32
      %dma_wait3A_524 = tpu.memref_slice %arg10[%dma_wait3A_522, %dma_wait3A_523] : memref<10112x64xf32, #tpu.memory_space<vmem_shared>> -> memref<128x64xf32, #tpu.memory_space<vmem_shared>>
      %dma_wait3A_525 = arith.constant 0 : i32
      %dma_wait3A_526 = arith.constant 0 : i32
      %dma_wait3A_527 = tpu.memref_slice %arg10[%dma_wait3A_525, %dma_wait3A_526] : memref<10112x64xf32, #tpu.memory_space<vmem_shared>> -> memref<128x64xf32, #tpu.memory_space<vmem_shared>>
      %dma_wait3A_528 = arith.constant 0 : i32
      %dma_wait3A_529 = arith.constant 0 : i32
      %dma_wait3A_530 = tpu.memref_slice %arg8[%dma_wait3A_516, %dma_wait3A_517, %dma_wait3A_528, %dma_wait3A_529] : memref<2x2x128x64xf32, #tpu.memory_space<vmem>> -> memref<1x1x128x64xf32, #tpu.memory_space<vmem>>
      %dma_wait3A_531 = tpu.memref_squeeze %dma_wait3A_530 : memref<1x1x128x64xf32, #tpu.memory_space<vmem>> -> memref<128x64xf32, #tpu.memory_space<vmem>>
      tpu.wait_dma2 semaphore(%arg13 : memref<!tpu.dma_semaphore, #tpu.memory_space<semaphore_mem>>) src(%dma_wait3A_531 : memref<128x64xf32, #tpu.memory_space<vmem>>) dst(%dma_wait3A_527 : memref<128x64xf32, #tpu.memory_space<vmem_shared>>)
      %add3A_532 = arith.constant 2 : i32
      %add3A_533 = arith.addi %mul3A_435, %add3A_532 : i32
      %mul3A_534 = arith.constant 2 : i32
      %mul3A_535 = arith.muli %add3A_533, %mul3A_534 : i32
      %add3A_536 = arith.constant 0 : i32
      %add3A_537 = arith.addi %mul3A_535, %add3A_536 : i32
      %dma_start3A_538 = arith.constant 0 : i32
      %dma_start3A_539 = arith.constant 0 : i32
      %dma_start3A_540 = arith.constant 0 : i32
      %dma_start3A_541 = arith.constant 0 : i32
      %dma_start3A_542 = tpu.memref_slice %arg8[%dma_start3A_538, %dma_start3A_539, %dma_start3A_540, %dma_start3A_541] : memref<2x2x128x64xf32, #tpu.memory_space<vmem>> -> memref<1x1x128x64xf32, #tpu.memory_space<vmem>>
      %dma_start3A_543 = tpu.memref_squeeze %dma_start3A_542 : memref<1x1x128x64xf32, #tpu.memory_space<vmem>> -> memref<128x64xf32, #tpu.memory_space<vmem>>
      %dma_start3A_544 = arith.constant 0 : i32
      %dma_start3A_545 = tpu.memref_slice %arg6[%add3A_537, %dma_start3A_544] : memref<152x128xi32, #tpu.memory_space<vmem>> -> memref<1x128xi32, #tpu.memory_space<vmem>>
      %dma_start3A_546 = tpu.memref_squeeze %dma_start3A_545 : memref<1x128xi32, #tpu.memory_space<vmem>> -> memref<128xi32, #tpu.memory_space<vmem>>
      %dma_start3A_547 = arith.constant 0 : i32
      %dma_start3A_548 = arith.constant 0 : i32
      %dma_start3A_549 = tpu.memref_slice %arg2[%dma_start3A_547, %dma_start3A_548] : memref<10112x64xf32, #tpu.memory_space<hbm>> -> memref<10112x64xf32, #tpu.memory_space<hbm>>
      tpu.enqueue_indirect_dma source(%dma_start3A_549 : memref<10112x64xf32, #tpu.memory_space<hbm>>) target(%dma_start3A_543 : memref<128x64xf32, #tpu.memory_space<vmem>>) offsets(%dma_start3A_546 : memref<128xi32, #tpu.memory_space<vmem>>) semaphore(%arg11 : memref<!tpu.dma_semaphore, #tpu.memory_space<semaphore_mem>>)
      %mul3A_550 = arith.constant 2 : i32
      %mul3A_551 = arith.muli %add3A_533, %mul3A_550 : i32
      %add3A_552 = arith.constant 1 : i32
      %add3A_553 = arith.addi %mul3A_551, %add3A_552 : i32
      %dma_start3A_554 = arith.constant 0 : i32
      %dma_start3A_555 = arith.constant 1 : i32
      %dma_start3A_556 = arith.constant 0 : i32
      %dma_start3A_557 = arith.constant 0 : i32
      %dma_start3A_558 = tpu.memref_slice %arg8[%dma_start3A_554, %dma_start3A_555, %dma_start3A_556, %dma_start3A_557] : memref<2x2x128x64xf32, #tpu.memory_space<vmem>> -> memref<1x1x128x64xf32, #tpu.memory_space<vmem>>
      %dma_start3A_559 = tpu.memref_squeeze %dma_start3A_558 : memref<1x1x128x64xf32, #tpu.memory_space<vmem>> -> memref<128x64xf32, #tpu.memory_space<vmem>>
      %dma_start3A_560 = arith.constant 0 : i32
      %dma_start3A_561 = tpu.memref_slice %arg6[%add3A_553, %dma_start3A_560] : memref<152x128xi32, #tpu.memory_space<vmem>> -> memref<1x128xi32, #tpu.memory_space<vmem>>
      %dma_start3A_562 = tpu.memref_squeeze %dma_start3A_561 : memref<1x128xi32, #tpu.memory_space<vmem>> -> memref<128xi32, #tpu.memory_space<vmem>>
      %dma_start3A_563 = arith.constant 0 : i32
      %dma_start3A_564 = arith.constant 0 : i32
      %dma_start3A_565 = tpu.memref_slice %arg2[%dma_start3A_563, %dma_start3A_564] : memref<10112x64xf32, #tpu.memory_space<hbm>> -> memref<10112x64xf32, #tpu.memory_space<hbm>>
      tpu.enqueue_indirect_dma source(%dma_start3A_565 : memref<10112x64xf32, #tpu.memory_space<hbm>>) target(%dma_start3A_559 : memref<128x64xf32, #tpu.memory_space<vmem>>) offsets(%dma_start3A_562 : memref<128xi32, #tpu.memory_space<vmem>>) semaphore(%arg11 : memref<!tpu.dma_semaphore, #tpu.memory_space<semaphore_mem>>)
      %dma_wait3A_566 = arith.constant 1 : i32
      %dma_wait3A_567 = arith.constant 0 : i32
      %dma_wait3A_568 = arith.constant 0 : i32
      %dma_wait3A_569 = arith.constant 0 : i32
      %dma_wait3A_570 = tpu.memref_slice %arg8[%dma_wait3A_566, %dma_wait3A_567, %dma_wait3A_568, %dma_wait3A_569] : memref<2x2x128x64xf32, #tpu.memory_space<vmem>> -> memref<1x1x128x64xf32, #tpu.memory_space<vmem>>
      %dma_wait3A_571 = tpu.memref_squeeze %dma_wait3A_570 : memref<1x1x128x64xf32, #tpu.memory_space<vmem>> -> memref<128x64xf32, #tpu.memory_space<vmem>>
      %dma_wait3A_572 = arith.constant 0 : i32
      %dma_wait3A_573 = arith.constant 0 : i32
      %dma_wait3A_574 = tpu.memref_slice %arg2[%dma_wait3A_572, %dma_wait3A_573] : memref<10112x64xf32, #tpu.memory_space<hbm>> -> memref<128x64xf32, #tpu.memory_space<hbm>>
      %dma_wait3A_575 = arith.constant 0 : i32
      %dma_wait3A_576 = arith.constant 0 : i32
      %dma_wait3A_577 = tpu.memref_slice %arg8[%dma_wait3A_566, %dma_wait3A_567, %dma_wait3A_575, %dma_wait3A_576] : memref<2x2x128x64xf32, #tpu.memory_space<vmem>> -> memref<1x1x128x64xf32, #tpu.memory_space<vmem>>
      %dma_wait3A_578 = tpu.memref_squeeze %dma_wait3A_577 : memref<1x1x128x64xf32, #tpu.memory_space<vmem>> -> memref<128x64xf32, #tpu.memory_space<vmem>>
      %dma_wait3A_579 = arith.constant 0 : i32
      %dma_wait3A_580 = arith.constant 0 : i32
      %dma_wait3A_581 = tpu.memref_slice %arg2[%dma_wait3A_579, %dma_wait3A_580] : memref<10112x64xf32, #tpu.memory_space<hbm>> -> memref<128x64xf32, #tpu.memory_space<hbm>>
      tpu.wait_dma2 semaphore(%arg12 : memref<!tpu.dma_semaphore, #tpu.memory_space<semaphore_mem>>) src(%dma_wait3A_581 : memref<128x64xf32, #tpu.memory_space<hbm>>) dst(%dma_wait3A_578 : memref<128x64xf32, #tpu.memory_space<vmem>>)
      %dma_wait3A_582 = arith.constant 1 : i32
      %dma_wait3A_583 = arith.constant 1 : i32
      %dma_wait3A_584 = arith.constant 0 : i32
      %dma_wait3A_585 = arith.constant 0 : i32
      %dma_wait3A_586 = tpu.memref_slice %arg8[%dma_wait3A_582, %dma_wait3A_583, %dma_wait3A_584, %dma_wait3A_585] : memref<2x2x128x64xf32, #tpu.memory_space<vmem>> -> memref<1x1x128x64xf32, #tpu.memory_space<vmem>>
      %dma_wait3A_587 = tpu.memref_squeeze %dma_wait3A_586 : memref<1x1x128x64xf32, #tpu.memory_space<vmem>> -> memref<128x64xf32, #tpu.memory_space<vmem>>
      %dma_wait3A_588 = arith.constant 0 : i32
      %dma_wait3A_589 = arith.constant 0 : i32
      %dma_wait3A_590 = tpu.memref_slice %arg2[%dma_wait3A_588, %dma_wait3A_589] : memref<10112x64xf32, #tpu.memory_space<hbm>> -> memref<128x64xf32, #tpu.memory_space<hbm>>
      %dma_wait3A_591 = arith.constant 0 : i32
      %dma_wait3A_592 = arith.constant 0 : i32
      %dma_wait3A_593 = tpu.memref_slice %arg8[%dma_wait3A_582, %dma_wait3A_583, %dma_wait3A_591, %dma_wait3A_592] : memref<2x2x128x64xf32, #tpu.memory_space<vmem>> -> memref<1x1x128x64xf32, #tpu.memory_space<vmem>>
      %dma_wait3A_594 = tpu.memref_squeeze %dma_wait3A_593 : memref<1x1x128x64xf32, #tpu.memory_space<vmem>> -> memref<128x64xf32, #tpu.memory_space<vmem>>
      %dma_wait3A_595 = arith.constant 0 : i32
      %dma_wait3A_596 = arith.constant 0 : i32
      %dma_wait3A_597 = tpu.memref_slice %arg2[%dma_wait3A_595, %dma_wait3A_596] : memref<10112x64xf32, #tpu.memory_space<hbm>> -> memref<128x64xf32, #tpu.memory_space<hbm>>
      tpu.wait_dma2 semaphore(%arg12 : memref<!tpu.dma_semaphore, #tpu.memory_space<semaphore_mem>>) src(%dma_wait3A_597 : memref<128x64xf32, #tpu.memory_space<hbm>>) dst(%dma_wait3A_594 : memref<128x64xf32, #tpu.memory_space<vmem>>)
      %add3A_598 = arith.constant 1 : i32
      %add3A_599 = arith.addi %mul3A_435, %add3A_598 : i32
      %mul3A_600 = arith.constant 2 : i32
      %mul3A_601 = arith.muli %add3A_599, %mul3A_600 : i32
      %add3A_602 = arith.constant 0 : i32
      %add3A_603 = arith.addi %mul3A_601, %add3A_602 : i32
      %dma_start3A_604 = arith.constant 1 : i32
      %dma_start3A_605 = arith.constant 0 : i32
      %dma_start3A_606 = arith.constant 0 : i32
      %dma_start3A_607 = arith.constant 0 : i32
      %dma_start3A_608 = tpu.memref_slice %arg8[%dma_start3A_604, %dma_start3A_605, %dma_start3A_606, %dma_start3A_607] : memref<2x2x128x64xf32, #tpu.memory_space<vmem>> -> memref<1x1x128x64xf32, #tpu.memory_space<vmem>>
      %dma_start3A_609 = tpu.memref_squeeze %dma_start3A_608 : memref<1x1x128x64xf32, #tpu.memory_space<vmem>> -> memref<128x64xf32, #tpu.memory_space<vmem>>
      %dma_start3A_610 = arith.constant 0 : i32
      %dma_start3A_611 = tpu.memref_slice %arg7[%add3A_603, %dma_start3A_610] : memref<152x128xi32, #tpu.memory_space<vmem>> -> memref<1x128xi32, #tpu.memory_space<vmem>>
      %dma_start3A_612 = tpu.memref_squeeze %dma_start3A_611 : memref<1x128xi32, #tpu.memory_space<vmem>> -> memref<128xi32, #tpu.memory_space<vmem>>
      %dma_start3A_613 = arith.constant 0 : i32
      %dma_start3A_614 = arith.constant 0 : i32
      %dma_start3A_615 = tpu.memref_slice %arg10[%dma_start3A_613, %dma_start3A_614] : memref<10112x64xf32, #tpu.memory_space<vmem_shared>> -> memref<10112x64xf32, #tpu.memory_space<vmem_shared>>
      tpu.enqueue_indirect_dma source(%dma_start3A_609 : memref<128x64xf32, #tpu.memory_space<vmem>>) target(%dma_start3A_615 : memref<10112x64xf32, #tpu.memory_space<vmem_shared>>) offsets(%dma_start3A_612 : memref<128xi32, #tpu.memory_space<vmem>>) semaphore(%arg14 : memref<!tpu.dma_semaphore, #tpu.memory_space<semaphore_mem>>) {add = true}
      %mul3A_616 = arith.constant 2 : i32
      %mul3A_617 = arith.muli %add3A_599, %mul3A_616 : i32
      %add3A_618 = arith.constant 1 : i32
      %add3A_619 = arith.addi %mul3A_617, %add3A_618 : i32
      %dma_start3A_620 = arith.constant 1 : i32
      %dma_start3A_621 = arith.constant 1 : i32
      %dma_start3A_622 = arith.constant 0 : i32
      %dma_start3A_623 = arith.constant 0 : i32
      %dma_start3A_624 = tpu.memref_slice %arg8[%dma_start3A_620, %dma_start3A_621, %dma_start3A_622, %dma_start3A_623] : memref<2x2x128x64xf32, #tpu.memory_space<vmem>> -> memref<1x1x128x64xf32, #tpu.memory_space<vmem>>
      %dma_start3A_625 = tpu.memref_squeeze %dma_start3A_624 : memref<1x1x128x64xf32, #tpu.memory_space<vmem>> -> memref<128x64xf32, #tpu.memory_space<vmem>>
      %dma_start3A_626 = arith.constant 0 : i32
      %dma_start3A_627 = tpu.memref_slice %arg7[%add3A_619, %dma_start3A_626] : memref<152x128xi32, #tpu.memory_space<vmem>> -> memref<1x128xi32, #tpu.memory_space<vmem>>
      %dma_start3A_628 = tpu.memref_squeeze %dma_start3A_627 : memref<1x128xi32, #tpu.memory_space<vmem>> -> memref<128xi32, #tpu.memory_space<vmem>>
      %dma_start3A_629 = arith.constant 0 : i32
      %dma_start3A_630 = arith.constant 0 : i32
      %dma_start3A_631 = tpu.memref_slice %arg10[%dma_start3A_629, %dma_start3A_630] : memref<10112x64xf32, #tpu.memory_space<vmem_shared>> -> memref<10112x64xf32, #tpu.memory_space<vmem_shared>>
      tpu.enqueue_indirect_dma source(%dma_start3A_625 : memref<128x64xf32, #tpu.memory_space<vmem>>) target(%dma_start3A_631 : memref<10112x64xf32, #tpu.memory_space<vmem_shared>>) offsets(%dma_start3A_628 : memref<128xi32, #tpu.memory_space<vmem>>) semaphore(%arg14 : memref<!tpu.dma_semaphore, #tpu.memory_space<semaphore_mem>>) {add = true}
      %dma_wait3A_632 = arith.constant 1 : i32
      %dma_wait3A_633 = arith.constant 0 : i32
      %dma_wait3A_634 = arith.constant 0 : i32
      %dma_wait3A_635 = arith.constant 0 : i32
      %dma_wait3A_636 = tpu.memref_slice %arg8[%dma_wait3A_632, %dma_wait3A_633, %dma_wait3A_634, %dma_wait3A_635] : memref<2x2x128x64xf32, #tpu.memory_space<vmem>> -> memref<1x1x128x64xf32, #tpu.memory_space<vmem>>
      %dma_wait3A_637 = tpu.memref_squeeze %dma_wait3A_636 : memref<1x1x128x64xf32, #tpu.memory_space<vmem>> -> memref<128x64xf32, #tpu.memory_space<vmem>>
      %dma_wait3A_638 = arith.constant 0 : i32
      %dma_wait3A_639 = arith.constant 0 : i32
      %dma_wait3A_640 = tpu.memref_slice %arg10[%dma_wait3A_638, %dma_wait3A_639] : memref<10112x64xf32, #tpu.memory_space<vmem_shared>> -> memref<128x64xf32, #tpu.memory_space<vmem_shared>>
      %dma_wait3A_641 = arith.constant 0 : i32
      %dma_wait3A_642 = arith.constant 0 : i32
      %dma_wait3A_643 = tpu.memref_slice %arg10[%dma_wait3A_641, %dma_wait3A_642] : memref<10112x64xf32, #tpu.memory_space<vmem_shared>> -> memref<128x64xf32, #tpu.memory_space<vmem_shared>>
      %dma_wait3A_644 = arith.constant 0 : i32
      %dma_wait3A_645 = arith.constant 0 : i32
      %dma_wait3A_646 = tpu.memref_slice %arg8[%dma_wait3A_632, %dma_wait3A_633, %dma_wait3A_644, %dma_wait3A_645] : memref<2x2x128x64xf32, #tpu.memory_space<vmem>> -> memref<1x1x128x64xf32, #tpu.memory_space<vmem>>
      %dma_wait3A_647 = tpu.memref_squeeze %dma_wait3A_646 : memref<1x1x128x64xf32, #tpu.memory_space<vmem>> -> memref<128x64xf32, #tpu.memory_space<vmem>>
      tpu.wait_dma2 semaphore(%arg14 : memref<!tpu.dma_semaphore, #tpu.memory_space<semaphore_mem>>) src(%dma_wait3A_647 : memref<128x64xf32, #tpu.memory_space<vmem>>) dst(%dma_wait3A_643 : memref<128x64xf32, #tpu.memory_space<vmem_shared>>)
      %dma_wait3A_648 = arith.constant 1 : i32
      %dma_wait3A_649 = arith.constant 1 : i32
      %dma_wait3A_650 = arith.constant 0 : i32
      %dma_wait3A_651 = arith.constant 0 : i32
      %dma_wait3A_652 = tpu.memref_slice %arg8[%dma_wait3A_648, %dma_wait3A_649, %dma_wait3A_650, %dma_wait3A_651] : memref<2x2x128x64xf32, #tpu.memory_space<vmem>> -> memref<1x1x128x64xf32, #tpu.memory_space<vmem>>
      %dma_wait3A_653 = tpu.memref_squeeze %dma_wait3A_652 : memref<1x1x128x64xf32, #tpu.memory_space<vmem>> -> memref<128x64xf32, #tpu.memory_space<vmem>>
      %dma_wait3A_654 = arith.constant 0 : i32
      %dma_wait3A_655 = arith.constant 0 : i32
      %dma_wait3A_656 = tpu.memref_slice %arg10[%dma_wait3A_654, %dma_wait3A_655] : memref<10112x64xf32, #tpu.memory_space<vmem_shared>> -> memref<128x64xf32, #tpu.memory_space<vmem_shared>>
      %dma_wait3A_657 = arith.constant 0 : i32
      %dma_wait3A_658 = arith.constant 0 : i32
      %dma_wait3A_659 = tpu.memref_slice %arg10[%dma_wait3A_657, %dma_wait3A_658] : memref<10112x64xf32, #tpu.memory_space<vmem_shared>> -> memref<128x64xf32, #tpu.memory_space<vmem_shared>>
      %dma_wait3A_660 = arith.constant 0 : i32
      %dma_wait3A_661 = arith.constant 0 : i32
      %dma_wait3A_662 = tpu.memref_slice %arg8[%dma_wait3A_648, %dma_wait3A_649, %dma_wait3A_660, %dma_wait3A_661] : memref<2x2x128x64xf32, #tpu.memory_space<vmem>> -> memref<1x1x128x64xf32, #tpu.memory_space<vmem>>
      %dma_wait3A_663 = tpu.memref_squeeze %dma_wait3A_662 : memref<1x1x128x64xf32, #tpu.memory_space<vmem>> -> memref<128x64xf32, #tpu.memory_space<vmem>>
      tpu.wait_dma2 semaphore(%arg14 : memref<!tpu.dma_semaphore, #tpu.memory_space<semaphore_mem>>) src(%dma_wait3A_663 : memref<128x64xf32, #tpu.memory_space<vmem>>) dst(%dma_wait3A_659 : memref<128x64xf32, #tpu.memory_space<vmem_shared>>)
      %add3A_664 = arith.constant 3 : i32
      %add3A_665 = arith.addi %mul3A_435, %add3A_664 : i32
      %mul3A_666 = arith.constant 2 : i32
      %mul3A_667 = arith.muli %add3A_665, %mul3A_666 : i32
      %add3A_668 = arith.constant 0 : i32
      %add3A_669 = arith.addi %mul3A_667, %add3A_668 : i32
      %dma_start3A_670 = arith.constant 1 : i32
      %dma_start3A_671 = arith.constant 0 : i32
      %dma_start3A_672 = arith.constant 0 : i32
      %dma_start3A_673 = arith.constant 0 : i32
      %dma_start3A_674 = tpu.memref_slice %arg8[%dma_start3A_670, %dma_start3A_671, %dma_start3A_672, %dma_start3A_673] : memref<2x2x128x64xf32, #tpu.memory_space<vmem>> -> memref<1x1x128x64xf32, #tpu.memory_space<vmem>>
      %dma_start3A_675 = tpu.memref_squeeze %dma_start3A_674 : memref<1x1x128x64xf32, #tpu.memory_space<vmem>> -> memref<128x64xf32, #tpu.memory_space<vmem>>
      %dma_start3A_676 = arith.constant 0 : i32
      %dma_start3A_677 = tpu.memref_slice %arg6[%add3A_669, %dma_start3A_676] : memref<152x128xi32, #tpu.memory_space<vmem>> -> memref<1x128xi32, #tpu.memory_space<vmem>>
      %dma_start3A_678 = tpu.memref_squeeze %dma_start3A_677 : memref<1x128xi32, #tpu.memory_space<vmem>> -> memref<128xi32, #tpu.memory_space<vmem>>
      %dma_start3A_679 = arith.constant 0 : i32
      %dma_start3A_680 = arith.constant 0 : i32
      %dma_start3A_681 = tpu.memref_slice %arg2[%dma_start3A_679, %dma_start3A_680] : memref<10112x64xf32, #tpu.memory_space<hbm>> -> memref<10112x64xf32, #tpu.memory_space<hbm>>
      tpu.enqueue_indirect_dma source(%dma_start3A_681 : memref<10112x64xf32, #tpu.memory_space<hbm>>) target(%dma_start3A_675 : memref<128x64xf32, #tpu.memory_space<vmem>>) offsets(%dma_start3A_678 : memref<128xi32, #tpu.memory_space<vmem>>) semaphore(%arg12 : memref<!tpu.dma_semaphore, #tpu.memory_space<semaphore_mem>>)
      %mul3A_682 = arith.constant 2 : i32
      %mul3A_683 = arith.muli %add3A_665, %mul3A_682 : i32
      %add3A_684 = arith.constant 1 : i32
      %add3A_685 = arith.addi %mul3A_683, %add3A_684 : i32
      %dma_start3A_686 = arith.constant 1 : i32
      %dma_start3A_687 = arith.constant 1 : i32
      %dma_start3A_688 = arith.constant 0 : i32
      %dma_start3A_689 = arith.constant 0 : i32
      %dma_start3A_690 = tpu.memref_slice %arg8[%dma_start3A_686, %dma_start3A_687, %dma_start3A_688, %dma_start3A_689] : memref<2x2x128x64xf32, #tpu.memory_space<vmem>> -> memref<1x1x128x64xf32, #tpu.memory_space<vmem>>
      %dma_start3A_691 = tpu.memref_squeeze %dma_start3A_690 : memref<1x1x128x64xf32, #tpu.memory_space<vmem>> -> memref<128x64xf32, #tpu.memory_space<vmem>>
      %dma_start3A_692 = arith.constant 0 : i32
      %dma_start3A_693 = tpu.memref_slice %arg6[%add3A_685, %dma_start3A_692] : memref<152x128xi32, #tpu.memory_space<vmem>> -> memref<1x128xi32, #tpu.memory_space<vmem>>
      %dma_start3A_694 = tpu.memref_squeeze %dma_start3A_693 : memref<1x128xi32, #tpu.memory_space<vmem>> -> memref<128xi32, #tpu.memory_space<vmem>>
      %dma_start3A_695 = arith.constant 0 : i32
      %dma_start3A_696 = arith.constant 0 : i32
      %dma_start3A_697 = tpu.memref_slice %arg2[%dma_start3A_695, %dma_start3A_696] : memref<10112x64xf32, #tpu.memory_space<hbm>> -> memref<10112x64xf32, #tpu.memory_space<hbm>>
      tpu.enqueue_indirect_dma source(%dma_start3A_697 : memref<10112x64xf32, #tpu.memory_space<hbm>>) target(%dma_start3A_691 : memref<128x64xf32, #tpu.memory_space<vmem>>) offsets(%dma_start3A_694 : memref<128xi32, #tpu.memory_space<vmem>>) semaphore(%arg12 : memref<!tpu.dma_semaphore, #tpu.memory_space<semaphore_mem>>)
    }
    %while3A_231 = arith.constant 1 : i32
    scf.for %while3A_433 = %while3A_229 to %while3A_225 step %while3A_231  : i32 {
      %mul3A_434 = arith.constant 2 : i32
      %mul3A_435 = arith.muli %mul3A_434, %while3A_433 : i32
      %dma_wait3A_436 = arith.constant 0 : i32
      %dma_wait3A_437 = arith.constant 0 : i32
      %dma_wait3A_438 = arith.constant 0 : i32
      %dma_wait3A_439 = arith.constant 0 : i32
      %dma_wait3A_440 = tpu.memref_slice %arg8[%dma_wait3A_436, %dma_wait3A_437, %dma_wait3A_438, %dma_wait3A_439] : memref<2x2x128x64xf32, #tpu.memory_space<vmem>> -> memref<1x1x128x64xf32, #tpu.memory_space<vmem>>
      %dma_wait3A_441 = tpu.memref_squeeze %dma_wait3A_440 : memref<1x1x128x64xf32, #tpu.memory_space<vmem>> -> memref<128x64xf32, #tpu.memory_space<vmem>>
      %dma_wait3A_442 = arith.constant 0 : i32
      %dma_wait3A_443 = arith.constant 0 : i32
      %dma_wait3A_444 = tpu.memref_slice %arg2[%dma_wait3A_442, %dma_wait3A_443] : memref<10112x64xf32, #tpu.memory_space<hbm>> -> memref<128x64xf32, #tpu.memory_space<hbm>>
      %dma_wait3A_445 = arith.constant 0 : i32
      %dma_wait3A_446 = arith.constant 0 : i32
      %dma_wait3A_447 = tpu.memref_slice %arg8[%dma_wait3A_436, %dma_wait3A_437, %dma_wait3A_445, %dma_wait3A_446] : memref<2x2x128x64xf32, #tpu.memory_space<vmem>> -> memref<1x1x128x64xf32, #tpu.memory_space<vmem>>
      %dma_wait3A_448 = tpu.memref_squeeze %dma_wait3A_447 : memref<1x1x128x64xf32, #tpu.memory_space<vmem>> -> memref<128x64xf32, #tpu.memory_space<vmem>>
      %dma_wait3A_449 = arith.constant 0 : i32
      %dma_wait3A_450 = arith.constant 0 : i32
      %dma_wait3A_451 = tpu.memref_slice %arg2[%dma_wait3A_449, %dma_wait3A_450] : memref<10112x64xf32, #tpu.memory_space<hbm>> -> memref<128x64xf32, #tpu.memory_space<hbm>>
      tpu.wait_dma2 semaphore(%arg11 : memref<!tpu.dma_semaphore, #tpu.memory_space<semaphore_mem>>) src(%dma_wait3A_451 : memref<128x64xf32, #tpu.memory_space<hbm>>) dst(%dma_wait3A_448 : memref<128x64xf32, #tpu.memory_space<vmem>>)
      %dma_wait3A_452 = arith.constant 0 : i32
      %dma_wait3A_453 = arith.constant 1 : i32
      %dma_wait3A_454 = arith.constant 0 : i32
      %dma_wait3A_455 = arith.constant 0 : i32
      %dma_wait3A_456 = tpu.memref_slice %arg8[%dma_wait3A_452, %dma_wait3A_453, %dma_wait3A_454, %dma_wait3A_455] : memref<2x2x128x64xf32, #tpu.memory_space<vmem>> -> memref<1x1x128x64xf32, #tpu.memory_space<vmem>>
      %dma_wait3A_457 = tpu.memref_squeeze %dma_wait3A_456 : memref<1x1x128x64xf32, #tpu.memory_space<vmem>> -> memref<128x64xf32, #tpu.memory_space<vmem>>
      %dma_wait3A_458 = arith.constant 0 : i32
      %dma_wait3A_459 = arith.constant 0 : i32
      %dma_wait3A_460 = tpu.memref_slice %arg2[%dma_wait3A_458, %dma_wait3A_459] : memref<10112x64xf32, #tpu.memory_space<hbm>> -> memref<128x64xf32, #tpu.memory_space<hbm>>
      %dma_wait3A_461 = arith.constant 0 : i32
      %dma_wait3A_462 = arith.constant 0 : i32
      %dma_wait3A_463 = tpu.memref_slice %arg8[%dma_wait3A_452, %dma_wait3A_453, %dma_wait3A_461, %dma_wait3A_462] : memref<2x2x128x64xf32, #tpu.memory_space<vmem>> -> memref<1x1x128x64xf32, #tpu.memory_space<vmem>>
      %dma_wait3A_464 = tpu.memref_squeeze %dma_wait3A_463 : memref<1x1x128x64xf32, #tpu.memory_space<vmem>> -> memref<128x64xf32, #tpu.memory_space<vmem>>
      %dma_wait3A_465 = arith.constant 0 : i32
      %dma_wait3A_466 = arith.constant 0 : i32
      %dma_wait3A_467 = tpu.memref_slice %arg2[%dma_wait3A_465, %dma_wait3A_466] : memref<10112x64xf32, #tpu.memory_space<hbm>> -> memref<128x64xf32, #tpu.memory_space<hbm>>
      tpu.wait_dma2 semaphore(%arg11 : memref<!tpu.dma_semaphore, #tpu.memory_space<semaphore_mem>>) src(%dma_wait3A_467 : memref<128x64xf32, #tpu.memory_space<hbm>>) dst(%dma_wait3A_464 : memref<128x64xf32, #tpu.memory_space<vmem>>)
      %mul3A_468 = arith.constant 2 : i32
      %mul3A_469 = arith.muli %mul3A_435, %mul3A_468 : i32
      %add3A_470 = arith.constant 0 : i32
      %add3A_471 = arith.addi %mul3A_469, %add3A_470 : i32
      %dma_start3A_472 = arith.constant 0 : i32
      %dma_start3A_473 = arith.constant 0 : i32
      %dma_start3A_474 = arith.constant 0 : i32
      %dma_start3A_475 = arith.constant 0 : i32
      %dma_start3A_476 = tpu.memref_slice %arg8[%dma_start3A_472, %dma_start3A_473, %dma_start3A_474, %dma_start3A_475] : memref<2x2x128x64xf32, #tpu.memory_space<vmem>> -> memref<1x1x128x64xf32, #tpu.memory_space<vmem>>
      %dma_start3A_477 = tpu.memref_squeeze %dma_start3A_476 : memref<1x1x128x64xf32, #tpu.memory_space<vmem>> -> memref<128x64xf32, #tpu.memory_space<vmem>>
      %dma_start3A_478 = arith.constant 0 : i32
      %dma_start3A_479 = tpu.memref_slice %arg7[%add3A_471, %dma_start3A_478] : memref<152x128xi32, #tpu.memory_space<vmem>> -> memref<1x128xi32, #tpu.memory_space<vmem>>
      %dma_start3A_480 = tpu.memref_squeeze %dma_start3A_479 : memref<1x128xi32, #tpu.memory_space<vmem>> -> memref<128xi32, #tpu.memory_space<vmem>>
      %dma_start3A_481 = arith.constant 0 : i32
      %dma_start3A_482 = arith.constant 0 : i32
      %dma_start3A_483 = tpu.memref_slice %arg10[%dma_start3A_481, %dma_start3A_482] : memref<10112x64xf32, #tpu.memory_space<vmem_shared>> -> memref<10112x64xf32, #tpu.memory_space<vmem_shared>>
      tpu.enqueue_indirect_dma source(%dma_start3A_477 : memref<128x64xf32, #tpu.memory_space<vmem>>) target(%dma_start3A_483 : memref<10112x64xf32, #tpu.memory_space<vmem_shared>>) offsets(%dma_start3A_480 : memref<128xi32, #tpu.memory_space<vmem>>) semaphore(%arg13 : memref<!tpu.dma_semaphore, #tpu.memory_space<semaphore_mem>>) {add = true}
      %mul3A_484 = arith.constant 2 : i32
      %mul3A_485 = arith.muli %mul3A_435, %mul3A_484 : i32
      %add3A_486 = arith.constant 1 : i32
      %add3A_487 = arith.addi %mul3A_485, %add3A_486 : i32
      %dma_start3A_488 = arith.constant 0 : i32
      %dma_start3A_489 = arith.constant 1 : i32
      %dma_start3A_490 = arith.constant 0 : i32
      %dma_start3A_491 = arith.constant 0 : i32
      %dma_start3A_492 = tpu.memref_slice %arg8[%dma_start3A_488, %dma_start3A_489, %dma_start3A_490, %dma_start3A_491] : memref<2x2x128x64xf32, #tpu.memory_space<vmem>> -> memref<1x1x128x64xf32, #tpu.memory_space<vmem>>
      %dma_start3A_493 = tpu.memref_squeeze %dma_start3A_492 : memref<1x1x128x64xf32, #tpu.memory_space<vmem>> -> memref<128x64xf32, #tpu.memory_space<vmem>>
      %dma_start3A_494 = arith.constant 0 : i32
      %dma_start3A_495 = tpu.memref_slice %arg7[%add3A_487, %dma_start3A_494] : memref<152x128xi32, #tpu.memory_space<vmem>> -> memref<1x128xi32, #tpu.memory_space<vmem>>
      %dma_start3A_496 = tpu.memref_squeeze %dma_start3A_495 : memref<1x128xi32, #tpu.memory_space<vmem>> -> memref<128xi32, #tpu.memory_space<vmem>>
      %dma_start3A_497 = arith.constant 0 : i32
      %dma_start3A_498 = arith.constant 0 : i32
      %dma_start3A_499 = tpu.memref_slice %arg10[%dma_start3A_497, %dma_start3A_498] : memref<10112x64xf32, #tpu.memory_space<vmem_shared>> -> memref<10112x64xf32, #tpu.memory_space<vmem_shared>>
      tpu.enqueue_indirect_dma source(%dma_start3A_493 : memref<128x64xf32, #tpu.memory_space<vmem>>) target(%dma_start3A_499 : memref<10112x64xf32, #tpu.memory_space<vmem_shared>>) offsets(%dma_start3A_496 : memref<128xi32, #tpu.memory_space<vmem>>) semaphore(%arg13 : memref<!tpu.dma_semaphore, #tpu.memory_space<semaphore_mem>>) {add = true}
      %dma_wait3A_500 = arith.constant 0 : i32
      %dma_wait3A_501 = arith.constant 0 : i32
      %dma_wait3A_502 = arith.constant 0 : i32
      %dma_wait3A_503 = arith.constant 0 : i32
      %dma_wait3A_504 = tpu.memref_slice %arg8[%dma_wait3A_500, %dma_wait3A_501, %dma_wait3A_502, %dma_wait3A_503] : memref<2x2x128x64xf32, #tpu.memory_space<vmem>> -> memref<1x1x128x64xf32, #tpu.memory_space<vmem>>
      %dma_wait3A_505 = tpu.memref_squeeze %dma_wait3A_504 : memref<1x1x128x64xf32, #tpu.memory_space<vmem>> -> memref<128x64xf32, #tpu.memory_space<vmem>>
      %dma_wait3A_506 = arith.constant 0 : i32
      %dma_wait3A_507 = arith.constant 0 : i32
      %dma_wait3A_508 = tpu.memref_slice %arg10[%dma_wait3A_506, %dma_wait3A_507] : memref<10112x64xf32, #tpu.memory_space<vmem_shared>> -> memref<128x64xf32, #tpu.memory_space<vmem_shared>>
      %dma_wait3A_509 = arith.constant 0 : i32
      %dma_wait3A_510 = arith.constant 0 : i32
      %dma_wait3A_511 = tpu.memref_slice %arg10[%dma_wait3A_509, %dma_wait3A_510] : memref<10112x64xf32, #tpu.memory_space<vmem_shared>> -> memref<128x64xf32, #tpu.memory_space<vmem_shared>>
      %dma_wait3A_512 = arith.constant 0 : i32
      %dma_wait3A_513 = arith.constant 0 : i32
      %dma_wait3A_514 = tpu.memref_slice %arg8[%dma_wait3A_500, %dma_wait3A_501, %dma_wait3A_512, %dma_wait3A_513] : memref<2x2x128x64xf32, #tpu.memory_space<vmem>> -> memref<1x1x128x64xf32, #tpu.memory_space<vmem>>
      %dma_wait3A_515 = tpu.memref_squeeze %dma_wait3A_514 : memref<1x1x128x64xf32, #tpu.memory_space<vmem>> -> memref<128x64xf32, #tpu.memory_space<vmem>>
      tpu.wait_dma2 semaphore(%arg13 : memref<!tpu.dma_semaphore, #tpu.memory_space<semaphore_mem>>) src(%dma_wait3A_515 : memref<128x64xf32, #tpu.memory_space<vmem>>) dst(%dma_wait3A_511 : memref<128x64xf32, #tpu.memory_space<vmem_shared>>)
      %dma_wait3A_516 = arith.constant 0 : i32
      %dma_wait3A_517 = arith.constant 1 : i32
      %dma_wait3A_518 = arith.constant 0 : i32
      %dma_wait3A_519 = arith.constant 0 : i32
      %dma_wait3A_520 = tpu.memref_slice %arg8[%dma_wait3A_516, %dma_wait3A_517, %dma_wait3A_518, %dma_wait3A_519] : memref<2x2x128x64xf32, #tpu.memory_space<vmem>> -> memref<1x1x128x64xf32, #tpu.memory_space<vmem>>
      %dma_wait3A_521 = tpu.memref_squeeze %dma_wait3A_520 : memref<1x1x128x64xf32, #tpu.memory_space<vmem>> -> memref<128x64xf32, #tpu.memory_space<vmem>>
      %dma_wait3A_522 = arith.constant 0 : i32
      %dma_wait3A_523 = arith.constant 0 : i32
      %dma_wait3A_524 = tpu.memref_slice %arg10[%dma_wait3A_522, %dma_wait3A_523] : memref<10112x64xf32, #tpu.memory_space<vmem_shared>> -> memref<128x64xf32, #tpu.memory_space<vmem_shared>>
      %dma_wait3A_525 = arith.constant 0 : i32
      %dma_wait3A_526 = arith.constant 0 : i32
      %dma_wait3A_527 = tpu.memref_slice %arg10[%dma_wait3A_525, %dma_wait3A_526] : memref<10112x64xf32, #tpu.memory_space<vmem_shared>> -> memref<128x64xf32, #tpu.memory_space<vmem_shared>>
      %dma_wait3A_528 = arith.constant 0 : i32
      %dma_wait3A_529 = arith.constant 0 : i32
      %dma_wait3A_530 = tpu.memref_slice %arg8[%dma_wait3A_516, %dma_wait3A_517, %dma_wait3A_528, %dma_wait3A_529] : memref<2x2x128x64xf32, #tpu.memory_space<vmem>> -> memref<1x1x128x64xf32, #tpu.memory_space<vmem>>
      %dma_wait3A_531 = tpu.memref_squeeze %dma_wait3A_530 : memref<1x1x128x64xf32, #tpu.memory_space<vmem>> -> memref<128x64xf32, #tpu.memory_space<vmem>>
      tpu.wait_dma2 semaphore(%arg13 : memref<!tpu.dma_semaphore, #tpu.memory_space<semaphore_mem>>) src(%dma_wait3A_531 : memref<128x64xf32, #tpu.memory_space<vmem>>) dst(%dma_wait3A_527 : memref<128x64xf32, #tpu.memory_space<vmem_shared>>)
      %add3A_532 = arith.constant 2 : i32
      %add3A_533 = arith.addi %mul3A_435, %add3A_532 : i32
      %mul3A_534 = arith.constant 2 : i32
      %mul3A_535 = arith.muli %add3A_533, %mul3A_534 : i32
      %add3A_536 = arith.constant 0 : i32
      %add3A_537 = arith.addi %mul3A_535, %add3A_536 : i32
      %dma_start3A_538 = arith.constant 0 : i32
      %dma_start3A_539 = arith.constant 0 : i32
      %dma_start3A_540 = arith.constant 0 : i32
      %dma_start3A_541 = arith.constant 0 : i32
      %dma_start3A_542 = tpu.memref_slice %arg8[%dma_start3A_538, %dma_start3A_539, %dma_start3A_540, %dma_start3A_541] : memref<2x2x128x64xf32, #tpu.memory_space<vmem>> -> memref<1x1x128x64xf32, #tpu.memory_space<vmem>>
      %dma_start3A_543 = tpu.memref_squeeze %dma_start3A_542 : memref<1x1x128x64xf32, #tpu.memory_space<vmem>> -> memref<128x64xf32, #tpu.memory_space<vmem>>
      %dma_start3A_544 = arith.constant 0 : i32
      %dma_start3A_545 = tpu.memref_slice %arg6[%add3A_537, %dma_start3A_544] : memref<152x128xi32, #tpu.memory_space<vmem>> -> memref<1x128xi32, #tpu.memory_space<vmem>>
      %dma_start3A_546 = tpu.memref_squeeze %dma_start3A_545 : memref<1x128xi32, #tpu.memory_space<vmem>> -> memref<128xi32, #tpu.memory_space<vmem>>
      %dma_start3A_547 = arith.constant 0 : i32
      %dma_start3A_548 = arith.constant 0 : i32
      %dma_start3A_549 = tpu.memref_slice %arg2[%dma_start3A_547, %dma_start3A_548] : memref<10112x64xf32, #tpu.memory_space<hbm>> -> memref<10112x64xf32, #tpu.memory_space<hbm>>
      tpu.enqueue_indirect_dma source(%dma_start3A_549 : memref<10112x64xf32, #tpu.memory_space<hbm>>) target(%dma_start3A_543 : memref<128x64xf32, #tpu.memory_space<vmem>>) offsets(%dma_start3A_546 : memref<128xi32, #tpu.memory_space<vmem>>) semaphore(%arg11 : memref<!tpu.dma_semaphore, #tpu.memory_space<semaphore_mem>>)
      %mul3A_550 = arith.constant 2 : i32
      %mul3A_551 = arith.muli %add3A_533, %mul3A_550 : i32
      %add3A_552 = arith.constant 1 : i32
      %add3A_553 = arith.addi %mul3A_551, %add3A_552 : i32
      %dma_start3A_554 = arith.constant 0 : i32
      %dma_start3A_555 = arith.constant 1 : i32
      %dma_start3A_556 = arith.constant 0 : i32
      %dma_start3A_557 = arith.constant 0 : i32
      %dma_start3A_558 = tpu.memref_slice %arg8[%dma_start3A_554, %dma_start3A_555, %dma_start3A_556, %dma_start3A_557] : memref<2x2x128x64xf32, #tpu.memory_space<vmem>> -> memref<1x1x128x64xf32, #tpu.memory_space<vmem>>
      %dma_start3A_559 = tpu.memref_squeeze %dma_start3A_558 : memref<1x1x128x64xf32, #tpu.memory_space<vmem>> -> memref<128x64xf32, #tpu.memory_space<vmem>>
      %dma_start3A_560 = arith.constant 0 : i32
      %dma_start3A_561 = tpu.memref_slice %arg6[%add3A_553, %dma_start3A_560] : memref<152x128xi32, #tpu.memory_space<vmem>> -> memref<1x128xi32, #tpu.memory_space<vmem>>
      %dma_start3A_562 = tpu.memref_squeeze %dma_start3A_561 : memref<1x128xi32, #tpu.memory_space<vmem>> -> memref<128xi32, #tpu.memory_space<vmem>>
      %dma_start3A_563 = arith.constant 0 : i32
      %dma_start3A_564 = arith.constant 0 : i32
      %dma_start3A_565 = tpu.memref_slice %arg2[%dma_start3A_563, %dma_start3A_564] : memref<10112x64xf32, #tpu.memory_space<hbm>> -> memref<10112x64xf32, #tpu.memory_space<hbm>>
      tpu.enqueue_indirect_dma source(%dma_start3A_565 : memref<10112x64xf32, #tpu.memory_space<hbm>>) target(%dma_start3A_559 : memref<128x64xf32, #tpu.memory_space<vmem>>) offsets(%dma_start3A_562 : memref<128xi32, #tpu.memory_space<vmem>>) semaphore(%arg11 : memref<!tpu.dma_semaphore, #tpu.memory_space<semaphore_mem>>)
      %dma_wait3A_566 = arith.constant 1 : i32
      %dma_wait3A_567 = arith.constant 0 : i32
      %dma_wait3A_568 = arith.constant 0 : i32
      %dma_wait3A_569 = arith.constant 0 : i32
      %dma_wait3A_570 = tpu.memref_slice %arg8[%dma_wait3A_566, %dma_wait3A_567, %dma_wait3A_568, %dma_wait3A_569] : memref<2x2x128x64xf32, #tpu.memory_space<vmem>> -> memref<1x1x128x64xf32, #tpu.memory_space<vmem>>
      %dma_wait3A_571 = tpu.memref_squeeze %dma_wait3A_570 : memref<1x1x128x64xf32, #tpu.memory_space<vmem>> -> memref<128x64xf32, #tpu.memory_space<vmem>>
      %dma_wait3A_572 = arith.constant 0 : i32
      %dma_wait3A_573 = arith.constant 0 : i32
      %dma_wait3A_574 = tpu.memref_slice %arg2[%dma_wait3A_572, %dma_wait3A_573] : memref<10112x64xf32, #tpu.memory_space<hbm>> -> memref<128x64xf32, #tpu.memory_space<hbm>>
      %dma_wait3A_575 = arith.constant 0 : i32
      %dma_wait3A_576 = arith.constant 0 : i32
      %dma_wait3A_577 = tpu.memref_slice %arg8[%dma_wait3A_566, %dma_wait3A_567, %dma_wait3A_575, %dma_wait3A_576] : memref<2x2x128x64xf32, #tpu.memory_space<vmem>> -> memref<1x1x128x64xf32, #tpu.memory_space<vmem>>
      %dma_wait3A_578 = tpu.memref_squeeze %dma_wait3A_577 : memref<1x1x128x64xf32, #tpu.memory_space<vmem>> -> memref<128x64xf32, #tpu.memory_space<vmem>>
      %dma_wait3A_579 = arith.constant 0 : i32
      %dma_wait3A_580 = arith.constant 0 : i32
      %dma_wait3A_581 = tpu.memref_slice %arg2[%dma_wait3A_579, %dma_wait3A_580] : memref<10112x64xf32, #tpu.memory_space<hbm>> -> memref<128x64xf32, #tpu.memory_space<hbm>>
      tpu.wait_dma2 semaphore(%arg12 : memref<!tpu.dma_semaphore, #tpu.memory_space<semaphore_mem>>) src(%dma_wait3A_581 : memref<128x64xf32, #tpu.memory_space<hbm>>) dst(%dma_wait3A_578 : memref<128x64xf32, #tpu.memory_space<vmem>>)
      %dma_wait3A_582 = arith.constant 1 : i32
      %dma_wait3A_583 = arith.constant 1 : i32
      %dma_wait3A_584 = arith.constant 0 : i32
      %dma_wait3A_585 = arith.constant 0 : i32
      %dma_wait3A_586 = tpu.memref_slice %arg8[%dma_wait3A_582, %dma_wait3A_583, %dma_wait3A_584, %dma_wait3A_585] : memref<2x2x128x64xf32, #tpu.memory_space<vmem>> -> memref<1x1x128x64xf32, #tpu.memory_space<vmem>>
      %dma_wait3A_587 = tpu.memref_squeeze %dma_wait3A_586 : memref<1x1x128x64xf32, #tpu.memory_space<vmem>> -> memref<128x64xf32, #tpu.memory_space<vmem>>
      %dma_wait3A_588 = arith.constant 0 : i32
      %dma_wait3A_589 = arith.constant 0 : i32
      %dma_wait3A_590 = tpu.memref_slice %arg2[%dma_wait3A_588, %dma_wait3A_589] : memref<10112x64xf32, #tpu.memory_space<hbm>> -> memref<128x64xf32, #tpu.memory_space<hbm>>
      %dma_wait3A_591 = arith.constant 0 : i32
      %dma_wait3A_592 = arith.constant 0 : i32
      %dma_wait3A_593 = tpu.memref_slice %arg8[%dma_wait3A_582, %dma_wait3A_583, %dma_wait3A_591, %dma_wait3A_592] : memref<2x2x128x64xf32, #tpu.memory_space<vmem>> -> memref<1x1x128x64xf32, #tpu.memory_space<vmem>>
      %dma_wait3A_594 = tpu.memref_squeeze %dma_wait3A_593 : memref<1x1x128x64xf32, #tpu.memory_space<vmem>> -> memref<128x64xf32, #tpu.memory_space<vmem>>
      %dma_wait3A_595 = arith.constant 0 : i32
      %dma_wait3A_596 = arith.constant 0 : i32
      %dma_wait3A_597 = tpu.memref_slice %arg2[%dma_wait3A_595, %dma_wait3A_596] : memref<10112x64xf32, #tpu.memory_space<hbm>> -> memref<128x64xf32, #tpu.memory_space<hbm>>
      tpu.wait_dma2 semaphore(%arg12 : memref<!tpu.dma_semaphore, #tpu.memory_space<semaphore_mem>>) src(%dma_wait3A_597 : memref<128x64xf32, #tpu.memory_space<hbm>>) dst(%dma_wait3A_594 : memref<128x64xf32, #tpu.memory_space<vmem>>)
      %add3A_598 = arith.constant 1 : i32
      %add3A_599 = arith.addi %mul3A_435, %add3A_598 : i32
      %mul3A_600 = arith.constant 2 : i32
      %mul3A_601 = arith.muli %add3A_599, %mul3A_600 : i32
      %add3A_602 = arith.constant 0 : i32
      %add3A_603 = arith.addi %mul3A_601, %add3A_602 : i32
      %dma_start3A_604 = arith.constant 1 : i32
      %dma_start3A_605 = arith.constant 0 : i32
      %dma_start3A_606 = arith.constant 0 : i32
      %dma_start3A_607 = arith.constant 0 : i32
      %dma_start3A_608 = tpu.memref_slice %arg8[%dma_start3A_604, %dma_start3A_605, %dma_start3A_606, %dma_start3A_607] : memref<2x2x128x64xf32, #tpu.memory_space<vmem>> -> memref<1x1x128x64xf32, #tpu.memory_space<vmem>>
      %dma_start3A_609 = tpu.memref_squeeze %dma_start3A_608 : memref<1x1x128x64xf32, #tpu.memory_space<vmem>> -> memref<128x64xf32, #tpu.memory_space<vmem>>
      %dma_start3A_610 = arith.constant 0 : i32
      %dma_start3A_611 = tpu.memref_slice %arg7[%add3A_603, %dma_start3A_610] : memref<152x128xi32, #tpu.memory_space<vmem>> -> memref<1x128xi32, #tpu.memory_space<vmem>>
      %dma_start3A_612 = tpu.memref_squeeze %dma_start3A_611 : memref<1x128xi32, #tpu.memory_space<vmem>> -> memref<128xi32, #tpu.memory_space<vmem>>
      %dma_start3A_613 = arith.constant 0 : i32
      %dma_start3A_614 = arith.constant 0 : i32
      %dma_start3A_615 = tpu.memref_slice %arg10[%dma_start3A_613, %dma_start3A_614] : memref<10112x64xf32, #tpu.memory_space<vmem_shared>> -> memref<10112x64xf32, #tpu.memory_space<vmem_shared>>
      tpu.enqueue_indirect_dma source(%dma_start3A_609 : memref<128x64xf32, #tpu.memory_space<vmem>>) target(%dma_start3A_615 : memref<10112x64xf32, #tpu.memory_space<vmem_shared>>) offsets(%dma_start3A_612 : memref<128xi32, #tpu.memory_space<vmem>>) semaphore(%arg14 : memref<!tpu.dma_semaphore, #tpu.memory_space<semaphore_mem>>) {add = true}
      %mul3A_616 = arith.constant 2 : i32
      %mul3A_617 = arith.muli %add3A_599, %mul3A_616 : i32
      %add3A_618 = arith.constant 1 : i32
      %add3A_619 = arith.addi %mul3A_617, %add3A_618 : i32
      %dma_start3A_620 = arith.constant 1 : i32
      %dma_start3A_621 = arith.constant 1 : i32
      %dma_start3A_622 = arith.constant 0 : i32
      %dma_start3A_623 = arith.constant 0 : i32
      %dma_start3A_624 = tpu.memref_slice %arg8[%dma_start3A_620, %dma_start3A_621, %dma_start3A_622, %dma_start3A_623] : memref<2x2x128x64xf32, #tpu.memory_space<vmem>> -> memref<1x1x128x64xf32, #tpu.memory_space<vmem>>
      %dma_start3A_625 = tpu.memref_squeeze %dma_start3A_624 : memref<1x1x128x64xf32, #tpu.memory_space<vmem>> -> memref<128x64xf32, #tpu.memory_space<vmem>>
      %dma_start3A_626 = arith.constant 0 : i32
      %dma_start3A_627 = tpu.memref_slice %arg7[%add3A_619, %dma_start3A_626] : memref<152x128xi32, #tpu.memory_space<vmem>> -> memref<1x128xi32, #tpu.memory_space<vmem>>
      %dma_start3A_628 = tpu.memref_squeeze %dma_start3A_627 : memref<1x128xi32, #tpu.memory_space<vmem>> -> memref<128xi32, #tpu.memory_space<vmem>>
      %dma_start3A_629 = arith.constant 0 : i32
      %dma_start3A_630 = arith.constant 0 : i32
      %dma_start3A_631 = tpu.memref_slice %arg10[%dma_start3A_629, %dma_start3A_630] : memref<10112x64xf32, #tpu.memory_space<vmem_shared>> -> memref<10112x64xf32, #tpu.memory_space<vmem_shared>>
      tpu.enqueue_indirect_dma source(%dma_start3A_625 : memref<128x64xf32, #tpu.memory_space<vmem>>) target(%dma_start3A_631 : memref<10112x64xf32, #tpu.memory_space<vmem_shared>>) offsets(%dma_start3A_628 : memref<128xi32, #tpu.memory_space<vmem>>) semaphore(%arg14 : memref<!tpu.dma_semaphore, #tpu.memory_space<semaphore_mem>>) {add = true}
      %dma_wait3A_632 = arith.constant 1 : i32
      %dma_wait3A_633 = arith.constant 0 : i32
      %dma_wait3A_634 = arith.constant 0 : i32
      %dma_wait3A_635 = arith.constant 0 : i32
      %dma_wait3A_636 = tpu.memref_slice %arg8[%dma_wait3A_632, %dma_wait3A_633, %dma_wait3A_634, %dma_wait3A_635] : memref<2x2x128x64xf32, #tpu.memory_space<vmem>> -> memref<1x1x128x64xf32, #tpu.memory_space<vmem>>
      %dma_wait3A_637 = tpu.memref_squeeze %dma_wait3A_636 : memref<1x1x128x64xf32, #tpu.memory_space<vmem>> -> memref<128x64xf32, #tpu.memory_space<vmem>>
      %dma_wait3A_638 = arith.constant 0 : i32
      %dma_wait3A_639 = arith.constant 0 : i32
      %dma_wait3A_640 = tpu.memref_slice %arg10[%dma_wait3A_638, %dma_wait3A_639] : memref<10112x64xf32, #tpu.memory_space<vmem_shared>> -> memref<128x64xf32, #tpu.memory_space<vmem_shared>>
      %dma_wait3A_641 = arith.constant 0 : i32
      %dma_wait3A_642 = arith.constant 0 : i32
      %dma_wait3A_643 = tpu.memref_slice %arg10[%dma_wait3A_641, %dma_wait3A_642] : memref<10112x64xf32, #tpu.memory_space<vmem_shared>> -> memref<128x64xf32, #tpu.memory_space<vmem_shared>>
      %dma_wait3A_644 = arith.constant 0 : i32
      %dma_wait3A_645 = arith.constant 0 : i32
      %dma_wait3A_646 = tpu.memref_slice %arg8[%dma_wait3A_632, %dma_wait3A_633, %dma_wait3A_644, %dma_wait3A_645] : memref<2x2x128x64xf32, #tpu.memory_space<vmem>> -> memref<1x1x128x64xf32, #tpu.memory_space<vmem>>
      %dma_wait3A_647 = tpu.memref_squeeze %dma_wait3A_646 : memref<1x1x128x64xf32, #tpu.memory_space<vmem>> -> memref<128x64xf32, #tpu.memory_space<vmem>>
      tpu.wait_dma2 semaphore(%arg14 : memref<!tpu.dma_semaphore, #tpu.memory_space<semaphore_mem>>) src(%dma_wait3A_647 : memref<128x64xf32, #tpu.memory_space<vmem>>) dst(%dma_wait3A_643 : memref<128x64xf32, #tpu.memory_space<vmem_shared>>)
      %dma_wait3A_648 = arith.constant 1 : i32
      %dma_wait3A_649 = arith.constant 1 : i32
      %dma_wait3A_650 = arith.constant 0 : i32
      %dma_wait3A_651 = arith.constant 0 : i32
      %dma_wait3A_652 = tpu.memref_slice %arg8[%dma_wait3A_648, %dma_wait3A_649, %dma_wait3A_650, %dma_wait3A_651] : memref<2x2x128x64xf32, #tpu.memory_space<vmem>> -> memref<1x1x128x64xf32, #tpu.memory_space<vmem>>
      %dma_wait3A_653 = tpu.memref_squeeze %dma_wait3A_652 : memref<1x1x128x64xf32, #tpu.memory_space<vmem>> -> memref<128x64xf32, #tpu.memory_space<vmem>>
      %dma_wait3A_654 = arith.constant 0 : i32
      %dma_wait3A_655 = arith.constant 0 : i32
      %dma_wait3A_656 = tpu.memref_slice %arg10[%dma_wait3A_654, %dma_wait3A_655] : memref<10112x64xf32, #tpu.memory_space<vmem_shared>> -> memref<128x64xf32, #tpu.memory_space<vmem_shared>>
      %dma_wait3A_657 = arith.constant 0 : i32
      %dma_wait3A_658 = arith.constant 0 : i32
      %dma_wait3A_659 = tpu.memref_slice %arg10[%dma_wait3A_657, %dma_wait3A_658] : memref<10112x64xf32, #tpu.memory_space<vmem_shared>> -> memref<128x64xf32, #tpu.memory_space<vmem_shared>>
      %dma_wait3A_660 = arith.constant 0 : i32
      %dma_wait3A_661 = arith.constant 0 : i32
      %dma_wait3A_662 = tpu.memref_slice %arg8[%dma_wait3A_648, %dma_wait3A_649, %dma_wait3A_660, %dma_wait3A_661] : memref<2x2x128x64xf32, #tpu.memory_space<vmem>> -> memref<1x1x128x64xf32, #tpu.memory_space<vmem>>
      %dma_wait3A_663 = tpu.memref_squeeze %dma_wait3A_662 : memref<1x1x128x64xf32, #tpu.memory_space<vmem>> -> memref<128x64xf32, #tpu.memory_space<vmem>>
      tpu.wait_dma2 semaphore(%arg14 : memref<!tpu.dma_semaphore, #tpu.memory_space<semaphore_mem>>) src(%dma_wait3A_663 : memref<128x64xf32, #tpu.memory_space<vmem>>) dst(%dma_wait3A_659 : memref<128x64xf32, #tpu.memory_space<vmem_shared>>)
      %add3A_664 = arith.constant 3 : i32
      %add3A_665 = arith.addi %mul3A_435, %add3A_664 : i32
      %mul3A_666 = arith.constant 2 : i32
      %mul3A_667 = arith.muli %add3A_665, %mul3A_666 : i32
      %add3A_668 = arith.constant 0 : i32
      %add3A_669 = arith.addi %mul3A_667, %add3A_668 : i32
      %dma_start3A_670 = arith.constant 1 : i32
      %dma_start3A_671 = arith.constant 0 : i32
      %dma_start3A_672 = arith.constant 0 : i32
      %dma_start3A_673 = arith.constant 0 : i32
      %dma_start3A_674 = tpu.memref_slice %arg8[%dma_start3A_670, %dma_start3A_671, %dma_start3A_672, %dma_start3A_673] : memref<2x2x128x64xf32, #tpu.memory_space<vmem>> -> memref<1x1x128x64xf32, #tpu.memory_space<vmem>>
      %dma_start3A_675 = tpu.memref_squeeze %dma_start3A_674 : memref<1x1x128x64xf32, #tpu.memory_space<vmem>> -> memref<128x64xf32, #tpu.memory_space<vmem>>
      %dma_start3A_676 = arith.constant 0 : i32
      %dma_start3A_677 = tpu.memref_slice %arg6[%add3A_669, %dma_start3A_676] : memref<152x128xi32, #tpu.memory_space<vmem>> -> memref<1x128xi32, #tpu.memory_space<vmem>>
      %dma_start3A_678 = tpu.memref_squeeze %dma_start3A_677 : memref<1x128xi32, #tpu.memory_space<vmem>> -> memref<128xi32, #tpu.memory_space<vmem>>
      %dma_start3A_679 = arith.constant 0 : i32
      %dma_start3A_680 = arith.constant 0 : i32
      %dma_start3A_681 = tpu.memref_slice %arg2[%dma_start3A_679, %dma_start3A_680] : memref<10112x64xf32, #tpu.memory_space<hbm>> -> memref<10112x64xf32, #tpu.memory_space<hbm>>
      tpu.enqueue_indirect_dma source(%dma_start3A_681 : memref<10112x64xf32, #tpu.memory_space<hbm>>) target(%dma_start3A_675 : memref<128x64xf32, #tpu.memory_space<vmem>>) offsets(%dma_start3A_678 : memref<128xi32, #tpu.memory_space<vmem>>) semaphore(%arg12 : memref<!tpu.dma_semaphore, #tpu.memory_space<semaphore_mem>>)
      %mul3A_682 = arith.constant 2 : i32
      %mul3A_683 = arith.muli %add3A_665, %mul3A_682 : i32
      %add3A_684 = arith.constant 1 : i32
      %add3A_685 = arith.addi %mul3A_683, %add3A_684 : i32
      %dma_start3A_686 = arith.constant 1 : i32
      %dma_start3A_687 = arith.constant 1 : i32
      %dma_start3A_688 = arith.constant 0 : i32
      %dma_start3A_689 = arith.constant 0 : i32
      %dma_start3A_690 = tpu.memref_slice %arg8[%dma_start3A_686, %dma_start3A_687, %dma_start3A_688, %dma_start3A_689] : memref<2x2x128x64xf32, #tpu.memory_space<vmem>> -> memref<1x1x128x64xf32, #tpu.memory_space<vmem>>
      %dma_start3A_691 = tpu.memref_squeeze %dma_start3A_690 : memref<1x1x128x64xf32, #tpu.memory_space<vmem>> -> memref<128x64xf32, #tpu.memory_space<vmem>>
      %dma_start3A_692 = arith.constant 0 : i32
      %dma_start3A_693 = tpu.memref_slice %arg6[%add3A_685, %dma_start3A_692] : memref<152x128xi32, #tpu.memory_space<vmem>> -> memref<1x128xi32, #tpu.memory_space<vmem>>
      %dma_start3A_694 = tpu.memref_squeeze %dma_start3A_693 : memref<1x128xi32, #tpu.memory_space<vmem>> -> memref<128xi32, #tpu.memory_space<vmem>>
      %dma_start3A_695 = arith.constant 0 : i32
      %dma_start3A_696 = arith.constant 0 : i32
      %dma_start3A_697 = tpu.memref_slice %arg2[%dma_start3A_695, %dma_start3A_696] : memref<10112x64xf32, #tpu.memory_space<hbm>> -> memref<10112x64xf32, #tpu.memory_space<hbm>>
      tpu.enqueue_indirect_dma source(%dma_start3A_697 : memref<10112x64xf32, #tpu.memory_space<hbm>>) target(%dma_start3A_691 : memref<128x64xf32, #tpu.memory_space<vmem>>) offsets(%dma_start3A_694 : memref<128xi32, #tpu.memory_space<vmem>>) semaphore(%arg12 : memref<!tpu.dma_semaphore, #tpu.memory_space<semaphore_mem>>)
    }
    %dma_wait3A_232 = arith.constant 0 : i32
    %dma_wait3A_233 = arith.constant 0 : i32
    %dma_wait3A_234 = arith.constant 0 : i32
    %dma_wait3A_235 = arith.constant 0 : i32
    %dma_wait3A_236 = tpu.memref_slice %arg8[%dma_wait3A_232, %dma_wait3A_233, %dma_wait3A_234, %dma_wait3A_235] : memref<2x2x128x64xf32, #tpu.memory_space<vmem>> -> memref<1x1x128x64xf32, #tpu.memory_space<vmem>>
    %dma_wait3A_237 = tpu.memref_squeeze %dma_wait3A_236 : memref<1x1x128x64xf32, #tpu.memory_space<vmem>> -> memref<128x64xf32, #tpu.memory_space<vmem>>
    %dma_wait3A_238 = arith.constant 0 : i32
    %dma_wait3A_239 = arith.constant 0 : i32
    %dma_wait3A_240 = tpu.memref_slice %arg2[%dma_wait3A_238, %dma_wait3A_239] : memref<10112x64xf32, #tpu.memory_space<hbm>> -> memref<128x64xf32, #tpu.memory_space<hbm>>
    %dma_wait3A_241 = arith.constant 0 : i32
    %dma_wait3A_242 = arith.constant 0 : i32
    %dma_wait3A_243 = tpu.memref_slice %arg8[%dma_wait3A_232, %dma_wait3A_233, %dma_wait3A_241, %dma_wait3A_242] : memref<2x2x128x64xf32, #tpu.memory_space<vmem>> -> memref<1x1x128x64xf32, #tpu.memory_space<vmem>>
    %dma_wait3A_244 = tpu.memref_squeeze %dma_wait3A_243 : memref<1x1x128x64xf32, #tpu.memory_space<vmem>> -> memref<128x64xf32, #tpu.memory_space<vmem>>
    %dma_wait3A_245 = arith.constant 0 : i32
    %dma_wait3A_246 = arith.constant 0 : i32
    %dma_wait3A_247 = tpu.memref_slice %arg2[%dma_wait3A_245, %dma_wait3A_246] : memref<10112x64xf32, #tpu.memory_space<hbm>> -> memref<128x64xf32, #tpu.memory_space<hbm>>
    tpu.wait_dma2 semaphore(%arg11 : memref<!tpu.dma_semaphore, #tpu.memory_space<semaphore_mem>>) src(%dma_wait3A_247 : memref<128x64xf32, #tpu.memory_space<hbm>>) dst(%dma_wait3A_244 : memref<128x64xf32, #tpu.memory_space<vmem>>)
    %dma_wait3A_248 = arith.constant 0 : i32
    %dma_wait3A_249 = arith.constant 1 : i32
    %dma_wait3A_250 = arith.constant 0 : i32
    %dma_wait3A_251 = arith.constant 0 : i32
    %dma_wait3A_252 = tpu.memref_slice %arg8[%dma_wait3A_248, %dma_wait3A_249, %dma_wait3A_250, %dma_wait3A_251] : memref<2x2x128x64xf32, #tpu.memory_space<vmem>> -> memref<1x1x128x64xf32, #tpu.memory_space<vmem>>
    %dma_wait3A_253 = tpu.memref_squeeze %dma_wait3A_252 : memref<1x1x128x64xf32, #tpu.memory_space<vmem>> -> memref<128x64xf32, #tpu.memory_space<vmem>>
    %dma_wait3A_254 = arith.constant 0 : i32
    %dma_wait3A_255 = arith.constant 0 : i32
    %dma_wait3A_256 = tpu.memref_slice %arg2[%dma_wait3A_254, %dma_wait3A_255] : memref<10112x64xf32, #tpu.memory_space<hbm>> -> memref<128x64xf32, #tpu.memory_space<hbm>>
    %dma_wait3A_257 = arith.constant 0 : i32
    %dma_wait3A_258 = arith.constant 0 : i32
    %dma_wait3A_259 = tpu.memref_slice %arg8[%dma_wait3A_248, %dma_wait3A_249, %dma_wait3A_257, %dma_wait3A_258] : memref<2x2x128x64xf32, #tpu.memory_space<vmem>> -> memref<1x1x128x64xf32, #tpu.memory_space<vmem>>
    %dma_wait3A_260 = tpu.memref_squeeze %dma_wait3A_259 : memref<1x1x128x64xf32, #tpu.memory_space<vmem>> -> memref<128x64xf32, #tpu.memory_space<vmem>>
    %dma_wait3A_261 = arith.constant 0 : i32
    %dma_wait3A_262 = arith.constant 0 : i32
    %dma_wait3A_263 = tpu.memref_slice %arg2[%dma_wait3A_261, %dma_wait3A_262] : memref<10112x64xf32, #tpu.memory_space<hbm>> -> memref<128x64xf32, #tpu.memory_space<hbm>>
    tpu.wait_dma2 semaphore(%arg11 : memref<!tpu.dma_semaphore, #tpu.memory_space<semaphore_mem>>) src(%dma_wait3A_263 : memref<128x64xf32, #tpu.memory_space<hbm>>) dst(%dma_wait3A_260 : memref<128x64xf32, #tpu.memory_space<vmem>>)
    %sub3A_264 = arith.constant 2 : i32
    %sub3A_265 = arith.subi %select_n3A_139, %sub3A_264 : i32
    %mul3A_266 = arith.constant 2 : i32
    %mul3A_267 = arith.muli %sub3A_265, %mul3A_266 : i32
    %add3A_268 = arith.constant 0 : i32
    %add3A_269 = arith.addi %mul3A_267, %add3A_268 : i32
    %dma_start3A_270 = arith.constant 0 : i32
    %dma_start3A_271 = arith.constant 0 : i32
    %dma_start3A_272 = arith.constant 0 : i32
    %dma_start3A_273 = arith.constant 0 : i32
    %dma_start3A_274 = tpu.memref_slice %arg8[%dma_start3A_270, %dma_start3A_271, %dma_start3A_272, %dma_start3A_273] : memref<2x2x128x64xf32, #tpu.memory_space<vmem>> -> memref<1x1x128x64xf32, #tpu.memory_space<vmem>>
    %dma_start3A_275 = tpu.memref_squeeze %dma_start3A_274 : memref<1x1x128x64xf32, #tpu.memory_space<vmem>> -> memref<128x64xf32, #tpu.memory_space<vmem>>
    %dma_start3A_276 = arith.constant 0 : i32
    %dma_start3A_277 = tpu.memref_slice %arg7[%add3A_269, %dma_start3A_276] : memref<152x128xi32, #tpu.memory_space<vmem>> -> memref<1x128xi32, #tpu.memory_space<vmem>>
    %dma_start3A_278 = tpu.memref_squeeze %dma_start3A_277 : memref<1x128xi32, #tpu.memory_space<vmem>> -> memref<128xi32, #tpu.memory_space<vmem>>
    %dma_start3A_279 = arith.constant 0 : i32
    %dma_start3A_280 = arith.constant 0 : i32
    %dma_start3A_281 = tpu.memref_slice %arg10[%dma_start3A_279, %dma_start3A_280] : memref<10112x64xf32, #tpu.memory_space<vmem_shared>> -> memref<10112x64xf32, #tpu.memory_space<vmem_shared>>
    tpu.enqueue_indirect_dma source(%dma_start3A_275 : memref<128x64xf32, #tpu.memory_space<vmem>>) target(%dma_start3A_281 : memref<10112x64xf32, #tpu.memory_space<vmem_shared>>) offsets(%dma_start3A_278 : memref<128xi32, #tpu.memory_space<vmem>>) semaphore(%arg13 : memref<!tpu.dma_semaphore, #tpu.memory_space<semaphore_mem>>) {add = true}
    %mul3A_282 = arith.constant 2 : i32
    %mul3A_283 = arith.muli %sub3A_265, %mul3A_282 : i32
    %add3A_284 = arith.constant 1 : i32
    %add3A_285 = arith.addi %mul3A_283, %add3A_284 : i32
    %dma_start3A_286 = arith.constant 0 : i32
    %dma_start3A_287 = arith.constant 1 : i32
    %dma_start3A_288 = arith.constant 0 : i32
    %dma_start3A_289 = arith.constant 0 : i32
    %dma_start3A_290 = tpu.memref_slice %arg8[%dma_start3A_286, %dma_start3A_287, %dma_start3A_288, %dma_start3A_289] : memref<2x2x128x64xf32, #tpu.memory_space<vmem>> -> memref<1x1x128x64xf32, #tpu.memory_space<vmem>>
    %dma_start3A_291 = tpu.memref_squeeze %dma_start3A_290 : memref<1x1x128x64xf32, #tpu.memory_space<vmem>> -> memref<128x64xf32, #tpu.memory_space<vmem>>
    %dma_start3A_292 = arith.constant 0 : i32
    %dma_start3A_293 = tpu.memref_slice %arg7[%add3A_285, %dma_start3A_292] : memref<152x128xi32, #tpu.memory_space<vmem>> -> memref<1x128xi32, #tpu.memory_space<vmem>>
    %dma_start3A_294 = tpu.memref_squeeze %dma_start3A_293 : memref<1x128xi32, #tpu.memory_space<vmem>> -> memref<128xi32, #tpu.memory_space<vmem>>
    %dma_start3A_295 = arith.constant 0 : i32
    %dma_start3A_296 = arith.constant 0 : i32
    %dma_start3A_297 = tpu.memref_slice %arg10[%dma_start3A_295, %dma_start3A_296] : memref<10112x64xf32, #tpu.memory_space<vmem_shared>> -> memref<10112x64xf32, #tpu.memory_space<vmem_shared>>
    tpu.enqueue_indirect_dma source(%dma_start3A_291 : memref<128x64xf32, #tpu.memory_space<vmem>>) target(%dma_start3A_297 : memref<10112x64xf32, #tpu.memory_space<vmem_shared>>) offsets(%dma_start3A_294 : memref<128xi32, #tpu.memory_space<vmem>>) semaphore(%arg13 : memref<!tpu.dma_semaphore, #tpu.memory_space<semaphore_mem>>) {add = true}
    %dma_wait3A_298 = arith.constant 0 : i32
    %dma_wait3A_299 = arith.constant 0 : i32
    %dma_wait3A_300 = arith.constant 0 : i32
    %dma_wait3A_301 = arith.constant 0 : i32
    %dma_wait3A_302 = tpu.memref_slice %arg8[%dma_wait3A_298, %dma_wait3A_299, %dma_wait3A_300, %dma_wait3A_301] : memref<2x2x128x64xf32, #tpu.memory_space<vmem>> -> memref<1x1x128x64xf32, #tpu.memory_space<vmem>>
    %dma_wait3A_303 = tpu.memref_squeeze %dma_wait3A_302 : memref<1x1x128x64xf32, #tpu.memory_space<vmem>> -> memref<128x64xf32, #tpu.memory_space<vmem>>
    %dma_wait3A_304 = arith.constant 0 : i32
    %dma_wait3A_305 = arith.constant 0 : i32
    %dma_wait3A_306 = tpu.memref_slice %arg10[%dma_wait3A_304, %dma_wait3A_305] : memref<10112x64xf32, #tpu.memory_space<vmem_shared>> -> memref<128x64xf32, #tpu.memory_space<vmem_shared>>
    %dma_wait3A_307 = arith.constant 0 : i32
    %dma_wait3A_308 = arith.constant 0 : i32
    %dma_wait3A_309 = tpu.memref_slice %arg10[%dma_wait3A_307, %dma_wait3A_308] : memref<10112x64xf32, #tpu.memory_space<vmem_shared>> -> memref<128x64xf32, #tpu.memory_space<vmem_shared>>
    %dma_wait3A_310 = arith.constant 0 : i32
    %dma_wait3A_311 = arith.constant 0 : i32
    %dma_wait3A_312 = tpu.memref_slice %arg8[%dma_wait3A_298, %dma_wait3A_299, %dma_wait3A_310, %dma_wait3A_311] : memref<2x2x128x64xf32, #tpu.memory_space<vmem>> -> memref<1x1x128x64xf32, #tpu.memory_space<vmem>>
    %dma_wait3A_313 = tpu.memref_squeeze %dma_wait3A_312 : memref<1x1x128x64xf32, #tpu.memory_space<vmem>> -> memref<128x64xf32, #tpu.memory_space<vmem>>
    tpu.wait_dma2 semaphore(%arg13 : memref<!tpu.dma_semaphore, #tpu.memory_space<semaphore_mem>>) src(%dma_wait3A_313 : memref<128x64xf32, #tpu.memory_space<vmem>>) dst(%dma_wait3A_309 : memref<128x64xf32, #tpu.memory_space<vmem_shared>>)
    %dma_wait3A_314 = arith.constant 0 : i32
    %dma_wait3A_315 = arith.constant 1 : i32
    %dma_wait3A_316 = arith.constant 0 : i32
    %dma_wait3A_317 = arith.constant 0 : i32
    %dma_wait3A_318 = tpu.memref_slice %arg8[%dma_wait3A_314, %dma_wait3A_315, %dma_wait3A_316, %dma_wait3A_317] : memref<2x2x128x64xf32, #tpu.memory_space<vmem>> -> memref<1x1x128x64xf32, #tpu.memory_space<vmem>>
    %dma_wait3A_319 = tpu.memref_squeeze %dma_wait3A_318 : memref<1x1x128x64xf32, #tpu.memory_space<vmem>> -> memref<128x64xf32, #tpu.memory_space<vmem>>
    %dma_wait3A_320 = arith.constant 0 : i32
    %dma_wait3A_321 = arith.constant 0 : i32
    %dma_wait3A_322 = tpu.memref_slice %arg10[%dma_wait3A_320, %dma_wait3A_321] : memref<10112x64xf32, #tpu.memory_space<vmem_shared>> -> memref<128x64xf32, #tpu.memory_space<vmem_shared>>
    %dma_wait3A_323 = arith.constant 0 : i32
    %dma_wait3A_324 = arith.constant 0 : i32
    %dma_wait3A_325 = tpu.memref_slice %arg10[%dma_wait3A_323, %dma_wait3A_324] : memref<10112x64xf32, #tpu.memory_space<vmem_shared>> -> memref<128x64xf32, #tpu.memory_space<vmem_shared>>
    %dma_wait3A_326 = arith.constant 0 : i32
    %dma_wait3A_327 = arith.constant 0 : i32
    %dma_wait3A_328 = tpu.memref_slice %arg8[%dma_wait3A_314, %dma_wait3A_315, %dma_wait3A_326, %dma_wait3A_327] : memref<2x2x128x64xf32, #tpu.memory_space<vmem>> -> memref<1x1x128x64xf32, #tpu.memory_space<vmem>>
    %dma_wait3A_329 = tpu.memref_squeeze %dma_wait3A_328 : memref<1x1x128x64xf32, #tpu.memory_space<vmem>> -> memref<128x64xf32, #tpu.memory_space<vmem>>
    tpu.wait_dma2 semaphore(%arg13 : memref<!tpu.dma_semaphore, #tpu.memory_space<semaphore_mem>>) src(%dma_wait3A_329 : memref<128x64xf32, #tpu.memory_space<vmem>>) dst(%dma_wait3A_325 : memref<128x64xf32, #tpu.memory_space<vmem_shared>>)
    %dma_wait3A_330 = arith.constant 1 : i32
    %dma_wait3A_331 = arith.constant 0 : i32
    %dma_wait3A_332 = arith.constant 0 : i32
    %dma_wait3A_333 = arith.constant 0 : i32
    %dma_wait3A_334 = tpu.memref_slice %arg8[%dma_wait3A_330, %dma_wait3A_331, %dma_wait3A_332, %dma_wait3A_333] : memref<2x2x128x64xf32, #tpu.memory_space<vmem>> -> memref<1x1x128x64xf32, #tpu.memory_space<vmem>>
    %dma_wait3A_335 = tpu.memref_squeeze %dma_wait3A_334 : memref<1x1x128x64xf32, #tpu.memory_space<vmem>> -> memref<128x64xf32, #tpu.memory_space<vmem>>
    %dma_wait3A_336 = arith.constant 0 : i32
    %dma_wait3A_337 = arith.constant 0 : i32
    %dma_wait3A_338 = tpu.memref_slice %arg2[%dma_wait3A_336, %dma_wait3A_337] : memref<10112x64xf32, #tpu.memory_space<hbm>> -> memref<128x64xf32, #tpu.memory_space<hbm>>
    %dma_wait3A_339 = arith.constant 0 : i32
    %dma_wait3A_340 = arith.constant 0 : i32
    %dma_wait3A_341 = tpu.memref_slice %arg8[%dma_wait3A_330, %dma_wait3A_331, %dma_wait3A_339, %dma_wait3A_340] : memref<2x2x128x64xf32, #tpu.memory_space<vmem>> -> memref<1x1x128x64xf32, #tpu.memory_space<vmem>>
    %dma_wait3A_342 = tpu.memref_squeeze %dma_wait3A_341 : memref<1x1x128x64xf32, #tpu.memory_space<vmem>> -> memref<128x64xf32, #tpu.memory_space<vmem>>
    %dma_wait3A_343 = arith.constant 0 : i32
    %dma_wait3A_344 = arith.constant 0 : i32
    %dma_wait3A_345 = tpu.memref_slice %arg2[%dma_wait3A_343, %dma_wait3A_344] : memref<10112x64xf32, #tpu.memory_space<hbm>> -> memref<128x64xf32, #tpu.memory_space<hbm>>
    tpu.wait_dma2 semaphore(%arg12 : memref<!tpu.dma_semaphore, #tpu.memory_space<semaphore_mem>>) src(%dma_wait3A_345 : memref<128x64xf32, #tpu.memory_space<hbm>>) dst(%dma_wait3A_342 : memref<128x64xf32, #tpu.memory_space<vmem>>)
    %dma_wait3A_346 = arith.constant 1 : i32
    %dma_wait3A_347 = arith.constant 1 : i32
    %dma_wait3A_348 = arith.constant 0 : i32
    %dma_wait3A_349 = arith.constant 0 : i32
    %dma_wait3A_350 = tpu.memref_slice %arg8[%dma_wait3A_346, %dma_wait3A_347, %dma_wait3A_348, %dma_wait3A_349] : memref<2x2x128x64xf32, #tpu.memory_space<vmem>> -> memref<1x1x128x64xf32, #tpu.memory_space<vmem>>
    %dma_wait3A_351 = tpu.memref_squeeze %dma_wait3A_350 : memref<1x1x128x64xf32, #tpu.memory_space<vmem>> -> memref<128x64xf32, #tpu.memory_space<vmem>>
    %dma_wait3A_352 = arith.constant 0 : i32
    %dma_wait3A_353 = arith.constant 0 : i32
    %dma_wait3A_354 = tpu.memref_slice %arg2[%dma_wait3A_352, %dma_wait3A_353] : memref<10112x64xf32, #tpu.memory_space<hbm>> -> memref<128x64xf32, #tpu.memory_space<hbm>>
    %dma_wait3A_355 = arith.constant 0 : i32
    %dma_wait3A_356 = arith.constant 0 : i32
    %dma_wait3A_357 = tpu.memref_slice %arg8[%dma_wait3A_346, %dma_wait3A_347, %dma_wait3A_355, %dma_wait3A_356] : memref<2x2x128x64xf32, #tpu.memory_space<vmem>> -> memref<1x1x128x64xf32, #tpu.memory_space<vmem>>
    %dma_wait3A_358 = tpu.memref_squeeze %dma_wait3A_357 : memref<1x1x128x64xf32, #tpu.memory_space<vmem>> -> memref<128x64xf32, #tpu.memory_space<vmem>>
    %dma_wait3A_359 = arith.constant 0 : i32
    %dma_wait3A_360 = arith.constant 0 : i32
    %dma_wait3A_361 = tpu.memref_slice %arg2[%dma_wait3A_359, %dma_wait3A_360] : memref<10112x64xf32, #tpu.memory_space<hbm>> -> memref<128x64xf32, #tpu.memory_space<hbm>>
    tpu.wait_dma2 semaphore(%arg12 : memref<!tpu.dma_semaphore, #tpu.memory_space<semaphore_mem>>) src(%dma_wait3A_361 : memref<128x64xf32, #tpu.memory_space<hbm>>) dst(%dma_wait3A_358 : memref<128x64xf32, #tpu.memory_space<vmem>>)
    %sub3A_362 = arith.constant 1 : i32
    %sub3A_363 = arith.subi %select_n3A_139, %sub3A_362 : i32
    %mul3A_364 = arith.constant 2 : i32
    %mul3A_365 = arith.muli %sub3A_363, %mul3A_364 : i32
    %add3A_366 = arith.constant 0 : i32
    %add3A_367 = arith.addi %mul3A_365, %add3A_366 : i32
    %dma_start3A_368 = arith.constant 1 : i32
    %dma_start3A_369 = arith.constant 0 : i32
    %dma_start3A_370 = arith.constant 0 : i32
    %dma_start3A_371 = arith.constant 0 : i32
    %dma_start3A_372 = tpu.memref_slice %arg8[%dma_start3A_368, %dma_start3A_369, %dma_start3A_370, %dma_start3A_371] : memref<2x2x128x64xf32, #tpu.memory_space<vmem>> -> memref<1x1x128x64xf32, #tpu.memory_space<vmem>>
    %dma_start3A_373 = tpu.memref_squeeze %dma_start3A_372 : memref<1x1x128x64xf32, #tpu.memory_space<vmem>> -> memref<128x64xf32, #tpu.memory_space<vmem>>
    %dma_start3A_374 = arith.constant 0 : i32
    %dma_start3A_375 = tpu.memref_slice %arg7[%add3A_367, %dma_start3A_374] : memref<152x128xi32, #tpu.memory_space<vmem>> -> memref<1x128xi32, #tpu.memory_space<vmem>>
    %dma_start3A_376 = tpu.memref_squeeze %dma_start3A_375 : memref<1x128xi32, #tpu.memory_space<vmem>> -> memref<128xi32, #tpu.memory_space<vmem>>
    %dma_start3A_377 = arith.constant 0 : i32
    %dma_start3A_378 = arith.constant 0 : i32
    %dma_start3A_379 = tpu.memref_slice %arg10[%dma_start3A_377, %dma_start3A_378] : memref<10112x64xf32, #tpu.memory_space<vmem_shared>> -> memref<10112x64xf32, #tpu.memory_space<vmem_shared>>
    tpu.enqueue_indirect_dma source(%dma_start3A_373 : memref<128x64xf32, #tpu.memory_space<vmem>>) target(%dma_start3A_379 : memref<10112x64xf32, #tpu.memory_space<vmem_shared>>) offsets(%dma_start3A_376 : memref<128xi32, #tpu.memory_space<vmem>>) semaphore(%arg14 : memref<!tpu.dma_semaphore, #tpu.memory_space<semaphore_mem>>) {add = true}
    %mul3A_380 = arith.constant 2 : i32
    %mul3A_381 = arith.muli %sub3A_363, %mul3A_380 : i32
    %add3A_382 = arith.constant 1 : i32
    %add3A_383 = arith.addi %mul3A_381, %add3A_382 : i32
    %dma_start3A_384 = arith.constant 1 : i32
    %dma_start3A_385 = arith.constant 1 : i32
    %dma_start3A_386 = arith.constant 0 : i32
    %dma_start3A_387 = arith.constant 0 : i32
    %dma_start3A_388 = tpu.memref_slice %arg8[%dma_start3A_384, %dma_start3A_385, %dma_start3A_386, %dma_start3A_387] : memref<2x2x128x64xf32, #tpu.memory_space<vmem>> -> memref<1x1x128x64xf32, #tpu.memory_space<vmem>>
    %dma_start3A_389 = tpu.memref_squeeze %dma_start3A_388 : memref<1x1x128x64xf32, #tpu.memory_space<vmem>> -> memref<128x64xf32, #tpu.memory_space<vmem>>
    %dma_start3A_390 = arith.constant 0 : i32
    %dma_start3A_391 = tpu.memref_slice %arg7[%add3A_383, %dma_start3A_390] : memref<152x128xi32, #tpu.memory_space<vmem>> -> memref<1x128xi32, #tpu.memory_space<vmem>>
    %dma_start3A_392 = tpu.memref_squeeze %dma_start3A_391 : memref<1x128xi32, #tpu.memory_space<vmem>> -> memref<128xi32, #tpu.memory_space<vmem>>
    %dma_start3A_393 = arith.constant 0 : i32
    %dma_start3A_394 = arith.constant 0 : i32
    %dma_start3A_395 = tpu.memref_slice %arg10[%dma_start3A_393, %dma_start3A_394] : memref<10112x64xf32, #tpu.memory_space<vmem_shared>> -> memref<10112x64xf32, #tpu.memory_space<vmem_shared>>
    tpu.enqueue_indirect_dma source(%dma_start3A_389 : memref<128x64xf32, #tpu.memory_space<vmem>>) target(%dma_start3A_395 : memref<10112x64xf32, #tpu.memory_space<vmem_shared>>) offsets(%dma_start3A_392 : memref<128xi32, #tpu.memory_space<vmem>>) semaphore(%arg14 : memref<!tpu.dma_semaphore, #tpu.memory_space<semaphore_mem>>) {add = true}
    %dma_wait3A_396 = arith.constant 1 : i32
    %dma_wait3A_397 = arith.constant 0 : i32
    %dma_wait3A_398 = arith.constant 0 : i32
    %dma_wait3A_399 = arith.constant 0 : i32
    %dma_wait3A_400 = tpu.memref_slice %arg8[%dma_wait3A_396, %dma_wait3A_397, %dma_wait3A_398, %dma_wait3A_399] : memref<2x2x128x64xf32, #tpu.memory_space<vmem>> -> memref<1x1x128x64xf32, #tpu.memory_space<vmem>>
    %dma_wait3A_401 = tpu.memref_squeeze %dma_wait3A_400 : memref<1x1x128x64xf32, #tpu.memory_space<vmem>> -> memref<128x64xf32, #tpu.memory_space<vmem>>
    %dma_wait3A_402 = arith.constant 0 : i32
    %dma_wait3A_403 = arith.constant 0 : i32
    %dma_wait3A_404 = tpu.memref_slice %arg10[%dma_wait3A_402, %dma_wait3A_403] : memref<10112x64xf32, #tpu.memory_space<vmem_shared>> -> memref<128x64xf32, #tpu.memory_space<vmem_shared>>
    %dma_wait3A_405 = arith.constant 0 : i32
    %dma_wait3A_406 = arith.constant 0 : i32
    %dma_wait3A_407 = tpu.memref_slice %arg10[%dma_wait3A_405, %dma_wait3A_406] : memref<10112x64xf32, #tpu.memory_space<vmem_shared>> -> memref<128x64xf32, #tpu.memory_space<vmem_shared>>
    %dma_wait3A_408 = arith.constant 0 : i32
    %dma_wait3A_409 = arith.constant 0 : i32
    %dma_wait3A_410 = tpu.memref_slice %arg8[%dma_wait3A_396, %dma_wait3A_397, %dma_wait3A_408, %dma_wait3A_409] : memref<2x2x128x64xf32, #tpu.memory_space<vmem>> -> memref<1x1x128x64xf32, #tpu.memory_space<vmem>>
    %dma_wait3A_411 = tpu.memref_squeeze %dma_wait3A_410 : memref<1x1x128x64xf32, #tpu.memory_space<vmem>> -> memref<128x64xf32, #tpu.memory_space<vmem>>
    tpu.wait_dma2 semaphore(%arg14 : memref<!tpu.dma_semaphore, #tpu.memory_space<semaphore_mem>>) src(%dma_wait3A_411 : memref<128x64xf32, #tpu.memory_space<vmem>>) dst(%dma_wait3A_407 : memref<128x64xf32, #tpu.memory_space<vmem_shared>>)
    %dma_wait3A_412 = arith.constant 1 : i32
    %dma_wait3A_413 = arith.constant 1 : i32
    %dma_wait3A_414 = arith.constant 0 : i32
    %dma_wait3A_415 = arith.constant 0 : i32
    %dma_wait3A_416 = tpu.memref_slice %arg8[%dma_wait3A_412, %dma_wait3A_413, %dma_wait3A_414, %dma_wait3A_415] : memref<2x2x128x64xf32, #tpu.memory_space<vmem>> -> memref<1x1x128x64xf32, #tpu.memory_space<vmem>>
    %dma_wait3A_417 = tpu.memref_squeeze %dma_wait3A_416 : memref<1x1x128x64xf32, #tpu.memory_space<vmem>> -> memref<128x64xf32, #tpu.memory_space<vmem>>
    %dma_wait3A_418 = arith.constant 0 : i32
    %dma_wait3A_419 = arith.constant 0 : i32
    %dma_wait3A_420 = tpu.memref_slice %arg10[%dma_wait3A_418, %dma_wait3A_419] : memref<10112x64xf32, #tpu.memory_space<vmem_shared>> -> memref<128x64xf32, #tpu.memory_space<vmem_shared>>
    %dma_wait3A_421 = arith.constant 0 : i32
    %dma_wait3A_422 = arith.constant 0 : i32
    %dma_wait3A_423 = tpu.memref_slice %arg10[%dma_wait3A_421, %dma_wait3A_422] : memref<10112x64xf32, #tpu.memory_space<vmem_shared>> -> memref<128x64xf32, #tpu.memory_space<vmem_shared>>
    %dma_wait3A_424 = arith.constant 0 : i32
    %dma_wait3A_425 = arith.constant 0 : i32
    %dma_wait3A_426 = tpu.memref_slice %arg8[%dma_wait3A_412, %dma_wait3A_413, %dma_wait3A_424, %dma_wait3A_425] : memref<2x2x128x64xf32, #tpu.memory_space<vmem>> -> memref<1x1x128x64xf32, #tpu.memory_space<vmem>>
    %dma_wait3A_427 = tpu.memref_squeeze %dma_wait3A_426 : memref<1x1x128x64xf32, #tpu.memory_space<vmem>> -> memref<128x64xf32, #tpu.memory_space<vmem>>
    tpu.wait_dma2 semaphore(%arg14 : memref<!tpu.dma_semaphore, #tpu.memory_space<semaphore_mem>>) src(%dma_wait3A_427 : memref<128x64xf32, #tpu.memory_space<vmem>>) dst(%dma_wait3A_423 : memref<128x64xf32, #tpu.memory_space<vmem_shared>>)
    %barrier3A_428 = arith.constant 0 : index
    tpu.barrier barrier_id(%barrier3A_428)
    %mul3A_429 = arith.constant 632 : i32
    %mul3A_430 = arith.muli %arg1, %mul3A_429 : i32
    %mul3A_431 = arith.constant 632 : i32
    %mul3A_432 = arith.muli %arg1, %mul3A_431 : i32
    "tpu.region"() ({
      %run_scoped3A = tpu.sem_alloc : memref<!tpu.dma_semaphore, #tpu.memory_space<semaphore_mem>>
      %dma_start3A_433 = arith.constant 0 : i32
      %dma_start3A_434 = arith.constant 0 : i32
      %dma_start3A_435 = tpu.memref_slice %arg5[%arg0, %dma_start3A_433, %dma_start3A_434] : memref<2x10112x64xf32, #tpu.memory_space<hbm>> -> memref<1x10112x64xf32, #tpu.memory_space<hbm>>
      %dma_start3A_436 = tpu.memref_squeeze %dma_start3A_435 : memref<1x10112x64xf32, #tpu.memory_space<hbm>> -> memref<10112x64xf32, #tpu.memory_space<hbm>>
      %dma_start3A_437 = arith.constant 0 : i32
      %dma_start3A_438 = tpu.memref_slice %dma_start3A_436[%mul3A_432, %dma_start3A_437] : memref<10112x64xf32, #tpu.memory_space<hbm>> -> memref<632x64xf32, #tpu.memory_space<hbm>>
      %dma_start3A_439 = arith.constant 0 : i32
      %dma_start3A_440 = tpu.memref_slice %arg10[%mul3A_430, %dma_start3A_439] : memref<10112x64xf32, #tpu.memory_space<vmem_shared>> -> memref<632x64xf32, #tpu.memory_space<vmem_shared>>
      tpu.enqueue_dma source(%dma_start3A_440 : memref<632x64xf32, #tpu.memory_space<vmem_shared>>) target(%dma_start3A_438 : memref<632x64xf32, #tpu.memory_space<hbm>>) target_semaphore(%run_scoped3A : memref<!tpu.dma_semaphore, #tpu.memory_space<semaphore_mem>>)
      %dma_wait3A_441 = arith.constant 0 : i32
      %dma_wait3A_442 = arith.constant 0 : i32
      %dma_wait3A_443 = tpu.memref_slice %arg5[%arg0, %dma_wait3A_441, %dma_wait3A_442] : memref<2x10112x64xf32, #tpu.memory_space<hbm>> -> memref<1x10112x64xf32, #tpu.memory_space<hbm>>
      %dma_wait3A_444 = tpu.memref_squeeze %dma_wait3A_443 : memref<1x10112x64xf32, #tpu.memory_space<hbm>> -> memref<10112x64xf32, #tpu.memory_space<hbm>>
      %dma_wait3A_445 = arith.constant 0 : i32
      %dma_wait3A_446 = tpu.memref_slice %dma_wait3A_444[%mul3A_432, %dma_wait3A_445] : memref<10112x64xf32, #tpu.memory_space<hbm>> -> memref<632x64xf32, #tpu.memory_space<hbm>>
      %dma_wait3A_447 = arith.constant 0 : i32
      %dma_wait3A_448 = tpu.memref_slice %arg10[%mul3A_430, %dma_wait3A_447] : memref<10112x64xf32, #tpu.memory_space<vmem_shared>> -> memref<632x64xf32, #tpu.memory_space<vmem_shared>>
      tpu.wait_dma2 semaphore(%run_scoped3A : memref<!tpu.dma_semaphore, #tpu.memory_space<semaphore_mem>>) src(%dma_wait3A_448 : memref<632x64xf32, #tpu.memory_space<vmem_shared>>) dst(%dma_wait3A_446 : memref<632x64xf32, #tpu.memory_space<hbm>>)
      tpu.yield
    }) : () -> ()
    return
  }
}

module attributes {stable_mosaic.version = 14 : i64} {
  func.func @_t1_body(%arg0: memref<10000x128xf32, #tpu.memory_space<vmem>>, %arg1: memref<128x64xf32, #tpu.memory_space<vmem>>, %arg2: memref<2x10112x16xf32, #tpu.memory_space<vmem>>, %arg3: memref<10112x64xf32, #tpu.memory_space<vmem>>) attributes {dimension_semantics = [], scalar_prefetch = 0 : i64, scratch_operands = 0 : i64, tpu.core_type = #tpu.core_type<tc>} {
    %get3A = arith.constant 0 : index
    %get3A_0 = arith.constant 0 : index
    %get3A_1 = arith.constant 0 : index
    %get3A_2 = vector.load %arg2[%get3A, %get3A_0, %get3A_1] : memref<2x10112x16xf32, #tpu.memory_space<vmem>>, vector<1x10000x1xf32>
    %get3A_3 = vector.shape_cast %get3A_2 : vector<1x10000x1xf32> to vector<10000x1xf32>
    %get3A_4 = arith.constant 1 : index
    %get3A_5 = arith.constant 0 : index
    %get3A_6 = arith.constant 0 : index
    %get3A_7 = vector.load %arg2[%get3A_4, %get3A_5, %get3A_6] : memref<2x10112x16xf32, #tpu.memory_space<vmem>>, vector<1x10000x1xf32>
    %get3A_8 = vector.shape_cast %get3A_7 : vector<1x10000x1xf32> to vector<10000x1xf32>
    %add3A = arith.addf %get3A_3, %get3A_8 : vector<10000x1xf32>
    %add3A_9 = arith.constant 1.000000e+00 : f32
    %add3A_10 = vector.broadcast %add3A_9 : f32 to vector<10000x1xf32>
    %add3A_11 = arith.addf %add3A, %add3A_10 : vector<10000x1xf32>
    %rsqrt3A = math.rsqrt %add3A_11 : vector<10000x1xf32>
    %get3A_12 = arith.constant 0 : index
    %get3A_13 = arith.constant 0 : index
    %get3A_14 = vector.load %arg0[%get3A_12, %get3A_13] : memref<10000x128xf32, #tpu.memory_space<vmem>>, vector<10000x128xf32>
    %get3A_15 = arith.constant 0 : index
    %get3A_16 = arith.constant 0 : index
    %get3A_17 = vector.load %arg1[%get3A_15, %get3A_16] : memref<128x64xf32, #tpu.memory_space<vmem>>, vector<128x64xf32>
    %dot_general3A = arith.constant dense<0.000000e+00> : vector<10000x64xf32>
    %dot_general3A_18 = tpu.matmul %get3A_14, %get3A_17, %dot_general3A {dimension_numbers = #tpu.dot_dimension_numbers<[1], [0], [0], [1], [0, 0, 1, 1], [], []>, transpose_lhs_hint = false} : vector<10000x128xf32>, vector<128x64xf32>, vector<10000x64xf32> -> vector<10000x64xf32>
    %mul3A = vector.broadcast %rsqrt3A : vector<10000x1xf32> to vector<10000x64xf32>
    %mul3A_19 = arith.mulf %dot_general3A_18, %mul3A : vector<10000x64xf32>
    %swap3A = arith.constant 0 : index
    %swap3A_20 = arith.constant 0 : index
    %swap3A_21 = vector.load %arg3[%swap3A, %swap3A_20] : memref<10112x64xf32, #tpu.memory_space<vmem>>, vector<10000x64xf32>
    tpu.vector_store %arg3[%swap3A, %swap3A_20], %mul3A_19 {strides = array<i32>} : memref<10112x64xf32, #tpu.memory_space<vmem>>, vector<10000x64xf32>,
    %broadcast_in_dim3A = arith.constant 0.000000e+00 : f32
    %broadcast_in_dim3A_22 = vector.broadcast %broadcast_in_dim3A : f32 to vector<112x64xf32>
    %swap3A_23 = arith.constant 10000 : index
    %swap3A_24 = arith.constant 0 : index
    %swap3A_25 = vector.load %arg3[%swap3A_23, %swap3A_24] : memref<10112x64xf32, #tpu.memory_space<vmem>>, vector<112x64xf32>
    tpu.vector_store %arg3[%swap3A_23, %swap3A_24], %broadcast_in_dim3A_22 {strides = array<i32>} : memref<10112x64xf32, #tpu.memory_space<vmem>>, vector<112x64xf32>,
    return
  }
}

module attributes {stable_mosaic.version = 14 : i64} {
  func.func @_t2_body(%arg0: memref<2x10112x64xf32, #tpu.memory_space<vmem>>, %arg1: memref<10112x64xf32, #tpu.memory_space<vmem>>, %arg2: memref<2x10112x16xf32, #tpu.memory_space<vmem>>, %arg3: memref<64x64xf32, #tpu.memory_space<vmem>>, %arg4: memref<1x64xf32, #tpu.memory_space<vmem>>, %arg5: memref<10112x64xf32, #tpu.memory_space<vmem>>) attributes {dimension_semantics = [], scalar_prefetch = 0 : i64, scratch_operands = 0 : i64, tpu.core_type = #tpu.core_type<tc>} {
    %get3A = arith.constant 0 : index
    %get3A_0 = arith.constant 0 : index
    %get3A_1 = arith.constant 0 : index
    %get3A_2 = vector.load %arg2[%get3A, %get3A_0, %get3A_1] : memref<2x10112x16xf32, #tpu.memory_space<vmem>>, vector<1x10000x1xf32>
    %get3A_3 = vector.shape_cast %get3A_2 : vector<1x10000x1xf32> to vector<10000x1xf32>
    %get3A_4 = arith.constant 1 : index
    %get3A_5 = arith.constant 0 : index
    %get3A_6 = arith.constant 0 : index
    %get3A_7 = vector.load %arg2[%get3A_4, %get3A_5, %get3A_6] : memref<2x10112x16xf32, #tpu.memory_space<vmem>>, vector<1x10000x1xf32>
    %get3A_8 = vector.shape_cast %get3A_7 : vector<1x10000x1xf32> to vector<10000x1xf32>
    %add3A = arith.addf %get3A_3, %get3A_8 : vector<10000x1xf32>
    %add3A_9 = arith.constant 1.000000e+00 : f32
    %add3A_10 = vector.broadcast %add3A_9 : f32 to vector<10000x1xf32>
    %add3A_11 = arith.addf %add3A, %add3A_10 : vector<10000x1xf32>
    %rsqrt3A = math.rsqrt %add3A_11 : vector<10000x1xf32>
    %get3A_12 = arith.constant 0 : index
    %get3A_13 = arith.constant 0 : index
    %get3A_14 = arith.constant 0 : index
    %get3A_15 = vector.load %arg0[%get3A_12, %get3A_13, %get3A_14] : memref<2x10112x64xf32, #tpu.memory_space<vmem>>, vector<1x10000x64xf32>
    %get3A_16 = vector.shape_cast %get3A_15 : vector<1x10000x64xf32> to vector<10000x64xf32>
    %get3A_17 = arith.constant 1 : index
    %get3A_18 = arith.constant 0 : index
    %get3A_19 = arith.constant 0 : index
    %get3A_20 = vector.load %arg0[%get3A_17, %get3A_18, %get3A_19] : memref<2x10112x64xf32, #tpu.memory_space<vmem>>, vector<1x10000x64xf32>
    %get3A_21 = vector.shape_cast %get3A_20 : vector<1x10000x64xf32> to vector<10000x64xf32>
    %add3A_22 = arith.addf %get3A_16, %get3A_21 : vector<10000x64xf32>
    %get3A_23 = arith.constant 0 : index
    %get3A_24 = arith.constant 0 : index
    %get3A_25 = vector.load %arg1[%get3A_23, %get3A_24] : memref<10112x64xf32, #tpu.memory_space<vmem>>, vector<10000x64xf32>
    %add3A_26 = arith.addf %add3A_22, %get3A_25 : vector<10000x64xf32>
    %mul3A = vector.broadcast %rsqrt3A : vector<10000x1xf32> to vector<10000x64xf32>
    %mul3A_27 = arith.mulf %add3A_26, %mul3A : vector<10000x64xf32>
    %get3A_28 = arith.constant 0 : index
    %get3A_29 = arith.constant 0 : index
    %get3A_30 = vector.load %arg4[%get3A_28, %get3A_29] : memref<1x64xf32, #tpu.memory_space<vmem>>, vector<1x64xf32>
    %add3A_31 = vector.broadcast %get3A_30 : vector<1x64xf32> to vector<10000x64xf32>
    %add3A_32 = arith.addf %mul3A_27, %add3A_31 : vector<10000x64xf32>
    %max3A = arith.constant 0.000000e+00 : f32
    %max3A_33 = vector.broadcast %max3A : f32 to vector<10000x64xf32>
    %max3A_34 = arith.maximumf %add3A_32, %max3A_33 : vector<10000x64xf32>
    %get3A_35 = arith.constant 0 : index
    %get3A_36 = arith.constant 0 : index
    %get3A_37 = vector.load %arg3[%get3A_35, %get3A_36] : memref<64x64xf32, #tpu.memory_space<vmem>>, vector<64x64xf32>
    %dot_general3A = arith.constant dense<0.000000e+00> : vector<10000x64xf32>
    %dot_general3A_38 = tpu.matmul %max3A_34, %get3A_37, %dot_general3A {dimension_numbers = #tpu.dot_dimension_numbers<[1], [0], [0], [1], [0, 0, 1, 1], [], []>, transpose_lhs_hint = false} : vector<10000x64xf32>, vector<64x64xf32>, vector<10000x64xf32> -> vector<10000x64xf32>
    %mul3A_39 = vector.broadcast %rsqrt3A : vector<10000x1xf32> to vector<10000x64xf32>
    %mul3A_40 = arith.mulf %dot_general3A_38, %mul3A_39 : vector<10000x64xf32>
    %swap3A = arith.constant 0 : index
    %swap3A_41 = arith.constant 0 : index
    %swap3A_42 = vector.load %arg5[%swap3A, %swap3A_41] : memref<10112x64xf32, #tpu.memory_space<vmem>>, vector<10000x64xf32>
    tpu.vector_store %arg5[%swap3A, %swap3A_41], %mul3A_40 {strides = array<i32>} : memref<10112x64xf32, #tpu.memory_space<vmem>>, vector<10000x64xf32>,
    %broadcast_in_dim3A = arith.constant 0.000000e+00 : f32
    %broadcast_in_dim3A_43 = vector.broadcast %broadcast_in_dim3A : f32 to vector<112x64xf32>
    %swap3A_44 = arith.constant 10000 : index
    %swap3A_45 = arith.constant 0 : index
    %swap3A_46 = vector.load %arg5[%swap3A_44, %swap3A_45] : memref<10112x64xf32, #tpu.memory_space<vmem>>, vector<112x64xf32>
    tpu.vector_store %arg5[%swap3A_44, %swap3A_45], %broadcast_in_dim3A_43 {strides = array<i32>} : memref<10112x64xf32, #tpu.memory_space<vmem>>, vector<112x64xf32>,
    return
  }
}

module attributes {stable_mosaic.version = 14 : i64} {
  func.func @_t3_body(%arg0: memref<2x10112x64xf32, #tpu.memory_space<vmem>>, %arg1: memref<10112x64xf32, #tpu.memory_space<vmem>>, %arg2: memref<2x10112x16xf32, #tpu.memory_space<vmem>>, %arg3: memref<1x64xf32, #tpu.memory_space<vmem>>, %arg4: memref<1x10000xi32, #tpu.memory_space<vmem>>, %arg5: memref<64x128xf32, #tpu.memory_space<vmem>>, %arg6: memref<1x128xf32, #tpu.memory_space<vmem>>, %arg7: memref<128x10xf32, #tpu.memory_space<vmem>>, %arg8: memref<1x10xf32, #tpu.memory_space<vmem>>, %arg9: memref<64x10xf32, #tpu.memory_space<vmem>>) attributes {dimension_semantics = [], scalar_prefetch = 0 : i64, scratch_operands = 0 : i64, tpu.core_type = #tpu.core_type<tc>} {
    %get3A = arith.constant 0 : index
    %get3A_0 = arith.constant 0 : index
    %get3A_1 = arith.constant 0 : index
    %get3A_2 = vector.load %arg2[%get3A, %get3A_0, %get3A_1] : memref<2x10112x16xf32, #tpu.memory_space<vmem>>, vector<1x10000x1xf32>
    %get3A_3 = vector.shape_cast %get3A_2 : vector<1x10000x1xf32> to vector<10000x1xf32>
    %get3A_4 = arith.constant 1 : index
    %get3A_5 = arith.constant 0 : index
    %get3A_6 = arith.constant 0 : index
    %get3A_7 = vector.load %arg2[%get3A_4, %get3A_5, %get3A_6] : memref<2x10112x16xf32, #tpu.memory_space<vmem>>, vector<1x10000x1xf32>
    %get3A_8 = vector.shape_cast %get3A_7 : vector<1x10000x1xf32> to vector<10000x1xf32>
    %add3A = arith.addf %get3A_3, %get3A_8 : vector<10000x1xf32>
    %add3A_9 = arith.constant 1.000000e+00 : f32
    %add3A_10 = vector.broadcast %add3A_9 : f32 to vector<10000x1xf32>
    %add3A_11 = arith.addf %add3A, %add3A_10 : vector<10000x1xf32>
    %rsqrt3A = math.rsqrt %add3A_11 : vector<10000x1xf32>
    %get3A_12 = arith.constant 0 : index
    %get3A_13 = arith.constant 0 : index
    %get3A_14 = arith.constant 0 : index
    %get3A_15 = vector.load %arg0[%get3A_12, %get3A_13, %get3A_14] : memref<2x10112x64xf32, #tpu.memory_space<vmem>>, vector<1x10000x64xf32>
    %get3A_16 = vector.shape_cast %get3A_15 : vector<1x10000x64xf32> to vector<10000x64xf32>
    %get3A_17 = arith.constant 1 : index
    %get3A_18 = arith.constant 0 : index
    %get3A_19 = arith.constant 0 : index
    %get3A_20 = vector.load %arg0[%get3A_17, %get3A_18, %get3A_19] : memref<2x10112x64xf32, #tpu.memory_space<vmem>>, vector<1x10000x64xf32>
    %get3A_21 = vector.shape_cast %get3A_20 : vector<1x10000x64xf32> to vector<10000x64xf32>
    %add3A_22 = arith.addf %get3A_16, %get3A_21 : vector<10000x64xf32>
    %get3A_23 = arith.constant 0 : index
    %get3A_24 = arith.constant 0 : index
    %get3A_25 = vector.load %arg1[%get3A_23, %get3A_24] : memref<10112x64xf32, #tpu.memory_space<vmem>>, vector<10000x64xf32>
    %add3A_26 = arith.addf %add3A_22, %get3A_25 : vector<10000x64xf32>
    %mul3A = vector.broadcast %rsqrt3A : vector<10000x1xf32> to vector<10000x64xf32>
    %mul3A_27 = arith.mulf %add3A_26, %mul3A : vector<10000x64xf32>
    %get3A_28 = arith.constant 0 : index
    %get3A_29 = arith.constant 0 : index
    %get3A_30 = vector.load %arg3[%get3A_28, %get3A_29] : memref<1x64xf32, #tpu.memory_space<vmem>>, vector<1x64xf32>
    %add3A_31 = vector.broadcast %get3A_30 : vector<1x64xf32> to vector<10000x64xf32>
    %add3A_32 = arith.addf %mul3A_27, %add3A_31 : vector<10000x64xf32>
    %max3A = arith.constant 0.000000e+00 : f32
    %max3A_33 = vector.broadcast %max3A : f32 to vector<10000x64xf32>
    %max3A_34 = arith.maximumf %add3A_32, %max3A_33 : vector<10000x64xf32>
    %iota3A = tpu.iota {dimensions = array<i32: 0>} : vector<64x1xi32>
    %get3A_35 = arith.constant 0 : index
    %get3A_36 = arith.constant 0 : index
    %get3A_37 = vector.load %arg4[%get3A_35, %get3A_36] : memref<1x10000xi32, #tpu.memory_space<vmem>>, vector<1x10000xi32>
    %eq3A = vector.broadcast %get3A_37 : vector<1x10000xi32> to vector<64x10000xi32>
    %eq3A_38 = vector.broadcast %iota3A : vector<64x1xi32> to vector<64x10000xi32>
    %eq3A_39 = arith.cmpi eq, %eq3A, %eq3A_38 : vector<64x10000xi32>
    %convert_element_type3A = arith.extui %eq3A_39 : vector<64x10000xi1> to vector<64x10000xi32>
    %convert_element_type3A_40 = arith.sitofp %convert_element_type3A : vector<64x10000xi32> to vector<64x10000xf32>
    %dot_general3A = arith.constant dense<0.000000e+00> : vector<64x64xf32>
    %dot_general3A_41 = tpu.matmul %convert_element_type3A_40, %max3A_34, %dot_general3A {dimension_numbers = #tpu.dot_dimension_numbers<[1], [0], [0], [1], [0, 0, 1, 1], [], []>, transpose_lhs_hint = false} : vector<64x10000xf32>, vector<10000x64xf32>, vector<64x64xf32> -> vector<64x64xf32>
    %broadcast_in_dim3A = arith.constant 1.000000e+00 : f32
    %broadcast_in_dim3A_42 = vector.broadcast %broadcast_in_dim3A : f32 to vector<10000x1xf32>
    %dot_general3A_43 = arith.constant dense<0.000000e+00> : vector<64x1xf32>
    %dot_general3A_44 = tpu.matmul %convert_element_type3A_40, %broadcast_in_dim3A_42, %dot_general3A_43 {dimension_numbers = #tpu.dot_dimension_numbers<[1], [0], [0], [1], [0, 0, 1, 1], [], []>, transpose_lhs_hint = false} : vector<64x10000xf32>, vector<10000x1xf32>, vector<64x1xf32> -> vector<64x1xf32>
    %max3A_45 = arith.constant 1.000000e+00 : f32
    %max3A_46 = vector.broadcast %max3A_45 : f32 to vector<64x1xf32>
    %max3A_47 = arith.maximumf %dot_general3A_44, %max3A_46 : vector<64x1xf32>
    %div3A = vector.broadcast %max3A_47 : vector<64x1xf32> to vector<64x64xf32>
    %div3A_48 = arith.divf %dot_general3A_41, %div3A : vector<64x64xf32>
    %get3A_49 = arith.constant 0 : index
    %get3A_50 = arith.constant 0 : index
    %get3A_51 = vector.load %arg5[%get3A_49, %get3A_50] : memref<64x128xf32, #tpu.memory_space<vmem>>, vector<64x128xf32>
    %dot_general3A_52 = arith.constant dense<0.000000e+00> : vector<64x128xf32>
    %dot_general3A_53 = tpu.matmul %div3A_48, %get3A_51, %dot_general3A_52 {dimension_numbers = #tpu.dot_dimension_numbers<[1], [0], [0], [1], [0, 0, 1, 1], [], []>, transpose_lhs_hint = false} : vector<64x64xf32>, vector<64x128xf32>, vector<64x128xf32> -> vector<64x128xf32>
    %get3A_54 = arith.constant 0 : index
    %get3A_55 = arith.constant 0 : index
    %get3A_56 = vector.load %arg6[%get3A_54, %get3A_55] : memref<1x128xf32, #tpu.memory_space<vmem>>, vector<1x128xf32>
    %add3A_57 = vector.broadcast %get3A_56 : vector<1x128xf32> to vector<64x128xf32>
    %add3A_58 = arith.addf %dot_general3A_53, %add3A_57 : vector<64x128xf32>
    %max3A_59 = arith.constant 0.000000e+00 : f32
    %max3A_60 = vector.broadcast %max3A_59 : f32 to vector<64x128xf32>
    %max3A_61 = arith.maximumf %add3A_58, %max3A_60 : vector<64x128xf32>
    %get3A_62 = arith.constant 0 : index
    %get3A_63 = arith.constant 0 : index
    %get3A_64 = vector.load %arg7[%get3A_62, %get3A_63] : memref<128x10xf32, #tpu.memory_space<vmem>>, vector<128x10xf32>
    %dot_general3A_65 = arith.constant dense<0.000000e+00> : vector<64x10xf32>
    %dot_general3A_66 = tpu.matmul %max3A_61, %get3A_64, %dot_general3A_65 {dimension_numbers = #tpu.dot_dimension_numbers<[1], [0], [0], [1], [0, 0, 1, 1], [], []>, transpose_lhs_hint = false} : vector<64x128xf32>, vector<128x10xf32>, vector<64x10xf32> -> vector<64x10xf32>
    %get3A_67 = arith.constant 0 : index
    %get3A_68 = arith.constant 0 : index
    %get3A_69 = vector.load %arg8[%get3A_67, %get3A_68] : memref<1x10xf32, #tpu.memory_space<vmem>>, vector<1x10xf32>
    %add3A_70 = vector.broadcast %get3A_69 : vector<1x10xf32> to vector<64x10xf32>
    %add3A_71 = arith.addf %dot_general3A_66, %add3A_70 : vector<64x10xf32>
    %swap3A = arith.constant 0 : index
    %swap3A_72 = arith.constant 0 : index
    %swap3A_73 = vector.load %arg9[%swap3A, %swap3A_72] : memref<64x10xf32, #tpu.memory_space<vmem>>, vector<64x10xf32>
    tpu.vector_store %arg9[%swap3A, %swap3A_72], %add3A_71 {strides = array<i32>} : memref<64x10xf32, #tpu.memory_space<vmem>>, vector<64x10xf32>,
    return
  }
}

</mosaic_0001>

<sc_bundles>
// kernel: kernel.11.cloned.1.call-start
scs
__scs_entry_jumppad:
0x0: {  	(pc) =	sbr.rel $0x88, $3  }
0x1: {  	(tag) =	ssettag $0x0;
	lr =	simm.s32 $0x1  }
0x2: {  	[smem:$0x3F96] =	sst lr;
	_ =	strace $0xD0000000  }
0x3: {  	_ = 	snop  }
0x4: {  	_ = 	snop  }
0x5: {  	_ = 	snop  }
0x6: {  	_ = 	snop  }
0x7: {  	_ = 	snop  }
__scs_overlays_trampoline_lowered:
0x8: {  	[smem:$0x3FA5] =	sst s0  }
0x9: {  	[smem:$0x3FA6] =	sst s1  }
0xa: {  	[smem:$0x3FA7] =	sst s2  }
0xb: {  	[smem:$0x3FA8] =	sst s3  }
0xc: {  	[smem:$0x3FA9] =	sst s4  }
0xd: {  	[smem:$0x3FAA] =	sst s5  }
0xe: {  	[smem:$0x3FAB] =	sst s6  }
0xf: {  	[smem:$0x3FAC] =	sst s7  }
0x10: {  	[smem:$0x3FAD] =	sst s8  }
0x11: {  	[smem:$0x3FAE] =	sst s9;
	s0 =	simm.s32 @!p0 $0x0  }
0x12: {  	s1 =	sld [smem:$0x3F94];
	s0 =	simm.s32 @p0 $0x1  }
0x13: {  	[smem:$0x3FAF] =	sst s0;
	s0 =	simm.s32 @!p1 $0x0  }
0x14: {  	s2 =	sld [smem:$0x3F93];
	s0 =	simm.s32 @p1 $0x1  }
0x15: {  	[smem:$0x3FB0] =	sst s0;
	s0 =	simm.s32 @!p2 $0x0  }
0x16: {  	s3 =	sld [smem:$0x3FDB];
	s0 =	simm.s32 @p2 $0x1  }
0x17: {  	s4 =	simm.s32 $0x1BF5;
	[smem:$0x3FB2] =	sst s0  }
0x18: {  	s0 =	sld [smem:$0x3F95];
	_ =	swait.ge [sflag:s4], $0x0  }
0x19: {  	s7 =	sld [smem:$0x3F96]  }
0x1a: {  	s8 =	sadd.s32 $0xFFFFE003, lr  }
0x1b: {  	s9 =	sadd.s32 $0xFFFFFEF7, lr;
	s5 =	simm.s32 $0xFFFFFFFF;
	p2 =	slt.u32 s8, $0xFFFFF086  }
0x1c: {  	p1 =	slt.u32 s9, $0xF7A;
	s5 =	simm.s32 @!p2 $0x0  }
0x1d: {  	s5 =	simm.s32 @p1 $0x1;
	p0 =	seq.s32 s7, s2  }
0x1e: {  	s7 =	smul.u32 @!p0 $0xF7A, s2;
	p2 =	seq.s32 @!p0 s5, $0x0  }
0x1f: {  	s9 =	smul.u32 $0xF7A, s1;
	s8 =	simm.s32 @!p0 $0x1BF5;
	p2 =	por !p2, p0  }
0x20: {  	[sflag:s8] =	ssyncset.s32 @!p0 $0xFFFFF086;
	s6 =	sadd.s32 @!p0 s3, s7;
	s7 =	simm.s32 @!p0 $0x108  }
0x21: {  	s3 =	sadd.s32 s3, s9;
	s6 =	sadd.s32 @!p0 $0x88, s6;
	s7 =	simm.s32 @p2 $0x1082  }
0x22: {  	[simem:s7], [sflag:s8] =	dma.local @!p0 [hbm:s6], $0xF7A  }
0x23: {  	s9 =	sor.u32 $0xD0000000, s2;
	s6 =	simm.s32 $0x108;
	_ =	swait.ge @!p0 [sflag:s8], $0x0  }
0x24: {  	s3 =	sadd.s32 $0x88, s3;
	s6 =	simm.s32 @!p1 $0x1082;
	[sflag:s4] =	ssyncset.s32 $0xFFFFF086  }
0x25: {  	[simem:s6], [sflag:s4] =	dma.local [hbm:s3], $0xF7A  }
0x26: {  	[smem:$0x3F96] =	sst s1;
	(tag) =	ssettag s2;
	_ =	strace s9  }
0x27: {  	s1 =	sld [smem:$0x3FA6]  }
0x28: {  	s2 =	sld [smem:$0x3FA7]  }
0x29: {  	s4 =	sld [smem:$0x3FA9]  }
0x2a: {  	p0 =	seq.s32 s5, $0x0;
	s5 =	sld [smem:$0x3FAA]  }
0x2b: {  	s6 =	sld [smem:$0x3FAB]  }
0x2c: {  	s7 =	sld [smem:$0x3FAC]  }
0x2d: {  	s3 =	simm.s32 $0x108;
	s8 =	sld [smem:$0x3FAD]  }
0x2e: {  	s3 =	simm.s32 @!p0 $0x1082;
	s9 =	sld [smem:$0x3FAE]  }
0x2f: {  	lr =	sadd.s32 s0, s3;
	s0 =	sld [smem:$0x3FA5]  }
0x30: {  	s3 =	sld [smem:$0x3FA8]  }
0x31: {  	[smem:$0x3FB1] =	sst s10  }
0x32: {  	s10 =	sld [smem:$0x3FAF];
	_ =	sdelay $0x3  }
0x33: {  	p0 =	seq.s32 s10, $0x1;
	s10 =	sld [smem:$0x3FB1];
	_ =	sdelay $0x3  }
0x34: {  	[smem:$0x3FB1] =	sst s10  }
0x35: {  	s10 =	sld [smem:$0x3FB0];
	_ =	sdelay $0x3  }
0x36: {  	p1 =	seq.s32 s10, $0x1;
	s10 =	sld [smem:$0x3FB1];
	_ =	sdelay $0x3  }
0x37: {  	[smem:$0x3FB1] =	sst s10  }
0x38: {  	s10 =	sld [smem:$0x3FB2]  }
0x39: {  	_ = 	snop;
	(pc) =	sbr.ind lr, $3  }
0x3a: {  	_ = 	snop  }
0x3b: {  	_ = 	snop  }
0x3c: {  	p2 =	seq.s32 s10, $0x1;
	s10 =	sld [smem:$0x3FB1]  }
0x3d: {  	_ =	shalt  }
0x3e: {  	_ =	shalt  }
0x3f: {  	_ =	shalt  }
0x40: {  	_ =	shalt  }
0x41: {  	_ =	shalt  }
0x42: {  	_ =	shalt  }
0x43: {  	_ =	shalt  }
0x44: {  	_ =	shalt  }
0x45: {  	_ =	shalt  }
0x46: {  	_ =	shalt  }
0x47: {  	_ =	shalt  }
0x48: {  	_ =	shalt  }
0x49: {  	_ =	shalt  }
0x4a: {  	_ =	shalt  }
0x4b: {  	_ =	shalt  }
0x4c: {  	_ =	shalt  }
0x4d: {  	_ =	shalt  }
0x4e: {  	_ =	shalt  }
0x4f: {  	_ =	shalt  }
0x50: {  	_ =	shalt  }
0x51: {  	_ =	shalt  }
0x52: {  	_ =	shalt  }
0x53: {  	_ =	shalt  }
0x54: {  	_ =	shalt  }
0x55: {  	_ =	shalt  }
0x56: {  	_ =	shalt  }
0x57: {  	_ =	shalt  }
0x58: {  	_ =	shalt  }
0x59: {  	_ =	shalt  }
0x5a: {  	_ =	shalt  }
0x5b: {  	_ =	shalt  }
0x5c: {  	_ =	shalt  }
0x5d: {  	_ =	shalt  }
0x5e: {  	_ =	shalt  }
0x5f: {  	_ =	shalt  }
0x60: {  	_ =	shalt  }
0x61: {  	_ =	shalt  }
0x62: {  	_ =	shalt  }
0x63: {  	_ =	shalt  }
0x64: {  	_ =	shalt  }
0x65: {  	_ =	shalt  }
0x66: {  	_ =	shalt  }
0x67: {  	_ =	shalt  }
0x68: {  	_ =	shalt  }
0x69: {  	_ =	shalt  }
0x6a: {  	_ =	shalt  }
0x6b: {  	_ =	shalt  }
0x6c: {  	_ =	shalt  }
0x6d: {  	_ =	shalt  }
0x6e: {  	_ =	shalt  }
0x6f: {  	_ =	shalt  }
0x70: {  	_ =	shalt  }
0x71: {  	_ =	shalt  }
0x72: {  	_ =	shalt  }
0x73: {  	_ =	shalt  }
0x74: {  	_ =	shalt  }
0x75: {  	_ =	shalt  }
0x76: {  	_ =	shalt  }
0x77: {  	_ =	shalt  }
0x78: {  	_ =	shalt  }
0x79: {  	_ =	shalt  }
0x7a: {  	_ =	shalt  }
0x7b: {  	_ =	shalt  }
0x7c: {  	_ =	shalt  }
0x7d: {  	_ =	shalt  }
0x7e: {  	_ =	shalt  }
0x7f: {  	_ =	shalt  }
0x80: {  	_ =	shalt  }
0x81: {  	_ =	shalt  }
0x82: {  	_ =	shalt  }
0x83: {  	_ =	shalt  }
0x84: {  	_ =	shalt  }
0x85: {  	_ =	shalt  }
0x86: {  	_ =	shalt  }
0x87: {  	_ =	shalt  }
.Lfunc_end0:
.L_simem_size_0:
called_computation.1_lowered:
.L_overlay_start_0:
0x88: {  	s2 =	sld [smem:$0x3FD9]  }
0x89: {  	s3 =	sld [smem:$0x3FFE];
	_ =	sdelay $0x1  }
0x8a: {  	s1 =	srdreg.scid  }
0x8b: {  	s0 =	sand.u32 $0x1, s1  }
0x8c: {  	s16 =	sshll.u32 s0, $0xA;
	s2 =	sadd.s32 s3, s2  }
0x8d: {  	s2 =	sadd.s32 s2, s16  }
0x8e: {  	[smem:$0x3FBD] =	sst s2  }
0x8f: {  	_ = 	snop  }
0x90: {  	(tm) =	ssettm $0x1  }
0x91: {  	s17 =	sld [smem:$0x3FFB];
	_ =	sdelay $0x3  }
0x92: {  	_ =	strace s17  }
0x93: {  	s2 =	sld [smem:$0x3FFC];
	_ =	sdelay $0x3  }
0x94: {  	_ =	strace s2  }
0x95: {  	s2 =	sld [smem:$0x3FFD];
	_ =	sdelay $0x3  }
0x96: {  	_ =	strace s2  }
0x97: {  	_ =	strace $0x8FFFFFFF  }
0x98: {  	s18 =	sld [smem:$0x3FDB];
	_ =	sdelay $0x1  }
0x99: {  	s19 =	simm.s32 $_scs_section_size  }
0x9a: {  	s4 =	simm.s32 $_size__tile_overlayer_lowered;
	s5 =	simm.s32 $_tile_overlayer_lowered  }
0x9b: {  	s22 =	simm.s32 $0x1BFF;
	s21 =	sshll.u32 s5, $0x1;
	s2 =	sadd.s32 s19, s18  }
0x9c: {  	s6 =	simm.s32 $0x0;
	s20 =	sshll.u32 s4, $0x1;
	s4 =	sadd.s32 s21, s2  }
0x9d: {  	[timem:s6], [sflag:s22] =	dma.local [hbm:s4], s20  }
0x9e: {  	_ =	swait.ge [sflag:s22], s20  }
0x9f: {  	s3 =	ssub.s32 $0x0, s20;
	[sflag:s22] =	ssyncset.done $0x0  }
0xa0: {  	[sflag:s22] =	ssyncadd.s32 s3;
	_ =	sdelay $0x1  }
0xa1: {  	s23 =	simm.s32 $0x1B8B  }
0xa2: {  	_ =	swait.ge [sflag:s23], $0x1  }
0xa3: {  	[sflag:s23] =	ssyncset.done $0x0  }
0xa4: {  	s25 =	simm.s32 $0x1B8E;
	s24 =	sld [smem:$0x3FFE];
	[sflag:s23] =	ssyncadd.s32 $0xFFFFFFFF  }
0xa5: {  	s26 =	simm.s32 $execute0_lowered;
	[smem:$0x3FD2] =	sst s25  }
0xa6: {  	s4 =	sshll.u32 s26, $0x1;
	_ =	strace $0x80000049;
	[dreg:$0x1] =	wrdreg $0xFFFFFFFF  }
0xa7: {  	s28 =	simm.s32 $_size_execute0_lowered;
	s2 =	sadd.s32 s2, s4;
	[dreg:$0x0] =	wrdreg $0x0  }
0xa8: {  	s4 =	sshll.u32 s28, $0x1;
	[dreg:$0x2] =	wrdreg s2  }
0xa9: {  	[dreg:$0x3] =	wrdreg s4  }
0xaa: {  	[dreg:$0x4] =	wrdreg $0xC0  }
0xab: {  	_ =	task [dreg:s6], $0x5FFFF  }
0xac: {  	[dreg:$0x1] =	wrdreg $0xFFFFFFFF  }
0xad: {  	[dreg:$0x0] =	wrdreg $0x60  }
0xae: {  	[dreg:$0x2] =	wrdreg s24  }
0xaf: {  	[dreg:$0x3] =	wrdreg $0x12BC00  }
0xb0: {  	[dreg:$0x4] =	wrdreg $0x9  }
0xb1: {  	_ =	task.clear_ibuf [dreg:s6], $0x5FFFF;
	_ =	strace $0x90000049  }
0xb2: {  	s29 =	simm.s32 $0x9;
	_ =	strace $0x8000004B  }
0xb3: {  	_ =	swait.ge [sflag:s29], $0x1  }
0xb4: {  	[sflag:s29] =	ssyncadd.s32 $0xFFFFFFFF  }
0xb5: {  	_ =	strace $0x9000004B  }
0xb6: {  	_ =	sfence  }
0xb7: {  	s30 =	sld [smem:$0x0];
	_ =	sdelay $0x2  }
0xb8: {  	s31 =	sshll.u32 s1, $0xD;
	s1 =	sshrl.u32 s1, $0x2  }
0xb9: {  	s3 =	sand.u32 $0x4000, s31;
	s1 =	sadd.s32 s1, s30  }
0xba: {  	s0 =	sor.u32 s3, s0;
	s1 =	sshll.u32 s1, $0x11  }
0xbb: {  	s0 =	sor.u32 s1, s0  }
0xbc: {  	s0 =	sadd.s32 $0x8F2B, s0  }
0xbd: {  	[sflag:s0] =	ssyncadd.remote.s32 $0x1  }
0xbe: {  	_ =	sfence.sel $0xFFFF  }
0xbf: {  	[dreg:$0x0] =	wrdreg $0xFFFFFFFF;
	(pc) =	sbr.abs _section_cstart, $3  }
0xc0: {  	[dreg:$0x1] =	wrdreg $0xFFFFFFFF  }
0xc1: {  	_ =	task.clear_ibuf [dreg:s6], $0x2FFFF;
	_ =	strace $0x9FFFFFFF  }
0xc2: {  	(tm) =	ssettm $0x7FFFFFFF  }
0xc3: {  	_ =	shalt  }
tec
execute0_lowered:
.L_overlay_start_1:
0x0: {  	(tag) =	ssettag $0x1  }
0x1: {  	s0 =	rddreg [dreg:$0x0]  }
0x2: {  	s1 =	rddreg [dreg:$0x1]  }
0x3: {  	s2 =	simm.s32 $0x0;
	s3 =	srdreg.scid;
	s10 =	stileid.u32  }
0x4: {  	s28 =	simm.s32 $0x9800;
	s29 =	simm.s32 $0xB800;
	s31 =	simm.s32 $0xD800  }
0x5: {  	s30 =	simm.s32 $0x3;
	[smem:$0x7FF] =	sst s2;
	s9 =	smul.u32 $0x27800, s10  }
0x6: {  	s4 =	sadd.s32 $0x9BE00, s0;
	s3 =	sand.u32 $0x1, s3;
	s26 =	smul.u32 $0x9E00, s10  }
0x7: {  	s7 =	sadd.s32 $0x1B400, s0;
	s16 =	sadd.s32 $0x2400, s0;
	s17 =	smul.u32 $0x980, s10  }
0x8: {  	s25 =	sshll.u32 s10, $0x7;
	_ =	strace $0x8000004A;
	s5 =	smul.u32 $0x13C00, s3  }
0x9: {  	s6 =	ssub.s32 $0x2, s3;
	p0 =	seq.s32 s3, $0x0;
	s14 =	sor.u32 $0x9800, s25  }
0xa: {  	s8 =	sshrl.u32 s6, $0x1;
	s9 =	sshrl.u32 s9, $0x2;
	s13 =	sadd.s32 s7, s14  }
0xb: {  	s14 =	sadd.s32 s16, s14;
	s15 =	sadd.s32 s7, s17;
	s9 =	sadd.s32 s9, s1  }
0xc: {  	s16 =	sadd.s32 s16, s17;
	s7 =	simm.s32 $0x5;
	s11 =	sadd.s32 $0x13C0, s9  }
0xd: {  	s0 =	sadd.s32 s5, s0;
	s21 =	sadd.s32 $0x2780, s9;
	[dreg:$0x3] =	wrdreg s11  }
0xe: {  	s6 =	ssub.s32 s6, s8;
	s22 =	sadd.s32 $0x3B40, s9;
	[dreg:$0x4] =	wrdreg s21  }
0xf: {  	s5 =	sadd.s32 s26, s1;
	s23 =	sadd.s32 $0x4F00, s9;
	[dreg:$0x5] =	wrdreg s22  }
0x10: {  	s26 =	sshrl.u32 s26, $0x3;
	s24 =	sadd.s32 $0x62C0, s9;
	[dreg:$0x6] =	wrdreg s23  }
0x11: {  	s12 =	sadd.s32 $0x8A40, s9;
	s0 =	sadd.s32 $0xAFA00, s0;
	[dreg:$0x7] =	wrdreg s24  }
0x12: {  	s11 =	sadd.s32 $0x7680, s9;
	s22 =	simm.s32 $0x13000;
	s21 =	smax.u32 s6, $0x1  }
0x13: {  	s23 =	simm.s32 $0x11800;
	s24 =	sadd.s32 s26, s0;
	s26 =	simm.s32 $0x80  }
0x14: {  	s0 =	simm.s32 $0x2;
	s6 =	simm.s32 $0x4;
	s22 =	simm.s32 @!p0 $0x1000  }
0x15: {  	p0 =	sne.s32 s3, $0x0;
	s3 =	simm.s32 $0xF800;
	s25 =	sshrl.u32 s22, $0x2  }
0x16: {  	s22 =	sadd.s32 $0xFFFFF800, s22;
	s17 =	sadd.s32 $0x4A00, s25;
	s18 =	sadd.s32 $0x4A80, s25  }
0x17: {  	v0 =	vimm.f32 $0.0e+00;
	s19 =	sadd.s32 $0x4B00, s25;
	s20 =	sadd.s32 $0x4B80, s25;
	s25 =	simm.s32 $0x1  }
.LBB2_1:
0x18: {  	s9 =	simm.s32 $0x100;
	s8 =	simm.s32 $0x0  }
.LBB2_2:
0x19: {  	p1 =	sne.s32 s9, $0x4E00;
	[tilespmem:s8+$0x11830] =	vst v0;
	s10 =	smov.u32 s9;
	s9 =	sadd.s32 $0x100, s9  }
.Ltmp0:
0x1a: {  	[tilespmem:s8+$0x11820] =	vst v0;
	(pc) =	sbr.rel @p1 .LBB2_2-.Ltmp0, $3  }
0x1b: {  	[tilespmem:s8+$0x11800] =	vst v0  }
0x1c: {  	[tilespmem:s8+$0x11810] =	vst v0;
	_ =	sdelay $0x1  }
0x1d: {  	s8 =	sshra.s32 s10, $0x2  }
0x1e: {  	[tilespmem:s8+$0x11830] =	vst v0  }
0x1f: {  	[tilespmem:s8+$0x11820] =	vst v0  }
0x20: {  	[tilespmem:s8+$0x11800] =	vst v0  }
0x21: {  	[tilespmem:s8+$0x11810] =	vst v0  }
0x22: {  	[spmem:s5] =	stream.linear.scatter [tilespmem:s23], [sflag:$0x1], $0x13C0, $0x38;
	[tilespmem:$0x1C9C0] =	vst v63  }
0x23: {  	s10 =	rddreg [dreg:$0x3]  }
0x24: {  	[spmem:s10] =	stream.linear.scatter [tilespmem:s23], [sflag:$0x1], $0x13C0, $0x38;
	[tilespmem:$0x1C9C0] =	vst v63  }
0x25: {  	s9 =	rddreg [dreg:$0x4]  }
0x26: {  	[spmem:s9] =	stream.linear.scatter [tilespmem:s23], [sflag:$0x1], $0x13C0, $0x38;
	[tilespmem:$0x1C9C0] =	vst v63  }
0x27: {  	s10 =	rddreg [dreg:$0x5]  }
0x28: {  	[spmem:s10] =	stream.linear.scatter [tilespmem:s23], [sflag:$0x1], $0x13C0, $0x38;
	[tilespmem:$0x1C9C0] =	vst v63  }
0x29: {  	s9 =	rddreg [dreg:$0x6]  }
0x2a: {  	[spmem:s9] =	stream.linear.scatter [tilespmem:s23], [sflag:$0x1], $0x13C0, $0x38;
	[tilespmem:$0x1C9C0] =	vst v63  }
0x2b: {  	s10 =	rddreg [dreg:$0x7]  }
0x2c: {  	[spmem:s10] =	stream.linear.scatter [tilespmem:s23], [sflag:$0x1], $0x13C0, $0x38;
	[tilespmem:$0x1C9C0] =	vst v63  }
0x2d: {  	_ = 	snop  }
0x2e: {  	[spmem:s11] =	stream.linear.scatter [tilespmem:s23], [sflag:$0x1], $0x13C0, $0x38;
	[tilespmem:$0x1C9C0] =	vst v63  }
0x2f: {  	_ = 	snop  }
0x30: {  	[spmem:s12] =	stream.linear.scatter [tilespmem:s23], [sflag:$0x1], $0x13C0, $0x38;
	[tilespmem:$0x1C9C0] =	vst v63  }
0x31: {  	_ =	swait.ge [sflag:s25], $0x13C0  }
0x32: {  	[sflag:s25] =	ssyncset.done $0x0  }
0x33: {  	[sflag:s25] =	ssyncadd.s32 $0xFFFFEC40  }
0x34: {  	_ =	swait.ge [sflag:s25], $0x13C0  }
0x35: {  	[sflag:s25] =	ssyncset.done $0x0  }
0x36: {  	[sflag:s25] =	ssyncadd.s32 $0xFFFFEC40  }
0x37: {  	_ =	swait.ge [sflag:s25], $0x13C0  }
0x38: {  	[sflag:s25] =	ssyncset.done $0x0  }
0x39: {  	[sflag:s25] =	ssyncadd.s32 $0xFFFFEC40  }
0x3a: {  	_ =	swait.ge [sflag:s25], $0x13C0  }
0x3b: {  	[sflag:s25] =	ssyncset.done $0x0  }
0x3c: {  	[sflag:s25] =	ssyncadd.s32 $0xFFFFEC40  }
0x3d: {  	_ =	swait.ge [sflag:s25], $0x13C0  }
0x3e: {  	[sflag:s25] =	ssyncset.done $0x0  }
0x3f: {  	[sflag:s25] =	ssyncadd.s32 $0xFFFFEC40  }
0x40: {  	_ =	swait.ge [sflag:s25], $0x13C0  }
0x41: {  	[sflag:s25] =	ssyncset.done $0x0  }
0x42: {  	[sflag:s25] =	ssyncadd.s32 $0xFFFFEC40  }
0x43: {  	_ =	swait.ge [sflag:s25], $0x13C0  }
0x44: {  	[sflag:s25] =	ssyncset.done $0x0  }
0x45: {  	[sflag:s25] =	ssyncadd.s32 $0xFFFFEC40  }
0x46: {  	_ =	swait.ge [sflag:s25], $0x13C0  }
0x47: {  	[sflag:s25] =	ssyncset.done $0x0  }
0x48: {  	[sflag:s25] =	ssyncadd.s32 $0xFFFFEC40  }
0x49: {  	s8 =	simm.s32 @p0 $0x0;
	s9 =	simm.s32 @p0 $0x5;
	[bflag:$0x0] =	sbarrier.arrive $0xFFFF  }
0x4a: {  	[tilespmem:s8], [sflag:$0x5] =	stream.linear.gather @p0 [hbm4b:s13+s8], $0x400, $0x38;
	[tilespmem:$0x1C9C0] =	vst v63  }
0x4b: {  	_ =	swait.ge @p0 [sflag:s9], $0x400  }
0x4c: {  	[sflag:s9] =	ssyncset.done @p0 $0x0  }
0x4d: {  	s10 =	simm.s32 @p0 $0x4C00;
	[sflag:s9] =	ssyncadd.s32 @p0 $0xFFFFFC00  }
0x4e: {  	[tilespmem:s10], [sflag:$0x5] =	stream.linear.gather @p0 [hbm4b:s14+s8], $0x400, $0x38;
	[tilespmem:$0x1C9C0] =	vst v63  }
0x4f: {  	_ =	swait.ge @p0 [sflag:s9], $0x400  }
0x50: {  	[sflag:s9] =	ssyncset.done @p0 $0x0  }
0x51: {  	s8 =	simm.s32 @!p0 $0x0;
	[sflag:s9] =	ssyncadd.s32 @p0 $0xFFFFFC00;
	s9 =	simm.s32 @!p0 $0x5  }
0x52: {  	[tilespmem:s8], [sflag:$0x5] =	stream.linear.gather @!p0 [hbm4b:s15+s8], $0x4C00, $0x38;
	[tilespmem:$0x1C9C0] =	vst v63  }
0x53: {  	_ =	swait.ge @!p0 [sflag:s9], $0x4C00  }
0x54: {  	[sflag:s9] =	ssyncset.done @!p0 $0x0  }
0x55: {  	s10 =	simm.s32 @!p0 $0x4C00;
	[sflag:s9] =	ssyncadd.s32 @!p0 $0xFFFFB400  }
0x56: {  	[tilespmem:s10], [sflag:$0x5] =	stream.linear.gather @!p0 [hbm4b:s16+s8], $0x4C00, $0x38;
	[tilespmem:$0x1C9C0] =	vst v63  }
0x57: {  	_ =	swait.ge @!p0 [sflag:s9], $0x4C00  }
0x58: {  	[sflag:s9] =	ssyncset.done @!p0 $0x0  }
0x59: {  	[sflag:s9] =	ssyncadd.s32 @!p0 $0xFFFFB400;
	s9 =	simm.s32 $0x0  }
0x5a: {  	[tilespmem:s28], [sflag:$0x1] =	stream.indirect.gather [hbm4b:s4+s26], $0x40, s9, s26, $0xb8;
	[tilespmem:$0x1C9C0] =	vst v63  }
0x5b: {  	_ = 	snop  }
0x5c: {  	[tilespmem:s29], [sflag:$0x1] =	stream.indirect.gather [hbm4b:s4+s26], $0x40, s26, s26, $0xb8;
	[tilespmem:$0x1C9C0] =	vst v63  }
0x5d: {  	s10 =	simm.s32 $0x100  }
0x5e: {  	[tilespmem:s31], [sflag:$0x2] =	stream.indirect.gather [hbm4b:s4+s26], $0x40, s10, s26, $0xb8;
	[tilespmem:$0x1C9C0] =	vst v63  }
0x5f: {  	s9 =	simm.s32 $0x180  }
0x60: {  	[tilespmem:s3], [sflag:$0x2] =	stream.indirect.gather [hbm4b:s4+s26], $0x40, s9, s26, $0xb8;
	[tilespmem:$0x1C9C0] =	vst v63  }
0x61: {  	_ =	swait.ge [sflag:s25], $0x2000  }
0x62: {  	[sflag:s25] =	ssyncset.done $0x0  }
0x63: {  	[sflag:s25] =	ssyncadd.s32 $0xFFFFE000  }
0x64: {  	_ =	swait.ge [sflag:s25], $0x2000  }
0x65: {  	[sflag:s25] =	ssyncset.done $0x0  }
0x66: {  	s10 =	simm.s32 $0x4C00;
	[sflag:s25] =	ssyncadd.s32 $0xFFFFE000  }
0x67: {  	[spmem:s1] =	stream.indirect.scatter.add.f32 [tilespmem:s28], [sflag:$0x3], $0x40, s10, s26, $0xb8;
	[tilespmem:$0x1C9C0] =	vst v63  }
0x68: {  	s9 =	simm.s32 $0x4C80  }
0x69: {  	[spmem:s1] =	stream.indirect.scatter.add.f32 [tilespmem:s29], [sflag:$0x3], $0x40, s9, s26, $0xb8;
	[tilespmem:$0x1C9C0] =	vst v63  }
0x6a: {  	_ =	swait.ge [sflag:s30], $0x2000  }
0x6b: {  	[sflag:s30] =	ssyncset.done $0x0  }
0x6c: {  	[sflag:s30] =	ssyncadd.s32 $0xFFFFE000  }
0x6d: {  	_ =	swait.ge [sflag:s30], $0x2000  }
0x6e: {  	[sflag:s30] =	ssyncset.done $0x0  }
0x6f: {  	s10 =	simm.s32 $0x200;
	[sflag:s30] =	ssyncadd.s32 $0xFFFFE000  }
0x70: {  	[tilespmem:s28], [sflag:$0x1] =	stream.indirect.gather [hbm4b:s4+s26], $0x40, s10, s26, $0xb8;
	[tilespmem:$0x1C9C0] =	vst v63  }
0x71: {  	s9 =	simm.s32 $0x280  }
0x72: {  	[tilespmem:s29], [sflag:$0x1] =	stream.indirect.gather [hbm4b:s4+s26], $0x40, s9, s26, $0xb8;
	[tilespmem:$0x1C9C0] =	vst v63  }
0x73: {  	_ =	swait.ge [sflag:s0], $0x2000  }
0x74: {  	[sflag:s0] =	ssyncset.done $0x0  }
0x75: {  	[sflag:s0] =	ssyncadd.s32 $0xFFFFE000  }
0x76: {  	_ =	swait.ge [sflag:s0], $0x2000  }
0x77: {  	[sflag:s0] =	ssyncset.done $0x0  }
0x78: {  	s10 =	simm.s32 $0x4D00;
	[sflag:s0] =	ssyncadd.s32 $0xFFFFE000  }
0x79: {  	[spmem:s1] =	stream.indirect.scatter.add.f32 [tilespmem:s31], [sflag:$0x4], $0x40, s10, s26, $0xb8;
	[tilespmem:$0x1C9C0] =	vst v63  }
0x7a: {  	s9 =	simm.s32 $0x4D80  }
0x7b: {  	[spmem:s1] =	stream.indirect.scatter.add.f32 [tilespmem:s3], [sflag:$0x4], $0x40, s9, s26, $0xb8;
	[tilespmem:$0x1C9C0] =	vst v63  }
0x7c: {  	_ =	swait.ge [sflag:s6], $0x2000  }
0x7d: {  	p1 =	sne.s32 s22, $0x800;
	[sflag:s6] =	ssyncset.done $0x0  }
.Ltmp1:
0x7e: {  	[sflag:s6] =	ssyncadd.s32 $0xFFFFE000;
	(pc) =	sbr.rel @!p1 .LBB2_5-.Ltmp1, $4  }
0x7f: {  	_ =	swait.ge [sflag:s6], $0x2000  }
0x80: {  	s8 =	simm.s32 $0x800;
	[sflag:s6] =	ssyncset.done $0x0  }
0x81: {  	s10 =	simm.s32 $0x300;
	s9 =	simm.s32 $0x380;
	[sflag:s6] =	ssyncadd.s32 $0xFFFFE000  }
0x82: {  	[tilespmem:s31], [sflag:$0x2] =	stream.indirect.gather [hbm4b:s4+s26], $0x40, s10, s26, $0xb8;
	[tilespmem:$0x1C9C0] =	vst v63  }
.LBB2_4:
0x83: {  	[tilespmem:s3], [sflag:$0x2] =	stream.indirect.gather [hbm4b:s4+s26], $0x40, s9, s26, $0xb8;
	[tilespmem:$0x1C9C0] =	vst v63  }
0x84: {  	s9 =	smov.u32 s8;
	s8 =	sadd.s32 $0x800, s8;
	_ =	swait.ge [sflag:s25], $0x2000  }
0x85: {  	p1 =	sne.s32 s22, s8;
	[sflag:s25] =	ssyncset.done $0x0  }
0x86: {  	[sflag:s25] =	ssyncadd.s32 $0xFFFFE000  }
0x87: {  	_ =	swait.ge [sflag:s25], $0x2000  }
0x88: {  	s9 =	sshra.s32 s9, $0x2;
	[sflag:s25] =	ssyncset.done $0x0  }
0x89: {  	s10 =	sadd.s32 $0x4C00, s9;
	[sflag:s25] =	ssyncadd.s32 $0xFFFFE000  }
0x8a: {  	[spmem:s1] =	stream.indirect.scatter.add.f32 [tilespmem:s28], [sflag:$0x3], $0x40, s10, s26, $0xb8;
	[tilespmem:$0x1C9C0] =	vst v63  }
0x8b: {  	s10 =	sadd.s32 $0x4C80, s9  }
0x8c: {  	[spmem:s1] =	stream.indirect.scatter.add.f32 [tilespmem:s29], [sflag:$0x3], $0x40, s10, s26, $0xb8;
	[tilespmem:$0x1C9C0] =	vst v63  }
0x8d: {  	_ =	swait.ge [sflag:s30], $0x2000  }
0x8e: {  	[sflag:s30] =	ssyncset.done $0x0  }
0x8f: {  	[sflag:s30] =	ssyncadd.s32 $0xFFFFE000  }
0x90: {  	_ =	swait.ge [sflag:s30], $0x2000  }
0x91: {  	[sflag:s30] =	ssyncset.done $0x0  }
0x92: {  	s10 =	sadd.s32 $0x200, s9;
	[sflag:s30] =	ssyncadd.s32 $0xFFFFE000  }
0x93: {  	[tilespmem:s28], [sflag:$0x1] =	stream.indirect.gather [hbm4b:s4+s26], $0x40, s10, s26, $0xb8;
	[tilespmem:$0x1C9C0] =	vst v63  }
0x94: {  	s10 =	sadd.s32 $0x280, s9  }
0x95: {  	[tilespmem:s29], [sflag:$0x1] =	stream.indirect.gather [hbm4b:s4+s26], $0x40, s10, s26, $0xb8;
	[tilespmem:$0x1C9C0] =	vst v63  }
0x96: {  	_ =	swait.ge [sflag:s0], $0x2000  }
0x97: {  	[sflag:s0] =	ssyncset.done $0x0  }
0x98: {  	[sflag:s0] =	ssyncadd.s32 $0xFFFFE000  }
0x99: {  	_ =	swait.ge [sflag:s0], $0x2000  }
0x9a: {  	[sflag:s0] =	ssyncset.done $0x0  }
0x9b: {  	s10 =	sadd.s32 $0x4D00, s9;
	[sflag:s0] =	ssyncadd.s32 $0xFFFFE000  }
0x9c: {  	[spmem:s1] =	stream.indirect.scatter.add.f32 [tilespmem:s31], [sflag:$0x4], $0x40, s10, s26, $0xb8;
	[tilespmem:$0x1C9C0] =	vst v63  }
0x9d: {  	s10 =	sadd.s32 $0x4D80, s9  }
0x9e: {  	[spmem:s1] =	stream.indirect.scatter.add.f32 [tilespmem:s3], [sflag:$0x4], $0x40, s10, s26, $0xb8;
	[tilespmem:$0x1C9C0] =	vst v63  }
0x9f: {  	_ =	swait.ge [sflag:s6], $0x2000  }
0xa0: {  	[sflag:s6] =	ssyncset.done $0x0  }
0xa1: {  	[sflag:s6] =	ssyncadd.s32 $0xFFFFE000  }
.Ltmp2:
0xa2: {  	_ =	swait.ge [sflag:s6], $0x2000;
	(pc) =	sbr.rel @p1 .LBB2_4-.Ltmp2, $4  }
0xa3: {  	[sflag:s6] =	ssyncset.done $0x0  }
0xa4: {  	s10 =	sadd.s32 $0x300, s9;
	[sflag:s6] =	ssyncadd.s32 $0xFFFFE000  }
0xa5: {  	[tilespmem:s31], [sflag:$0x2] =	stream.indirect.gather [hbm4b:s4+s26], $0x40, s10, s26, $0xb8;
	[tilespmem:$0x1C9C0] =	vst v63  }
0xa6: {  	s9 =	sadd.s32 $0x380, s9  }
.LBB2_5:
0xa7: {  	[tilespmem:s3], [sflag:$0x2] =	stream.indirect.gather [hbm4b:s4+s26], $0x40, s9, s26, $0xb8;
	[tilespmem:$0x1C9C0] =	vst v63  }
0xa8: {  	_ =	swait.ge [sflag:s25], $0x2000  }
0xa9: {  	[sflag:s25] =	ssyncset.done $0x0  }
0xaa: {  	[sflag:s25] =	ssyncadd.s32 $0xFFFFE000  }
0xab: {  	_ =	swait.ge [sflag:s25], $0x2000  }
0xac: {  	[sflag:s25] =	ssyncset.done $0x0  }
0xad: {  	[sflag:s25] =	ssyncadd.s32 $0xFFFFE000  }
0xae: {  	[spmem:s1] =	stream.indirect.scatter.add.f32 [tilespmem:s28], [sflag:$0x3], $0x40, s17, s26, $0xb8;
	[tilespmem:$0x1C9C0] =	vst v63  }
0xaf: {  	_ = 	snop  }
0xb0: {  	[spmem:s1] =	stream.indirect.scatter.add.f32 [tilespmem:s29], [sflag:$0x3], $0x40, s18, s26, $0xb8;
	[tilespmem:$0x1C9C0] =	vst v63  }
0xb1: {  	_ =	swait.ge [sflag:s30], $0x2000  }
0xb2: {  	[sflag:s30] =	ssyncset.done $0x0  }
0xb3: {  	[sflag:s30] =	ssyncadd.s32 $0xFFFFE000  }
0xb4: {  	_ =	swait.ge [sflag:s30], $0x2000  }
0xb5: {  	[sflag:s30] =	ssyncset.done $0x0  }
0xb6: {  	[sflag:s30] =	ssyncadd.s32 $0xFFFFE000  }
0xb7: {  	_ =	swait.ge [sflag:s0], $0x2000  }
0xb8: {  	[sflag:s0] =	ssyncset.done $0x0  }
0xb9: {  	[sflag:s0] =	ssyncadd.s32 $0xFFFFE000  }
0xba: {  	_ =	swait.ge [sflag:s0], $0x2000  }
0xbb: {  	[sflag:s0] =	ssyncset.done $0x0  }
0xbc: {  	[sflag:s0] =	ssyncadd.s32 $0xFFFFE000  }
0xbd: {  	[spmem:s1] =	stream.indirect.scatter.add.f32 [tilespmem:s31], [sflag:$0x4], $0x40, s19, s26, $0xb8;
	[tilespmem:$0x1C9C0] =	vst v63  }
0xbe: {  	_ = 	snop  }
0xbf: {  	[spmem:s1] =	stream.indirect.scatter.add.f32 [tilespmem:s3], [sflag:$0x4], $0x40, s20, s26, $0xb8;
	[tilespmem:$0x1C9C0] =	vst v63  }
0xc0: {  	_ =	swait.ge [sflag:s6], $0x2000  }
0xc1: {  	[sflag:s6] =	ssyncset.done $0x0  }
0xc2: {  	[sflag:s6] =	ssyncadd.s32 $0xFFFFE000  }
0xc3: {  	s8 =	stileid.u32;
	_ =	swait.ge [sflag:s6], $0x2000  }
0xc4: {  	s10 =	sshrl.u32 s5, $0x3;
	s2 =	sadd.s32 $0x1, s2;
	[sflag:s6] =	ssyncset.done $0x0  }
0xc5: {  	s8 =	sshll.u32 s8, $0x6;
	p1 =	sne.s32 s2, s21;
	[sflag:s6] =	ssyncadd.s32 $0xFFFFE000  }
.Ltmp3:
0xc6: {  	s8 =	sor.u32 $0x1C05, s8;
	[bflag:$0x0] =	sbarrier.arrive $0xFFFF;
	(pc) =	sbr.rel @p1 .LBB2_1-.Ltmp3, $4  }
0xc7: {  	[hbm:s24], [sflag:s8] =	dma.local [spmem:s10], $0x13C0  }
0xc8: {  	_ =	swait.ge [sflag:s7], $0x13C0  }
0xc9: {  	[sflag:s7] =	ssyncset.done $0x0  }
0xca: {  	[sflag:s7] =	ssyncadd.s32 $0xFFFFEC40  }
0xcb: {  	_ =	sfence.sel $0x180000  }
0xcc: {  	[bflag:$0x0] =	sbarrier.arrive $0xFFFF  }
0xcd: {  	_ =	strace $0x9000004A  }
0xce: {  	s0 =	stileid.u32;
	[bflag:$0x2] =	sbarrier.arrive $0xFFFF  }
0xcf: {  	p0 =	sne.s32 s0, $0x0;
	s0 =	rddreg [dreg:$0x2]  }
0xd0: {  	s0 =	sadd.s32 @!p0 $0x100000, s0  }
0xd1: {  	[sflag:s0] =	ssyncadd.tile.s32 @!p0 $0x1;
	_ =	shalt  }
.Lfunc_end2:
_tile_overlayer_lowered:
.L_overlay_start_2:
0xd2: {  	(tag) =	ssettag $0x2  }
0xd3: {  	s0 =	rddreg [dreg:$0x0];
	s2 =	stileid.u32  }
0xd4: {  	s1 =	rddreg [dreg:$0x1];
	p0 =	sne.s32 s2, $0x0  }
0xd5: {  	s3 =	rddreg [dreg:$0x2];
	[bflag:$0x3] =	sbarrier.arrive $0xFFFF;
	s2 =	simm.s32 @!p0 $0x1C05  }
0xd6: {  	[timem:s3], [sflag:s2] =	dma.local @!p0 [hbm:s0], s1  }
0xd7: {  	s0 =	simm.s32 @!p0 $0x5  }
0xd8: {  	_ =	swait.ge @!p0 [sflag:s0], s1  }
0xd9: {  	s1 =	ssub.s32 @!p0 $0x0, s1;
	[sflag:s0] =	ssyncset.done @!p0 $0x0  }
0xda: {  	[sflag:s0] =	ssyncadd.s32 @!p0 s1  }
0xdb: {  	[bflag:$0x3] =	sbarrier.arrive $0xFFFF  }
0xdc: {  	_ =	shalt  }

// kernel: kernel.14.cloned.1.call-start
scs
__scs_entry_jumppad:
0x0: {  	(pc) =	sbr.rel $0x88, $3  }
0x1: {  	(tag) =	ssettag $0x0;
	lr =	simm.s32 $0x1  }
0x2: {  	[smem:$0x3F96] =	sst lr;
	_ =	strace $0xD0000000  }
0x3: {  	_ = 	snop  }
0x4: {  	_ = 	snop  }
0x5: {  	_ = 	snop  }
0x6: {  	_ = 	snop  }
0x7: {  	_ = 	snop  }
__scs_overlays_trampoline_lowered:
0x8: {  	[smem:$0x3FA5] =	sst s0  }
0x9: {  	[smem:$0x3FA6] =	sst s1  }
0xa: {  	[smem:$0x3FA7] =	sst s2  }
0xb: {  	[smem:$0x3FA8] =	sst s3  }
0xc: {  	[smem:$0x3FA9] =	sst s4  }
0xd: {  	[smem:$0x3FAA] =	sst s5  }
0xe: {  	[smem:$0x3FAB] =	sst s6  }
0xf: {  	[smem:$0x3FAC] =	sst s7  }
0x10: {  	[smem:$0x3FAD] =	sst s8  }
0x11: {  	[smem:$0x3FAE] =	sst s9;
	s0 =	simm.s32 @!p0 $0x0  }
0x12: {  	s1 =	sld [smem:$0x3F94];
	s0 =	simm.s32 @p0 $0x1  }
0x13: {  	[smem:$0x3FAF] =	sst s0;
	s0 =	simm.s32 @!p1 $0x0  }
0x14: {  	s2 =	sld [smem:$0x3F93];
	s0 =	simm.s32 @p1 $0x1  }
0x15: {  	[smem:$0x3FB0] =	sst s0;
	s0 =	simm.s32 @!p2 $0x0  }
0x16: {  	s3 =	sld [smem:$0x3FDB];
	s0 =	simm.s32 @p2 $0x1  }
0x17: {  	s4 =	simm.s32 $0x1BF5;
	[smem:$0x3FB2] =	sst s0  }
0x18: {  	s0 =	sld [smem:$0x3F95];
	_ =	swait.ge [sflag:s4], $0x0  }
0x19: {  	s7 =	sld [smem:$0x3F96]  }
0x1a: {  	s8 =	sadd.s32 $0xFFFFE003, lr  }
0x1b: {  	s9 =	sadd.s32 $0xFFFFFEF7, lr;
	s5 =	simm.s32 $0xFFFFFFFF;
	p2 =	slt.u32 s8, $0xFFFFF086  }
0x1c: {  	p1 =	slt.u32 s9, $0xF7A;
	s5 =	simm.s32 @!p2 $0x0  }
0x1d: {  	s5 =	simm.s32 @p1 $0x1;
	p0 =	seq.s32 s7, s2  }
0x1e: {  	s7 =	smul.u32 @!p0 $0xF7A, s2;
	p2 =	seq.s32 @!p0 s5, $0x0  }
0x1f: {  	s9 =	smul.u32 $0xF7A, s1;
	s8 =	simm.s32 @!p0 $0x1BF5;
	p2 =	por !p2, p0  }
0x20: {  	[sflag:s8] =	ssyncset.s32 @!p0 $0xFFFFF086;
	s6 =	sadd.s32 @!p0 s3, s7;
	s7 =	simm.s32 @!p0 $0x108  }
0x21: {  	s3 =	sadd.s32 s3, s9;
	s6 =	sadd.s32 @!p0 $0x88, s6;
	s7 =	simm.s32 @p2 $0x1082  }
0x22: {  	[simem:s7], [sflag:s8] =	dma.local @!p0 [hbm:s6], $0xF7A  }
0x23: {  	s9 =	sor.u32 $0xD0000000, s2;
	s6 =	simm.s32 $0x108;
	_ =	swait.ge @!p0 [sflag:s8], $0x0  }
0x24: {  	s3 =	sadd.s32 $0x88, s3;
	s6 =	simm.s32 @!p1 $0x1082;
	[sflag:s4] =	ssyncset.s32 $0xFFFFF086  }
0x25: {  	[simem:s6], [sflag:s4] =	dma.local [hbm:s3], $0xF7A  }
0x26: {  	[smem:$0x3F96] =	sst s1;
	(tag) =	ssettag s2;
	_ =	strace s9  }
0x27: {  	s1 =	sld [smem:$0x3FA6]  }
0x28: {  	s2 =	sld [smem:$0x3FA7]  }
0x29: {  	s4 =	sld [smem:$0x3FA9]  }
0x2a: {  	p0 =	seq.s32 s5, $0x0;
	s5 =	sld [smem:$0x3FAA]  }
0x2b: {  	s6 =	sld [smem:$0x3FAB]  }
0x2c: {  	s7 =	sld [smem:$0x3FAC]  }
0x2d: {  	s3 =	simm.s32 $0x108;
	s8 =	sld [smem:$0x3FAD]  }
0x2e: {  	s3 =	simm.s32 @!p0 $0x1082;
	s9 =	sld [smem:$0x3FAE]  }
0x2f: {  	lr =	sadd.s32 s0, s3;
	s0 =	sld [smem:$0x3FA5]  }
0x30: {  	s3 =	sld [smem:$0x3FA8]  }
0x31: {  	[smem:$0x3FB1] =	sst s10  }
0x32: {  	s10 =	sld [smem:$0x3FAF];
	_ =	sdelay $0x3  }
0x33: {  	p0 =	seq.s32 s10, $0x1;
	s10 =	sld [smem:$0x3FB1];
	_ =	sdelay $0x3  }
0x34: {  	[smem:$0x3FB1] =	sst s10  }
0x35: {  	s10 =	sld [smem:$0x3FB0];
	_ =	sdelay $0x3  }
0x36: {  	p1 =	seq.s32 s10, $0x1;
	s10 =	sld [smem:$0x3FB1];
	_ =	sdelay $0x3  }
0x37: {  	[smem:$0x3FB1] =	sst s10  }
0x38: {  	s10 =	sld [smem:$0x3FB2]  }
0x39: {  	_ = 	snop;
	(pc) =	sbr.ind lr, $3  }
0x3a: {  	_ = 	snop  }
0x3b: {  	_ = 	snop  }
0x3c: {  	p2 =	seq.s32 s10, $0x1;
	s10 =	sld [smem:$0x3FB1]  }
0x3d: {  	_ =	shalt  }
0x3e: {  	_ =	shalt  }
0x3f: {  	_ =	shalt  }
0x40: {  	_ =	shalt  }
0x41: {  	_ =	shalt  }
0x42: {  	_ =	shalt  }
0x43: {  	_ =	shalt  }
0x44: {  	_ =	shalt  }
0x45: {  	_ =	shalt  }
0x46: {  	_ =	shalt  }
0x47: {  	_ =	shalt  }
0x48: {  	_ =	shalt  }
0x49: {  	_ =	shalt  }
0x4a: {  	_ =	shalt  }
0x4b: {  	_ =	shalt  }
0x4c: {  	_ =	shalt  }
0x4d: {  	_ =	shalt  }
0x4e: {  	_ =	shalt  }
0x4f: {  	_ =	shalt  }
0x50: {  	_ =	shalt  }
0x51: {  	_ =	shalt  }
0x52: {  	_ =	shalt  }
0x53: {  	_ =	shalt  }
0x54: {  	_ =	shalt  }
0x55: {  	_ =	shalt  }
0x56: {  	_ =	shalt  }
0x57: {  	_ =	shalt  }
0x58: {  	_ =	shalt  }
0x59: {  	_ =	shalt  }
0x5a: {  	_ =	shalt  }
0x5b: {  	_ =	shalt  }
0x5c: {  	_ =	shalt  }
0x5d: {  	_ =	shalt  }
0x5e: {  	_ =	shalt  }
0x5f: {  	_ =	shalt  }
0x60: {  	_ =	shalt  }
0x61: {  	_ =	shalt  }
0x62: {  	_ =	shalt  }
0x63: {  	_ =	shalt  }
0x64: {  	_ =	shalt  }
0x65: {  	_ =	shalt  }
0x66: {  	_ =	shalt  }
0x67: {  	_ =	shalt  }
0x68: {  	_ =	shalt  }
0x69: {  	_ =	shalt  }
0x6a: {  	_ =	shalt  }
0x6b: {  	_ =	shalt  }
0x6c: {  	_ =	shalt  }
0x6d: {  	_ =	shalt  }
0x6e: {  	_ =	shalt  }
0x6f: {  	_ =	shalt  }
0x70: {  	_ =	shalt  }
0x71: {  	_ =	shalt  }
0x72: {  	_ =	shalt  }
0x73: {  	_ =	shalt  }
0x74: {  	_ =	shalt  }
0x75: {  	_ =	shalt  }
0x76: {  	_ =	shalt  }
0x77: {  	_ =	shalt  }
0x78: {  	_ =	shalt  }
0x79: {  	_ =	shalt  }
0x7a: {  	_ =	shalt  }
0x7b: {  	_ =	shalt  }
0x7c: {  	_ =	shalt  }
0x7d: {  	_ =	shalt  }
0x7e: {  	_ =	shalt  }
0x7f: {  	_ =	shalt  }
0x80: {  	_ =	shalt  }
0x81: {  	_ =	shalt  }
0x82: {  	_ =	shalt  }
0x83: {  	_ =	shalt  }
0x84: {  	_ =	shalt  }
0x85: {  	_ =	shalt  }
0x86: {  	_ =	shalt  }
0x87: {  	_ =	shalt  }
.Lfunc_end0:
.L_simem_size_0:
called_computation.2_lowered:
.L_overlay_start_0:
0x88: {  	s2 =	sld [smem:$0x3FD9]  }
0x89: {  	s3 =	sld [smem:$0x3FFE];
	_ =	sdelay $0x1  }
0x8a: {  	s1 =	srdreg.scid  }
0x8b: {  	s0 =	sand.u32 $0x1, s1  }
0x8c: {  	s16 =	sshll.u32 s0, $0xA;
	s2 =	sadd.s32 s3, s2  }
0x8d: {  	s2 =	sadd.s32 s2, s16  }
0x8e: {  	[smem:$0x3FBD] =	sst s2  }
0x8f: {  	_ = 	snop  }
0x90: {  	(tm) =	ssettm $0x1  }
0x91: {  	s17 =	sld [smem:$0x3FFB];
	_ =	sdelay $0x3  }
0x92: {  	_ =	strace s17  }
0x93: {  	s2 =	sld [smem:$0x3FFC];
	_ =	sdelay $0x3  }
0x94: {  	_ =	strace s2  }
0x95: {  	s2 =	sld [smem:$0x3FFD];
	_ =	sdelay $0x3  }
0x96: {  	_ =	strace s2  }
0x97: {  	_ =	strace $0x8FFFFFFF  }
0x98: {  	s18 =	sld [smem:$0x3FDB];
	_ =	sdelay $0x1  }
0x99: {  	s19 =	simm.s32 $_scs_section_size  }
0x9a: {  	s4 =	simm.s32 $_size__tile_overlayer_lowered;
	s5 =	simm.s32 $_tile_overlayer_lowered  }
0x9b: {  	s22 =	simm.s32 $0x1BFF;
	s21 =	sshll.u32 s5, $0x1;
	s2 =	sadd.s32 s19, s18  }
0x9c: {  	s6 =	simm.s32 $0x0;
	s20 =	sshll.u32 s4, $0x1;
	s4 =	sadd.s32 s21, s2  }
0x9d: {  	[timem:s6], [sflag:s22] =	dma.local [hbm:s4], s20  }
0x9e: {  	_ =	swait.ge [sflag:s22], s20  }
0x9f: {  	s3 =	ssub.s32 $0x0, s20;
	[sflag:s22] =	ssyncset.done $0x0  }
0xa0: {  	[sflag:s22] =	ssyncadd.s32 s3;
	_ =	sdelay $0x1  }
0xa1: {  	s23 =	simm.s32 $0x1B8B  }
0xa2: {  	_ =	swait.ge [sflag:s23], $0x1  }
0xa3: {  	[sflag:s23] =	ssyncset.done $0x0  }
0xa4: {  	s25 =	simm.s32 $0x1B8E;
	s24 =	sld [smem:$0x3FFE];
	[sflag:s23] =	ssyncadd.s32 $0xFFFFFFFF  }
0xa5: {  	s26 =	simm.s32 $execute0_lowered;
	[smem:$0x3FD2] =	sst s25  }
0xa6: {  	s4 =	sshll.u32 s26, $0x1;
	_ =	strace $0x8000004C;
	[dreg:$0x1] =	wrdreg $0xFFFFFFFF  }
0xa7: {  	s28 =	simm.s32 $_size_execute0_lowered;
	s2 =	sadd.s32 s2, s4;
	[dreg:$0x0] =	wrdreg $0x0  }
0xa8: {  	s4 =	sshll.u32 s28, $0x1;
	[dreg:$0x2] =	wrdreg s2  }
0xa9: {  	[dreg:$0x3] =	wrdreg s4  }
0xaa: {  	[dreg:$0x4] =	wrdreg $0xC0  }
0xab: {  	_ =	task [dreg:s6], $0x5FFFF  }
0xac: {  	[dreg:$0x1] =	wrdreg $0xFFFFFFFF  }
0xad: {  	[dreg:$0x0] =	wrdreg $0x60  }
0xae: {  	[dreg:$0x2] =	wrdreg s24  }
0xaf: {  	[dreg:$0x3] =	wrdreg $0x12BC00  }
0xb0: {  	[dreg:$0x4] =	wrdreg $0x9  }
0xb1: {  	_ =	task.clear_ibuf [dreg:s6], $0x5FFFF;
	_ =	strace $0x9000004C  }
0xb2: {  	s29 =	simm.s32 $0x9;
	_ =	strace $0x8000004E  }
0xb3: {  	_ =	swait.ge [sflag:s29], $0x1  }
0xb4: {  	[sflag:s29] =	ssyncadd.s32 $0xFFFFFFFF  }
0xb5: {  	_ =	strace $0x9000004E  }
0xb6: {  	_ =	sfence  }
0xb7: {  	s30 =	sld [smem:$0x0];
	_ =	sdelay $0x2  }
0xb8: {  	s31 =	sshll.u32 s1, $0xD;
	s1 =	sshrl.u32 s1, $0x2  }
0xb9: {  	s3 =	sand.u32 $0x4000, s31;
	s1 =	sadd.s32 s1, s30  }
0xba: {  	s0 =	sor.u32 s3, s0;
	s1 =	sshll.u32 s1, $0x11  }
0xbb: {  	s0 =	sor.u32 s1, s0  }
0xbc: {  	s0 =	sadd.s32 $0x8F2B, s0  }
0xbd: {  	[sflag:s0] =	ssyncadd.remote.s32 $0x1  }
0xbe: {  	_ =	sfence.sel $0xFFFF  }
0xbf: {  	[dreg:$0x0] =	wrdreg $0xFFFFFFFF;
	(pc) =	sbr.abs _section_cstart, $3  }
0xc0: {  	[dreg:$0x1] =	wrdreg $0xFFFFFFFF  }
0xc1: {  	_ =	task.clear_ibuf [dreg:s6], $0x2FFFF;
	_ =	strace $0x9FFFFFFF  }
0xc2: {  	(tm) =	ssettm $0x7FFFFFFF  }
0xc3: {  	_ =	shalt  }
tec
execute0_lowered:
.L_overlay_start_1:
0x0: {  	(tag) =	ssettag $0x1  }
0x1: {  	s0 =	rddreg [dreg:$0x0]  }
0x2: {  	s1 =	rddreg [dreg:$0x1]  }
0x3: {  	s2 =	simm.s32 $0x0;
	s3 =	srdreg.scid;
	s10 =	stileid.u32  }
0x4: {  	s28 =	simm.s32 $0x9800;
	s29 =	simm.s32 $0xB800;
	s31 =	simm.s32 $0xD800  }
0x5: {  	s30 =	simm.s32 $0x3;
	[smem:$0x7FF] =	sst s2;
	s9 =	smul.u32 $0x27800, s10  }
0x6: {  	s4 =	sadd.s32 $0x74600, s0;
	s3 =	sand.u32 $0x1, s3;
	s26 =	smul.u32 $0x9E00, s10  }
0x7: {  	s7 =	sadd.s32 $0x1B400, s0;
	s16 =	sadd.s32 $0x2400, s0;
	s17 =	smul.u32 $0x980, s10  }
0x8: {  	s25 =	sshll.u32 s10, $0x7;
	_ =	strace $0x8000004D;
	s5 =	smul.u32 $0x13C00, s3  }
0x9: {  	s6 =	ssub.s32 $0x2, s3;
	p0 =	seq.s32 s3, $0x0;
	s14 =	sor.u32 $0x9800, s25  }
0xa: {  	s8 =	sshrl.u32 s6, $0x1;
	s9 =	sshrl.u32 s9, $0x2;
	s13 =	sadd.s32 s7, s14  }
0xb: {  	s14 =	sadd.s32 s16, s14;
	s15 =	sadd.s32 s7, s17;
	s9 =	sadd.s32 s9, s1  }
0xc: {  	s16 =	sadd.s32 s16, s17;
	s7 =	simm.s32 $0x5;
	s11 =	sadd.s32 $0x13C0, s9  }
0xd: {  	s0 =	sadd.s32 s5, s0;
	s21 =	sadd.s32 $0x2780, s9;
	[dreg:$0x3] =	wrdreg s11  }
0xe: {  	s6 =	ssub.s32 s6, s8;
	s22 =	sadd.s32 $0x3B40, s9;
	[dreg:$0x4] =	wrdreg s21  }
0xf: {  	s5 =	sadd.s32 s26, s1;
	s23 =	sadd.s32 $0x4F00, s9;
	[dreg:$0x5] =	wrdreg s22  }
0x10: {  	s26 =	sshrl.u32 s26, $0x3;
	s24 =	sadd.s32 $0x62C0, s9;
	[dreg:$0x6] =	wrdreg s23  }
0x11: {  	s12 =	sadd.s32 $0x8A40, s9;
	s0 =	sadd.s32 $0x88200, s0;
	[dreg:$0x7] =	wrdreg s24  }
0x12: {  	s11 =	sadd.s32 $0x7680, s9;
	s22 =	simm.s32 $0x13000;
	s21 =	smax.u32 s6, $0x1  }
0x13: {  	s23 =	simm.s32 $0x11800;
	s24 =	sadd.s32 s26, s0;
	s26 =	simm.s32 $0x80  }
0x14: {  	s0 =	simm.s32 $0x2;
	s6 =	simm.s32 $0x4;
	s22 =	simm.s32 @!p0 $0x1000  }
0x15: {  	p0 =	sne.s32 s3, $0x0;
	s3 =	simm.s32 $0xF800;
	s25 =	sshrl.u32 s22, $0x2  }
0x16: {  	s22 =	sadd.s32 $0xFFFFF800, s22;
	s17 =	sadd.s32 $0x4A00, s25;
	s18 =	sadd.s32 $0x4A80, s25  }
0x17: {  	v0 =	vimm.f32 $0.0e+00;
	s19 =	sadd.s32 $0x4B00, s25;
	s20 =	sadd.s32 $0x4B80, s25;
	s25 =	simm.s32 $0x1  }
.LBB2_1:
0x18: {  	s9 =	simm.s32 $0x100;
	s8 =	simm.s32 $0x0  }
.LBB2_2:
0x19: {  	p1 =	sne.s32 s9, $0x4E00;
	[tilespmem:s8+$0x11830] =	vst v0;
	s10 =	smov.u32 s9;
	s9 =	sadd.s32 $0x100, s9  }
.Ltmp0:
0x1a: {  	[tilespmem:s8+$0x11820] =	vst v0;
	(pc) =	sbr.rel @p1 .LBB2_2-.Ltmp0, $3  }
0x1b: {  	[tilespmem:s8+$0x11800] =	vst v0  }
0x1c: {  	[tilespmem:s8+$0x11810] =	vst v0;
	_ =	sdelay $0x1  }
0x1d: {  	s8 =	sshra.s32 s10, $0x2  }
0x1e: {  	[tilespmem:s8+$0x11830] =	vst v0  }
0x1f: {  	[tilespmem:s8+$0x11820] =	vst v0  }
0x20: {  	[tilespmem:s8+$0x11800] =	vst v0  }
0x21: {  	[tilespmem:s8+$0x11810] =	vst v0  }
0x22: {  	[spmem:s5] =	stream.linear.scatter [tilespmem:s23], [sflag:$0x1], $0x13C0, $0x38;
	[tilespmem:$0x1C9C0] =	vst v63  }
0x23: {  	s10 =	rddreg [dreg:$0x3]  }
0x24: {  	[spmem:s10] =	stream.linear.scatter [tilespmem:s23], [sflag:$0x1], $0x13C0, $0x38;
	[tilespmem:$0x1C9C0] =	vst v63  }
0x25: {  	s9 =	rddreg [dreg:$0x4]  }
0x26: {  	[spmem:s9] =	stream.linear.scatter [tilespmem:s23], [sflag:$0x1], $0x13C0, $0x38;
	[tilespmem:$0x1C9C0] =	vst v63  }
0x27: {  	s10 =	rddreg [dreg:$0x5]  }
0x28: {  	[spmem:s10] =	stream.linear.scatter [tilespmem:s23], [sflag:$0x1], $0x13C0, $0x38;
	[tilespmem:$0x1C9C0] =	vst v63  }
0x29: {  	s9 =	rddreg [dreg:$0x6]  }
0x2a: {  	[spmem:s9] =	stream.linear.scatter [tilespmem:s23], [sflag:$0x1], $0x13C0, $0x38;
	[tilespmem:$0x1C9C0] =	vst v63  }
0x2b: {  	s10 =	rddreg [dreg:$0x7]  }
0x2c: {  	[spmem:s10] =	stream.linear.scatter [tilespmem:s23], [sflag:$0x1], $0x13C0, $0x38;
	[tilespmem:$0x1C9C0] =	vst v63  }
0x2d: {  	_ = 	snop  }
0x2e: {  	[spmem:s11] =	stream.linear.scatter [tilespmem:s23], [sflag:$0x1], $0x13C0, $0x38;
	[tilespmem:$0x1C9C0] =	vst v63  }
0x2f: {  	_ = 	snop  }
0x30: {  	[spmem:s12] =	stream.linear.scatter [tilespmem:s23], [sflag:$0x1], $0x13C0, $0x38;
	[tilespmem:$0x1C9C0] =	vst v63  }
0x31: {  	_ =	swait.ge [sflag:s25], $0x13C0  }
0x32: {  	[sflag:s25] =	ssyncset.done $0x0  }
0x33: {  	[sflag:s25] =	ssyncadd.s32 $0xFFFFEC40  }
0x34: {  	_ =	swait.ge [sflag:s25], $0x13C0  }
0x35: {  	[sflag:s25] =	ssyncset.done $0x0  }
0x36: {  	[sflag:s25] =	ssyncadd.s32 $0xFFFFEC40  }
0x37: {  	_ =	swait.ge [sflag:s25], $0x13C0  }
0x38: {  	[sflag:s25] =	ssyncset.done $0x0  }
0x39: {  	[sflag:s25] =	ssyncadd.s32 $0xFFFFEC40  }
0x3a: {  	_ =	swait.ge [sflag:s25], $0x13C0  }
0x3b: {  	[sflag:s25] =	ssyncset.done $0x0  }
0x3c: {  	[sflag:s25] =	ssyncadd.s32 $0xFFFFEC40  }
0x3d: {  	_ =	swait.ge [sflag:s25], $0x13C0  }
0x3e: {  	[sflag:s25] =	ssyncset.done $0x0  }
0x3f: {  	[sflag:s25] =	ssyncadd.s32 $0xFFFFEC40  }
0x40: {  	_ =	swait.ge [sflag:s25], $0x13C0  }
0x41: {  	[sflag:s25] =	ssyncset.done $0x0  }
0x42: {  	[sflag:s25] =	ssyncadd.s32 $0xFFFFEC40  }
0x43: {  	_ =	swait.ge [sflag:s25], $0x13C0  }
0x44: {  	[sflag:s25] =	ssyncset.done $0x0  }
0x45: {  	[sflag:s25] =	ssyncadd.s32 $0xFFFFEC40  }
0x46: {  	_ =	swait.ge [sflag:s25], $0x13C0  }
0x47: {  	[sflag:s25] =	ssyncset.done $0x0  }
0x48: {  	[sflag:s25] =	ssyncadd.s32 $0xFFFFEC40  }
0x49: {  	s8 =	simm.s32 @p0 $0x0;
	s9 =	simm.s32 @p0 $0x5;
	[bflag:$0x0] =	sbarrier.arrive $0xFFFF  }
0x4a: {  	[tilespmem:s8], [sflag:$0x5] =	stream.linear.gather @p0 [hbm4b:s13+s8], $0x400, $0x38;
	[tilespmem:$0x1C9C0] =	vst v63  }
0x4b: {  	_ =	swait.ge @p0 [sflag:s9], $0x400  }
0x4c: {  	[sflag:s9] =	ssyncset.done @p0 $0x0  }
0x4d: {  	s10 =	simm.s32 @p0 $0x4C00;
	[sflag:s9] =	ssyncadd.s32 @p0 $0xFFFFFC00  }
0x4e: {  	[tilespmem:s10], [sflag:$0x5] =	stream.linear.gather @p0 [hbm4b:s14+s8], $0x400, $0x38;
	[tilespmem:$0x1C9C0] =	vst v63  }
0x4f: {  	_ =	swait.ge @p0 [sflag:s9], $0x400  }
0x50: {  	[sflag:s9] =	ssyncset.done @p0 $0x0  }
0x51: {  	s8 =	simm.s32 @!p0 $0x0;
	[sflag:s9] =	ssyncadd.s32 @p0 $0xFFFFFC00;
	s9 =	simm.s32 @!p0 $0x5  }
0x52: {  	[tilespmem:s8], [sflag:$0x5] =	stream.linear.gather @!p0 [hbm4b:s15+s8], $0x4C00, $0x38;
	[tilespmem:$0x1C9C0] =	vst v63  }
0x53: {  	_ =	swait.ge @!p0 [sflag:s9], $0x4C00  }
0x54: {  	[sflag:s9] =	ssyncset.done @!p0 $0x0  }
0x55: {  	s10 =	simm.s32 @!p0 $0x4C00;
	[sflag:s9] =	ssyncadd.s32 @!p0 $0xFFFFB400  }
0x56: {  	[tilespmem:s10], [sflag:$0x5] =	stream.linear.gather @!p0 [hbm4b:s16+s8], $0x4C00, $0x38;
	[tilespmem:$0x1C9C0] =	vst v63  }
0x57: {  	_ =	swait.ge @!p0 [sflag:s9], $0x4C00  }
0x58: {  	[sflag:s9] =	ssyncset.done @!p0 $0x0  }
0x59: {  	[sflag:s9] =	ssyncadd.s32 @!p0 $0xFFFFB400;
	s9 =	simm.s32 $0x0  }
0x5a: {  	[tilespmem:s28], [sflag:$0x1] =	stream.indirect.gather [hbm4b:s4+s26], $0x40, s9, s26, $0xb8;
	[tilespmem:$0x1C9C0] =	vst v63  }
0x5b: {  	_ = 	snop  }
0x5c: {  	[tilespmem:s29], [sflag:$0x1] =	stream.indirect.gather [hbm4b:s4+s26], $0x40, s26, s26, $0xb8;
	[tilespmem:$0x1C9C0] =	vst v63  }
0x5d: {  	s10 =	simm.s32 $0x100  }
0x5e: {  	[tilespmem:s31], [sflag:$0x2] =	stream.indirect.gather [hbm4b:s4+s26], $0x40, s10, s26, $0xb8;
	[tilespmem:$0x1C9C0] =	vst v63  }
0x5f: {  	s9 =	simm.s32 $0x180  }
0x60: {  	[tilespmem:s3], [sflag:$0x2] =	stream.indirect.gather [hbm4b:s4+s26], $0x40, s9, s26, $0xb8;
	[tilespmem:$0x1C9C0] =	vst v63  }
0x61: {  	_ =	swait.ge [sflag:s25], $0x2000  }
0x62: {  	[sflag:s25] =	ssyncset.done $0x0  }
0x63: {  	[sflag:s25] =	ssyncadd.s32 $0xFFFFE000  }
0x64: {  	_ =	swait.ge [sflag:s25], $0x2000  }
0x65: {  	[sflag:s25] =	ssyncset.done $0x0  }
0x66: {  	s10 =	simm.s32 $0x4C00;
	[sflag:s25] =	ssyncadd.s32 $0xFFFFE000  }
0x67: {  	[spmem:s1] =	stream.indirect.scatter.add.f32 [tilespmem:s28], [sflag:$0x3], $0x40, s10, s26, $0xb8;
	[tilespmem:$0x1C9C0] =	vst v63  }
0x68: {  	s9 =	simm.s32 $0x4C80  }
0x69: {  	[spmem:s1] =	stream.indirect.scatter.add.f32 [tilespmem:s29], [sflag:$0x3], $0x40, s9, s26, $0xb8;
	[tilespmem:$0x1C9C0] =	vst v63  }
0x6a: {  	_ =	swait.ge [sflag:s30], $0x2000  }
0x6b: {  	[sflag:s30] =	ssyncset.done $0x0  }
0x6c: {  	[sflag:s30] =	ssyncadd.s32 $0xFFFFE000  }
0x6d: {  	_ =	swait.ge [sflag:s30], $0x2000  }
0x6e: {  	[sflag:s30] =	ssyncset.done $0x0  }
0x6f: {  	s10 =	simm.s32 $0x200;
	[sflag:s30] =	ssyncadd.s32 $0xFFFFE000  }
0x70: {  	[tilespmem:s28], [sflag:$0x1] =	stream.indirect.gather [hbm4b:s4+s26], $0x40, s10, s26, $0xb8;
	[tilespmem:$0x1C9C0] =	vst v63  }
0x71: {  	s9 =	simm.s32 $0x280  }
0x72: {  	[tilespmem:s29], [sflag:$0x1] =	stream.indirect.gather [hbm4b:s4+s26], $0x40, s9, s26, $0xb8;
	[tilespmem:$0x1C9C0] =	vst v63  }
0x73: {  	_ =	swait.ge [sflag:s0], $0x2000  }
0x74: {  	[sflag:s0] =	ssyncset.done $0x0  }
0x75: {  	[sflag:s0] =	ssyncadd.s32 $0xFFFFE000  }
0x76: {  	_ =	swait.ge [sflag:s0], $0x2000  }
0x77: {  	[sflag:s0] =	ssyncset.done $0x0  }
0x78: {  	s10 =	simm.s32 $0x4D00;
	[sflag:s0] =	ssyncadd.s32 $0xFFFFE000  }
0x79: {  	[spmem:s1] =	stream.indirect.scatter.add.f32 [tilespmem:s31], [sflag:$0x4], $0x40, s10, s26, $0xb8;
	[tilespmem:$0x1C9C0] =	vst v63  }
0x7a: {  	s9 =	simm.s32 $0x4D80  }
0x7b: {  	[spmem:s1] =	stream.indirect.scatter.add.f32 [tilespmem:s3], [sflag:$0x4], $0x40, s9, s26, $0xb8;
	[tilespmem:$0x1C9C0] =	vst v63  }
0x7c: {  	_ =	swait.ge [sflag:s6], $0x2000  }
0x7d: {  	p1 =	sne.s32 s22, $0x800;
	[sflag:s6] =	ssyncset.done $0x0  }
.Ltmp1:
0x7e: {  	[sflag:s6] =	ssyncadd.s32 $0xFFFFE000;
	(pc) =	sbr.rel @!p1 .LBB2_5-.Ltmp1, $4  }
0x7f: {  	_ =	swait.ge [sflag:s6], $0x2000  }
0x80: {  	s8 =	simm.s32 $0x800;
	[sflag:s6] =	ssyncset.done $0x0  }
0x81: {  	s10 =	simm.s32 $0x300;
	s9 =	simm.s32 $0x380;
	[sflag:s6] =	ssyncadd.s32 $0xFFFFE000  }
0x82: {  	[tilespmem:s31], [sflag:$0x2] =	stream.indirect.gather [hbm4b:s4+s26], $0x40, s10, s26, $0xb8;
	[tilespmem:$0x1C9C0] =	vst v63  }
.LBB2_4:
0x83: {  	[tilespmem:s3], [sflag:$0x2] =	stream.indirect.gather [hbm4b:s4+s26], $0x40, s9, s26, $0xb8;
	[tilespmem:$0x1C9C0] =	vst v63  }
0x84: {  	s9 =	smov.u32 s8;
	s8 =	sadd.s32 $0x800, s8;
	_ =	swait.ge [sflag:s25], $0x2000  }
0x85: {  	p1 =	sne.s32 s22, s8;
	[sflag:s25] =	ssyncset.done $0x0  }
0x86: {  	[sflag:s25] =	ssyncadd.s32 $0xFFFFE000  }
0x87: {  	_ =	swait.ge [sflag:s25], $0x2000  }
0x88: {  	s9 =	sshra.s32 s9, $0x2;
	[sflag:s25] =	ssyncset.done $0x0  }
0x89: {  	s10 =	sadd.s32 $0x4C00, s9;
	[sflag:s25] =	ssyncadd.s32 $0xFFFFE000  }
0x8a: {  	[spmem:s1] =	stream.indirect.scatter.add.f32 [tilespmem:s28], [sflag:$0x3], $0x40, s10, s26, $0xb8;
	[tilespmem:$0x1C9C0] =	vst v63  }
0x8b: {  	s10 =	sadd.s32 $0x4C80, s9  }
0x8c: {  	[spmem:s1] =	stream.indirect.scatter.add.f32 [tilespmem:s29], [sflag:$0x3], $0x40, s10, s26, $0xb8;
	[tilespmem:$0x1C9C0] =	vst v63  }
0x8d: {  	_ =	swait.ge [sflag:s30], $0x2000  }
0x8e: {  	[sflag:s30] =	ssyncset.done $0x0  }
0x8f: {  	[sflag:s30] =	ssyncadd.s32 $0xFFFFE000  }
0x90: {  	_ =	swait.ge [sflag:s30], $0x2000  }
0x91: {  	[sflag:s30] =	ssyncset.done $0x0  }
0x92: {  	s10 =	sadd.s32 $0x200, s9;
	[sflag:s30] =	ssyncadd.s32 $0xFFFFE000  }
0x93: {  	[tilespmem:s28], [sflag:$0x1] =	stream.indirect.gather [hbm4b:s4+s26], $0x40, s10, s26, $0xb8;
	[tilespmem:$0x1C9C0] =	vst v63  }
0x94: {  	s10 =	sadd.s32 $0x280, s9  }
0x95: {  	[tilespmem:s29], [sflag:$0x1] =	stream.indirect.gather [hbm4b:s4+s26], $0x40, s10, s26, $0xb8;
	[tilespmem:$0x1C9C0] =	vst v63  }
0x96: {  	_ =	swait.ge [sflag:s0], $0x2000  }
0x97: {  	[sflag:s0] =	ssyncset.done $0x0  }
0x98: {  	[sflag:s0] =	ssyncadd.s32 $0xFFFFE000  }
0x99: {  	_ =	swait.ge [sflag:s0], $0x2000  }
0x9a: {  	[sflag:s0] =	ssyncset.done $0x0  }
0x9b: {  	s10 =	sadd.s32 $0x4D00, s9;
	[sflag:s0] =	ssyncadd.s32 $0xFFFFE000  }
0x9c: {  	[spmem:s1] =	stream.indirect.scatter.add.f32 [tilespmem:s31], [sflag:$0x4], $0x40, s10, s26, $0xb8;
	[tilespmem:$0x1C9C0] =	vst v63  }
0x9d: {  	s10 =	sadd.s32 $0x4D80, s9  }
0x9e: {  	[spmem:s1] =	stream.indirect.scatter.add.f32 [tilespmem:s3], [sflag:$0x4], $0x40, s10, s26, $0xb8;
	[tilespmem:$0x1C9C0] =	vst v63  }
0x9f: {  	_ =	swait.ge [sflag:s6], $0x2000  }
0xa0: {  	[sflag:s6] =	ssyncset.done $0x0  }
0xa1: {  	[sflag:s6] =	ssyncadd.s32 $0xFFFFE000  }
.Ltmp2:
0xa2: {  	_ =	swait.ge [sflag:s6], $0x2000;
	(pc) =	sbr.rel @p1 .LBB2_4-.Ltmp2, $4  }
0xa3: {  	[sflag:s6] =	ssyncset.done $0x0  }
0xa4: {  	s10 =	sadd.s32 $0x300, s9;
	[sflag:s6] =	ssyncadd.s32 $0xFFFFE000  }
0xa5: {  	[tilespmem:s31], [sflag:$0x2] =	stream.indirect.gather [hbm4b:s4+s26], $0x40, s10, s26, $0xb8;
	[tilespmem:$0x1C9C0] =	vst v63  }
0xa6: {  	s9 =	sadd.s32 $0x380, s9  }
.LBB2_5:
0xa7: {  	[tilespmem:s3], [sflag:$0x2] =	stream.indirect.gather [hbm4b:s4+s26], $0x40, s9, s26, $0xb8;
	[tilespmem:$0x1C9C0] =	vst v63  }
0xa8: {  	_ =	swait.ge [sflag:s25], $0x2000  }
0xa9: {  	[sflag:s25] =	ssyncset.done $0x0  }
0xaa: {  	[sflag:s25] =	ssyncadd.s32 $0xFFFFE000  }
0xab: {  	_ =	swait.ge [sflag:s25], $0x2000  }
0xac: {  	[sflag:s25] =	ssyncset.done $0x0  }
0xad: {  	[sflag:s25] =	ssyncadd.s32 $0xFFFFE000  }
0xae: {  	[spmem:s1] =	stream.indirect.scatter.add.f32 [tilespmem:s28], [sflag:$0x3], $0x40, s17, s26, $0xb8;
	[tilespmem:$0x1C9C0] =	vst v63  }
0xaf: {  	_ = 	snop  }
0xb0: {  	[spmem:s1] =	stream.indirect.scatter.add.f32 [tilespmem:s29], [sflag:$0x3], $0x40, s18, s26, $0xb8;
	[tilespmem:$0x1C9C0] =	vst v63  }
0xb1: {  	_ =	swait.ge [sflag:s30], $0x2000  }
0xb2: {  	[sflag:s30] =	ssyncset.done $0x0  }
0xb3: {  	[sflag:s30] =	ssyncadd.s32 $0xFFFFE000  }
0xb4: {  	_ =	swait.ge [sflag:s30], $0x2000  }
0xb5: {  	[sflag:s30] =	ssyncset.done $0x0  }
0xb6: {  	[sflag:s30] =	ssyncadd.s32 $0xFFFFE000  }
0xb7: {  	_ =	swait.ge [sflag:s0], $0x2000  }
0xb8: {  	[sflag:s0] =	ssyncset.done $0x0  }
0xb9: {  	[sflag:s0] =	ssyncadd.s32 $0xFFFFE000  }
0xba: {  	_ =	swait.ge [sflag:s0], $0x2000  }
0xbb: {  	[sflag:s0] =	ssyncset.done $0x0  }
0xbc: {  	[sflag:s0] =	ssyncadd.s32 $0xFFFFE000  }
0xbd: {  	[spmem:s1] =	stream.indirect.scatter.add.f32 [tilespmem:s31], [sflag:$0x4], $0x40, s19, s26, $0xb8;
	[tilespmem:$0x1C9C0] =	vst v63  }
0xbe: {  	_ = 	snop  }
0xbf: {  	[spmem:s1] =	stream.indirect.scatter.add.f32 [tilespmem:s3], [sflag:$0x4], $0x40, s20, s26, $0xb8;
	[tilespmem:$0x1C9C0] =	vst v63  }
0xc0: {  	_ =	swait.ge [sflag:s6], $0x2000  }
0xc1: {  	[sflag:s6] =	ssyncset.done $0x0  }
0xc2: {  	[sflag:s6] =	ssyncadd.s32 $0xFFFFE000  }
0xc3: {  	s8 =	stileid.u32;
	_ =	swait.ge [sflag:s6], $0x2000  }
0xc4: {  	s10 =	sshrl.u32 s5, $0x3;
	s2 =	sadd.s32 $0x1, s2;
	[sflag:s6] =	ssyncset.done $0x0  }
0xc5: {  	s8 =	sshll.u32 s8, $0x6;
	p1 =	sne.s32 s2, s21;
	[sflag:s6] =	ssyncadd.s32 $0xFFFFE000  }
.Ltmp3:
0xc6: {  	s8 =	sor.u32 $0x1C05, s8;
	[bflag:$0x0] =	sbarrier.arrive $0xFFFF;
	(pc) =	sbr.rel @p1 .LBB2_1-.Ltmp3, $4  }
0xc7: {  	[hbm:s24], [sflag:s8] =	dma.local [spmem:s10], $0x13C0  }
0xc8: {  	_ =	swait.ge [sflag:s7], $0x13C0  }
0xc9: {  	[sflag:s7] =	ssyncset.done $0x0  }
0xca: {  	[sflag:s7] =	ssyncadd.s32 $0xFFFFEC40  }
0xcb: {  	_ =	sfence.sel $0x180000  }
0xcc: {  	[bflag:$0x0] =	sbarrier.arrive $0xFFFF  }
0xcd: {  	_ =	strace $0x9000004D  }
0xce: {  	s0 =	stileid.u32;
	[bflag:$0x2] =	sbarrier.arrive $0xFFFF  }
0xcf: {  	p0 =	sne.s32 s0, $0x0;
	s0 =	rddreg [dreg:$0x2]  }
0xd0: {  	s0 =	sadd.s32 @!p0 $0x100000, s0  }
0xd1: {  	[sflag:s0] =	ssyncadd.tile.s32 @!p0 $0x1;
	_ =	shalt  }
.Lfunc_end2:
_tile_overlayer_lowered:
.L_overlay_start_2:
0xd2: {  	(tag) =	ssettag $0x2  }
0xd3: {  	s0 =	rddreg [dreg:$0x0];
	s2 =	stileid.u32  }
0xd4: {  	s1 =	rddreg [dreg:$0x1];
	p0 =	sne.s32 s2, $0x0  }
0xd5: {  	s3 =	rddreg [dreg:$0x2];
	[bflag:$0x3] =	sbarrier.arrive $0xFFFF;
	s2 =	simm.s32 @!p0 $0x1C05  }
0xd6: {  	[timem:s3], [sflag:s2] =	dma.local @!p0 [hbm:s0], s1  }
0xd7: {  	s0 =	simm.s32 @!p0 $0x5  }
0xd8: {  	_ =	swait.ge @!p0 [sflag:s0], s1  }
0xd9: {  	s1 =	ssub.s32 @!p0 $0x0, s1;
	[sflag:s0] =	ssyncset.done @!p0 $0x0  }
0xda: {  	[sflag:s0] =	ssyncadd.s32 @!p0 s1  }
0xdb: {  	[bflag:$0x3] =	sbarrier.arrive $0xFFFF  }
0xdc: {  	_ =	shalt  }

// kernel: kernel.8.cloned.1.call-start
scs
__scs_entry_jumppad:
0x0: {  	(pc) =	sbr.rel $0x88, $3  }
0x1: {  	(tag) =	ssettag $0x0;
	lr =	simm.s32 $0x1  }
0x2: {  	[smem:$0x3F96] =	sst lr;
	_ =	strace $0xD0000000  }
0x3: {  	_ = 	snop  }
0x4: {  	_ = 	snop  }
0x5: {  	_ = 	snop  }
0x6: {  	_ = 	snop  }
0x7: {  	_ = 	snop  }
__scs_overlays_trampoline_lowered:
0x8: {  	[smem:$0x3FA5] =	sst s0  }
0x9: {  	[smem:$0x3FA6] =	sst s1  }
0xa: {  	[smem:$0x3FA7] =	sst s2  }
0xb: {  	[smem:$0x3FA8] =	sst s3  }
0xc: {  	[smem:$0x3FA9] =	sst s4  }
0xd: {  	[smem:$0x3FAA] =	sst s5  }
0xe: {  	[smem:$0x3FAB] =	sst s6  }
0xf: {  	[smem:$0x3FAC] =	sst s7  }
0x10: {  	[smem:$0x3FAD] =	sst s8  }
0x11: {  	[smem:$0x3FAE] =	sst s9;
	s0 =	simm.s32 @!p0 $0x0  }
0x12: {  	s1 =	sld [smem:$0x3F94];
	s0 =	simm.s32 @p0 $0x1  }
0x13: {  	[smem:$0x3FAF] =	sst s0;
	s0 =	simm.s32 @!p1 $0x0  }
0x14: {  	s2 =	sld [smem:$0x3F93];
	s0 =	simm.s32 @p1 $0x1  }
0x15: {  	[smem:$0x3FB0] =	sst s0;
	s0 =	simm.s32 @!p2 $0x0  }
0x16: {  	s3 =	sld [smem:$0x3FDB];
	s0 =	simm.s32 @p2 $0x1  }
0x17: {  	s4 =	simm.s32 $0x1BF5;
	[smem:$0x3FB2] =	sst s0  }
0x18: {  	s0 =	sld [smem:$0x3F95];
	_ =	swait.ge [sflag:s4], $0x0  }
0x19: {  	s7 =	sld [smem:$0x3F96]  }
0x1a: {  	s8 =	sadd.s32 $0xFFFFE003, lr  }
0x1b: {  	s9 =	sadd.s32 $0xFFFFFEF7, lr;
	s5 =	simm.s32 $0xFFFFFFFF;
	p2 =	slt.u32 s8, $0xFFFFF086  }
0x1c: {  	p1 =	slt.u32 s9, $0xF7A;
	s5 =	simm.s32 @!p2 $0x0  }
0x1d: {  	s5 =	simm.s32 @p1 $0x1;
	p0 =	seq.s32 s7, s2  }
0x1e: {  	s7 =	smul.u32 @!p0 $0xF7A, s2;
	p2 =	seq.s32 @!p0 s5, $0x0  }
0x1f: {  	s9 =	smul.u32 $0xF7A, s1;
	s8 =	simm.s32 @!p0 $0x1BF5;
	p2 =	por !p2, p0  }
0x20: {  	[sflag:s8] =	ssyncset.s32 @!p0 $0xFFFFF086;
	s6 =	sadd.s32 @!p0 s3, s7;
	s7 =	simm.s32 @!p0 $0x108  }
0x21: {  	s3 =	sadd.s32 s3, s9;
	s6 =	sadd.s32 @!p0 $0x88, s6;
	s7 =	simm.s32 @p2 $0x1082  }
0x22: {  	[simem:s7], [sflag:s8] =	dma.local @!p0 [hbm:s6], $0xF7A  }
0x23: {  	s9 =	sor.u32 $0xD0000000, s2;
	s6 =	simm.s32 $0x108;
	_ =	swait.ge @!p0 [sflag:s8], $0x0  }
0x24: {  	s3 =	sadd.s32 $0x88, s3;
	s6 =	simm.s32 @!p1 $0x1082;
	[sflag:s4] =	ssyncset.s32 $0xFFFFF086  }
0x25: {  	[simem:s6], [sflag:s4] =	dma.local [hbm:s3], $0xF7A  }
0x26: {  	[smem:$0x3F96] =	sst s1;
	(tag) =	ssettag s2;
	_ =	strace s9  }
0x27: {  	s1 =	sld [smem:$0x3FA6]  }
0x28: {  	s2 =	sld [smem:$0x3FA7]  }
0x29: {  	s4 =	sld [smem:$0x3FA9]  }
0x2a: {  	p0 =	seq.s32 s5, $0x0;
	s5 =	sld [smem:$0x3FAA]  }
0x2b: {  	s6 =	sld [smem:$0x3FAB]  }
0x2c: {  	s7 =	sld [smem:$0x3FAC]  }
0x2d: {  	s3 =	simm.s32 $0x108;
	s8 =	sld [smem:$0x3FAD]  }
0x2e: {  	s3 =	simm.s32 @!p0 $0x1082;
	s9 =	sld [smem:$0x3FAE]  }
0x2f: {  	lr =	sadd.s32 s0, s3;
	s0 =	sld [smem:$0x3FA5]  }
0x30: {  	s3 =	sld [smem:$0x3FA8]  }
0x31: {  	[smem:$0x3FB1] =	sst s10  }
0x32: {  	s10 =	sld [smem:$0x3FAF];
	_ =	sdelay $0x3  }
0x33: {  	p0 =	seq.s32 s10, $0x1;
	s10 =	sld [smem:$0x3FB1];
	_ =	sdelay $0x3  }
0x34: {  	[smem:$0x3FB1] =	sst s10  }
0x35: {  	s10 =	sld [smem:$0x3FB0];
	_ =	sdelay $0x3  }
0x36: {  	p1 =	seq.s32 s10, $0x1;
	s10 =	sld [smem:$0x3FB1];
	_ =	sdelay $0x3  }
0x37: {  	[smem:$0x3FB1] =	sst s10  }
0x38: {  	s10 =	sld [smem:$0x3FB2]  }
0x39: {  	_ = 	snop;
	(pc) =	sbr.ind lr, $3  }
0x3a: {  	_ = 	snop  }
0x3b: {  	_ = 	snop  }
0x3c: {  	p2 =	seq.s32 s10, $0x1;
	s10 =	sld [smem:$0x3FB1]  }
0x3d: {  	_ =	shalt  }
0x3e: {  	_ =	shalt  }
0x3f: {  	_ =	shalt  }
0x40: {  	_ =	shalt  }
0x41: {  	_ =	shalt  }
0x42: {  	_ =	shalt  }
0x43: {  	_ =	shalt  }
0x44: {  	_ =	shalt  }
0x45: {  	_ =	shalt  }
0x46: {  	_ =	shalt  }
0x47: {  	_ =	shalt  }
0x48: {  	_ =	shalt  }
0x49: {  	_ =	shalt  }
0x4a: {  	_ =	shalt  }
0x4b: {  	_ =	shalt  }
0x4c: {  	_ =	shalt  }
0x4d: {  	_ =	shalt  }
0x4e: {  	_ =	shalt  }
0x4f: {  	_ =	shalt  }
0x50: {  	_ =	shalt  }
0x51: {  	_ =	shalt  }
0x52: {  	_ =	shalt  }
0x53: {  	_ =	shalt  }
0x54: {  	_ =	shalt  }
0x55: {  	_ =	shalt  }
0x56: {  	_ =	shalt  }
0x57: {  	_ =	shalt  }
0x58: {  	_ =	shalt  }
0x59: {  	_ =	shalt  }
0x5a: {  	_ =	shalt  }
0x5b: {  	_ =	shalt  }
0x5c: {  	_ =	shalt  }
0x5d: {  	_ =	shalt  }
0x5e: {  	_ =	shalt  }
0x5f: {  	_ =	shalt  }
0x60: {  	_ =	shalt  }
0x61: {  	_ =	shalt  }
0x62: {  	_ =	shalt  }
0x63: {  	_ =	shalt  }
0x64: {  	_ =	shalt  }
0x65: {  	_ =	shalt  }
0x66: {  	_ =	shalt  }
0x67: {  	_ =	shalt  }
0x68: {  	_ =	shalt  }
0x69: {  	_ =	shalt  }
0x6a: {  	_ =	shalt  }
0x6b: {  	_ =	shalt  }
0x6c: {  	_ =	shalt  }
0x6d: {  	_ =	shalt  }
0x6e: {  	_ =	shalt  }
0x6f: {  	_ =	shalt  }
0x70: {  	_ =	shalt  }
0x71: {  	_ =	shalt  }
0x72: {  	_ =	shalt  }
0x73: {  	_ =	shalt  }
0x74: {  	_ =	shalt  }
0x75: {  	_ =	shalt  }
0x76: {  	_ =	shalt  }
0x77: {  	_ =	shalt  }
0x78: {  	_ =	shalt  }
0x79: {  	_ =	shalt  }
0x7a: {  	_ =	shalt  }
0x7b: {  	_ =	shalt  }
0x7c: {  	_ =	shalt  }
0x7d: {  	_ =	shalt  }
0x7e: {  	_ =	shalt  }
0x7f: {  	_ =	shalt  }
0x80: {  	_ =	shalt  }
0x81: {  	_ =	shalt  }
0x82: {  	_ =	shalt  }
0x83: {  	_ =	shalt  }
0x84: {  	_ =	shalt  }
0x85: {  	_ =	shalt  }
0x86: {  	_ =	shalt  }
0x87: {  	_ =	shalt  }
.Lfunc_end0:
.L_simem_size_0:
called_computation_lowered:
.L_overlay_start_0:
0x88: {  	s2 =	sld [smem:$0x3FD9]  }
0x89: {  	s3 =	sld [smem:$0x3FFE];
	_ =	sdelay $0x1  }
0x8a: {  	s1 =	srdreg.scid  }
0x8b: {  	s0 =	sand.u32 $0x1, s1  }
0x8c: {  	s17 =	sshll.u32 s0, $0xA;
	s2 =	sadd.s32 s3, s2  }
0x8d: {  	s2 =	sadd.s32 s2, s17  }
0x8e: {  	[smem:$0x3FBD] =	sst s2  }
0x8f: {  	_ = 	snop  }
0x90: {  	s2 =	sld [smem:$0x3FD0];
	(tm) =	ssettm $0x1  }
0x91: {  	s18 =	sld [smem:$0x3FFB];
	_ =	sdelay $0x3  }
0x92: {  	_ =	strace s18  }
0x93: {  	s3 =	sld [smem:$0x3FFC];
	_ =	sdelay $0x3  }
0x94: {  	_ =	strace s3  }
0x95: {  	s3 =	sld [smem:$0x3FFD];
	_ =	sdelay $0x3  }
0x96: {  	_ =	strace s3  }
0x97: {  	_ =	strace $0x8FFFFFFF  }
0x98: {  	s19 =	sld [smem:$0x3FDB];
	_ =	sdelay $0x1  }
0x99: {  	s4 =	simm.s32 $_scs_section_size  }
0x9a: {  	s5 =	simm.s32 $_size__tile_overlayer_lowered;
	s6 =	simm.s32 $_tile_overlayer_lowered  }
0x9b: {  	s22 =	simm.s32 $0x1BFF;
	s21 =	sshll.u32 s6, $0x1;
	s3 =	sadd.s32 s4, s19  }
0x9c: {  	s7 =	simm.s32 $0x0;
	s20 =	sshll.u32 s5, $0x1;
	s5 =	sadd.s32 s21, s3  }
0x9d: {  	[timem:s7], [sflag:s22] =	dma.local [hbm:s5], s20  }
0x9e: {  	_ =	swait.ge [sflag:s22], s20  }
0x9f: {  	s4 =	ssub.s32 $0x0, s20;
	[sflag:s22] =	ssyncset.done $0x0  }
0xa0: {  	[sflag:s22] =	ssyncadd.s32 s4;
	_ =	sdelay $0x1  }
0xa1: {  	s23 =	simm.s32 $0x1B8B  }
0xa2: {  	_ =	swait.ge [sflag:s23], $0x1  }
0xa3: {  	[sflag:s23] =	ssyncset.done $0x0  }
0xa4: {  	s25 =	simm.s32 $0x1B8E;
	s24 =	sld [smem:$0x3FFE];
	[sflag:s23] =	ssyncadd.s32 $0xFFFFFFFF  }
0xa5: {  	s26 =	simm.s32 $execute0_lowered;
	[smem:$0x3FD2] =	sst s25  }
0xa6: {  	s5 =	sshll.u32 s26, $0x1;
	_ =	strace $0x80000046;
	[dreg:$0x1] =	wrdreg $0xFFFFFFFF  }
0xa7: {  	s28 =	simm.s32 $_size_execute0_lowered;
	s3 =	sadd.s32 s3, s5;
	[dreg:$0x0] =	wrdreg $0x0  }
0xa8: {  	s5 =	sshll.u32 s28, $0x1;
	[dreg:$0x2] =	wrdreg s3  }
0xa9: {  	[dreg:$0x3] =	wrdreg s5  }
0xaa: {  	[dreg:$0x4] =	wrdreg $0xC0  }
0xab: {  	_ =	task [dreg:s7], $0x5FFFF  }
0xac: {  	[dreg:$0x1] =	wrdreg $0xFFFFFFFF  }
0xad: {  	[dreg:$0x0] =	wrdreg $0x60  }
0xae: {  	[dreg:$0x2] =	wrdreg s24  }
0xaf: {  	[dreg:$0x3] =	wrdreg s2  }
0xb0: {  	[dreg:$0x4] =	wrdreg $0x38000  }
0xb1: {  	[dreg:$0x5] =	wrdreg $0x9  }
0xb2: {  	_ =	task.clear_ibuf [dreg:s7], $0x6FFFF;
	_ =	strace $0x90000046  }
0xb3: {  	s29 =	simm.s32 $0x9;
	_ =	strace $0x80000048  }
0xb4: {  	_ =	swait.ge [sflag:s29], $0x1  }
0xb5: {  	[sflag:s29] =	ssyncadd.s32 $0xFFFFFFFF  }
0xb6: {  	_ =	strace $0x90000048  }
0xb7: {  	_ =	sfence  }
0xb8: {  	s30 =	sld [smem:$0x0];
	_ =	sdelay $0x2  }
0xb9: {  	s31 =	sshll.u32 s1, $0xD;
	s1 =	sshrl.u32 s1, $0x2  }
0xba: {  	s3 =	sand.u32 $0x4000, s31;
	s1 =	sadd.s32 s1, s30  }
0xbb: {  	s0 =	sor.u32 s3, s0;
	s1 =	sshll.u32 s1, $0x11  }
0xbc: {  	s0 =	sor.u32 s1, s0  }
0xbd: {  	s0 =	sadd.s32 $0x8F2B, s0  }
0xbe: {  	[sflag:s0] =	ssyncadd.remote.s32 $0x1  }
0xbf: {  	_ =	sfence.sel $0xFFFF  }
0xc0: {  	[dreg:$0x0] =	wrdreg $0xFFFFFFFF;
	(pc) =	sbr.abs _section_cstart, $3  }
0xc1: {  	[dreg:$0x1] =	wrdreg $0xFFFFFFFF  }
0xc2: {  	_ =	task.clear_ibuf [dreg:s7], $0x2FFFF;
	_ =	strace $0x9FFFFFFF  }
0xc3: {  	(tm) =	ssettm $0x7FFFFFFF  }
tec
execute0_lowered:
.L_overlay_start_1:
0x0: {  	(tag) =	ssettag $0x1  }
0x1: {  	s5 =	rddreg [dreg:$0x0]  }
0x2: {  	s1 =	rddreg [dreg:$0x1]  }
0x3: {  	s3 =	rddreg [dreg:$0x2]  }
0x4: {  	s0 =	rddreg [dreg:$0x3]  }
0x5: {  	s4 =	simm.s32 $0x0;
	s6 =	srdreg.scid;
	s2 =	stileid.u32  }
0x6: {  	s14 =	simm.s32 $0x1;
	s6 =	sand.u32 $0x1, s6;
	s7 =	smul.u32 $0x60, s2  }
0x7: {  	s11 =	sshll.u32 s2, $0x6;
	[smem:$0x7FF] =	sst s4;
	s31 =	smul.u32 $0x2780, s2  }
0x8: {  	p0 =	seq.s32 s6, $0x0;
	s8 =	sadd.s32 $0x600, s11;
	_ =	strace $0x80000047  }
0x9: {  	s9 =	smul.u32 $0x4F00, s6;
	s6 =	ssub.s32 $0x2, s6;
	s11 =	sor.u32 $0x1C02, s11  }
0xa: {  	s8 =	smov.u32 @p0 s7;
	s15 =	sshrl.u32 s31, $0x3;
	s10 =	sshrl.u32 s6, $0x1  }
0xb: {  	s13 =	sadd.s32 s31, s3;
	s8 =	sshll.u32 s8, $0x4;
	s12 =	sadd.s32 s15, s5  }
0xc: {  	s9 =	sadd.s32 s9, s5;
	s10 =	ssub.s32 s6, s10;
	s6 =	simm.s32 $0xC000  }
0xd: {  	s8 =	sadd.s32 s8, s5;
	s7 =	sadd.s32 $0xC600, s12;
	s6 =	simm.s32 @!p0 $0x8000  }
0xe: {  	s16 =	sadd.s32 $0x11600, s9;
	s9 =	simm.s32 $0x2;
	s12 =	sshrl.u32 s13, $0x3  }
0xf: {  	s13 =	simm.s32 $0x80;
	s5 =	sadd.s32 $0x2400, s8;
	s8 =	smax.u32 s10, $0x1  }
0x10: {  	s10 =	simm.s32 $0x3000;
	s15 =	sadd.s32 s15, s16;
	s16 =	simm.s32 $0x0  }
.LBB2_1:
0x11: {  	[tilespmem:s4], [sflag:$0x2] =	stream.linear.gather [hbm4b:s5+s4], $0x3000, $0x38;
	[tilespmem:$0x5F80] =	vst v63  }
0x12: {  	_ =	swait.ge [sflag:s9], $0x3000  }
0x13: {  	[sflag:s9] =	ssyncset.done $0x0  }
0x14: {  	[sflag:s9] =	ssyncadd.s32 $0xFFFFD000  }
0x15: {  	[tilespmem:s10], [sflag:$0x2] =	stream.linear.gather [hbm4b:s1+s4], $0x800, $0x38;
	[tilespmem:$0x5F80] =	vst v63  }
0x16: {  	_ =	swait.ge [sflag:s9], $0x800  }
0x17: {  	[sflag:s9] =	ssyncset.done $0x0  }
0x18: {  	p1 =	sne.s32 s6, $0x1000;
	[sflag:s9] =	ssyncadd.s32 $0xFFFFF800  }
0x19: {  	[spmem:s12], [sflag:s11] =	dma.local [hbm:s7], $0x4F0  }
.Ltmp0:
0x1a: {  	_ =	swait.ge [sflag:s9], $0x4F0;
	(pc) =	sbr.rel @!p1 .LBB2_6-.Ltmp0, $4  }
0x1b: {  	[sflag:s9] =	ssyncset.done $0x0  }
0x1c: {  	[sflag:s9] =	ssyncadd.s32 $0xFFFFFB10  }
0x1d: {  	[bflag:$0x0] =	sbarrier.arrive $0xFFFF  }
0x1e: {  	s17 =	simm.s32 $0x1000;
	p0 =	por $0x0, $0x0;
	s18 =	simm.s32 $0x0  }
0x1f: {  	s18 =	simm.s32 $0x0  }
0x20: {  	[spmem:s3] =	stream.indirect.scatter.add.f32 [tilespmem:s10], [sflag:$0x1], $0x10, s18, s13, $0xb8;
	[tilespmem:$0x5F80] =	vst v63  }
0x21: {  	s24 =	simm.s32 $0x80  }
0x22: {  	[spmem:s3] =	stream.indirect.scatter.add.f32 [tilespmem:s10], [sflag:$0x1], $0x10, s24, s13, $0xb8;
	[tilespmem:$0x5F80] =	vst v63  }
0x23: {  	s25 =	simm.s32 $0x100  }
0x24: {  	[spmem:s3] =	stream.indirect.scatter.add.f32 [tilespmem:s10], [sflag:$0x1], $0x10, s25, s13, $0xb8;
	[tilespmem:$0x5F80] =	vst v63  }
0x25: {  	s26 =	simm.s32 $0x180  }
0x26: {  	[spmem:s3] =	stream.indirect.scatter.add.f32 [tilespmem:s10], [sflag:$0x1], $0x10, s26, s13, $0xb8;
	[tilespmem:$0x5F80] =	vst v63  }
0x27: {  	s28 =	simm.s32 $0x200  }
0x28: {  	[spmem:s3] =	stream.indirect.scatter.add.f32 [tilespmem:s10], [sflag:$0x1], $0x10, s28, s13, $0xb8;
	[tilespmem:$0x5F80] =	vst v63  }
0x29: {  	s29 =	simm.s32 $0x280  }
0x2a: {  	[spmem:s3] =	stream.indirect.scatter.add.f32 [tilespmem:s10], [sflag:$0x1], $0x10, s29, s13, $0xb8;
	[tilespmem:$0x5F80] =	vst v63  }
0x2b: {  	s30 =	simm.s32 $0x300  }
0x2c: {  	[spmem:s3] =	stream.indirect.scatter.add.f32 [tilespmem:s10], [sflag:$0x1], $0x10, s30, s13, $0xb8;
	[tilespmem:$0x5F80] =	vst v63  }
0x2d: {  	s31 =	simm.s32 $0x380  }
0x2e: {  	[spmem:s3] =	stream.indirect.scatter.add.f32 [tilespmem:s10], [sflag:$0x1], $0x10, s31, s13, $0xb8;
	[tilespmem:$0x5F80] =	vst v63  }
0x2f: {  	_ =	swait.ge [sflag:s14], $0x800  }
0x30: {  	[sflag:s14] =	ssyncset.done $0x0  }
0x31: {  	[sflag:s14] =	ssyncadd.s32 $0xFFFFF800  }
0x32: {  	_ =	swait.ge [sflag:s14], $0x800  }
0x33: {  	[sflag:s14] =	ssyncset.done $0x0  }
0x34: {  	[sflag:s14] =	ssyncadd.s32 $0xFFFFF800  }
0x35: {  	_ =	swait.ge [sflag:s14], $0x800  }
0x36: {  	[sflag:s14] =	ssyncset.done $0x0  }
0x37: {  	[sflag:s14] =	ssyncadd.s32 $0xFFFFF800  }
0x38: {  	_ =	swait.ge [sflag:s14], $0x800  }
0x39: {  	[sflag:s14] =	ssyncset.done $0x0  }
0x3a: {  	[sflag:s14] =	ssyncadd.s32 $0xFFFFF800  }
0x3b: {  	_ =	swait.ge [sflag:s14], $0x800  }
0x3c: {  	[sflag:s14] =	ssyncset.done $0x0  }
0x3d: {  	[sflag:s14] =	ssyncadd.s32 $0xFFFFF800  }
0x3e: {  	_ =	swait.ge [sflag:s14], $0x800  }
0x3f: {  	[sflag:s14] =	ssyncset.done $0x0  }
0x40: {  	p1 =	sne.s32 s6, $0x2000;
	[sflag:s14] =	ssyncadd.s32 $0xFFFFF800  }
.Ltmp1:
0x41: {  	_ =	swait.ge [sflag:s14], $0x800;
	(pc) =	sbr.rel @!p1 .LBB2_3-.Ltmp1, $4  }
0x42: {  	[sflag:s14] =	ssyncset.done $0x0  }
0x43: {  	[sflag:s14] =	ssyncadd.s32 $0xFFFFF800  }
0x44: {  	_ =	swait.ge [sflag:s14], $0x800  }
0x45: {  	p0 =	por $0x1, $0x1;
	s18 =	simm.s32 $0x2000;
	[sflag:s14] =	ssyncset.done $0x0  }
.LBB2_4:
0x46: {  	s19 =	sshra.s32 s17, $0x2  }
0x47: {  	[sflag:s14] =	ssyncadd.s32 $0xFFFFF800;
	s17 =	smov.u32 s18;
	s18 =	sadd.s32 $0x1000, s18  }
0x48: {  	[spmem:s3] =	stream.indirect.scatter.add.f32 [tilespmem:s10], [sflag:$0x1], $0x10, s19, s13, $0xb8;
	[tilespmem:$0x5F80] =	vst v63  }
0x49: {  	p1 =	sne.s32 s6, s18;
	s20 =	sadd.s32 $0x80, s19  }
0x4a: {  	[spmem:s3] =	stream.indirect.scatter.add.f32 [tilespmem:s10], [sflag:$0x1], $0x10, s20, s13, $0xb8;
	[tilespmem:$0x5F80] =	vst v63  }
0x4b: {  	s20 =	sadd.s32 $0x100, s19  }
0x4c: {  	[spmem:s3] =	stream.indirect.scatter.add.f32 [tilespmem:s10], [sflag:$0x1], $0x10, s20, s13, $0xb8;
	[tilespmem:$0x5F80] =	vst v63  }
0x4d: {  	s20 =	sadd.s32 $0x180, s19  }
0x4e: {  	[spmem:s3] =	stream.indirect.scatter.add.f32 [tilespmem:s10], [sflag:$0x1], $0x10, s20, s13, $0xb8;
	[tilespmem:$0x5F80] =	vst v63  }
0x4f: {  	s20 =	sadd.s32 $0x200, s19  }
0x50: {  	[spmem:s3] =	stream.indirect.scatter.add.f32 [tilespmem:s10], [sflag:$0x1], $0x10, s20, s13, $0xb8;
	[tilespmem:$0x5F80] =	vst v63  }
0x51: {  	s20 =	sadd.s32 $0x280, s19  }
0x52: {  	[spmem:s3] =	stream.indirect.scatter.add.f32 [tilespmem:s10], [sflag:$0x1], $0x10, s20, s13, $0xb8;
	[tilespmem:$0x5F80] =	vst v63  }
0x53: {  	s20 =	sadd.s32 $0x300, s19  }
0x54: {  	[spmem:s3] =	stream.indirect.scatter.add.f32 [tilespmem:s10], [sflag:$0x1], $0x10, s20, s13, $0xb8;
	[tilespmem:$0x5F80] =	vst v63  }
0x55: {  	s19 =	sadd.s32 $0x380, s19  }
0x56: {  	[spmem:s3] =	stream.indirect.scatter.add.f32 [tilespmem:s10], [sflag:$0x1], $0x10, s19, s13, $0xb8;
	[tilespmem:$0x5F80] =	vst v63  }
0x57: {  	_ =	swait.ge [sflag:s14], $0x800  }
0x58: {  	[sflag:s14] =	ssyncset.done $0x0  }
0x59: {  	[sflag:s14] =	ssyncadd.s32 $0xFFFFF800  }
0x5a: {  	_ =	swait.ge [sflag:s14], $0x800  }
0x5b: {  	[sflag:s14] =	ssyncset.done $0x0  }
0x5c: {  	[sflag:s14] =	ssyncadd.s32 $0xFFFFF800  }
0x5d: {  	_ =	swait.ge [sflag:s14], $0x800  }
0x5e: {  	[sflag:s14] =	ssyncset.done $0x0  }
0x5f: {  	[sflag:s14] =	ssyncadd.s32 $0xFFFFF800  }
0x60: {  	_ =	swait.ge [sflag:s14], $0x800  }
0x61: {  	[sflag:s14] =	ssyncset.done $0x0  }
0x62: {  	[sflag:s14] =	ssyncadd.s32 $0xFFFFF800  }
0x63: {  	_ =	swait.ge [sflag:s14], $0x800  }
0x64: {  	[sflag:s14] =	ssyncset.done $0x0  }
0x65: {  	[sflag:s14] =	ssyncadd.s32 $0xFFFFF800  }
0x66: {  	_ =	swait.ge [sflag:s14], $0x800  }
0x67: {  	[sflag:s14] =	ssyncset.done $0x0  }
0x68: {  	[sflag:s14] =	ssyncadd.s32 $0xFFFFF800  }
.Ltmp2:
0x69: {  	_ =	swait.ge [sflag:s14], $0x800;
	(pc) =	sbr.rel @p1 .LBB2_4-.Ltmp2, $4  }
0x6a: {  	[sflag:s14] =	ssyncset.done $0x0  }
0x6b: {  	[sflag:s14] =	ssyncadd.s32 $0xFFFFF800  }
0x6c: {  	_ =	swait.ge [sflag:s14], $0x800  }
0x6d: {  	[sflag:s14] =	ssyncset.done $0x0  }
0x6e: {  	s18 =	smov.u32 s17  }
.LBB2_6:
0x6f: {  	s17 =	sshra.s32 s18, $0x2;
	[sflag:s14] =	ssyncadd.s32 @p0 $0xFFFFF800  }
0x70: {  	[spmem:s3] =	stream.indirect.scatter.add.f32 [tilespmem:s10], [sflag:$0x1], $0x10, s17, s13, $0xb8;
	[tilespmem:$0x5F80] =	vst v63  }
0x71: {  	s18 =	sadd.s32 $0x80, s17  }
0x72: {  	[spmem:s3] =	stream.indirect.scatter.add.f32 [tilespmem:s10], [sflag:$0x1], $0x10, s18, s13, $0xb8;
	[tilespmem:$0x5F80] =	vst v63  }
0x73: {  	s26 =	sadd.s32 $0x100, s17  }
0x74: {  	[spmem:s3] =	stream.indirect.scatter.add.f32 [tilespmem:s10], [sflag:$0x1], $0x10, s26, s13, $0xb8;
	[tilespmem:$0x5F80] =	vst v63  }
0x75: {  	s28 =	sadd.s32 $0x180, s17  }
0x76: {  	[spmem:s3] =	stream.indirect.scatter.add.f32 [tilespmem:s10], [sflag:$0x1], $0x10, s28, s13, $0xb8;
	[tilespmem:$0x5F80] =	vst v63  }
0x77: {  	s29 =	sadd.s32 $0x200, s17  }
0x78: {  	[spmem:s3] =	stream.indirect.scatter.add.f32 [tilespmem:s10], [sflag:$0x1], $0x10, s29, s13, $0xb8;
	[tilespmem:$0x5F80] =	vst v63  }
0x79: {  	s30 =	sadd.s32 $0x280, s17  }
0x7a: {  	[spmem:s3] =	stream.indirect.scatter.add.f32 [tilespmem:s10], [sflag:$0x1], $0x10, s30, s13, $0xb8;
	[tilespmem:$0x5F80] =	vst v63  }
0x7b: {  	s31 =	sadd.s32 $0x300, s17  }
0x7c: {  	[spmem:s3] =	stream.indirect.scatter.add.f32 [tilespmem:s10], [sflag:$0x1], $0x10, s31, s13, $0xb8;
	[tilespmem:$0x5F80] =	vst v63  }
0x7d: {  	s17 =	sadd.s32 $0x380, s17  }
0x7e: {  	[spmem:s3] =	stream.indirect.scatter.add.f32 [tilespmem:s10], [sflag:$0x1], $0x10, s17, s13, $0xb8;
	[tilespmem:$0x5F80] =	vst v63  }
0x7f: {  	_ =	swait.ge [sflag:s14], $0x800  }
0x80: {  	[sflag:s14] =	ssyncset.done $0x0  }
0x81: {  	[sflag:s14] =	ssyncadd.s32 $0xFFFFF800  }
0x82: {  	_ =	swait.ge [sflag:s14], $0x800  }
0x83: {  	[sflag:s14] =	ssyncset.done $0x0  }
0x84: {  	[sflag:s14] =	ssyncadd.s32 $0xFFFFF800  }
0x85: {  	_ =	swait.ge [sflag:s14], $0x800  }
0x86: {  	[sflag:s14] =	ssyncset.done $0x0  }
0x87: {  	[sflag:s14] =	ssyncadd.s32 $0xFFFFF800  }
0x88: {  	_ =	swait.ge [sflag:s14], $0x800  }
0x89: {  	[sflag:s14] =	ssyncset.done $0x0  }
0x8a: {  	[sflag:s14] =	ssyncadd.s32 $0xFFFFF800  }
0x8b: {  	_ =	swait.ge [sflag:s14], $0x800  }
0x8c: {  	[sflag:s14] =	ssyncset.done $0x0  }
0x8d: {  	[sflag:s14] =	ssyncadd.s32 $0xFFFFF800  }
0x8e: {  	_ =	swait.ge [sflag:s14], $0x800  }
0x8f: {  	[sflag:s14] =	ssyncset.done $0x0  }
0x90: {  	[sflag:s14] =	ssyncadd.s32 $0xFFFFF800  }
0x91: {  	_ =	swait.ge [sflag:s14], $0x800  }
0x92: {  	[sflag:s14] =	ssyncset.done $0x0  }
0x93: {  	[sflag:s14] =	ssyncadd.s32 $0xFFFFF800  }
0x94: {  	_ =	swait.ge [sflag:s14], $0x800  }
0x95: {  	[sflag:s14] =	ssyncset.done $0x0  }
0x96: {  	s16 =	sadd.s32 $0x1, s16;
	[sflag:s14] =	ssyncadd.s32 $0xFFFFF800  }
0x97: {  	p0 =	sne.s32 s16, s8;
	[bflag:$0x0] =	sbarrier.arrive $0xFFFF  }
0x98: {  	[hbm:s15], [sflag:s11] =	dma.local [spmem:s12], $0x4F0  }
.Ltmp3:
0x99: {  	_ = 	snop;
	(pc) =	sbr.rel @p0 .LBB2_1-.Ltmp3, $4  }
.Ltmp4:
0x9a: {  	_ = 	snop;
	(pc) =	sbr.rel @!p0 .LBB2_7-.Ltmp4, $4  }
0x9b: {  	_ =	swait.ge [sflag:s9], $0x4F0  }
0x9c: {  	[sflag:s9] =	ssyncset.done $0x0  }
0x9d: {  	[sflag:s9] =	ssyncadd.s32 $0xFFFFFB10  }
0x9e: {  	_ = 	snop  }
.LBB2_3:
.Ltmp5:
0x9f: {  	(pc) =	sbr.rel .LBB2_6-.Ltmp5, $2  }
0xa0: {  	_ =	sdelay $0x2  }
0xa1: {  	s18 =	simm.s32 $0x1000  }
.LBB2_7:
0xa2: {  	_ =	sfence.sel $0x180000  }
0xa3: {  	[bflag:$0x0] =	sbarrier.arrive $0xFFFF  }
0xa4: {  	p0 =	sne.s32 s2, $0x0;
	_ =	strace $0x90000047  }
0xa5: {  	s0 =	sadd.s32 @!p0 $0x100000, s0;
	[bflag:$0x2] =	sbarrier.arrive $0xFFFF  }
0xa6: {  	[sflag:s0] =	ssyncadd.tile.s32 @!p0 $0x1;
	_ =	shalt  }
.Lfunc_end2:
_tile_overlayer_lowered:
.L_overlay_start_2:
0xa7: {  	(tag) =	ssettag $0x2  }
0xa8: {  	s0 =	rddreg [dreg:$0x0];
	s2 =	stileid.u32  }
0xa9: {  	s1 =	rddreg [dreg:$0x1];
	p0 =	sne.s32 s2, $0x0  }
0xaa: {  	s3 =	rddreg [dreg:$0x2];
	[bflag:$0x3] =	sbarrier.arrive $0xFFFF;
	s2 =	simm.s32 @!p0 $0x1C02  }
0xab: {  	[timem:s3], [sflag:s2] =	dma.local @!p0 [hbm:s0], s1  }
0xac: {  	s0 =	simm.s32 @!p0 $0x2  }
0xad: {  	_ =	swait.ge @!p0 [sflag:s0], s1  }
0xae: {  	s1 =	ssub.s32 @!p0 $0x0, s1;
	[sflag:s0] =	ssyncset.done @!p0 $0x0  }
0xaf: {  	[sflag:s0] =	ssyncadd.s32 @!p0 s1  }
0xb0: {  	[bflag:$0x3] =	sbarrier.arrive $0xFFFF  }
0xb1: {  	_ =	shalt  }

</sc_bundles>
